<compile_context>
chip_gen: v7x
topology: tpu7x:2x2x1
jax: 0.10.2.dev20260603
libtpu: 0.0.44.dev20260713+nightly
codegen_flags: <defaults>
</compile_context>

<pallas_src>
import functools

import jax
import jax.numpy as jnp
from jax import lax
from jax.experimental import pallas as pl
from jax.experimental.pallas import tpu as pltpu
from jax.experimental.pallas import tpu_sc as plsc

N_NODES = 10000
HID = 64
N_GRAPHS = 64
N_CLASSES = 10

NUM_SC = 2
NUM_TILES = 16
CHUNK = 128
E_ROWS = 2500
CH_MAIN = 78
EXTRA_TILES = E_ROWS - CH_MAIN * NUM_SC * NUM_TILES
NBUF = 3
HROWS = N_NODES // NUM_TILES
ACC_ROWS = N_NODES
ZROWS = ACC_ROWS // NUM_TILES


def _mp_body(h_hbm, ei_hbm, z_hbm, out_hbm,
             src_v, dst_v, rows_v, htab, accum, sem, ssem):
    s = lax.axis_index("s")

    pltpu.sync_copy(z_hbm, accum.at[pl.ds(s * ZROWS, ZROWS)])
    pltpu.sync_copy(h_hbm.at[pl.ds(s * HROWS, HROWS)],
                    htab.at[pl.ds(s * HROWS, HROWS)])
    _mp_common(ei_hbm, out_hbm, src_v, dst_v, rows_v, htab, accum, sem, ssem)


def _mp_common(ei_hbm, out_hbm, src_v, dst_v, rows_v, htab, accum, sem, ssem):
    c = lax.axis_index("c")
    s = lax.axis_index("s")
    g = c * NUM_TILES + s
    pltpu.sync_copy(ei_hbm.at[0, pl.ds(g * CH_MAIN, CH_MAIN)],
                    src_v.at[pl.ds(0, CH_MAIN)])
    pltpu.sync_copy(ei_hbm.at[1, pl.ds(g * CH_MAIN, CH_MAIN)],
                    dst_v.at[pl.ds(0, CH_MAIN)])

    @pl.when(g < EXTRA_TILES)
    def _():
        pltpu.sync_copy(ei_hbm.at[0, CH_MAIN * NUM_SC * NUM_TILES + g],
                        src_v.at[CH_MAIN])
        pltpu.sync_copy(ei_hbm.at[1, CH_MAIN * NUM_SC * NUM_TILES + g],
                        dst_v.at[CH_MAIN])

    plsc.subcore_barrier()

    for b in range(NBUF - 1):
        pltpu.async_copy(htab.at[src_v.at[b]], rows_v.at[b], sem.at[b])

    def outer(i, carry):
        jj0 = i * NBUF
        for b in range(NBUF):
            jj = jj0 + b
            pltpu.make_async_copy(
                htab.at[src_v.at[jj]], rows_v.at[b], sem.at[b]).wait()
            nxt = jj + NBUF - 1
            nb = (b + NBUF - 1) % NBUF

            @pl.when(nxt < CH_MAIN)
            def _():
                @pl.when(jj >= 1)
                def _():
                    pltpu.make_async_copy(
                        rows_v.at[nb], accum.at[dst_v.at[nxt]],
                        ssem.at[nb]).wait()

                pltpu.async_copy(
                    htab.at[src_v.at[nxt]], rows_v.at[nb], sem.at[nb])

            pltpu.async_copy(rows_v.at[b], accum.at[dst_v.at[jj]],
                             ssem.at[b], add=True)
        return carry

    lax.fori_loop(0, CH_MAIN // NBUF, outer, 0)
    for b in range(NBUF):
        pltpu.make_async_copy(
            rows_v.at[b], accum.at[dst_v.at[b]], ssem.at[b]).wait()

    @pl.when(g < EXTRA_TILES)
    def _():
        pltpu.async_copy(htab.at[src_v.at[CH_MAIN]], rows_v.at[0],
                         sem.at[0])
        pltpu.make_async_copy(htab.at[src_v.at[CH_MAIN]], rows_v.at[0],
                              sem.at[0]).wait()
        pltpu.sync_copy(rows_v.at[0], accum.at[dst_v.at[CH_MAIN]], add=True)

    plsc.subcore_barrier()
    pltpu.sync_copy(accum.at[pl.ds(s * ZROWS, ZROWS)],
                    out_hbm.at[c, pl.ds(s * ZROWS, ZROWS)])


def _mp2_body(p_hbm, b1_hbm, ei_hbm, z_hbm, out_hbm,
              src_v, dst_v, rows_v, bias_v, htab, accum, sem, ssem):
    s = lax.axis_index("s")
    pltpu.sync_copy(z_hbm, accum.at[pl.ds(s * ZROWS, ZROWS)])
    pltpu.sync_copy(b1_hbm, bias_v)
    bias = [bias_v[0, pl.ds(16 * k, 16)] for k in range(HID // 16)]
    base = s * HROWS
    for t in range(5):
        r0 = base + t * 125
        pltpu.sync_copy(p_hbm.at[0, pl.ds(r0, 125)],
                        rows_v.at[0, pl.ds(0, 125)])
        pltpu.sync_copy(p_hbm.at[1, pl.ds(r0, 125)],
                        rows_v.at[1, pl.ds(0, 125)])

        def relu_row(i, carry):
            for k in range(HID // 16):
                col = pl.ds(16 * k, 16)
                rows_v[2, i, col] = jnp.maximum(
                    rows_v[0, i, col] + rows_v[1, i, col] + bias[k], 0.0)
            return carry

        lax.fori_loop(0, 125, relu_row, 0)
        pltpu.sync_copy(rows_v.at[2, pl.ds(0, 125)],
                        htab.at[pl.ds(r0, 125)])
    _mp_common(ei_hbm, out_hbm, src_v, dst_v, rows_v, htab, accum, sem, ssem)


@functools.cache
def _mp_call_builder():
    return functools.partial(
        pl.kernel,
        out_type=jax.ShapeDtypeStruct((NUM_SC, ACC_ROWS, HID), jnp.float32),
        mesh=plsc.VectorSubcoreMesh(core_axis_name="c", subcore_axis_name="s"),
        compiler_params=pltpu.CompilerParams(use_tc_tiling_on_sc=False),
        scratch_types=[
            pltpu.VMEM((CH_MAIN + 1, CHUNK), jnp.int32),
            pltpu.VMEM((CH_MAIN + 1, CHUNK), jnp.int32),
            pltpu.VMEM((NBUF, CHUNK, HID), jnp.float32),
            pltpu.VMEM_SHARED((N_NODES, HID), jnp.float32),
            pltpu.VMEM_SHARED((ACC_ROWS, HID), jnp.float32),
            pltpu.SemaphoreType.DMA((NBUF,)),
            pltpu.SemaphoreType.DMA((NBUF,)),
        ],
    )(_mp_body)


def _mp_call(h, ei3, zblk):
    return _mp_call_builder()(h, ei3, zblk)


@functools.cache
def _mp2_call_builder():
    return functools.partial(
        pl.kernel,
        out_type=jax.ShapeDtypeStruct((NUM_SC, ACC_ROWS, HID), jnp.float32),
        mesh=plsc.VectorSubcoreMesh(core_axis_name="c", subcore_axis_name="s"),
        compiler_params=pltpu.CompilerParams(use_tc_tiling_on_sc=False),
        scratch_types=[
            pltpu.VMEM((CH_MAIN + 1, CHUNK), jnp.int32),
            pltpu.VMEM((CH_MAIN + 1, CHUNK), jnp.int32),
            pltpu.VMEM((NBUF, CHUNK, HID), jnp.float32),
            pltpu.VMEM((1, HID), jnp.float32),
            pltpu.VMEM_SHARED((N_NODES, HID), jnp.float32),
            pltpu.VMEM_SHARED((ACC_ROWS, HID), jnp.float32),
            pltpu.SemaphoreType.DMA((NBUF,)),
            pltpu.SemaphoreType.DMA((NBUF,)),
        ],
    )(_mp2_body)


def _mp2_call(p, b1r, ei3, zblk):
    return _mp2_call_builder()(p, b1r, ei3, zblk)


def _mm1_body(x_ref, w_ref, o_ref):
    o_ref[:] = jnp.dot(x_ref[:], w_ref[:], preferred_element_type=jnp.float32)


def _head_body(q0_ref, q1_ref, w2_ref, b2_ref, batch_ref, wf1_ref, bf1_ref,
               wf2_ref, bf2_ref, o_ref):
    agg2 = jnp.dot(q0_ref[0] + q1_ref[0], w2_ref[:],
                   preferred_element_type=jnp.float32)
    h = jnp.maximum(agg2 + b2_ref[:], 0.0)
    gid = lax.broadcasted_iota(jnp.int32, (N_NODES, N_GRAPHS), 1)
    oh = jnp.where(batch_ref[:] == gid, 1.0, 0.0)
    sums = lax.dot_general(oh, h, (((0,), (0,)), ((), ())),
                           preferred_element_type=jnp.float32)
    ones = jnp.ones((N_NODES, 8), jnp.float32)
    counts = lax.dot_general(oh, ones, (((0,), (0,)), ((), ())),
                             preferred_element_type=jnp.float32)[:, :1]
    pooled = sums / jnp.maximum(counts, 1.0)
    z = jnp.maximum(jnp.dot(pooled, wf1_ref[:],
                            preferred_element_type=jnp.float32) + bf1_ref[:], 0.0)
    logits = jnp.dot(z, wf2_ref[:],
                     preferred_element_type=jnp.float32) + bf2_ref[:]
    m = jnp.max(logits, axis=1, keepdims=True)
    lse = jnp.log(jnp.sum(jnp.exp(logits - m), axis=1, keepdims=True))
    o_ref[:] = logits - m - lse


_ROWB = 1000


def _mm1(x, W1):
    return pl.pallas_call(
        _mm1_body,
        grid=(N_NODES // _ROWB,),
        in_specs=[pl.BlockSpec((_ROWB, 128), lambda i: (i, 0)),
                  pl.BlockSpec((128, HID), lambda i: (0, 0))],
        out_specs=pl.BlockSpec((_ROWB, HID), lambda i: (i, 0)),
        out_shape=jax.ShapeDtypeStruct((N_NODES, HID), jnp.float32),
    )(x, W1)


def _head(q, W2, b2, batch2d, Wf1, bf1, Wf2, bf2):
    return pl.pallas_call(
        _head_body,
        grid=(1,),
        in_specs=[pl.BlockSpec((1, N_NODES, HID), lambda i: (0, 0, 0)),
                  pl.BlockSpec((1, N_NODES, HID), lambda i: (1, 0, 0)),
                  pl.BlockSpec((HID, HID), lambda i: (0, 0)),
                  pl.BlockSpec((1, HID), lambda i: (0, 0)),
                  pl.BlockSpec((N_NODES, 1), lambda i: (0, 0)),
                  pl.BlockSpec((HID, 32), lambda i: (0, 0)),
                  pl.BlockSpec((1, 32), lambda i: (0, 0)),
                  pl.BlockSpec((32, N_CLASSES), lambda i: (0, 0)),
                  pl.BlockSpec((1, N_CLASSES), lambda i: (0, 0))],
        out_specs=pl.BlockSpec((N_GRAPHS, N_CLASSES), lambda i: (0, 0)),
        out_shape=jax.ShapeDtypeStruct((N_GRAPHS, N_CLASSES), jnp.float32),
    )(q, q, W2, b2, batch2d, Wf1, bf1, Wf2, bf2)


def kernel(x, edge_index, batch, W1, b1, W2, b2, Wf1, bf1, Wf2, bf2):
    ei3 = edge_index.reshape(2, E_ROWS, CHUNK)
    zblk = jnp.zeros((ZROWS, HID), jnp.float32)

    b1r = b1.reshape(1, HID)
    b2r = b2.reshape(1, HID)
    bf1r = bf1.reshape(1, 32)
    bf2r = bf2.reshape(1, N_CLASSES)
    batch2d = batch.reshape(N_NODES, 1)

    h1 = _mm1(x, W1)
    p = _mp_call(h1, ei3, zblk)
    q = _mp2_call(p, b1r, ei3, zblk)
    return _head(q, W2, b2r, batch2d, Wf1, bf1r, Wf2, bf2r)

# --- scband reference (transcript-rebuilt; emitter-appended) ---
"""Pipeline reference for scband-gnn-22943715295836 (READ-ONLY COPY).

The authoritative reference and input builder live on the scoring server;
editing this copy changes nothing except your own understanding.
"""

import jax, jax.numpy as jnp
import numpy as np

N = 10000
E = 320000
D_IN = 128
H = 64
N_GRAPHS = 64
N_CLASSES = 10


def setup_inputs(seed: int = 0) -> dict:
    key = jax.random.key(seed)
    ks = jax.random.split(key, 12)
    x = jax.random.normal(ks[0], (N, D_IN), dtype=jnp.float32)
    edge_index = jax.random.randint(ks[1], (2, E), 0, N, dtype=jnp.int32)
    batch = jnp.sort(jax.random.randint(ks[2], (N,), 0, N_GRAPHS, dtype=jnp.int32))
    # GCNConv layer 1: in=128 -> 64 (normalize=False, add aggregation, bias)
    W1 = jax.random.normal(ks[3], (D_IN, H), dtype=jnp.float32) / np.sqrt(D_IN)
    b1 = jnp.zeros((H,), dtype=jnp.float32)
    # GCNConv layer 2: 64 -> 64
    W2 = jax.random.normal(ks[4], (H, H), dtype=jnp.float32) / np.sqrt(H)
    b2 = jnp.zeros((H,), dtype=jnp.float32)
    # fc1: 64 -> 32
    Wf1 = jax.random.normal(ks[5], (H, 32), dtype=jnp.float32) / np.sqrt(H)
    bf1 = jnp.zeros((32,), dtype=jnp.float32)
    # fc2: 32 -> num_classes
    Wf2 = jax.random.normal(ks[6], (32, N_CLASSES), dtype=jnp.float32) / np.sqrt(32)
    bf2 = jnp.zeros((N_CLASSES,), dtype=jnp.float32)
    return {"x": x, "edge_index": edge_index, "batch": batch,
            "W1": W1, "b1": b1, "W2": W2, "b2": b2,
            "Wf1": Wf1, "bf1": bf1, "Wf2": Wf2, "bf2": bf2}


def gcn_conv(x, edge_index, W, b):
    # GCNConv with normalize=False (no self-loops, no degree norm): sum-aggregate messages
    h = x @ W
    src = edge_index[0]
    dst = edge_index[1]
    msgs = jnp.take(h, src, axis=0)
    out = jax.ops.segment_sum(msgs, dst, num_segments=x.shape[0])
    return out + b


def reference(x, edge_index, batch, W1, b1, W2, b2, Wf1, bf1, Wf2, bf2):
    h = jax.nn.relu(gcn_conv(x, edge_index, W1, b1))
    h = jax.nn.relu(gcn_conv(h, edge_index, W2, b2))
    # global_mean_pool over batch assignment
    sums = jax.ops.segment_sum(h, batch, num_segments=N_GRAPHS)
    counts = jax.ops.segment_sum(jnp.ones((h.shape[0], 1), dtype=h.dtype), batch, num_segments=N_GRAPHS)
    pooled = sums / jnp.maximum(counts, 1.0)
    z = jax.nn.relu(pooled @ Wf1 + bf1)
    logits = z @ Wf2 + bf2
    return jax.nn.log_softmax(logits, axis=-1)

if __name__ == "__main__":
    import jax
    _d = setup_inputs()
    print(jax.jit(kernel)(*tuple(_d.values())))

</pallas_src>

<mosaic_0001>
#map = affine_map<(d0, d1) -> (0, 0)>
#map1 = affine_map<(d0, d1) -> (0, 0, 0)>
module attributes {stable_mosaic.version = 14 : i64} {
  func.func @_mp_body(%arg0: i32, %arg1: i32, %arg2: memref<10000x64xf32, #tpu.memory_space<hbm>>, %arg3: memref<2x2500x128xi32, #tpu.memory_space<hbm>>, %arg4: memref<625x64xf32, #tpu.memory_space<hbm>>, %arg5: memref<2x10000x64xf32, #tpu.memory_space<hbm>>, %arg6: memref<79x128xi32, #tpu.memory_space<vmem>>, %arg7: memref<79x128xi32, #tpu.memory_space<vmem>>, %arg8: memref<3x128x64xf32, #tpu.memory_space<vmem>>, %arg9: memref<10000x64xf32, #tpu.memory_space<vmem_shared>>, %arg10: memref<10000x64xf32, #tpu.memory_space<vmem_shared>>, %arg11: memref<3x!tpu.dma_semaphore, #tpu.memory_space<semaphore_mem>>, %arg12: memref<3x!tpu.dma_semaphore, #tpu.memory_space<semaphore_mem>>) attributes {dimension_semantics = [#tpu.dimension_semantics<core_parallel>, #tpu.dimension_semantics<subcore_parallel>], iteration_bounds = array<i64: 2, 16>, scalar_prefetch = 0 : i64, scratch_operands = 7 : i64, tpu.core_type = #tpu.core_type<sc_vector_subcore>, window_params = [{transform_indices = #map}, {transform_indices = #map1}, {transform_indices = #map}, {transform_indices = #map1}]} {
    %mul3A = arith.constant 625 : i32
    %mul3A_0 = arith.muli %arg1, %mul3A : i32
    "tpu.region"() ({
      %run_scoped3A_102 = tpu.sem_alloc : memref<!tpu.dma_semaphore, #tpu.memory_space<semaphore_mem>>
      %dma_start3A_103 = arith.constant 0 : i32
      %dma_start3A_104 = tpu.memref_slice %arg10[%mul3A_0, %dma_start3A_103] : memref<10000x64xf32, #tpu.memory_space<vmem_shared>> -> memref<625x64xf32, #tpu.memory_space<vmem_shared>>
      tpu.enqueue_dma source(%arg4 : memref<625x64xf32, #tpu.memory_space<hbm>>) target(%dma_start3A_104 : memref<625x64xf32, #tpu.memory_space<vmem_shared>>) target_semaphore(%run_scoped3A_102 : memref<!tpu.dma_semaphore, #tpu.memory_space<semaphore_mem>>)
      %dma_wait3A_105 = arith.constant 0 : i32
      %dma_wait3A_106 = tpu.memref_slice %arg10[%mul3A_0, %dma_wait3A_105] : memref<10000x64xf32, #tpu.memory_space<vmem_shared>> -> memref<625x64xf32, #tpu.memory_space<vmem_shared>>
      tpu.wait_dma2 semaphore(%run_scoped3A_102 : memref<!tpu.dma_semaphore, #tpu.memory_space<semaphore_mem>>) src(%arg4 : memref<625x64xf32, #tpu.memory_space<hbm>>) dst(%dma_wait3A_106 : memref<625x64xf32, #tpu.memory_space<vmem_shared>>)
      tpu.yield
    }) : () -> ()
    %mul3A_1 = arith.constant 625 : i32
    %mul3A_2 = arith.muli %arg1, %mul3A_1 : i32
    %mul3A_3 = arith.constant 625 : i32
    %mul3A_4 = arith.muli %arg1, %mul3A_3 : i32
    "tpu.region"() ({
      %run_scoped3A_102 = tpu.sem_alloc : memref<!tpu.dma_semaphore, #tpu.memory_space<semaphore_mem>>
      %dma_start3A_103 = arith.constant 0 : i32
      %dma_start3A_104 = tpu.memref_slice %arg9[%mul3A_4, %dma_start3A_103] : memref<10000x64xf32, #tpu.memory_space<vmem_shared>> -> memref<625x64xf32, #tpu.memory_space<vmem_shared>>
      %dma_start3A_105 = arith.constant 0 : i32
      %dma_start3A_106 = tpu.memref_slice %arg2[%mul3A_2, %dma_start3A_105] : memref<10000x64xf32, #tpu.memory_space<hbm>> -> memref<625x64xf32, #tpu.memory_space<hbm>>
      tpu.enqueue_dma source(%dma_start3A_106 : memref<625x64xf32, #tpu.memory_space<hbm>>) target(%dma_start3A_104 : memref<625x64xf32, #tpu.memory_space<vmem_shared>>) target_semaphore(%run_scoped3A_102 : memref<!tpu.dma_semaphore, #tpu.memory_space<semaphore_mem>>)
      %dma_wait3A_107 = arith.constant 0 : i32
      %dma_wait3A_108 = tpu.memref_slice %arg9[%mul3A_4, %dma_wait3A_107] : memref<10000x64xf32, #tpu.memory_space<vmem_shared>> -> memref<625x64xf32, #tpu.memory_space<vmem_shared>>
      %dma_wait3A_109 = arith.constant 0 : i32
      %dma_wait3A_110 = tpu.memref_slice %arg2[%mul3A_2, %dma_wait3A_109] : memref<10000x64xf32, #tpu.memory_space<hbm>> -> memref<625x64xf32, #tpu.memory_space<hbm>>
      tpu.wait_dma2 semaphore(%run_scoped3A_102 : memref<!tpu.dma_semaphore, #tpu.memory_space<semaphore_mem>>) src(%dma_wait3A_110 : memref<625x64xf32, #tpu.memory_space<hbm>>) dst(%dma_wait3A_108 : memref<625x64xf32, #tpu.memory_space<vmem_shared>>)
      tpu.yield
    }) : () -> ()
    %mul3A_5 = arith.constant 16 : i32
    %mul3A_6 = arith.muli %arg0, %mul3A_5 : i32
    %add3A = arith.addi %mul3A_6, %arg1 : i32
    %mul3A_7 = arith.constant 78 : i32
    %mul3A_8 = arith.muli %add3A, %mul3A_7 : i32
    %run_scoped3A = arith.constant 0 : i32
    "tpu.region"() ({
      %run_scoped3A_102 = tpu.sem_alloc : memref<!tpu.dma_semaphore, #tpu.memory_space<semaphore_mem>>
      %dma_start3A_103 = arith.constant 0 : i32
      %dma_start3A_104 = arith.constant 0 : i32
      %dma_start3A_105 = tpu.memref_slice %arg6[%dma_start3A_103, %dma_start3A_104] : memref<79x128xi32, #tpu.memory_space<vmem>> -> memref<78x128xi32, #tpu.memory_space<vmem>>
      %dma_start3A_106 = arith.constant 0 : i32
      %dma_start3A_107 = tpu.memref_slice %arg3[%run_scoped3A, %mul3A_8, %dma_start3A_106] : memref<2x2500x128xi32, #tpu.memory_space<hbm>> -> memref<1x78x128xi32, #tpu.memory_space<hbm>>
      %dma_start3A_108 = tpu.memref_squeeze %dma_start3A_107 : memref<1x78x128xi32, #tpu.memory_space<hbm>> -> memref<78x128xi32, #tpu.memory_space<hbm>>
      %dma_start3A_109 = arith.constant 0 : i32
      %dma_start3A_110 = arith.constant 0 : i32
      %dma_start3A_111 = tpu.memref_slice %arg6[%dma_start3A_109, %dma_start3A_110] : memref<79x128xi32, #tpu.memory_space<vmem>> -> memref<78x128xi32, #tpu.memory_space<vmem>>
      %dma_start3A_112 = arith.constant 0 : i32
      %dma_start3A_113 = tpu.memref_slice %arg3[%run_scoped3A, %mul3A_8, %dma_start3A_112] : memref<2x2500x128xi32, #tpu.memory_space<hbm>> -> memref<1x78x128xi32, #tpu.memory_space<hbm>>
      %dma_start3A_114 = tpu.memref_squeeze %dma_start3A_113 : memref<1x78x128xi32, #tpu.memory_space<hbm>> -> memref<78x128xi32, #tpu.memory_space<hbm>>
      tpu.enqueue_dma source(%dma_start3A_114 : memref<78x128xi32, #tpu.memory_space<hbm>>) target(%dma_start3A_111 : memref<78x128xi32, #tpu.memory_space<vmem>>) target_semaphore(%run_scoped3A_102 : memref<!tpu.dma_semaphore, #tpu.memory_space<semaphore_mem>>)
      %dma_wait3A_115 = arith.constant 0 : i32
      %dma_wait3A_116 = arith.constant 0 : i32
      %dma_wait3A_117 = tpu.memref_slice %arg6[%dma_wait3A_115, %dma_wait3A_116] : memref<79x128xi32, #tpu.memory_space<vmem>> -> memref<78x128xi32, #tpu.memory_space<vmem>>
      %dma_wait3A_118 = arith.constant 0 : i32
      %dma_wait3A_119 = tpu.memref_slice %arg3[%run_scoped3A, %mul3A_8, %dma_wait3A_118] : memref<2x2500x128xi32, #tpu.memory_space<hbm>> -> memref<1x78x128xi32, #tpu.memory_space<hbm>>
      %dma_wait3A_120 = tpu.memref_squeeze %dma_wait3A_119 : memref<1x78x128xi32, #tpu.memory_space<hbm>> -> memref<78x128xi32, #tpu.memory_space<hbm>>
      %dma_wait3A_121 = arith.constant 0 : i32
      %dma_wait3A_122 = arith.constant 0 : i32
      %dma_wait3A_123 = tpu.memref_slice %arg6[%dma_wait3A_121, %dma_wait3A_122] : memref<79x128xi32, #tpu.memory_space<vmem>> -> memref<78x128xi32, #tpu.memory_space<vmem>>
      %dma_wait3A_124 = arith.constant 0 : i32
      %dma_wait3A_125 = tpu.memref_slice %arg3[%run_scoped3A, %mul3A_8, %dma_wait3A_124] : memref<2x2500x128xi32, #tpu.memory_space<hbm>> -> memref<1x78x128xi32, #tpu.memory_space<hbm>>
      %dma_wait3A_126 = tpu.memref_squeeze %dma_wait3A_125 : memref<1x78x128xi32, #tpu.memory_space<hbm>> -> memref<78x128xi32, #tpu.memory_space<hbm>>
      tpu.wait_dma2 semaphore(%run_scoped3A_102 : memref<!tpu.dma_semaphore, #tpu.memory_space<semaphore_mem>>) src(%dma_wait3A_126 : memref<78x128xi32, #tpu.memory_space<hbm>>) dst(%dma_wait3A_123 : memref<78x128xi32, #tpu.memory_space<vmem>>)
      tpu.yield
    }) : () -> ()
    %mul3A_9 = arith.constant 78 : i32
    %mul3A_10 = arith.muli %add3A, %mul3A_9 : i32
    %run_scoped3A_11 = arith.constant 1 : i32
    "tpu.region"() ({
      %run_scoped3A_102 = tpu.sem_alloc : memref<!tpu.dma_semaphore, #tpu.memory_space<semaphore_mem>>
      %dma_start3A_103 = arith.constant 0 : i32
      %dma_start3A_104 = arith.constant 0 : i32
      %dma_start3A_105 = tpu.memref_slice %arg7[%dma_start3A_103, %dma_start3A_104] : memref<79x128xi32, #tpu.memory_space<vmem>> -> memref<78x128xi32, #tpu.memory_space<vmem>>
      %dma_start3A_106 = arith.constant 0 : i32
      %dma_start3A_107 = tpu.memref_slice %arg3[%run_scoped3A_11, %mul3A_10, %dma_start3A_106] : memref<2x2500x128xi32, #tpu.memory_space<hbm>> -> memref<1x78x128xi32, #tpu.memory_space<hbm>>
      %dma_start3A_108 = tpu.memref_squeeze %dma_start3A_107 : memref<1x78x128xi32, #tpu.memory_space<hbm>> -> memref<78x128xi32, #tpu.memory_space<hbm>>
      %dma_start3A_109 = arith.constant 0 : i32
      %dma_start3A_110 = arith.constant 0 : i32
      %dma_start3A_111 = tpu.memref_slice %arg7[%dma_start3A_109, %dma_start3A_110] : memref<79x128xi32, #tpu.memory_space<vmem>> -> memref<78x128xi32, #tpu.memory_space<vmem>>
      %dma_start3A_112 = arith.constant 0 : i32
      %dma_start3A_113 = tpu.memref_slice %arg3[%run_scoped3A_11, %mul3A_10, %dma_start3A_112] : memref<2x2500x128xi32, #tpu.memory_space<hbm>> -> memref<1x78x128xi32, #tpu.memory_space<hbm>>
      %dma_start3A_114 = tpu.memref_squeeze %dma_start3A_113 : memref<1x78x128xi32, #tpu.memory_space<hbm>> -> memref<78x128xi32, #tpu.memory_space<hbm>>
      tpu.enqueue_dma source(%dma_start3A_114 : memref<78x128xi32, #tpu.memory_space<hbm>>) target(%dma_start3A_111 : memref<78x128xi32, #tpu.memory_space<vmem>>) target_semaphore(%run_scoped3A_102 : memref<!tpu.dma_semaphore, #tpu.memory_space<semaphore_mem>>)
      %dma_wait3A_115 = arith.constant 0 : i32
      %dma_wait3A_116 = arith.constant 0 : i32
      %dma_wait3A_117 = tpu.memref_slice %arg7[%dma_wait3A_115, %dma_wait3A_116] : memref<79x128xi32, #tpu.memory_space<vmem>> -> memref<78x128xi32, #tpu.memory_space<vmem>>
      %dma_wait3A_118 = arith.constant 0 : i32
      %dma_wait3A_119 = tpu.memref_slice %arg3[%run_scoped3A_11, %mul3A_10, %dma_wait3A_118] : memref<2x2500x128xi32, #tpu.memory_space<hbm>> -> memref<1x78x128xi32, #tpu.memory_space<hbm>>
      %dma_wait3A_120 = tpu.memref_squeeze %dma_wait3A_119 : memref<1x78x128xi32, #tpu.memory_space<hbm>> -> memref<78x128xi32, #tpu.memory_space<hbm>>
      %dma_wait3A_121 = arith.constant 0 : i32
      %dma_wait3A_122 = arith.constant 0 : i32
      %dma_wait3A_123 = tpu.memref_slice %arg7[%dma_wait3A_121, %dma_wait3A_122] : memref<79x128xi32, #tpu.memory_space<vmem>> -> memref<78x128xi32, #tpu.memory_space<vmem>>
      %dma_wait3A_124 = arith.constant 0 : i32
      %dma_wait3A_125 = tpu.memref_slice %arg3[%run_scoped3A_11, %mul3A_10, %dma_wait3A_124] : memref<2x2500x128xi32, #tpu.memory_space<hbm>> -> memref<1x78x128xi32, #tpu.memory_space<hbm>>
      %dma_wait3A_126 = tpu.memref_squeeze %dma_wait3A_125 : memref<1x78x128xi32, #tpu.memory_space<hbm>> -> memref<78x128xi32, #tpu.memory_space<hbm>>
      tpu.wait_dma2 semaphore(%run_scoped3A_102 : memref<!tpu.dma_semaphore, #tpu.memory_space<semaphore_mem>>) src(%dma_wait3A_126 : memref<78x128xi32, #tpu.memory_space<hbm>>) dst(%dma_wait3A_123 : memref<78x128xi32, #tpu.memory_space<vmem>>)
      tpu.yield
    }) : () -> ()
    %lt3A = arith.constant 4 : i32
    %lt3A_12 = arith.cmpi slt, %add3A, %lt3A : i32
    %convert_element_type3A = arith.extui %lt3A_12 : i1 to i32
    %cond3A = arith.constant 0 : i32
    %cond3A_13 = arith.cmpi ne, %convert_element_type3A, %cond3A : i32
    scf.if %cond3A_13 {
      %add3A_102 = arith.constant 2496 : i32
      %add3A_103 = arith.addi %add3A_102, %add3A : i32
      %run_scoped3A_104 = arith.constant 0 : i32
      %run_scoped3A_105 = arith.constant 78 : i32
      "tpu.region"() ({
        %run_scoped3A_110 = tpu.sem_alloc : memref<!tpu.dma_semaphore, #tpu.memory_space<semaphore_mem>>
        %dma_start3A_111 = arith.constant 0 : i32
        %dma_start3A_112 = tpu.memref_slice %arg6[%run_scoped3A_105, %dma_start3A_111] : memref<79x128xi32, #tpu.memory_space<vmem>> -> memref<1x128xi32, #tpu.memory_space<vmem>>
        %dma_start3A_113 = tpu.memref_squeeze %dma_start3A_112 : memref<1x128xi32, #tpu.memory_space<vmem>> -> memref<128xi32, #tpu.memory_space<vmem>>
        %dma_start3A_114 = arith.constant 0 : i32
        %dma_start3A_115 = tpu.memref_slice %arg3[%run_scoped3A_104, %add3A_103, %dma_start3A_114] : memref<2x2500x128xi32, #tpu.memory_space<hbm>> -> memref<1x1x128xi32, #tpu.memory_space<hbm>>
        %dma_start3A_116 = tpu.memref_squeeze %dma_start3A_115 : memref<1x1x128xi32, #tpu.memory_space<hbm>> -> memref<128xi32, #tpu.memory_space<hbm>>
        %dma_start3A_117 = arith.constant 0 : i32
        %dma_start3A_118 = tpu.memref_slice %arg6[%run_scoped3A_105, %dma_start3A_117] : memref<79x128xi32, #tpu.memory_space<vmem>> -> memref<1x128xi32, #tpu.memory_space<vmem>>
        %dma_start3A_119 = tpu.memref_squeeze %dma_start3A_118 : memref<1x128xi32, #tpu.memory_space<vmem>> -> memref<128xi32, #tpu.memory_space<vmem>>
        %dma_start3A_120 = arith.constant 0 : i32
        %dma_start3A_121 = tpu.memref_slice %arg3[%run_scoped3A_104, %add3A_103, %dma_start3A_120] : memref<2x2500x128xi32, #tpu.memory_space<hbm>> -> memref<1x1x128xi32, #tpu.memory_space<hbm>>
        %dma_start3A_122 = tpu.memref_squeeze %dma_start3A_121 : memref<1x1x128xi32, #tpu.memory_space<hbm>> -> memref<128xi32, #tpu.memory_space<hbm>>
        tpu.enqueue_dma source(%dma_start3A_122 : memref<128xi32, #tpu.memory_space<hbm>>) target(%dma_start3A_119 : memref<128xi32, #tpu.memory_space<vmem>>) target_semaphore(%run_scoped3A_110 : memref<!tpu.dma_semaphore, #tpu.memory_space<semaphore_mem>>)
        %dma_wait3A_123 = arith.constant 0 : i32
        %dma_wait3A_124 = tpu.memref_slice %arg6[%run_scoped3A_105, %dma_wait3A_123] : memref<79x128xi32, #tpu.memory_space<vmem>> -> memref<1x128xi32, #tpu.memory_space<vmem>>
        %dma_wait3A_125 = tpu.memref_squeeze %dma_wait3A_124 : memref<1x128xi32, #tpu.memory_space<vmem>> -> memref<128xi32, #tpu.memory_space<vmem>>
        %dma_wait3A_126 = arith.constant 0 : i32
        %dma_wait3A_127 = tpu.memref_slice %arg3[%run_scoped3A_104, %add3A_103, %dma_wait3A_126] : memref<2x2500x128xi32, #tpu.memory_space<hbm>> -> memref<1x1x128xi32, #tpu.memory_space<hbm>>
        %dma_wait3A_128 = tpu.memref_squeeze %dma_wait3A_127 : memref<1x1x128xi32, #tpu.memory_space<hbm>> -> memref<128xi32, #tpu.memory_space<hbm>>
        %dma_wait3A_129 = arith.constant 0 : i32
        %dma_wait3A_130 = tpu.memref_slice %arg6[%run_scoped3A_105, %dma_wait3A_129] : memref<79x128xi32, #tpu.memory_space<vmem>> -> memref<1x128xi32, #tpu.memory_space<vmem>>
        %dma_wait3A_131 = tpu.memref_squeeze %dma_wait3A_130 : memref<1x128xi32, #tpu.memory_space<vmem>> -> memref<128xi32, #tpu.memory_space<vmem>>
        %dma_wait3A_132 = arith.constant 0 : i32
        %dma_wait3A_133 = tpu.memref_slice %arg3[%run_scoped3A_104, %add3A_103, %dma_wait3A_132] : memref<2x2500x128xi32, #tpu.memory_space<hbm>> -> memref<1x1x128xi32, #tpu.memory_space<hbm>>
        %dma_wait3A_134 = tpu.memref_squeeze %dma_wait3A_133 : memref<1x1x128xi32, #tpu.memory_space<hbm>> -> memref<128xi32, #tpu.memory_space<hbm>>
        tpu.wait_dma2 semaphore(%run_scoped3A_110 : memref<!tpu.dma_semaphore, #tpu.memory_space<semaphore_mem>>) src(%dma_wait3A_134 : memref<128xi32, #tpu.memory_space<hbm>>) dst(%dma_wait3A_131 : memref<128xi32, #tpu.memory_space<vmem>>)
        tpu.yield
      }) : () -> ()
      %add3A_106 = arith.constant 2496 : i32
      %add3A_107 = arith.addi %add3A_106, %add3A : i32
      %run_scoped3A_108 = arith.constant 1 : i32
      %run_scoped3A_109 = arith.constant 78 : i32
      "tpu.region"() ({
        %run_scoped3A_110 = tpu.sem_alloc : memref<!tpu.dma_semaphore, #tpu.memory_space<semaphore_mem>>
        %dma_start3A_111 = arith.constant 0 : i32
        %dma_start3A_112 = tpu.memref_slice %arg7[%run_scoped3A_109, %dma_start3A_111] : memref<79x128xi32, #tpu.memory_space<vmem>> -> memref<1x128xi32, #tpu.memory_space<vmem>>
        %dma_start3A_113 = tpu.memref_squeeze %dma_start3A_112 : memref<1x128xi32, #tpu.memory_space<vmem>> -> memref<128xi32, #tpu.memory_space<vmem>>
        %dma_start3A_114 = arith.constant 0 : i32
        %dma_start3A_115 = tpu.memref_slice %arg3[%run_scoped3A_108, %add3A_107, %dma_start3A_114] : memref<2x2500x128xi32, #tpu.memory_space<hbm>> -> memref<1x1x128xi32, #tpu.memory_space<hbm>>
        %dma_start3A_116 = tpu.memref_squeeze %dma_start3A_115 : memref<1x1x128xi32, #tpu.memory_space<hbm>> -> memref<128xi32, #tpu.memory_space<hbm>>
        %dma_start3A_117 = arith.constant 0 : i32
        %dma_start3A_118 = tpu.memref_slice %arg7[%run_scoped3A_109, %dma_start3A_117] : memref<79x128xi32, #tpu.memory_space<vmem>> -> memref<1x128xi32, #tpu.memory_space<vmem>>
        %dma_start3A_119 = tpu.memref_squeeze %dma_start3A_118 : memref<1x128xi32, #tpu.memory_space<vmem>> -> memref<128xi32, #tpu.memory_space<vmem>>
        %dma_start3A_120 = arith.constant 0 : i32
        %dma_start3A_121 = tpu.memref_slice %arg3[%run_scoped3A_108, %add3A_107, %dma_start3A_120] : memref<2x2500x128xi32, #tpu.memory_space<hbm>> -> memref<1x1x128xi32, #tpu.memory_space<hbm>>
        %dma_start3A_122 = tpu.memref_squeeze %dma_start3A_121 : memref<1x1x128xi32, #tpu.memory_space<hbm>> -> memref<128xi32, #tpu.memory_space<hbm>>
        tpu.enqueue_dma source(%dma_start3A_122 : memref<128xi32, #tpu.memory_space<hbm>>) target(%dma_start3A_119 : memref<128xi32, #tpu.memory_space<vmem>>) target_semaphore(%run_scoped3A_110 : memref<!tpu.dma_semaphore, #tpu.memory_space<semaphore_mem>>)
        %dma_wait3A_123 = arith.constant 0 : i32
        %dma_wait3A_124 = tpu.memref_slice %arg7[%run_scoped3A_109, %dma_wait3A_123] : memref<79x128xi32, #tpu.memory_space<vmem>> -> memref<1x128xi32, #tpu.memory_space<vmem>>
        %dma_wait3A_125 = tpu.memref_squeeze %dma_wait3A_124 : memref<1x128xi32, #tpu.memory_space<vmem>> -> memref<128xi32, #tpu.memory_space<vmem>>
        %dma_wait3A_126 = arith.constant 0 : i32
        %dma_wait3A_127 = tpu.memref_slice %arg3[%run_scoped3A_108, %add3A_107, %dma_wait3A_126] : memref<2x2500x128xi32, #tpu.memory_space<hbm>> -> memref<1x1x128xi32, #tpu.memory_space<hbm>>
        %dma_wait3A_128 = tpu.memref_squeeze %dma_wait3A_127 : memref<1x1x128xi32, #tpu.memory_space<hbm>> -> memref<128xi32, #tpu.memory_space<hbm>>
        %dma_wait3A_129 = arith.constant 0 : i32
        %dma_wait3A_130 = tpu.memref_slice %arg7[%run_scoped3A_109, %dma_wait3A_129] : memref<79x128xi32, #tpu.memory_space<vmem>> -> memref<1x128xi32, #tpu.memory_space<vmem>>
        %dma_wait3A_131 = tpu.memref_squeeze %dma_wait3A_130 : memref<1x128xi32, #tpu.memory_space<vmem>> -> memref<128xi32, #tpu.memory_space<vmem>>
        %dma_wait3A_132 = arith.constant 0 : i32
        %dma_wait3A_133 = tpu.memref_slice %arg3[%run_scoped3A_108, %add3A_107, %dma_wait3A_132] : memref<2x2500x128xi32, #tpu.memory_space<hbm>> -> memref<1x1x128xi32, #tpu.memory_space<hbm>>
        %dma_wait3A_134 = tpu.memref_squeeze %dma_wait3A_133 : memref<1x1x128xi32, #tpu.memory_space<hbm>> -> memref<128xi32, #tpu.memory_space<hbm>>
        tpu.wait_dma2 semaphore(%run_scoped3A_110 : memref<!tpu.dma_semaphore, #tpu.memory_space<semaphore_mem>>) src(%dma_wait3A_134 : memref<128xi32, #tpu.memory_space<hbm>>) dst(%dma_wait3A_131 : memref<128xi32, #tpu.memory_space<vmem>>)
        tpu.yield
      }) : () -> ()
    } else {
    }
    %barrier3A = arith.constant 0 : index
    tpu.barrier barrier_id(%barrier3A)
    %dma_start3A = arith.constant 0 : i32
    %dma_start3A_14 = arith.constant 0 : i32
    %dma_start3A_15 = arith.constant 0 : i32
    %dma_start3A_16 = arith.constant 0 : i32
    %dma_start3A_17 = arith.constant 0 : i32
    %dma_start3A_18 = tpu.memref_slice %arg8[%dma_start3A_14, %dma_start3A_16, %dma_start3A_17] : memref<3x128x64xf32, #tpu.memory_space<vmem>> -> memref<1x128x64xf32, #tpu.memory_space<vmem>>
    %dma_start3A_19 = tpu.memref_squeeze %dma_start3A_18 : memref<1x128x64xf32, #tpu.memory_space<vmem>> -> memref<128x64xf32, #tpu.memory_space<vmem>>
    %dma_start3A_20 = arith.constant 0 : i32
    %dma_start3A_21 = tpu.memref_slice %arg6[%dma_start3A, %dma_start3A_20] : memref<79x128xi32, #tpu.memory_space<vmem>> -> memref<1x128xi32, #tpu.memory_space<vmem>>
    %dma_start3A_22 = tpu.memref_squeeze %dma_start3A_21 : memref<1x128xi32, #tpu.memory_space<vmem>> -> memref<128xi32, #tpu.memory_space<vmem>>
    %dma_start3A_23 = arith.constant 0 : i32
    %dma_start3A_24 = arith.constant 0 : i32
    %dma_start3A_25 = tpu.memref_slice %arg9[%dma_start3A_23, %dma_start3A_24] : memref<10000x64xf32, #tpu.memory_space<vmem_shared>> -> memref<10000x64xf32, #tpu.memory_space<vmem_shared>>
    %dma_start3A_26 = tpu.memref_slice %arg11[%dma_start3A_15] : memref<3x!tpu.dma_semaphore, #tpu.memory_space<semaphore_mem>> -> memref<1x!tpu.dma_semaphore, #tpu.memory_space<semaphore_mem>>
    %dma_start3A_27 = tpu.memref_squeeze %dma_start3A_26 : memref<1x!tpu.dma_semaphore, #tpu.memory_space<semaphore_mem>> -> memref<!tpu.dma_semaphore, #tpu.memory_space<semaphore_mem>>
    tpu.enqueue_indirect_dma source(%dma_start3A_25 : memref<10000x64xf32, #tpu.memory_space<vmem_shared>>) target(%dma_start3A_19 : memref<128x64xf32, #tpu.memory_space<vmem>>) offsets(%dma_start3A_22 : memref<128xi32, #tpu.memory_space<vmem>>) semaphore(%dma_start3A_27 : memref<!tpu.dma_semaphore, #tpu.memory_space<semaphore_mem>>)
    %dma_start3A_28 = arith.constant 1 : i32
    %dma_start3A_29 = arith.constant 1 : i32
    %dma_start3A_30 = arith.constant 1 : i32
    %dma_start3A_31 = arith.constant 0 : i32
    %dma_start3A_32 = arith.constant 0 : i32
    %dma_start3A_33 = tpu.memref_slice %arg8[%dma_start3A_29, %dma_start3A_31, %dma_start3A_32] : memref<3x128x64xf32, #tpu.memory_space<vmem>> -> memref<1x128x64xf32, #tpu.memory_space<vmem>>
    %dma_start3A_34 = tpu.memref_squeeze %dma_start3A_33 : memref<1x128x64xf32, #tpu.memory_space<vmem>> -> memref<128x64xf32, #tpu.memory_space<vmem>>
    %dma_start3A_35 = arith.constant 0 : i32
    %dma_start3A_36 = tpu.memref_slice %arg6[%dma_start3A_28, %dma_start3A_35] : memref<79x128xi32, #tpu.memory_space<vmem>> -> memref<1x128xi32, #tpu.memory_space<vmem>>
    %dma_start3A_37 = tpu.memref_squeeze %dma_start3A_36 : memref<1x128xi32, #tpu.memory_space<vmem>> -> memref<128xi32, #tpu.memory_space<vmem>>
    %dma_start3A_38 = arith.constant 0 : i32
    %dma_start3A_39 = arith.constant 0 : i32
    %dma_start3A_40 = tpu.memref_slice %arg9[%dma_start3A_38, %dma_start3A_39] : memref<10000x64xf32, #tpu.memory_space<vmem_shared>> -> memref<10000x64xf32, #tpu.memory_space<vmem_shared>>
    %dma_start3A_41 = tpu.memref_slice %arg11[%dma_start3A_30] : memref<3x!tpu.dma_semaphore, #tpu.memory_space<semaphore_mem>> -> memref<1x!tpu.dma_semaphore, #tpu.memory_space<semaphore_mem>>
    %dma_start3A_42 = tpu.memref_squeeze %dma_start3A_41 : memref<1x!tpu.dma_semaphore, #tpu.memory_space<semaphore_mem>> -> memref<!tpu.dma_semaphore, #tpu.memory_space<semaphore_mem>>
    tpu.enqueue_indirect_dma source(%dma_start3A_40 : memref<10000x64xf32, #tpu.memory_space<vmem_shared>>) target(%dma_start3A_34 : memref<128x64xf32, #tpu.memory_space<vmem>>) offsets(%dma_start3A_37 : memref<128xi32, #tpu.memory_space<vmem>>) semaphore(%dma_start3A_42 : memref<!tpu.dma_semaphore, #tpu.memory_space<semaphore_mem>>)
    %scan3A = arith.constant 0 : i32
    %scan3A_43 = arith.constant 0 : i32
    %scan3A_44 = arith.constant 26 : i32
    %scan3A_45 = arith.addi %scan3A_43, %scan3A_44 : i32
    %scan3A_46 = arith.constant 1 : i32
    scf.for %scan3A_102 = %scan3A_43 to %scan3A_45 step %scan3A_46  : i32 {
      %mul3A_103 = arith.constant 3 : i32
      %mul3A_104 = arith.muli %scan3A_102, %mul3A_103 : i32
      %add3A_105 = arith.constant 0 : i32
      %add3A_106 = arith.addi %mul3A_104, %add3A_105 : i32
      %dma_wait3A_107 = arith.constant 0 : i32
      %dma_wait3A_108 = arith.constant 0 : i32
      %dma_wait3A_109 = arith.constant 0 : i32
      %dma_wait3A_110 = arith.constant 0 : i32
      %dma_wait3A_111 = tpu.memref_slice %arg8[%dma_wait3A_107, %dma_wait3A_109, %dma_wait3A_110] : memref<3x128x64xf32, #tpu.memory_space<vmem>> -> memref<1x128x64xf32, #tpu.memory_space<vmem>>
      %dma_wait3A_112 = tpu.memref_squeeze %dma_wait3A_111 : memref<1x128x64xf32, #tpu.memory_space<vmem>> -> memref<128x64xf32, #tpu.memory_space<vmem>>
      %dma_wait3A_113 = arith.constant 0 : i32
      %dma_wait3A_114 = tpu.memref_slice %arg6[%add3A_106, %dma_wait3A_113] : memref<79x128xi32, #tpu.memory_space<vmem>> -> memref<1x128xi32, #tpu.memory_space<vmem>>
      %dma_wait3A_115 = tpu.memref_squeeze %dma_wait3A_114 : memref<1x128xi32, #tpu.memory_space<vmem>> -> memref<128xi32, #tpu.memory_space<vmem>>
      %dma_wait3A_116 = arith.constant 0 : i32
      %dma_wait3A_117 = arith.constant 0 : i32
      %dma_wait3A_118 = tpu.memref_slice %arg9[%dma_wait3A_116, %dma_wait3A_117] : memref<10000x64xf32, #tpu.memory_space<vmem_shared>> -> memref<10000x64xf32, #tpu.memory_space<vmem_shared>>
      %dma_wait3A_119 = tpu.memref_slice %arg11[%dma_wait3A_108] : memref<3x!tpu.dma_semaphore, #tpu.memory_space<semaphore_mem>> -> memref<1x!tpu.dma_semaphore, #tpu.memory_space<semaphore_mem>>
      %dma_wait3A_120 = tpu.memref_squeeze %dma_wait3A_119 : memref<1x!tpu.dma_semaphore, #tpu.memory_space<semaphore_mem>> -> memref<!tpu.dma_semaphore, #tpu.memory_space<semaphore_mem>>
      tpu.wait_indirect_dma semaphore(%dma_wait3A_120 : memref<!tpu.dma_semaphore, #tpu.memory_space<semaphore_mem>>) src(%dma_wait3A_118 : memref<10000x64xf32, #tpu.memory_space<vmem_shared>>) dst(%dma_wait3A_112 : memref<128x64xf32, #tpu.memory_space<vmem>>)
      %add3A_121 = arith.constant 3 : i32
      %add3A_122 = arith.addi %add3A_106, %add3A_121 : i32
      %sub3A = arith.constant 1 : i32
      %sub3A_123 = arith.subi %add3A_122, %sub3A : i32
      %lt3A_124 = arith.constant 78 : i32
      %lt3A_125 = arith.cmpi slt, %sub3A_123, %lt3A_124 : i32
      %convert_element_type3A_126 = arith.extui %lt3A_125 : i1 to i32
      %cond3A_127 = arith.constant 0 : i32
      %cond3A_128 = arith.cmpi ne, %convert_element_type3A_126, %cond3A_127 : i32
      scf.if %cond3A_128 {
        %ge3A = arith.constant 1 : i32
        %ge3A_221 = arith.cmpi sge, %add3A_106, %ge3A : i32
        %convert_element_type3A_222 = arith.extui %ge3A_221 : i1 to i32
        %cond3A_223 = arith.constant 0 : i32
        %cond3A_224 = arith.cmpi ne, %convert_element_type3A_222, %cond3A_223 : i32
        scf.if %cond3A_224 {
          %dma_wait3A_239 = arith.constant 2 : i32
          %dma_wait3A_240 = arith.constant 2 : i32
          %dma_wait3A_241 = arith.constant 0 : i32
          %dma_wait3A_242 = arith.constant 0 : i32
          %dma_wait3A_243 = tpu.memref_slice %arg8[%dma_wait3A_239, %dma_wait3A_241, %dma_wait3A_242] : memref<3x128x64xf32, #tpu.memory_space<vmem>> -> memref<1x128x64xf32, #tpu.memory_space<vmem>>
          %dma_wait3A_244 = tpu.memref_squeeze %dma_wait3A_243 : memref<1x128x64xf32, #tpu.memory_space<vmem>> -> memref<128x64xf32, #tpu.memory_space<vmem>>
          %dma_wait3A_245 = arith.constant 0 : i32
          %dma_wait3A_246 = tpu.memref_slice %arg7[%sub3A_123, %dma_wait3A_245] : memref<79x128xi32, #tpu.memory_space<vmem>> -> memref<1x128xi32, #tpu.memory_space<vmem>>
          %dma_wait3A_247 = tpu.memref_squeeze %dma_wait3A_246 : memref<1x128xi32, #tpu.memory_space<vmem>> -> memref<128xi32, #tpu.memory_space<vmem>>
          %dma_wait3A_248 = arith.constant 0 : i32
          %dma_wait3A_249 = arith.constant 0 : i32
          %dma_wait3A_250 = tpu.memref_slice %arg10[%dma_wait3A_248, %dma_wait3A_249] : memref<10000x64xf32, #tpu.memory_space<vmem_shared>> -> memref<10000x64xf32, #tpu.memory_space<vmem_shared>>
          %dma_wait3A_251 = tpu.memref_slice %arg12[%dma_wait3A_240] : memref<3x!tpu.dma_semaphore, #tpu.memory_space<semaphore_mem>> -> memref<1x!tpu.dma_semaphore, #tpu.memory_space<semaphore_mem>>
          %dma_wait3A_252 = tpu.memref_squeeze %dma_wait3A_251 : memref<1x!tpu.dma_semaphore, #tpu.memory_space<semaphore_mem>> -> memref<!tpu.dma_semaphore, #tpu.memory_space<semaphore_mem>>
          tpu.wait_indirect_dma semaphore(%dma_wait3A_252 : memref<!tpu.dma_semaphore, #tpu.memory_space<semaphore_mem>>) src(%dma_wait3A_244 : memref<128x64xf32, #tpu.memory_space<vmem>>) dst(%dma_wait3A_250 : memref<10000x64xf32, #tpu.memory_space<vmem_shared>>)
        } else {
        }
        %dma_start3A_225 = arith.constant 2 : i32
        %dma_start3A_226 = arith.constant 2 : i32
        %dma_start3A_227 = arith.constant 0 : i32
        %dma_start3A_228 = arith.constant 0 : i32
        %dma_start3A_229 = tpu.memref_slice %arg8[%dma_start3A_225, %dma_start3A_227, %dma_start3A_228] : memref<3x128x64xf32, #tpu.memory_space<vmem>> -> memref<1x128x64xf32, #tpu.memory_space<vmem>>
        %dma_start3A_230 = tpu.memref_squeeze %dma_start3A_229 : memref<1x128x64xf32, #tpu.memory_space<vmem>> -> memref<128x64xf32, #tpu.memory_space<vmem>>
        %dma_start3A_231 = arith.constant 0 : i32
        %dma_start3A_232 = tpu.memref_slice %arg6[%sub3A_123, %dma_start3A_231] : memref<79x128xi32, #tpu.memory_space<vmem>> -> memref<1x128xi32, #tpu.memory_space<vmem>>
        %dma_start3A_233 = tpu.memref_squeeze %dma_start3A_232 : memref<1x128xi32, #tpu.memory_space<vmem>> -> memref<128xi32, #tpu.memory_space<vmem>>
        %dma_start3A_234 = arith.constant 0 : i32
        %dma_start3A_235 = arith.constant 0 : i32
        %dma_start3A_236 = tpu.memref_slice %arg9[%dma_start3A_234, %dma_start3A_235] : memref<10000x64xf32, #tpu.memory_space<vmem_shared>> -> memref<10000x64xf32, #tpu.memory_space<vmem_shared>>
        %dma_start3A_237 = tpu.memref_slice %arg11[%dma_start3A_226] : memref<3x!tpu.dma_semaphore, #tpu.memory_space<semaphore_mem>> -> memref<1x!tpu.dma_semaphore, #tpu.memory_space<semaphore_mem>>
        %dma_start3A_238 = tpu.memref_squeeze %dma_start3A_237 : memref<1x!tpu.dma_semaphore, #tpu.memory_space<semaphore_mem>> -> memref<!tpu.dma_semaphore, #tpu.memory_space<semaphore_mem>>
        tpu.enqueue_indirect_dma source(%dma_start3A_236 : memref<10000x64xf32, #tpu.memory_space<vmem_shared>>) target(%dma_start3A_230 : memref<128x64xf32, #tpu.memory_space<vmem>>) offsets(%dma_start3A_233 : memref<128xi32, #tpu.memory_space<vmem>>) semaphore(%dma_start3A_238 : memref<!tpu.dma_semaphore, #tpu.memory_space<semaphore_mem>>)
      } else {
      }
      %dma_start3A_129 = arith.constant 0 : i32
      %dma_start3A_130 = arith.constant 0 : i32
      %dma_start3A_131 = arith.constant 0 : i32
      %dma_start3A_132 = arith.constant 0 : i32
      %dma_start3A_133 = tpu.memref_slice %arg8[%dma_start3A_129, %dma_start3A_131, %dma_start3A_132] : memref<3x128x64xf32, #tpu.memory_space<vmem>> -> memref<1x128x64xf32, #tpu.memory_space<vmem>>
      %dma_start3A_134 = tpu.memref_squeeze %dma_start3A_133 : memref<1x128x64xf32, #tpu.memory_space<vmem>> -> memref<128x64xf32, #tpu.memory_space<vmem>>
      %dma_start3A_135 = arith.constant 0 : i32
      %dma_start3A_136 = tpu.memref_slice %arg7[%add3A_106, %dma_start3A_135] : memref<79x128xi32, #tpu.memory_space<vmem>> -> memref<1x128xi32, #tpu.memory_space<vmem>>
      %dma_start3A_137 = tpu.memref_squeeze %dma_start3A_136 : memref<1x128xi32, #tpu.memory_space<vmem>> -> memref<128xi32, #tpu.memory_space<vmem>>
      %dma_start3A_138 = arith.constant 0 : i32
      %dma_start3A_139 = arith.constant 0 : i32
      %dma_start3A_140 = tpu.memref_slice %arg10[%dma_start3A_138, %dma_start3A_139] : memref<10000x64xf32, #tpu.memory_space<vmem_shared>> -> memref<10000x64xf32, #tpu.memory_space<vmem_shared>>
      %dma_start3A_141 = tpu.memref_slice %arg12[%dma_start3A_130] : memref<3x!tpu.dma_semaphore, #tpu.memory_space<semaphore_mem>> -> memref<1x!tpu.dma_semaphore, #tpu.memory_space<semaphore_mem>>
      %dma_start3A_142 = tpu.memref_squeeze %dma_start3A_141 : memref<1x!tpu.dma_semaphore, #tpu.memory_space<semaphore_mem>> -> memref<!tpu.dma_semaphore, #tpu.memory_space<semaphore_mem>>
      tpu.enqueue_indirect_dma source(%dma_start3A_134 : memref<128x64xf32, #tpu.memory_space<vmem>>) target(%dma_start3A_140 : memref<10000x64xf32, #tpu.memory_space<vmem_shared>>) offsets(%dma_start3A_137 : memref<128xi32, #tpu.memory_space<vmem>>) semaphore(%dma_start3A_142 : memref<!tpu.dma_semaphore, #tpu.memory_space<semaphore_mem>>) {add = true}
      %add3A_143 = arith.constant 1 : i32
      %add3A_144 = arith.addi %mul3A_104, %add3A_143 : i32
      %dma_wait3A_145 = arith.constant 1 : i32
      %dma_wait3A_146 = arith.constant 1 : i32
      %dma_wait3A_147 = arith.constant 0 : i32
      %dma_wait3A_148 = arith.constant 0 : i32
      %dma_wait3A_149 = tpu.memref_slice %arg8[%dma_wait3A_145, %dma_wait3A_147, %dma_wait3A_148] : memref<3x128x64xf32, #tpu.memory_space<vmem>> -> memref<1x128x64xf32, #tpu.memory_space<vmem>>
      %dma_wait3A_150 = tpu.memref_squeeze %dma_wait3A_149 : memref<1x128x64xf32, #tpu.memory_space<vmem>> -> memref<128x64xf32, #tpu.memory_space<vmem>>
      %dma_wait3A_151 = arith.constant 0 : i32
      %dma_wait3A_152 = tpu.memref_slice %arg6[%add3A_144, %dma_wait3A_151] : memref<79x128xi32, #tpu.memory_space<vmem>> -> memref<1x128xi32, #tpu.memory_space<vmem>>
      %dma_wait3A_153 = tpu.memref_squeeze %dma_wait3A_152 : memref<1x128xi32, #tpu.memory_space<vmem>> -> memref<128xi32, #tpu.memory_space<vmem>>
      %dma_wait3A_154 = arith.constant 0 : i32
      %dma_wait3A_155 = arith.constant 0 : i32
      %dma_wait3A_156 = tpu.memref_slice %arg9[%dma_wait3A_154, %dma_wait3A_155] : memref<10000x64xf32, #tpu.memory_space<vmem_shared>> -> memref<10000x64xf32, #tpu.memory_space<vmem_shared>>
      %dma_wait3A_157 = tpu.memref_slice %arg11[%dma_wait3A_146] : memref<3x!tpu.dma_semaphore, #tpu.memory_space<semaphore_mem>> -> memref<1x!tpu.dma_semaphore, #tpu.memory_space<semaphore_mem>>
      %dma_wait3A_158 = tpu.memref_squeeze %dma_wait3A_157 : memref<1x!tpu.dma_semaphore, #tpu.memory_space<semaphore_mem>> -> memref<!tpu.dma_semaphore, #tpu.memory_space<semaphore_mem>>
      tpu.wait_indirect_dma semaphore(%dma_wait3A_158 : memref<!tpu.dma_semaphore, #tpu.memory_space<semaphore_mem>>) src(%dma_wait3A_156 : memref<10000x64xf32, #tpu.memory_space<vmem_shared>>) dst(%dma_wait3A_150 : memref<128x64xf32, #tpu.memory_space<vmem>>)
      %add3A_159 = arith.constant 3 : i32
      %add3A_160 = arith.addi %add3A_144, %add3A_159 : i32
      %sub3A_161 = arith.constant 1 : i32
      %sub3A_162 = arith.subi %add3A_160, %sub3A_161 : i32
      %lt3A_163 = arith.constant 78 : i32
      %lt3A_164 = arith.cmpi slt, %sub3A_162, %lt3A_163 : i32
      %convert_element_type3A_165 = arith.extui %lt3A_164 : i1 to i32
      %cond3A_166 = arith.constant 0 : i32
      %cond3A_167 = arith.cmpi ne, %convert_element_type3A_165, %cond3A_166 : i32
      scf.if %cond3A_167 {
        %ge3A = arith.constant 1 : i32
        %ge3A_221 = arith.cmpi sge, %add3A_144, %ge3A : i32
        %convert_element_type3A_222 = arith.extui %ge3A_221 : i1 to i32
        %cond3A_223 = arith.constant 0 : i32
        %cond3A_224 = arith.cmpi ne, %convert_element_type3A_222, %cond3A_223 : i32
        scf.if %cond3A_224 {
          %dma_wait3A_239 = arith.constant 0 : i32
          %dma_wait3A_240 = arith.constant 0 : i32
          %dma_wait3A_241 = arith.constant 0 : i32
          %dma_wait3A_242 = arith.constant 0 : i32
          %dma_wait3A_243 = tpu.memref_slice %arg8[%dma_wait3A_239, %dma_wait3A_241, %dma_wait3A_242] : memref<3x128x64xf32, #tpu.memory_space<vmem>> -> memref<1x128x64xf32, #tpu.memory_space<vmem>>
          %dma_wait3A_244 = tpu.memref_squeeze %dma_wait3A_243 : memref<1x128x64xf32, #tpu.memory_space<vmem>> -> memref<128x64xf32, #tpu.memory_space<vmem>>
          %dma_wait3A_245 = arith.constant 0 : i32
          %dma_wait3A_246 = tpu.memref_slice %arg7[%sub3A_162, %dma_wait3A_245] : memref<79x128xi32, #tpu.memory_space<vmem>> -> memref<1x128xi32, #tpu.memory_space<vmem>>
          %dma_wait3A_247 = tpu.memref_squeeze %dma_wait3A_246 : memref<1x128xi32, #tpu.memory_space<vmem>> -> memref<128xi32, #tpu.memory_space<vmem>>
          %dma_wait3A_248 = arith.constant 0 : i32
          %dma_wait3A_249 = arith.constant 0 : i32
          %dma_wait3A_250 = tpu.memref_slice %arg10[%dma_wait3A_248, %dma_wait3A_249] : memref<10000x64xf32, #tpu.memory_space<vmem_shared>> -> memref<10000x64xf32, #tpu.memory_space<vmem_shared>>
          %dma_wait3A_251 = tpu.memref_slice %arg12[%dma_wait3A_240] : memref<3x!tpu.dma_semaphore, #tpu.memory_space<semaphore_mem>> -> memref<1x!tpu.dma_semaphore, #tpu.memory_space<semaphore_mem>>
          %dma_wait3A_252 = tpu.memref_squeeze %dma_wait3A_251 : memref<1x!tpu.dma_semaphore, #tpu.memory_space<semaphore_mem>> -> memref<!tpu.dma_semaphore, #tpu.memory_space<semaphore_mem>>
          tpu.wait_indirect_dma semaphore(%dma_wait3A_252 : memref<!tpu.dma_semaphore, #tpu.memory_space<semaphore_mem>>) src(%dma_wait3A_244 : memref<128x64xf32, #tpu.memory_space<vmem>>) dst(%dma_wait3A_250 : memref<10000x64xf32, #tpu.memory_space<vmem_shared>>)
        } else {
        }
        %dma_start3A_225 = arith.constant 0 : i32
        %dma_start3A_226 = arith.constant 0 : i32
        %dma_start3A_227 = arith.constant 0 : i32
        %dma_start3A_228 = arith.constant 0 : i32
        %dma_start3A_229 = tpu.memref_slice %arg8[%dma_start3A_225, %dma_start3A_227, %dma_start3A_228] : memref<3x128x64xf32, #tpu.memory_space<vmem>> -> memref<1x128x64xf32, #tpu.memory_space<vmem>>
        %dma_start3A_230 = tpu.memref_squeeze %dma_start3A_229 : memref<1x128x64xf32, #tpu.memory_space<vmem>> -> memref<128x64xf32, #tpu.memory_space<vmem>>
        %dma_start3A_231 = arith.constant 0 : i32
        %dma_start3A_232 = tpu.memref_slice %arg6[%sub3A_162, %dma_start3A_231] : memref<79x128xi32, #tpu.memory_space<vmem>> -> memref<1x128xi32, #tpu.memory_space<vmem>>
        %dma_start3A_233 = tpu.memref_squeeze %dma_start3A_232 : memref<1x128xi32, #tpu.memory_space<vmem>> -> memref<128xi32, #tpu.memory_space<vmem>>
        %dma_start3A_234 = arith.constant 0 : i32
        %dma_start3A_235 = arith.constant 0 : i32
        %dma_start3A_236 = tpu.memref_slice %arg9[%dma_start3A_234, %dma_start3A_235] : memref<10000x64xf32, #tpu.memory_space<vmem_shared>> -> memref<10000x64xf32, #tpu.memory_space<vmem_shared>>
        %dma_start3A_237 = tpu.memref_slice %arg11[%dma_start3A_226] : memref<3x!tpu.dma_semaphore, #tpu.memory_space<semaphore_mem>> -> memref<1x!tpu.dma_semaphore, #tpu.memory_space<semaphore_mem>>
        %dma_start3A_238 = tpu.memref_squeeze %dma_start3A_237 : memref<1x!tpu.dma_semaphore, #tpu.memory_space<semaphore_mem>> -> memref<!tpu.dma_semaphore, #tpu.memory_space<semaphore_mem>>
        tpu.enqueue_indirect_dma source(%dma_start3A_236 : memref<10000x64xf32, #tpu.memory_space<vmem_shared>>) target(%dma_start3A_230 : memref<128x64xf32, #tpu.memory_space<vmem>>) offsets(%dma_start3A_233 : memref<128xi32, #tpu.memory_space<vmem>>) semaphore(%dma_start3A_238 : memref<!tpu.dma_semaphore, #tpu.memory_space<semaphore_mem>>)
      } else {
      }
      %dma_start3A_168 = arith.constant 1 : i32
      %dma_start3A_169 = arith.constant 1 : i32
      %dma_start3A_170 = arith.constant 0 : i32
      %dma_start3A_171 = arith.constant 0 : i32
      %dma_start3A_172 = tpu.memref_slice %arg8[%dma_start3A_168, %dma_start3A_170, %dma_start3A_171] : memref<3x128x64xf32, #tpu.memory_space<vmem>> -> memref<1x128x64xf32, #tpu.memory_space<vmem>>
      %dma_start3A_173 = tpu.memref_squeeze %dma_start3A_172 : memref<1x128x64xf32, #tpu.memory_space<vmem>> -> memref<128x64xf32, #tpu.memory_space<vmem>>
      %dma_start3A_174 = arith.constant 0 : i32
      %dma_start3A_175 = tpu.memref_slice %arg7[%add3A_144, %dma_start3A_174] : memref<79x128xi32, #tpu.memory_space<vmem>> -> memref<1x128xi32, #tpu.memory_space<vmem>>
      %dma_start3A_176 = tpu.memref_squeeze %dma_start3A_175 : memref<1x128xi32, #tpu.memory_space<vmem>> -> memref<128xi32, #tpu.memory_space<vmem>>
      %dma_start3A_177 = arith.constant 0 : i32
      %dma_start3A_178 = arith.constant 0 : i32
      %dma_start3A_179 = tpu.memref_slice %arg10[%dma_start3A_177, %dma_start3A_178] : memref<10000x64xf32, #tpu.memory_space<vmem_shared>> -> memref<10000x64xf32, #tpu.memory_space<vmem_shared>>
      %dma_start3A_180 = tpu.memref_slice %arg12[%dma_start3A_169] : memref<3x!tpu.dma_semaphore, #tpu.memory_space<semaphore_mem>> -> memref<1x!tpu.dma_semaphore, #tpu.memory_space<semaphore_mem>>
      %dma_start3A_181 = tpu.memref_squeeze %dma_start3A_180 : memref<1x!tpu.dma_semaphore, #tpu.memory_space<semaphore_mem>> -> memref<!tpu.dma_semaphore, #tpu.memory_space<semaphore_mem>>
      tpu.enqueue_indirect_dma source(%dma_start3A_173 : memref<128x64xf32, #tpu.memory_space<vmem>>) target(%dma_start3A_179 : memref<10000x64xf32, #tpu.memory_space<vmem_shared>>) offsets(%dma_start3A_176 : memref<128xi32, #tpu.memory_space<vmem>>) semaphore(%dma_start3A_181 : memref<!tpu.dma_semaphore, #tpu.memory_space<semaphore_mem>>) {add = true}
      %add3A_182 = arith.constant 2 : i32
      %add3A_183 = arith.addi %mul3A_104, %add3A_182 : i32
      %dma_wait3A_184 = arith.constant 2 : i32
      %dma_wait3A_185 = arith.constant 2 : i32
      %dma_wait3A_186 = arith.constant 0 : i32
      %dma_wait3A_187 = arith.constant 0 : i32
      %dma_wait3A_188 = tpu.memref_slice %arg8[%dma_wait3A_184, %dma_wait3A_186, %dma_wait3A_187] : memref<3x128x64xf32, #tpu.memory_space<vmem>> -> memref<1x128x64xf32, #tpu.memory_space<vmem>>
      %dma_wait3A_189 = tpu.memref_squeeze %dma_wait3A_188 : memref<1x128x64xf32, #tpu.memory_space<vmem>> -> memref<128x64xf32, #tpu.memory_space<vmem>>
      %dma_wait3A_190 = arith.constant 0 : i32
      %dma_wait3A_191 = tpu.memref_slice %arg6[%add3A_183, %dma_wait3A_190] : memref<79x128xi32, #tpu.memory_space<vmem>> -> memref<1x128xi32, #tpu.memory_space<vmem>>
      %dma_wait3A_192 = tpu.memref_squeeze %dma_wait3A_191 : memref<1x128xi32, #tpu.memory_space<vmem>> -> memref<128xi32, #tpu.memory_space<vmem>>
      %dma_wait3A_193 = arith.constant 0 : i32
      %dma_wait3A_194 = arith.constant 0 : i32
      %dma_wait3A_195 = tpu.memref_slice %arg9[%dma_wait3A_193, %dma_wait3A_194] : memref<10000x64xf32, #tpu.memory_space<vmem_shared>> -> memref<10000x64xf32, #tpu.memory_space<vmem_shared>>
      %dma_wait3A_196 = tpu.memref_slice %arg11[%dma_wait3A_185] : memref<3x!tpu.dma_semaphore, #tpu.memory_space<semaphore_mem>> -> memref<1x!tpu.dma_semaphore, #tpu.memory_space<semaphore_mem>>
      %dma_wait3A_197 = tpu.memref_squeeze %dma_wait3A_196 : memref<1x!tpu.dma_semaphore, #tpu.memory_space<semaphore_mem>> -> memref<!tpu.dma_semaphore, #tpu.memory_space<semaphore_mem>>
      tpu.wait_indirect_dma semaphore(%dma_wait3A_197 : memref<!tpu.dma_semaphore, #tpu.memory_space<semaphore_mem>>) src(%dma_wait3A_195 : memref<10000x64xf32, #tpu.memory_space<vmem_shared>>) dst(%dma_wait3A_189 : memref<128x64xf32, #tpu.memory_space<vmem>>)
      %add3A_198 = arith.constant 3 : i32
      %add3A_199 = arith.addi %add3A_183, %add3A_198 : i32
      %sub3A_200 = arith.constant 1 : i32
      %sub3A_201 = arith.subi %add3A_199, %sub3A_200 : i32
      %lt3A_202 = arith.constant 78 : i32
      %lt3A_203 = arith.cmpi slt, %sub3A_201, %lt3A_202 : i32
      %convert_element_type3A_204 = arith.extui %lt3A_203 : i1 to i32
      %cond3A_205 = arith.constant 0 : i32
      %cond3A_206 = arith.cmpi ne, %convert_element_type3A_204, %cond3A_205 : i32
      scf.if %cond3A_206 {
        %ge3A = arith.constant 1 : i32
        %ge3A_221 = arith.cmpi sge, %add3A_183, %ge3A : i32
        %convert_element_type3A_222 = arith.extui %ge3A_221 : i1 to i32
        %cond3A_223 = arith.constant 0 : i32
        %cond3A_224 = arith.cmpi ne, %convert_element_type3A_222, %cond3A_223 : i32
        scf.if %cond3A_224 {
          %dma_wait3A_239 = arith.constant 1 : i32
          %dma_wait3A_240 = arith.constant 1 : i32
          %dma_wait3A_241 = arith.constant 0 : i32
          %dma_wait3A_242 = arith.constant 0 : i32
          %dma_wait3A_243 = tpu.memref_slice %arg8[%dma_wait3A_239, %dma_wait3A_241, %dma_wait3A_242] : memref<3x128x64xf32, #tpu.memory_space<vmem>> -> memref<1x128x64xf32, #tpu.memory_space<vmem>>
          %dma_wait3A_244 = tpu.memref_squeeze %dma_wait3A_243 : memref<1x128x64xf32, #tpu.memory_space<vmem>> -> memref<128x64xf32, #tpu.memory_space<vmem>>
          %dma_wait3A_245 = arith.constant 0 : i32
          %dma_wait3A_246 = tpu.memref_slice %arg7[%sub3A_201, %dma_wait3A_245] : memref<79x128xi32, #tpu.memory_space<vmem>> -> memref<1x128xi32, #tpu.memory_space<vmem>>
          %dma_wait3A_247 = tpu.memref_squeeze %dma_wait3A_246 : memref<1x128xi32, #tpu.memory_space<vmem>> -> memref<128xi32, #tpu.memory_space<vmem>>
          %dma_wait3A_248 = arith.constant 0 : i32
          %dma_wait3A_249 = arith.constant 0 : i32
          %dma_wait3A_250 = tpu.memref_slice %arg10[%dma_wait3A_248, %dma_wait3A_249] : memref<10000x64xf32, #tpu.memory_space<vmem_shared>> -> memref<10000x64xf32, #tpu.memory_space<vmem_shared>>
          %dma_wait3A_251 = tpu.memref_slice %arg12[%dma_wait3A_240] : memref<3x!tpu.dma_semaphore, #tpu.memory_space<semaphore_mem>> -> memref<1x!tpu.dma_semaphore, #tpu.memory_space<semaphore_mem>>
          %dma_wait3A_252 = tpu.memref_squeeze %dma_wait3A_251 : memref<1x!tpu.dma_semaphore, #tpu.memory_space<semaphore_mem>> -> memref<!tpu.dma_semaphore, #tpu.memory_space<semaphore_mem>>
          tpu.wait_indirect_dma semaphore(%dma_wait3A_252 : memref<!tpu.dma_semaphore, #tpu.memory_space<semaphore_mem>>) src(%dma_wait3A_244 : memref<128x64xf32, #tpu.memory_space<vmem>>) dst(%dma_wait3A_250 : memref<10000x64xf32, #tpu.memory_space<vmem_shared>>)
        } else {
        }
        %dma_start3A_225 = arith.constant 1 : i32
        %dma_start3A_226 = arith.constant 1 : i32
        %dma_start3A_227 = arith.constant 0 : i32
        %dma_start3A_228 = arith.constant 0 : i32
        %dma_start3A_229 = tpu.memref_slice %arg8[%dma_start3A_225, %dma_start3A_227, %dma_start3A_228] : memref<3x128x64xf32, #tpu.memory_space<vmem>> -> memref<1x128x64xf32, #tpu.memory_space<vmem>>
        %dma_start3A_230 = tpu.memref_squeeze %dma_start3A_229 : memref<1x128x64xf32, #tpu.memory_space<vmem>> -> memref<128x64xf32, #tpu.memory_space<vmem>>
        %dma_start3A_231 = arith.constant 0 : i32
        %dma_start3A_232 = tpu.memref_slice %arg6[%sub3A_201, %dma_start3A_231] : memref<79x128xi32, #tpu.memory_space<vmem>> -> memref<1x128xi32, #tpu.memory_space<vmem>>
        %dma_start3A_233 = tpu.memref_squeeze %dma_start3A_232 : memref<1x128xi32, #tpu.memory_space<vmem>> -> memref<128xi32, #tpu.memory_space<vmem>>
        %dma_start3A_234 = arith.constant 0 : i32
        %dma_start3A_235 = arith.constant 0 : i32
        %dma_start3A_236 = tpu.memref_slice %arg9[%dma_start3A_234, %dma_start3A_235] : memref<10000x64xf32, #tpu.memory_space<vmem_shared>> -> memref<10000x64xf32, #tpu.memory_space<vmem_shared>>
        %dma_start3A_237 = tpu.memref_slice %arg11[%dma_start3A_226] : memref<3x!tpu.dma_semaphore, #tpu.memory_space<semaphore_mem>> -> memref<1x!tpu.dma_semaphore, #tpu.memory_space<semaphore_mem>>
        %dma_start3A_238 = tpu.memref_squeeze %dma_start3A_237 : memref<1x!tpu.dma_semaphore, #tpu.memory_space<semaphore_mem>> -> memref<!tpu.dma_semaphore, #tpu.memory_space<semaphore_mem>>
        tpu.enqueue_indirect_dma source(%dma_start3A_236 : memref<10000x64xf32, #tpu.memory_space<vmem_shared>>) target(%dma_start3A_230 : memref<128x64xf32, #tpu.memory_space<vmem>>) offsets(%dma_start3A_233 : memref<128xi32, #tpu.memory_space<vmem>>) semaphore(%dma_start3A_238 : memref<!tpu.dma_semaphore, #tpu.memory_space<semaphore_mem>>)
      } else {
      }
      %dma_start3A_207 = arith.constant 2 : i32
      %dma_start3A_208 = arith.constant 2 : i32
      %dma_start3A_209 = arith.constant 0 : i32
      %dma_start3A_210 = arith.constant 0 : i32
      %dma_start3A_211 = tpu.memref_slice %arg8[%dma_start3A_207, %dma_start3A_209, %dma_start3A_210] : memref<3x128x64xf32, #tpu.memory_space<vmem>> -> memref<1x128x64xf32, #tpu.memory_space<vmem>>
      %dma_start3A_212 = tpu.memref_squeeze %dma_start3A_211 : memref<1x128x64xf32, #tpu.memory_space<vmem>> -> memref<128x64xf32, #tpu.memory_space<vmem>>
      %dma_start3A_213 = arith.constant 0 : i32
      %dma_start3A_214 = tpu.memref_slice %arg7[%add3A_183, %dma_start3A_213] : memref<79x128xi32, #tpu.memory_space<vmem>> -> memref<1x128xi32, #tpu.memory_space<vmem>>
      %dma_start3A_215 = tpu.memref_squeeze %dma_start3A_214 : memref<1x128xi32, #tpu.memory_space<vmem>> -> memref<128xi32, #tpu.memory_space<vmem>>
      %dma_start3A_216 = arith.constant 0 : i32
      %dma_start3A_217 = arith.constant 0 : i32
      %dma_start3A_218 = tpu.memref_slice %arg10[%dma_start3A_216, %dma_start3A_217] : memref<10000x64xf32, #tpu.memory_space<vmem_shared>> -> memref<10000x64xf32, #tpu.memory_space<vmem_shared>>
      %dma_start3A_219 = tpu.memref_slice %arg12[%dma_start3A_208] : memref<3x!tpu.dma_semaphore, #tpu.memory_space<semaphore_mem>> -> memref<1x!tpu.dma_semaphore, #tpu.memory_space<semaphore_mem>>
      %dma_start3A_220 = tpu.memref_squeeze %dma_start3A_219 : memref<1x!tpu.dma_semaphore, #tpu.memory_space<semaphore_mem>> -> memref<!tpu.dma_semaphore, #tpu.memory_space<semaphore_mem>>
      tpu.enqueue_indirect_dma source(%dma_start3A_212 : memref<128x64xf32, #tpu.memory_space<vmem>>) target(%dma_start3A_218 : memref<10000x64xf32, #tpu.memory_space<vmem_shared>>) offsets(%dma_start3A_215 : memref<128xi32, #tpu.memory_space<vmem>>) semaphore(%dma_start3A_220 : memref<!tpu.dma_semaphore, #tpu.memory_space<semaphore_mem>>) {add = true}
    }
    %scan3A_47 = arith.constant 26 : i32
    %dma_wait3A = arith.constant 0 : i32
    %dma_wait3A_48 = arith.constant 0 : i32
    %dma_wait3A_49 = arith.constant 0 : i32
    %dma_wait3A_50 = arith.constant 0 : i32
    %dma_wait3A_51 = arith.constant 0 : i32
    %dma_wait3A_52 = tpu.memref_slice %arg8[%dma_wait3A, %dma_wait3A_50, %dma_wait3A_51] : memref<3x128x64xf32, #tpu.memory_space<vmem>> -> memref<1x128x64xf32, #tpu.memory_space<vmem>>
    %dma_wait3A_53 = tpu.memref_squeeze %dma_wait3A_52 : memref<1x128x64xf32, #tpu.memory_space<vmem>> -> memref<128x64xf32, #tpu.memory_space<vmem>>
    %dma_wait3A_54 = arith.constant 0 : i32
    %dma_wait3A_55 = tpu.memref_slice %arg7[%dma_wait3A_48, %dma_wait3A_54] : memref<79x128xi32, #tpu.memory_space<vmem>> -> memref<1x128xi32, #tpu.memory_space<vmem>>
    %dma_wait3A_56 = tpu.memref_squeeze %dma_wait3A_55 : memref<1x128xi32, #tpu.memory_space<vmem>> -> memref<128xi32, #tpu.memory_space<vmem>>
    %dma_wait3A_57 = arith.constant 0 : i32
    %dma_wait3A_58 = arith.constant 0 : i32
    %dma_wait3A_59 = tpu.memref_slice %arg10[%dma_wait3A_57, %dma_wait3A_58] : memref<10000x64xf32, #tpu.memory_space<vmem_shared>> -> memref<10000x64xf32, #tpu.memory_space<vmem_shared>>
    %dma_wait3A_60 = tpu.memref_slice %arg12[%dma_wait3A_49] : memref<3x!tpu.dma_semaphore, #tpu.memory_space<semaphore_mem>> -> memref<1x!tpu.dma_semaphore, #tpu.memory_space<semaphore_mem>>
    %dma_wait3A_61 = tpu.memref_squeeze %dma_wait3A_60 : memref<1x!tpu.dma_semaphore, #tpu.memory_space<semaphore_mem>> -> memref<!tpu.dma_semaphore, #tpu.memory_space<semaphore_mem>>
    tpu.wait_indirect_dma semaphore(%dma_wait3A_61 : memref<!tpu.dma_semaphore, #tpu.memory_space<semaphore_mem>>) src(%dma_wait3A_53 : memref<128x64xf32, #tpu.memory_space<vmem>>) dst(%dma_wait3A_59 : memref<10000x64xf32, #tpu.memory_space<vmem_shared>>)
    %dma_wait3A_62 = arith.constant 1 : i32
    %dma_wait3A_63 = arith.constant 1 : i32
    %dma_wait3A_64 = arith.constant 1 : i32
    %dma_wait3A_65 = arith.constant 0 : i32
    %dma_wait3A_66 = arith.constant 0 : i32
    %dma_wait3A_67 = tpu.memref_slice %arg8[%dma_wait3A_62, %dma_wait3A_65, %dma_wait3A_66] : memref<3x128x64xf32, #tpu.memory_space<vmem>> -> memref<1x128x64xf32, #tpu.memory_space<vmem>>
    %dma_wait3A_68 = tpu.memref_squeeze %dma_wait3A_67 : memref<1x128x64xf32, #tpu.memory_space<vmem>> -> memref<128x64xf32, #tpu.memory_space<vmem>>
    %dma_wait3A_69 = arith.constant 0 : i32
    %dma_wait3A_70 = tpu.memref_slice %arg7[%dma_wait3A_63, %dma_wait3A_69] : memref<79x128xi32, #tpu.memory_space<vmem>> -> memref<1x128xi32, #tpu.memory_space<vmem>>
    %dma_wait3A_71 = tpu.memref_squeeze %dma_wait3A_70 : memref<1x128xi32, #tpu.memory_space<vmem>> -> memref<128xi32, #tpu.memory_space<vmem>>
    %dma_wait3A_72 = arith.constant 0 : i32
    %dma_wait3A_73 = arith.constant 0 : i32
    %dma_wait3A_74 = tpu.memref_slice %arg10[%dma_wait3A_72, %dma_wait3A_73] : memref<10000x64xf32, #tpu.memory_space<vmem_shared>> -> memref<10000x64xf32, #tpu.memory_space<vmem_shared>>
    %dma_wait3A_75 = tpu.memref_slice %arg12[%dma_wait3A_64] : memref<3x!tpu.dma_semaphore, #tpu.memory_space<semaphore_mem>> -> memref<1x!tpu.dma_semaphore, #tpu.memory_space<semaphore_mem>>
    %dma_wait3A_76 = tpu.memref_squeeze %dma_wait3A_75 : memref<1x!tpu.dma_semaphore, #tpu.memory_space<semaphore_mem>> -> memref<!tpu.dma_semaphore, #tpu.memory_space<semaphore_mem>>
    tpu.wait_indirect_dma semaphore(%dma_wait3A_76 : memref<!tpu.dma_semaphore, #tpu.memory_space<semaphore_mem>>) src(%dma_wait3A_68 : memref<128x64xf32, #tpu.memory_space<vmem>>) dst(%dma_wait3A_74 : memref<10000x64xf32, #tpu.memory_space<vmem_shared>>)
    %dma_wait3A_77 = arith.constant 2 : i32
    %dma_wait3A_78 = arith.constant 2 : i32
    %dma_wait3A_79 = arith.constant 2 : i32
    %dma_wait3A_80 = arith.constant 0 : i32
    %dma_wait3A_81 = arith.constant 0 : i32
    %dma_wait3A_82 = tpu.memref_slice %arg8[%dma_wait3A_77, %dma_wait3A_80, %dma_wait3A_81] : memref<3x128x64xf32, #tpu.memory_space<vmem>> -> memref<1x128x64xf32, #tpu.memory_space<vmem>>
    %dma_wait3A_83 = tpu.memref_squeeze %dma_wait3A_82 : memref<1x128x64xf32, #tpu.memory_space<vmem>> -> memref<128x64xf32, #tpu.memory_space<vmem>>
    %dma_wait3A_84 = arith.constant 0 : i32
    %dma_wait3A_85 = tpu.memref_slice %arg7[%dma_wait3A_78, %dma_wait3A_84] : memref<79x128xi32, #tpu.memory_space<vmem>> -> memref<1x128xi32, #tpu.memory_space<vmem>>
    %dma_wait3A_86 = tpu.memref_squeeze %dma_wait3A_85 : memref<1x128xi32, #tpu.memory_space<vmem>> -> memref<128xi32, #tpu.memory_space<vmem>>
    %dma_wait3A_87 = arith.constant 0 : i32
    %dma_wait3A_88 = arith.constant 0 : i32
    %dma_wait3A_89 = tpu.memref_slice %arg10[%dma_wait3A_87, %dma_wait3A_88] : memref<10000x64xf32, #tpu.memory_space<vmem_shared>> -> memref<10000x64xf32, #tpu.memory_space<vmem_shared>>
    %dma_wait3A_90 = tpu.memref_slice %arg12[%dma_wait3A_79] : memref<3x!tpu.dma_semaphore, #tpu.memory_space<semaphore_mem>> -> memref<1x!tpu.dma_semaphore, #tpu.memory_space<semaphore_mem>>
    %dma_wait3A_91 = tpu.memref_squeeze %dma_wait3A_90 : memref<1x!tpu.dma_semaphore, #tpu.memory_space<semaphore_mem>> -> memref<!tpu.dma_semaphore, #tpu.memory_space<semaphore_mem>>
    tpu.wait_indirect_dma semaphore(%dma_wait3A_91 : memref<!tpu.dma_semaphore, #tpu.memory_space<semaphore_mem>>) src(%dma_wait3A_83 : memref<128x64xf32, #tpu.memory_space<vmem>>) dst(%dma_wait3A_89 : memref<10000x64xf32, #tpu.memory_space<vmem_shared>>)
    %lt3A_92 = arith.constant 4 : i32
    %lt3A_93 = arith.cmpi slt, %add3A, %lt3A_92 : i32
    %convert_element_type3A_94 = arith.extui %lt3A_93 : i1 to i32
    %cond3A_95 = arith.constant 0 : i32
    %cond3A_96 = arith.cmpi ne, %convert_element_type3A_94, %cond3A_95 : i32
    scf.if %cond3A_96 {
      %dma_start3A_102 = arith.constant 78 : i32
      %dma_start3A_103 = arith.constant 0 : i32
      %dma_start3A_104 = arith.constant 0 : i32
      %dma_start3A_105 = arith.constant 0 : i32
      %dma_start3A_106 = arith.constant 0 : i32
      %dma_start3A_107 = tpu.memref_slice %arg8[%dma_start3A_103, %dma_start3A_105, %dma_start3A_106] : memref<3x128x64xf32, #tpu.memory_space<vmem>> -> memref<1x128x64xf32, #tpu.memory_space<vmem>>
      %dma_start3A_108 = tpu.memref_squeeze %dma_start3A_107 : memref<1x128x64xf32, #tpu.memory_space<vmem>> -> memref<128x64xf32, #tpu.memory_space<vmem>>
      %dma_start3A_109 = arith.constant 0 : i32
      %dma_start3A_110 = tpu.memref_slice %arg6[%dma_start3A_102, %dma_start3A_109] : memref<79x128xi32, #tpu.memory_space<vmem>> -> memref<1x128xi32, #tpu.memory_space<vmem>>
      %dma_start3A_111 = tpu.memref_squeeze %dma_start3A_110 : memref<1x128xi32, #tpu.memory_space<vmem>> -> memref<128xi32, #tpu.memory_space<vmem>>
      %dma_start3A_112 = arith.constant 0 : i32
      %dma_start3A_113 = arith.constant 0 : i32
      %dma_start3A_114 = tpu.memref_slice %arg9[%dma_start3A_112, %dma_start3A_113] : memref<10000x64xf32, #tpu.memory_space<vmem_shared>> -> memref<10000x64xf32, #tpu.memory_space<vmem_shared>>
      %dma_start3A_115 = tpu.memref_slice %arg11[%dma_start3A_104] : memref<3x!tpu.dma_semaphore, #tpu.memory_space<semaphore_mem>> -> memref<1x!tpu.dma_semaphore, #tpu.memory_space<semaphore_mem>>
      %dma_start3A_116 = tpu.memref_squeeze %dma_start3A_115 : memref<1x!tpu.dma_semaphore, #tpu.memory_space<semaphore_mem>> -> memref<!tpu.dma_semaphore, #tpu.memory_space<semaphore_mem>>
      tpu.enqueue_indirect_dma source(%dma_start3A_114 : memref<10000x64xf32, #tpu.memory_space<vmem_shared>>) target(%dma_start3A_108 : memref<128x64xf32, #tpu.memory_space<vmem>>) offsets(%dma_start3A_111 : memref<128xi32, #tpu.memory_space<vmem>>) semaphore(%dma_start3A_116 : memref<!tpu.dma_semaphore, #tpu.memory_space<semaphore_mem>>)
      %dma_wait3A_117 = arith.constant 78 : i32
      %dma_wait3A_118 = arith.constant 0 : i32
      %dma_wait3A_119 = arith.constant 0 : i32
      %dma_wait3A_120 = arith.constant 0 : i32
      %dma_wait3A_121 = arith.constant 0 : i32
      %dma_wait3A_122 = tpu.memref_slice %arg8[%dma_wait3A_118, %dma_wait3A_120, %dma_wait3A_121] : memref<3x128x64xf32, #tpu.memory_space<vmem>> -> memref<1x128x64xf32, #tpu.memory_space<vmem>>
      %dma_wait3A_123 = tpu.memref_squeeze %dma_wait3A_122 : memref<1x128x64xf32, #tpu.memory_space<vmem>> -> memref<128x64xf32, #tpu.memory_space<vmem>>
      %dma_wait3A_124 = arith.constant 0 : i32
      %dma_wait3A_125 = tpu.memref_slice %arg6[%dma_wait3A_117, %dma_wait3A_124] : memref<79x128xi32, #tpu.memory_space<vmem>> -> memref<1x128xi32, #tpu.memory_space<vmem>>
      %dma_wait3A_126 = tpu.memref_squeeze %dma_wait3A_125 : memref<1x128xi32, #tpu.memory_space<vmem>> -> memref<128xi32, #tpu.memory_space<vmem>>
      %dma_wait3A_127 = arith.constant 0 : i32
      %dma_wait3A_128 = arith.constant 0 : i32
      %dma_wait3A_129 = tpu.memref_slice %arg9[%dma_wait3A_127, %dma_wait3A_128] : memref<10000x64xf32, #tpu.memory_space<vmem_shared>> -> memref<10000x64xf32, #tpu.memory_space<vmem_shared>>
      %dma_wait3A_130 = tpu.memref_slice %arg11[%dma_wait3A_119] : memref<3x!tpu.dma_semaphore, #tpu.memory_space<semaphore_mem>> -> memref<1x!tpu.dma_semaphore, #tpu.memory_space<semaphore_mem>>
      %dma_wait3A_131 = tpu.memref_squeeze %dma_wait3A_130 : memref<1x!tpu.dma_semaphore, #tpu.memory_space<semaphore_mem>> -> memref<!tpu.dma_semaphore, #tpu.memory_space<semaphore_mem>>
      tpu.wait_indirect_dma semaphore(%dma_wait3A_131 : memref<!tpu.dma_semaphore, #tpu.memory_space<semaphore_mem>>) src(%dma_wait3A_129 : memref<10000x64xf32, #tpu.memory_space<vmem_shared>>) dst(%dma_wait3A_123 : memref<128x64xf32, #tpu.memory_space<vmem>>)
      %run_scoped3A_132 = arith.constant 0 : i32
      %run_scoped3A_133 = arith.constant 78 : i32
      "tpu.region"() ({
        %run_scoped3A_134 = tpu.sem_alloc : memref<!tpu.dma_semaphore, #tpu.memory_space<semaphore_mem>>
        %dma_start3A_135 = arith.constant 0 : i32
        %dma_start3A_136 = arith.constant 0 : i32
        %dma_start3A_137 = tpu.memref_slice %arg8[%run_scoped3A_132, %dma_start3A_135, %dma_start3A_136] : memref<3x128x64xf32, #tpu.memory_space<vmem>> -> memref<1x128x64xf32, #tpu.memory_space<vmem>>
        %dma_start3A_138 = tpu.memref_squeeze %dma_start3A_137 : memref<1x128x64xf32, #tpu.memory_space<vmem>> -> memref<128x64xf32, #tpu.memory_space<vmem>>
        %dma_start3A_139 = arith.constant 0 : i32
        %dma_start3A_140 = tpu.memref_slice %arg7[%run_scoped3A_133, %dma_start3A_139] : memref<79x128xi32, #tpu.memory_space<vmem>> -> memref<1x128xi32, #tpu.memory_space<vmem>>
        %dma_start3A_141 = tpu.memref_squeeze %dma_start3A_140 : memref<1x128xi32, #tpu.memory_space<vmem>> -> memref<128xi32, #tpu.memory_space<vmem>>
        %dma_start3A_142 = arith.constant 0 : i32
        %dma_start3A_143 = arith.constant 0 : i32
        %dma_start3A_144 = tpu.memref_slice %arg10[%dma_start3A_142, %dma_start3A_143] : memref<10000x64xf32, #tpu.memory_space<vmem_shared>> -> memref<10000x64xf32, #tpu.memory_space<vmem_shared>>
        tpu.enqueue_indirect_dma source(%dma_start3A_138 : memref<128x64xf32, #tpu.memory_space<vmem>>) target(%dma_start3A_144 : memref<10000x64xf32, #tpu.memory_space<vmem_shared>>) offsets(%dma_start3A_141 : memref<128xi32, #tpu.memory_space<vmem>>) semaphore(%run_scoped3A_134 : memref<!tpu.dma_semaphore, #tpu.memory_space<semaphore_mem>>) {add = true}
        %dma_wait3A_145 = arith.constant 0 : i32
        %dma_wait3A_146 = arith.constant 0 : i32
        %dma_wait3A_147 = tpu.memref_slice %arg8[%run_scoped3A_132, %dma_wait3A_145, %dma_wait3A_146] : memref<3x128x64xf32, #tpu.memory_space<vmem>> -> memref<1x128x64xf32, #tpu.memory_space<vmem>>
        %dma_wait3A_148 = tpu.memref_squeeze %dma_wait3A_147 : memref<1x128x64xf32, #tpu.memory_space<vmem>> -> memref<128x64xf32, #tpu.memory_space<vmem>>
        %dma_wait3A_149 = arith.constant 0 : i32
        %dma_wait3A_150 = tpu.memref_slice %arg7[%run_scoped3A_133, %dma_wait3A_149] : memref<79x128xi32, #tpu.memory_space<vmem>> -> memref<1x128xi32, #tpu.memory_space<vmem>>
        %dma_wait3A_151 = tpu.memref_squeeze %dma_wait3A_150 : memref<1x128xi32, #tpu.memory_space<vmem>> -> memref<128xi32, #tpu.memory_space<vmem>>
        %dma_wait3A_152 = arith.constant 0 : i32
        %dma_wait3A_153 = arith.constant 0 : i32
        %dma_wait3A_154 = tpu.memref_slice %arg10[%dma_wait3A_152, %dma_wait3A_153] : memref<10000x64xf32, #tpu.memory_space<vmem_shared>> -> memref<10000x64xf32, #tpu.memory_space<vmem_shared>>
        tpu.wait_indirect_dma semaphore(%run_scoped3A_134 : memref<!tpu.dma_semaphore, #tpu.memory_space<semaphore_mem>>) src(%dma_wait3A_148 : memref<128x64xf32, #tpu.memory_space<vmem>>) dst(%dma_wait3A_154 : memref<10000x64xf32, #tpu.memory_space<vmem_shared>>)
        tpu.yield
      }) : () -> ()
    } else {
    }
    %barrier3A_97 = arith.constant 0 : index
    tpu.barrier barrier_id(%barrier3A_97)
    %mul3A_98 = arith.constant 625 : i32
    %mul3A_99 = arith.muli %arg1, %mul3A_98 : i32
    %mul3A_100 = arith.constant 625 : i32
    %mul3A_101 = arith.muli %arg1, %mul3A_100 : i32
    "tpu.region"() ({
      %run_scoped3A_102 = tpu.sem_alloc : memref<!tpu.dma_semaphore, #tpu.memory_space<semaphore_mem>>
      %dma_start3A_103 = arith.constant 0 : i32
      %dma_start3A_104 = tpu.memref_slice %arg5[%arg0, %mul3A_101, %dma_start3A_103] : memref<2x10000x64xf32, #tpu.memory_space<hbm>> -> memref<1x625x64xf32, #tpu.memory_space<hbm>>
      %dma_start3A_105 = tpu.memref_squeeze %dma_start3A_104 : memref<1x625x64xf32, #tpu.memory_space<hbm>> -> memref<625x64xf32, #tpu.memory_space<hbm>>
      %dma_start3A_106 = arith.constant 0 : i32
      %dma_start3A_107 = tpu.memref_slice %arg10[%mul3A_99, %dma_start3A_106] : memref<10000x64xf32, #tpu.memory_space<vmem_shared>> -> memref<625x64xf32, #tpu.memory_space<vmem_shared>>
      tpu.enqueue_dma source(%dma_start3A_107 : memref<625x64xf32, #tpu.memory_space<vmem_shared>>) target(%dma_start3A_105 : memref<625x64xf32, #tpu.memory_space<hbm>>) target_semaphore(%run_scoped3A_102 : memref<!tpu.dma_semaphore, #tpu.memory_space<semaphore_mem>>)
      %dma_wait3A_108 = arith.constant 0 : i32
      %dma_wait3A_109 = tpu.memref_slice %arg5[%arg0, %mul3A_101, %dma_wait3A_108] : memref<2x10000x64xf32, #tpu.memory_space<hbm>> -> memref<1x625x64xf32, #tpu.memory_space<hbm>>
      %dma_wait3A_110 = tpu.memref_squeeze %dma_wait3A_109 : memref<1x625x64xf32, #tpu.memory_space<hbm>> -> memref<625x64xf32, #tpu.memory_space<hbm>>
      %dma_wait3A_111 = arith.constant 0 : i32
      %dma_wait3A_112 = tpu.memref_slice %arg10[%mul3A_99, %dma_wait3A_111] : memref<10000x64xf32, #tpu.memory_space<vmem_shared>> -> memref<625x64xf32, #tpu.memory_space<vmem_shared>>
      tpu.wait_dma2 semaphore(%run_scoped3A_102 : memref<!tpu.dma_semaphore, #tpu.memory_space<semaphore_mem>>) src(%dma_wait3A_112 : memref<625x64xf32, #tpu.memory_space<vmem_shared>>) dst(%dma_wait3A_110 : memref<625x64xf32, #tpu.memory_space<hbm>>)
      tpu.yield
    }) : () -> ()
    return
  }
}

#map = affine_map<(d0, d1) -> (0, 0, 0)>
#map1 = affine_map<(d0, d1) -> (0, 0)>
module attributes {stable_mosaic.version = 14 : i64} {
  func.func @_mp2_body(%arg0: i32, %arg1: i32, %arg2: memref<2x10000x64xf32, #tpu.memory_space<hbm>>, %arg3: memref<1x64xf32, #tpu.memory_space<hbm>>, %arg4: memref<2x2500x128xi32, #tpu.memory_space<hbm>>, %arg5: memref<625x64xf32, #tpu.memory_space<hbm>>, %arg6: memref<2x10000x64xf32, #tpu.memory_space<hbm>>, %arg7: memref<79x128xi32, #tpu.memory_space<vmem>>, %arg8: memref<79x128xi32, #tpu.memory_space<vmem>>, %arg9: memref<3x128x64xf32, #tpu.memory_space<vmem>>, %arg10: memref<1x64xf32, #tpu.memory_space<vmem>>, %arg11: memref<10000x64xf32, #tpu.memory_space<vmem_shared>>, %arg12: memref<10000x64xf32, #tpu.memory_space<vmem_shared>>, %arg13: memref<3x!tpu.dma_semaphore, #tpu.memory_space<semaphore_mem>>, %arg14: memref<3x!tpu.dma_semaphore, #tpu.memory_space<semaphore_mem>>) attributes {dimension_semantics = [#tpu.dimension_semantics<core_parallel>, #tpu.dimension_semantics<subcore_parallel>], iteration_bounds = array<i64: 2, 16>, scalar_prefetch = 0 : i64, scratch_operands = 8 : i64, tpu.core_type = #tpu.core_type<sc_vector_subcore>, window_params = [{transform_indices = #map}, {transform_indices = #map1}, {transform_indices = #map}, {transform_indices = #map1}, {transform_indices = #map}]} {
    %mul3A = arith.constant 625 : i32
    %mul3A_0 = arith.muli %arg1, %mul3A : i32
    "tpu.region"() ({
      %run_scoped3A_184 = tpu.sem_alloc : memref<!tpu.dma_semaphore, #tpu.memory_space<semaphore_mem>>
      %dma_start3A_185 = arith.constant 0 : i32
      %dma_start3A_186 = tpu.memref_slice %arg12[%mul3A_0, %dma_start3A_185] : memref<10000x64xf32, #tpu.memory_space<vmem_shared>> -> memref<625x64xf32, #tpu.memory_space<vmem_shared>>
      tpu.enqueue_dma source(%arg5 : memref<625x64xf32, #tpu.memory_space<hbm>>) target(%dma_start3A_186 : memref<625x64xf32, #tpu.memory_space<vmem_shared>>) target_semaphore(%run_scoped3A_184 : memref<!tpu.dma_semaphore, #tpu.memory_space<semaphore_mem>>)
      %dma_wait3A_187 = arith.constant 0 : i32
      %dma_wait3A_188 = tpu.memref_slice %arg12[%mul3A_0, %dma_wait3A_187] : memref<10000x64xf32, #tpu.memory_space<vmem_shared>> -> memref<625x64xf32, #tpu.memory_space<vmem_shared>>
      tpu.wait_dma2 semaphore(%run_scoped3A_184 : memref<!tpu.dma_semaphore, #tpu.memory_space<semaphore_mem>>) src(%arg5 : memref<625x64xf32, #tpu.memory_space<hbm>>) dst(%dma_wait3A_188 : memref<625x64xf32, #tpu.memory_space<vmem_shared>>)
      tpu.yield
    }) : () -> ()
    "tpu.region"() ({
      %run_scoped3A_184 = tpu.sem_alloc : memref<!tpu.dma_semaphore, #tpu.memory_space<semaphore_mem>>
      tpu.enqueue_dma source(%arg3 : memref<1x64xf32, #tpu.memory_space<hbm>>) target(%arg10 : memref<1x64xf32, #tpu.memory_space<vmem>>) target_semaphore(%run_scoped3A_184 : memref<!tpu.dma_semaphore, #tpu.memory_space<semaphore_mem>>)
      tpu.wait_dma2 semaphore(%run_scoped3A_184 : memref<!tpu.dma_semaphore, #tpu.memory_space<semaphore_mem>>) src(%arg3 : memref<1x64xf32, #tpu.memory_space<hbm>>) dst(%arg10 : memref<1x64xf32, #tpu.memory_space<vmem>>)
      tpu.yield
    }) : () -> ()
    %get3A = arith.constant 0 : i32
    %get3A_1 = arith.index_cast %get3A : i32 to index
    %get3A_2 = arith.constant 0 : index
    %get3A_3 = tpu.vector_load %arg10[%get3A_1, %get3A_2] {strides = array<i32>} : memref<1x64xf32, #tpu.memory_space<vmem>>, vector<1x16xf32>,
    %get3A_4 = vector.shape_cast %get3A_3 : vector<1x16xf32> to vector<16xf32>
    %get3A_5 = arith.constant 0 : i32
    %get3A_6 = arith.index_cast %get3A_5 : i32 to index
    %get3A_7 = arith.constant 16 : index
    %get3A_8 = tpu.vector_load %arg10[%get3A_6, %get3A_7] {strides = array<i32>} : memref<1x64xf32, #tpu.memory_space<vmem>>, vector<1x16xf32>,
    %get3A_9 = vector.shape_cast %get3A_8 : vector<1x16xf32> to vector<16xf32>
    %get3A_10 = arith.constant 0 : i32
    %get3A_11 = arith.index_cast %get3A_10 : i32 to index
    %get3A_12 = arith.constant 32 : index
    %get3A_13 = tpu.vector_load %arg10[%get3A_11, %get3A_12] {strides = array<i32>} : memref<1x64xf32, #tpu.memory_space<vmem>>, vector<1x16xf32>,
    %get3A_14 = vector.shape_cast %get3A_13 : vector<1x16xf32> to vector<16xf32>
    %get3A_15 = arith.constant 0 : i32
    %get3A_16 = arith.index_cast %get3A_15 : i32 to index
    %get3A_17 = arith.constant 48 : index
    %get3A_18 = tpu.vector_load %arg10[%get3A_16, %get3A_17] {strides = array<i32>} : memref<1x64xf32, #tpu.memory_space<vmem>>, vector<1x16xf32>,
    %get3A_19 = vector.shape_cast %get3A_18 : vector<1x16xf32> to vector<16xf32>
    %mul3A_20 = arith.constant 625 : i32
    %mul3A_21 = arith.muli %arg1, %mul3A_20 : i32
    %add3A = arith.constant 0 : i32
    %add3A_22 = arith.addi %mul3A_21, %add3A : i32
    %run_scoped3A = arith.constant 0 : i32
    %run_scoped3A_23 = arith.constant 0 : i32
    "tpu.region"() ({
      %run_scoped3A_184 = tpu.sem_alloc : memref<!tpu.dma_semaphore, #tpu.memory_space<semaphore_mem>>
      %dma_start3A_185 = arith.constant 0 : i32
      %dma_start3A_186 = arith.constant 0 : i32
      %dma_start3A_187 = tpu.memref_slice %arg9[%run_scoped3A_23, %dma_start3A_185, %dma_start3A_186] : memref<3x128x64xf32, #tpu.memory_space<vmem>> -> memref<1x125x64xf32, #tpu.memory_space<vmem>>
      %dma_start3A_188 = tpu.memref_squeeze %dma_start3A_187 : memref<1x125x64xf32, #tpu.memory_space<vmem>> -> memref<125x64xf32, #tpu.memory_space<vmem>>
      %dma_start3A_189 = arith.constant 0 : i32
      %dma_start3A_190 = tpu.memref_slice %arg2[%run_scoped3A, %add3A_22, %dma_start3A_189] : memref<2x10000x64xf32, #tpu.memory_space<hbm>> -> memref<1x125x64xf32, #tpu.memory_space<hbm>>
      %dma_start3A_191 = tpu.memref_squeeze %dma_start3A_190 : memref<1x125x64xf32, #tpu.memory_space<hbm>> -> memref<125x64xf32, #tpu.memory_space<hbm>>
      %dma_start3A_192 = arith.constant 0 : i32
      %dma_start3A_193 = arith.constant 0 : i32
      %dma_start3A_194 = tpu.memref_slice %arg9[%run_scoped3A_23, %dma_start3A_192, %dma_start3A_193] : memref<3x128x64xf32, #tpu.memory_space<vmem>> -> memref<1x125x64xf32, #tpu.memory_space<vmem>>
      %dma_start3A_195 = tpu.memref_squeeze %dma_start3A_194 : memref<1x125x64xf32, #tpu.memory_space<vmem>> -> memref<125x64xf32, #tpu.memory_space<vmem>>
      %dma_start3A_196 = arith.constant 0 : i32
      %dma_start3A_197 = tpu.memref_slice %arg2[%run_scoped3A, %add3A_22, %dma_start3A_196] : memref<2x10000x64xf32, #tpu.memory_space<hbm>> -> memref<1x125x64xf32, #tpu.memory_space<hbm>>
      %dma_start3A_198 = tpu.memref_squeeze %dma_start3A_197 : memref<1x125x64xf32, #tpu.memory_space<hbm>> -> memref<125x64xf32, #tpu.memory_space<hbm>>
      tpu.enqueue_dma source(%dma_start3A_198 : memref<125x64xf32, #tpu.memory_space<hbm>>) target(%dma_start3A_195 : memref<125x64xf32, #tpu.memory_space<vmem>>) target_semaphore(%run_scoped3A_184 : memref<!tpu.dma_semaphore, #tpu.memory_space<semaphore_mem>>)
      %dma_wait3A_199 = arith.constant 0 : i32
      %dma_wait3A_200 = arith.constant 0 : i32
      %dma_wait3A_201 = tpu.memref_slice %arg9[%run_scoped3A_23, %dma_wait3A_199, %dma_wait3A_200] : memref<3x128x64xf32, #tpu.memory_space<vmem>> -> memref<1x125x64xf32, #tpu.memory_space<vmem>>
      %dma_wait3A_202 = tpu.memref_squeeze %dma_wait3A_201 : memref<1x125x64xf32, #tpu.memory_space<vmem>> -> memref<125x64xf32, #tpu.memory_space<vmem>>
      %dma_wait3A_203 = arith.constant 0 : i32
      %dma_wait3A_204 = tpu.memref_slice %arg2[%run_scoped3A, %add3A_22, %dma_wait3A_203] : memref<2x10000x64xf32, #tpu.memory_space<hbm>> -> memref<1x125x64xf32, #tpu.memory_space<hbm>>
      %dma_wait3A_205 = tpu.memref_squeeze %dma_wait3A_204 : memref<1x125x64xf32, #tpu.memory_space<hbm>> -> memref<125x64xf32, #tpu.memory_space<hbm>>
      %dma_wait3A_206 = arith.constant 0 : i32
      %dma_wait3A_207 = arith.constant 0 : i32
      %dma_wait3A_208 = tpu.memref_slice %arg9[%run_scoped3A_23, %dma_wait3A_206, %dma_wait3A_207] : memref<3x128x64xf32, #tpu.memory_space<vmem>> -> memref<1x125x64xf32, #tpu.memory_space<vmem>>
      %dma_wait3A_209 = tpu.memref_squeeze %dma_wait3A_208 : memref<1x125x64xf32, #tpu.memory_space<vmem>> -> memref<125x64xf32, #tpu.memory_space<vmem>>
      %dma_wait3A_210 = arith.constant 0 : i32
      %dma_wait3A_211 = tpu.memref_slice %arg2[%run_scoped3A, %add3A_22, %dma_wait3A_210] : memref<2x10000x64xf32, #tpu.memory_space<hbm>> -> memref<1x125x64xf32, #tpu.memory_space<hbm>>
      %dma_wait3A_212 = tpu.memref_squeeze %dma_wait3A_211 : memref<1x125x64xf32, #tpu.memory_space<hbm>> -> memref<125x64xf32, #tpu.memory_space<hbm>>
      tpu.wait_dma2 semaphore(%run_scoped3A_184 : memref<!tpu.dma_semaphore, #tpu.memory_space<semaphore_mem>>) src(%dma_wait3A_212 : memref<125x64xf32, #tpu.memory_space<hbm>>) dst(%dma_wait3A_209 : memref<125x64xf32, #tpu.memory_space<vmem>>)
      tpu.yield
    }) : () -> ()
    %run_scoped3A_24 = arith.constant 1 : i32
    %run_scoped3A_25 = arith.constant 1 : i32
    "tpu.region"() ({
      %run_scoped3A_184 = tpu.sem_alloc : memref<!tpu.dma_semaphore, #tpu.memory_space<semaphore_mem>>
      %dma_start3A_185 = arith.constant 0 : i32
      %dma_start3A_186 = arith.constant 0 : i32
      %dma_start3A_187 = tpu.memref_slice %arg9[%run_scoped3A_25, %dma_start3A_185, %dma_start3A_186] : memref<3x128x64xf32, #tpu.memory_space<vmem>> -> memref<1x125x64xf32, #tpu.memory_space<vmem>>
      %dma_start3A_188 = tpu.memref_squeeze %dma_start3A_187 : memref<1x125x64xf32, #tpu.memory_space<vmem>> -> memref<125x64xf32, #tpu.memory_space<vmem>>
      %dma_start3A_189 = arith.constant 0 : i32
      %dma_start3A_190 = tpu.memref_slice %arg2[%run_scoped3A_24, %add3A_22, %dma_start3A_189] : memref<2x10000x64xf32, #tpu.memory_space<hbm>> -> memref<1x125x64xf32, #tpu.memory_space<hbm>>
      %dma_start3A_191 = tpu.memref_squeeze %dma_start3A_190 : memref<1x125x64xf32, #tpu.memory_space<hbm>> -> memref<125x64xf32, #tpu.memory_space<hbm>>
      %dma_start3A_192 = arith.constant 0 : i32
      %dma_start3A_193 = arith.constant 0 : i32
      %dma_start3A_194 = tpu.memref_slice %arg9[%run_scoped3A_25, %dma_start3A_192, %dma_start3A_193] : memref<3x128x64xf32, #tpu.memory_space<vmem>> -> memref<1x125x64xf32, #tpu.memory_space<vmem>>
      %dma_start3A_195 = tpu.memref_squeeze %dma_start3A_194 : memref<1x125x64xf32, #tpu.memory_space<vmem>> -> memref<125x64xf32, #tpu.memory_space<vmem>>
      %dma_start3A_196 = arith.constant 0 : i32
      %dma_start3A_197 = tpu.memref_slice %arg2[%run_scoped3A_24, %add3A_22, %dma_start3A_196] : memref<2x10000x64xf32, #tpu.memory_space<hbm>> -> memref<1x125x64xf32, #tpu.memory_space<hbm>>
      %dma_start3A_198 = tpu.memref_squeeze %dma_start3A_197 : memref<1x125x64xf32, #tpu.memory_space<hbm>> -> memref<125x64xf32, #tpu.memory_space<hbm>>
      tpu.enqueue_dma source(%dma_start3A_198 : memref<125x64xf32, #tpu.memory_space<hbm>>) target(%dma_start3A_195 : memref<125x64xf32, #tpu.memory_space<vmem>>) target_semaphore(%run_scoped3A_184 : memref<!tpu.dma_semaphore, #tpu.memory_space<semaphore_mem>>)
      %dma_wait3A_199 = arith.constant 0 : i32
      %dma_wait3A_200 = arith.constant 0 : i32
      %dma_wait3A_201 = tpu.memref_slice %arg9[%run_scoped3A_25, %dma_wait3A_199, %dma_wait3A_200] : memref<3x128x64xf32, #tpu.memory_space<vmem>> -> memref<1x125x64xf32, #tpu.memory_space<vmem>>
      %dma_wait3A_202 = tpu.memref_squeeze %dma_wait3A_201 : memref<1x125x64xf32, #tpu.memory_space<vmem>> -> memref<125x64xf32, #tpu.memory_space<vmem>>
      %dma_wait3A_203 = arith.constant 0 : i32
      %dma_wait3A_204 = tpu.memref_slice %arg2[%run_scoped3A_24, %add3A_22, %dma_wait3A_203] : memref<2x10000x64xf32, #tpu.memory_space<hbm>> -> memref<1x125x64xf32, #tpu.memory_space<hbm>>
      %dma_wait3A_205 = tpu.memref_squeeze %dma_wait3A_204 : memref<1x125x64xf32, #tpu.memory_space<hbm>> -> memref<125x64xf32, #tpu.memory_space<hbm>>
      %dma_wait3A_206 = arith.constant 0 : i32
      %dma_wait3A_207 = arith.constant 0 : i32
      %dma_wait3A_208 = tpu.memref_slice %arg9[%run_scoped3A_25, %dma_wait3A_206, %dma_wait3A_207] : memref<3x128x64xf32, #tpu.memory_space<vmem>> -> memref<1x125x64xf32, #tpu.memory_space<vmem>>
      %dma_wait3A_209 = tpu.memref_squeeze %dma_wait3A_208 : memref<1x125x64xf32, #tpu.memory_space<vmem>> -> memref<125x64xf32, #tpu.memory_space<vmem>>
      %dma_wait3A_210 = arith.constant 0 : i32
      %dma_wait3A_211 = tpu.memref_slice %arg2[%run_scoped3A_24, %add3A_22, %dma_wait3A_210] : memref<2x10000x64xf32, #tpu.memory_space<hbm>> -> memref<1x125x64xf32, #tpu.memory_space<hbm>>
      %dma_wait3A_212 = tpu.memref_squeeze %dma_wait3A_211 : memref<1x125x64xf32, #tpu.memory_space<hbm>> -> memref<125x64xf32, #tpu.memory_space<hbm>>
      tpu.wait_dma2 semaphore(%run_scoped3A_184 : memref<!tpu.dma_semaphore, #tpu.memory_space<semaphore_mem>>) src(%dma_wait3A_212 : memref<125x64xf32, #tpu.memory_space<hbm>>) dst(%dma_wait3A_209 : memref<125x64xf32, #tpu.memory_space<vmem>>)
      tpu.yield
    }) : () -> ()
    %scan3A = arith.constant 0 : i32
    %scan3A_26 = arith.constant 0 : i32
    %scan3A_27 = arith.constant 125 : i32
    %scan3A_28 = arith.addi %scan3A_26, %scan3A_27 : i32
    %scan3A_29 = arith.constant 1 : i32
    scf.for %scan3A_184 = %scan3A_26 to %scan3A_28 step %scan3A_29  : i32 {
      %get3A_185 = arith.constant 0 : i32
      %get3A_186 = arith.index_cast %get3A_185 : i32 to index
      %get3A_187 = arith.index_cast %scan3A_184 : i32 to index
      %get3A_188 = arith.constant 0 : index
      %get3A_189 = tpu.vector_load %arg9[%get3A_186, %get3A_187, %get3A_188] {strides = array<i32>} : memref<3x128x64xf32, #tpu.memory_space<vmem>>, vector<1x1x16xf32>,
      %get3A_190 = vector.shape_cast %get3A_189 : vector<1x1x16xf32> to vector<16xf32>
      %get3A_191 = arith.constant 1 : i32
      %get3A_192 = arith.index_cast %get3A_191 : i32 to index
      %get3A_193 = arith.index_cast %scan3A_184 : i32 to index
      %get3A_194 = arith.constant 0 : index
      %get3A_195 = tpu.vector_load %arg9[%get3A_192, %get3A_193, %get3A_194] {strides = array<i32>} : memref<3x128x64xf32, #tpu.memory_space<vmem>>, vector<1x1x16xf32>,
      %get3A_196 = vector.shape_cast %get3A_195 : vector<1x1x16xf32> to vector<16xf32>
      %add3A_197 = arith.addf %get3A_190, %get3A_196 : vector<16xf32>
      %add3A_198 = arith.addf %add3A_197, %get3A_4 : vector<16xf32>
      %max3A = arith.constant 0.000000e+00 : f32
      %max3A_199 = vector.broadcast %max3A : f32 to vector<16xf32>
      %max3A_200 = arith.maximumf %add3A_198, %max3A_199 : vector<16xf32>
      %swap3A = arith.constant 2 : i32
      %swap3A_201 = arith.index_cast %swap3A : i32 to index
      %swap3A_202 = arith.index_cast %scan3A_184 : i32 to index
      %swap3A_203 = arith.constant 0 : index
      %swap3A_204 = tpu.vector_load %arg9[%swap3A_201, %swap3A_202, %swap3A_203] {strides = array<i32>} : memref<3x128x64xf32, #tpu.memory_space<vmem>>, vector<1x1x16xf32>,
      %swap3A_205 = vector.shape_cast %swap3A_204 : vector<1x1x16xf32> to vector<16xf32>
      %swap3A_206 = vector.shape_cast %max3A_200 : vector<16xf32> to vector<1x1x16xf32>
      tpu.vector_store %arg9[%swap3A_201, %swap3A_202, %swap3A_203], %swap3A_206 {strides = array<i32>} : memref<3x128x64xf32, #tpu.memory_space<vmem>>, vector<1x1x16xf32>,
      %get3A_207 = arith.constant 0 : i32
      %get3A_208 = arith.index_cast %get3A_207 : i32 to index
      %get3A_209 = arith.index_cast %scan3A_184 : i32 to index
      %get3A_210 = arith.constant 16 : index
      %get3A_211 = tpu.vector_load %arg9[%get3A_208, %get3A_209, %get3A_210] {strides = array<i32>} : memref<3x128x64xf32, #tpu.memory_space<vmem>>, vector<1x1x16xf32>,
      %get3A_212 = vector.shape_cast %get3A_211 : vector<1x1x16xf32> to vector<16xf32>
      %get3A_213 = arith.constant 1 : i32
      %get3A_214 = arith.index_cast %get3A_213 : i32 to index
      %get3A_215 = arith.index_cast %scan3A_184 : i32 to index
      %get3A_216 = arith.constant 16 : index
      %get3A_217 = tpu.vector_load %arg9[%get3A_214, %get3A_215, %get3A_216] {strides = array<i32>} : memref<3x128x64xf32, #tpu.memory_space<vmem>>, vector<1x1x16xf32>,
      %get3A_218 = vector.shape_cast %get3A_217 : vector<1x1x16xf32> to vector<16xf32>
      %add3A_219 = arith.addf %get3A_212, %get3A_218 : vector<16xf32>
      %add3A_220 = arith.addf %add3A_219, %get3A_9 : vector<16xf32>
      %max3A_221 = arith.constant 0.000000e+00 : f32
      %max3A_222 = vector.broadcast %max3A_221 : f32 to vector<16xf32>
      %max3A_223 = arith.maximumf %add3A_220, %max3A_222 : vector<16xf32>
      %swap3A_224 = arith.constant 2 : i32
      %swap3A_225 = arith.index_cast %swap3A_224 : i32 to index
      %swap3A_226 = arith.index_cast %scan3A_184 : i32 to index
      %swap3A_227 = arith.constant 16 : index
      %swap3A_228 = tpu.vector_load %arg9[%swap3A_225, %swap3A_226, %swap3A_227] {strides = array<i32>} : memref<3x128x64xf32, #tpu.memory_space<vmem>>, vector<1x1x16xf32>,
      %swap3A_229 = vector.shape_cast %swap3A_228 : vector<1x1x16xf32> to vector<16xf32>
      %swap3A_230 = vector.shape_cast %max3A_223 : vector<16xf32> to vector<1x1x16xf32>
      tpu.vector_store %arg9[%swap3A_225, %swap3A_226, %swap3A_227], %swap3A_230 {strides = array<i32>} : memref<3x128x64xf32, #tpu.memory_space<vmem>>, vector<1x1x16xf32>,
      %get3A_231 = arith.constant 0 : i32
      %get3A_232 = arith.index_cast %get3A_231 : i32 to index
      %get3A_233 = arith.index_cast %scan3A_184 : i32 to index
      %get3A_234 = arith.constant 32 : index
      %get3A_235 = tpu.vector_load %arg9[%get3A_232, %get3A_233, %get3A_234] {strides = array<i32>} : memref<3x128x64xf32, #tpu.memory_space<vmem>>, vector<1x1x16xf32>,
      %get3A_236 = vector.shape_cast %get3A_235 : vector<1x1x16xf32> to vector<16xf32>
      %get3A_237 = arith.constant 1 : i32
      %get3A_238 = arith.index_cast %get3A_237 : i32 to index
      %get3A_239 = arith.index_cast %scan3A_184 : i32 to index
      %get3A_240 = arith.constant 32 : index
      %get3A_241 = tpu.vector_load %arg9[%get3A_238, %get3A_239, %get3A_240] {strides = array<i32>} : memref<3x128x64xf32, #tpu.memory_space<vmem>>, vector<1x1x16xf32>,
      %get3A_242 = vector.shape_cast %get3A_241 : vector<1x1x16xf32> to vector<16xf32>
      %add3A_243 = arith.addf %get3A_236, %get3A_242 : vector<16xf32>
      %add3A_244 = arith.addf %add3A_243, %get3A_14 : vector<16xf32>
      %max3A_245 = arith.constant 0.000000e+00 : f32
      %max3A_246 = vector.broadcast %max3A_245 : f32 to vector<16xf32>
      %max3A_247 = arith.maximumf %add3A_244, %max3A_246 : vector<16xf32>
      %swap3A_248 = arith.constant 2 : i32
      %swap3A_249 = arith.index_cast %swap3A_248 : i32 to index
      %swap3A_250 = arith.index_cast %scan3A_184 : i32 to index
      %swap3A_251 = arith.constant 32 : index
      %swap3A_252 = tpu.vector_load %arg9[%swap3A_249, %swap3A_250, %swap3A_251] {strides = array<i32>} : memref<3x128x64xf32, #tpu.memory_space<vmem>>, vector<1x1x16xf32>,
      %swap3A_253 = vector.shape_cast %swap3A_252 : vector<1x1x16xf32> to vector<16xf32>
      %swap3A_254 = vector.shape_cast %max3A_247 : vector<16xf32> to vector<1x1x16xf32>
      tpu.vector_store %arg9[%swap3A_249, %swap3A_250, %swap3A_251], %swap3A_254 {strides = array<i32>} : memref<3x128x64xf32, #tpu.memory_space<vmem>>, vector<1x1x16xf32>,
      %get3A_255 = arith.constant 0 : i32
      %get3A_256 = arith.index_cast %get3A_255 : i32 to index
      %get3A_257 = arith.index_cast %scan3A_184 : i32 to index
      %get3A_258 = arith.constant 48 : index
      %get3A_259 = tpu.vector_load %arg9[%get3A_256, %get3A_257, %get3A_258] {strides = array<i32>} : memref<3x128x64xf32, #tpu.memory_space<vmem>>, vector<1x1x16xf32>,
      %get3A_260 = vector.shape_cast %get3A_259 : vector<1x1x16xf32> to vector<16xf32>
      %get3A_261 = arith.constant 1 : i32
      %get3A_262 = arith.index_cast %get3A_261 : i32 to index
      %get3A_263 = arith.index_cast %scan3A_184 : i32 to index
      %get3A_264 = arith.constant 48 : index
      %get3A_265 = tpu.vector_load %arg9[%get3A_262, %get3A_263, %get3A_264] {strides = array<i32>} : memref<3x128x64xf32, #tpu.memory_space<vmem>>, vector<1x1x16xf32>,
      %get3A_266 = vector.shape_cast %get3A_265 : vector<1x1x16xf32> to vector<16xf32>
      %add3A_267 = arith.addf %get3A_260, %get3A_266 : vector<16xf32>
      %add3A_268 = arith.addf %add3A_267, %get3A_19 : vector<16xf32>
      %max3A_269 = arith.constant 0.000000e+00 : f32
      %max3A_270 = vector.broadcast %max3A_269 : f32 to vector<16xf32>
      %max3A_271 = arith.maximumf %add3A_268, %max3A_270 : vector<16xf32>
      %swap3A_272 = arith.constant 2 : i32
      %swap3A_273 = arith.index_cast %swap3A_272 : i32 to index
      %swap3A_274 = arith.index_cast %scan3A_184 : i32 to index
      %swap3A_275 = arith.constant 48 : index
      %swap3A_276 = tpu.vector_load %arg9[%swap3A_273, %swap3A_274, %swap3A_275] {strides = array<i32>} : memref<3x128x64xf32, #tpu.memory_space<vmem>>, vector<1x1x16xf32>,
      %swap3A_277 = vector.shape_cast %swap3A_276 : vector<1x1x16xf32> to vector<16xf32>
      %swap3A_278 = vector.shape_cast %max3A_271 : vector<16xf32> to vector<1x1x16xf32>
      tpu.vector_store %arg9[%swap3A_273, %swap3A_274, %swap3A_275], %swap3A_278 {strides = array<i32>} : memref<3x128x64xf32, #tpu.memory_space<vmem>>, vector<1x1x16xf32>,
    }
    %scan3A_30 = arith.constant 125 : i32
    %run_scoped3A_31 = arith.constant 2 : i32
    "tpu.region"() ({
      %run_scoped3A_184 = tpu.sem_alloc : memref<!tpu.dma_semaphore, #tpu.memory_space<semaphore_mem>>
      %dma_start3A_185 = arith.constant 0 : i32
      %dma_start3A_186 = arith.constant 0 : i32
      %dma_start3A_187 = tpu.memref_slice %arg9[%run_scoped3A_31, %dma_start3A_185, %dma_start3A_186] : memref<3x128x64xf32, #tpu.memory_space<vmem>> -> memref<1x125x64xf32, #tpu.memory_space<vmem>>
      %dma_start3A_188 = tpu.memref_squeeze %dma_start3A_187 : memref<1x125x64xf32, #tpu.memory_space<vmem>> -> memref<125x64xf32, #tpu.memory_space<vmem>>
      %dma_start3A_189 = arith.constant 0 : i32
      %dma_start3A_190 = tpu.memref_slice %arg11[%add3A_22, %dma_start3A_189] : memref<10000x64xf32, #tpu.memory_space<vmem_shared>> -> memref<125x64xf32, #tpu.memory_space<vmem_shared>>
      %dma_start3A_191 = arith.constant 0 : i32
      %dma_start3A_192 = tpu.memref_slice %arg11[%add3A_22, %dma_start3A_191] : memref<10000x64xf32, #tpu.memory_space<vmem_shared>> -> memref<125x64xf32, #tpu.memory_space<vmem_shared>>
      %dma_start3A_193 = arith.constant 0 : i32
      %dma_start3A_194 = arith.constant 0 : i32
      %dma_start3A_195 = tpu.memref_slice %arg9[%run_scoped3A_31, %dma_start3A_193, %dma_start3A_194] : memref<3x128x64xf32, #tpu.memory_space<vmem>> -> memref<1x125x64xf32, #tpu.memory_space<vmem>>
      %dma_start3A_196 = tpu.memref_squeeze %dma_start3A_195 : memref<1x125x64xf32, #tpu.memory_space<vmem>> -> memref<125x64xf32, #tpu.memory_space<vmem>>
      tpu.enqueue_dma source(%dma_start3A_196 : memref<125x64xf32, #tpu.memory_space<vmem>>) target(%dma_start3A_192 : memref<125x64xf32, #tpu.memory_space<vmem_shared>>) target_semaphore(%run_scoped3A_184 : memref<!tpu.dma_semaphore, #tpu.memory_space<semaphore_mem>>)
      %dma_wait3A_197 = arith.constant 0 : i32
      %dma_wait3A_198 = arith.constant 0 : i32
      %dma_wait3A_199 = tpu.memref_slice %arg9[%run_scoped3A_31, %dma_wait3A_197, %dma_wait3A_198] : memref<3x128x64xf32, #tpu.memory_space<vmem>> -> memref<1x125x64xf32, #tpu.memory_space<vmem>>
      %dma_wait3A_200 = tpu.memref_squeeze %dma_wait3A_199 : memref<1x125x64xf32, #tpu.memory_space<vmem>> -> memref<125x64xf32, #tpu.memory_space<vmem>>
      %dma_wait3A_201 = arith.constant 0 : i32
      %dma_wait3A_202 = tpu.memref_slice %arg11[%add3A_22, %dma_wait3A_201] : memref<10000x64xf32, #tpu.memory_space<vmem_shared>> -> memref<125x64xf32, #tpu.memory_space<vmem_shared>>
      %dma_wait3A_203 = arith.constant 0 : i32
      %dma_wait3A_204 = tpu.memref_slice %arg11[%add3A_22, %dma_wait3A_203] : memref<10000x64xf32, #tpu.memory_space<vmem_shared>> -> memref<125x64xf32, #tpu.memory_space<vmem_shared>>
      %dma_wait3A_205 = arith.constant 0 : i32
      %dma_wait3A_206 = arith.constant 0 : i32
      %dma_wait3A_207 = tpu.memref_slice %arg9[%run_scoped3A_31, %dma_wait3A_205, %dma_wait3A_206] : memref<3x128x64xf32, #tpu.memory_space<vmem>> -> memref<1x125x64xf32, #tpu.memory_space<vmem>>
      %dma_wait3A_208 = tpu.memref_squeeze %dma_wait3A_207 : memref<1x125x64xf32, #tpu.memory_space<vmem>> -> memref<125x64xf32, #tpu.memory_space<vmem>>
      tpu.wait_dma2 semaphore(%run_scoped3A_184 : memref<!tpu.dma_semaphore, #tpu.memory_space<semaphore_mem>>) src(%dma_wait3A_208 : memref<125x64xf32, #tpu.memory_space<vmem>>) dst(%dma_wait3A_204 : memref<125x64xf32, #tpu.memory_space<vmem_shared>>)
      tpu.yield
    }) : () -> ()
    %add3A_32 = arith.constant 125 : i32
    %add3A_33 = arith.addi %mul3A_21, %add3A_32 : i32
    %run_scoped3A_34 = arith.constant 0 : i32
    %run_scoped3A_35 = arith.constant 0 : i32
    "tpu.region"() ({
      %run_scoped3A_184 = tpu.sem_alloc : memref<!tpu.dma_semaphore, #tpu.memory_space<semaphore_mem>>
      %dma_start3A_185 = arith.constant 0 : i32
      %dma_start3A_186 = arith.constant 0 : i32
      %dma_start3A_187 = tpu.memref_slice %arg9[%run_scoped3A_35, %dma_start3A_185, %dma_start3A_186] : memref<3x128x64xf32, #tpu.memory_space<vmem>> -> memref<1x125x64xf32, #tpu.memory_space<vmem>>
      %dma_start3A_188 = tpu.memref_squeeze %dma_start3A_187 : memref<1x125x64xf32, #tpu.memory_space<vmem>> -> memref<125x64xf32, #tpu.memory_space<vmem>>
      %dma_start3A_189 = arith.constant 0 : i32
      %dma_start3A_190 = tpu.memref_slice %arg2[%run_scoped3A_34, %add3A_33, %dma_start3A_189] : memref<2x10000x64xf32, #tpu.memory_space<hbm>> -> memref<1x125x64xf32, #tpu.memory_space<hbm>>
      %dma_start3A_191 = tpu.memref_squeeze %dma_start3A_190 : memref<1x125x64xf32, #tpu.memory_space<hbm>> -> memref<125x64xf32, #tpu.memory_space<hbm>>
      %dma_start3A_192 = arith.constant 0 : i32
      %dma_start3A_193 = arith.constant 0 : i32
      %dma_start3A_194 = tpu.memref_slice %arg9[%run_scoped3A_35, %dma_start3A_192, %dma_start3A_193] : memref<3x128x64xf32, #tpu.memory_space<vmem>> -> memref<1x125x64xf32, #tpu.memory_space<vmem>>
      %dma_start3A_195 = tpu.memref_squeeze %dma_start3A_194 : memref<1x125x64xf32, #tpu.memory_space<vmem>> -> memref<125x64xf32, #tpu.memory_space<vmem>>
      %dma_start3A_196 = arith.constant 0 : i32
      %dma_start3A_197 = tpu.memref_slice %arg2[%run_scoped3A_34, %add3A_33, %dma_start3A_196] : memref<2x10000x64xf32, #tpu.memory_space<hbm>> -> memref<1x125x64xf32, #tpu.memory_space<hbm>>
      %dma_start3A_198 = tpu.memref_squeeze %dma_start3A_197 : memref<1x125x64xf32, #tpu.memory_space<hbm>> -> memref<125x64xf32, #tpu.memory_space<hbm>>
      tpu.enqueue_dma source(%dma_start3A_198 : memref<125x64xf32, #tpu.memory_space<hbm>>) target(%dma_start3A_195 : memref<125x64xf32, #tpu.memory_space<vmem>>) target_semaphore(%run_scoped3A_184 : memref<!tpu.dma_semaphore, #tpu.memory_space<semaphore_mem>>)
      %dma_wait3A_199 = arith.constant 0 : i32
      %dma_wait3A_200 = arith.constant 0 : i32
      %dma_wait3A_201 = tpu.memref_slice %arg9[%run_scoped3A_35, %dma_wait3A_199, %dma_wait3A_200] : memref<3x128x64xf32, #tpu.memory_space<vmem>> -> memref<1x125x64xf32, #tpu.memory_space<vmem>>
      %dma_wait3A_202 = tpu.memref_squeeze %dma_wait3A_201 : memref<1x125x64xf32, #tpu.memory_space<vmem>> -> memref<125x64xf32, #tpu.memory_space<vmem>>
      %dma_wait3A_203 = arith.constant 0 : i32
      %dma_wait3A_204 = tpu.memref_slice %arg2[%run_scoped3A_34, %add3A_33, %dma_wait3A_203] : memref<2x10000x64xf32, #tpu.memory_space<hbm>> -> memref<1x125x64xf32, #tpu.memory_space<hbm>>
      %dma_wait3A_205 = tpu.memref_squeeze %dma_wait3A_204 : memref<1x125x64xf32, #tpu.memory_space<hbm>> -> memref<125x64xf32, #tpu.memory_space<hbm>>
      %dma_wait3A_206 = arith.constant 0 : i32
      %dma_wait3A_207 = arith.constant 0 : i32
      %dma_wait3A_208 = tpu.memref_slice %arg9[%run_scoped3A_35, %dma_wait3A_206, %dma_wait3A_207] : memref<3x128x64xf32, #tpu.memory_space<vmem>> -> memref<1x125x64xf32, #tpu.memory_space<vmem>>
      %dma_wait3A_209 = tpu.memref_squeeze %dma_wait3A_208 : memref<1x125x64xf32, #tpu.memory_space<vmem>> -> memref<125x64xf32, #tpu.memory_space<vmem>>
      %dma_wait3A_210 = arith.constant 0 : i32
      %dma_wait3A_211 = tpu.memref_slice %arg2[%run_scoped3A_34, %add3A_33, %dma_wait3A_210] : memref<2x10000x64xf32, #tpu.memory_space<hbm>> -> memref<1x125x64xf32, #tpu.memory_space<hbm>>
      %dma_wait3A_212 = tpu.memref_squeeze %dma_wait3A_211 : memref<1x125x64xf32, #tpu.memory_space<hbm>> -> memref<125x64xf32, #tpu.memory_space<hbm>>
      tpu.wait_dma2 semaphore(%run_scoped3A_184 : memref<!tpu.dma_semaphore, #tpu.memory_space<semaphore_mem>>) src(%dma_wait3A_212 : memref<125x64xf32, #tpu.memory_space<hbm>>) dst(%dma_wait3A_209 : memref<125x64xf32, #tpu.memory_space<vmem>>)
      tpu.yield
    }) : () -> ()
    %run_scoped3A_36 = arith.constant 1 : i32
    %run_scoped3A_37 = arith.constant 1 : i32
    "tpu.region"() ({
      %run_scoped3A_184 = tpu.sem_alloc : memref<!tpu.dma_semaphore, #tpu.memory_space<semaphore_mem>>
      %dma_start3A_185 = arith.constant 0 : i32
      %dma_start3A_186 = arith.constant 0 : i32
      %dma_start3A_187 = tpu.memref_slice %arg9[%run_scoped3A_37, %dma_start3A_185, %dma_start3A_186] : memref<3x128x64xf32, #tpu.memory_space<vmem>> -> memref<1x125x64xf32, #tpu.memory_space<vmem>>
      %dma_start3A_188 = tpu.memref_squeeze %dma_start3A_187 : memref<1x125x64xf32, #tpu.memory_space<vmem>> -> memref<125x64xf32, #tpu.memory_space<vmem>>
      %dma_start3A_189 = arith.constant 0 : i32
      %dma_start3A_190 = tpu.memref_slice %arg2[%run_scoped3A_36, %add3A_33, %dma_start3A_189] : memref<2x10000x64xf32, #tpu.memory_space<hbm>> -> memref<1x125x64xf32, #tpu.memory_space<hbm>>
      %dma_start3A_191 = tpu.memref_squeeze %dma_start3A_190 : memref<1x125x64xf32, #tpu.memory_space<hbm>> -> memref<125x64xf32, #tpu.memory_space<hbm>>
      %dma_start3A_192 = arith.constant 0 : i32
      %dma_start3A_193 = arith.constant 0 : i32
      %dma_start3A_194 = tpu.memref_slice %arg9[%run_scoped3A_37, %dma_start3A_192, %dma_start3A_193] : memref<3x128x64xf32, #tpu.memory_space<vmem>> -> memref<1x125x64xf32, #tpu.memory_space<vmem>>
      %dma_start3A_195 = tpu.memref_squeeze %dma_start3A_194 : memref<1x125x64xf32, #tpu.memory_space<vmem>> -> memref<125x64xf32, #tpu.memory_space<vmem>>
      %dma_start3A_196 = arith.constant 0 : i32
      %dma_start3A_197 = tpu.memref_slice %arg2[%run_scoped3A_36, %add3A_33, %dma_start3A_196] : memref<2x10000x64xf32, #tpu.memory_space<hbm>> -> memref<1x125x64xf32, #tpu.memory_space<hbm>>
      %dma_start3A_198 = tpu.memref_squeeze %dma_start3A_197 : memref<1x125x64xf32, #tpu.memory_space<hbm>> -> memref<125x64xf32, #tpu.memory_space<hbm>>
      tpu.enqueue_dma source(%dma_start3A_198 : memref<125x64xf32, #tpu.memory_space<hbm>>) target(%dma_start3A_195 : memref<125x64xf32, #tpu.memory_space<vmem>>) target_semaphore(%run_scoped3A_184 : memref<!tpu.dma_semaphore, #tpu.memory_space<semaphore_mem>>)
      %dma_wait3A_199 = arith.constant 0 : i32
      %dma_wait3A_200 = arith.constant 0 : i32
      %dma_wait3A_201 = tpu.memref_slice %arg9[%run_scoped3A_37, %dma_wait3A_199, %dma_wait3A_200] : memref<3x128x64xf32, #tpu.memory_space<vmem>> -> memref<1x125x64xf32, #tpu.memory_space<vmem>>
      %dma_wait3A_202 = tpu.memref_squeeze %dma_wait3A_201 : memref<1x125x64xf32, #tpu.memory_space<vmem>> -> memref<125x64xf32, #tpu.memory_space<vmem>>
      %dma_wait3A_203 = arith.constant 0 : i32
      %dma_wait3A_204 = tpu.memref_slice %arg2[%run_scoped3A_36, %add3A_33, %dma_wait3A_203] : memref<2x10000x64xf32, #tpu.memory_space<hbm>> -> memref<1x125x64xf32, #tpu.memory_space<hbm>>
      %dma_wait3A_205 = tpu.memref_squeeze %dma_wait3A_204 : memref<1x125x64xf32, #tpu.memory_space<hbm>> -> memref<125x64xf32, #tpu.memory_space<hbm>>
      %dma_wait3A_206 = arith.constant 0 : i32
      %dma_wait3A_207 = arith.constant 0 : i32
      %dma_wait3A_208 = tpu.memref_slice %arg9[%run_scoped3A_37, %dma_wait3A_206, %dma_wait3A_207] : memref<3x128x64xf32, #tpu.memory_space<vmem>> -> memref<1x125x64xf32, #tpu.memory_space<vmem>>
      %dma_wait3A_209 = tpu.memref_squeeze %dma_wait3A_208 : memref<1x125x64xf32, #tpu.memory_space<vmem>> -> memref<125x64xf32, #tpu.memory_space<vmem>>
      %dma_wait3A_210 = arith.constant 0 : i32
      %dma_wait3A_211 = tpu.memref_slice %arg2[%run_scoped3A_36, %add3A_33, %dma_wait3A_210] : memref<2x10000x64xf32, #tpu.memory_space<hbm>> -> memref<1x125x64xf32, #tpu.memory_space<hbm>>
      %dma_wait3A_212 = tpu.memref_squeeze %dma_wait3A_211 : memref<1x125x64xf32, #tpu.memory_space<hbm>> -> memref<125x64xf32, #tpu.memory_space<hbm>>
      tpu.wait_dma2 semaphore(%run_scoped3A_184 : memref<!tpu.dma_semaphore, #tpu.memory_space<semaphore_mem>>) src(%dma_wait3A_212 : memref<125x64xf32, #tpu.memory_space<hbm>>) dst(%dma_wait3A_209 : memref<125x64xf32, #tpu.memory_space<vmem>>)
      tpu.yield
    }) : () -> ()
    %scan3A_38 = arith.constant 0 : i32
    %scan3A_39 = arith.constant 0 : i32
    %scan3A_40 = arith.constant 125 : i32
    %scan3A_41 = arith.addi %scan3A_39, %scan3A_40 : i32
    %scan3A_42 = arith.constant 1 : i32
    scf.for %scan3A_184 = %scan3A_39 to %scan3A_41 step %scan3A_42  : i32 {
      %get3A_185 = arith.constant 0 : i32
      %get3A_186 = arith.index_cast %get3A_185 : i32 to index
      %get3A_187 = arith.index_cast %scan3A_184 : i32 to index
      %get3A_188 = arith.constant 0 : index
      %get3A_189 = tpu.vector_load %arg9[%get3A_186, %get3A_187, %get3A_188] {strides = array<i32>} : memref<3x128x64xf32, #tpu.memory_space<vmem>>, vector<1x1x16xf32>,
      %get3A_190 = vector.shape_cast %get3A_189 : vector<1x1x16xf32> to vector<16xf32>
      %get3A_191 = arith.constant 1 : i32
      %get3A_192 = arith.index_cast %get3A_191 : i32 to index
      %get3A_193 = arith.index_cast %scan3A_184 : i32 to index
      %get3A_194 = arith.constant 0 : index
      %get3A_195 = tpu.vector_load %arg9[%get3A_192, %get3A_193, %get3A_194] {strides = array<i32>} : memref<3x128x64xf32, #tpu.memory_space<vmem>>, vector<1x1x16xf32>,
      %get3A_196 = vector.shape_cast %get3A_195 : vector<1x1x16xf32> to vector<16xf32>
      %add3A_197 = arith.addf %get3A_190, %get3A_196 : vector<16xf32>
      %add3A_198 = arith.addf %add3A_197, %get3A_4 : vector<16xf32>
      %max3A = arith.constant 0.000000e+00 : f32
      %max3A_199 = vector.broadcast %max3A : f32 to vector<16xf32>
      %max3A_200 = arith.maximumf %add3A_198, %max3A_199 : vector<16xf32>
      %swap3A = arith.constant 2 : i32
      %swap3A_201 = arith.index_cast %swap3A : i32 to index
      %swap3A_202 = arith.index_cast %scan3A_184 : i32 to index
      %swap3A_203 = arith.constant 0 : index
      %swap3A_204 = tpu.vector_load %arg9[%swap3A_201, %swap3A_202, %swap3A_203] {strides = array<i32>} : memref<3x128x64xf32, #tpu.memory_space<vmem>>, vector<1x1x16xf32>,
      %swap3A_205 = vector.shape_cast %swap3A_204 : vector<1x1x16xf32> to vector<16xf32>
      %swap3A_206 = vector.shape_cast %max3A_200 : vector<16xf32> to vector<1x1x16xf32>
      tpu.vector_store %arg9[%swap3A_201, %swap3A_202, %swap3A_203], %swap3A_206 {strides = array<i32>} : memref<3x128x64xf32, #tpu.memory_space<vmem>>, vector<1x1x16xf32>,
      %get3A_207 = arith.constant 0 : i32
      %get3A_208 = arith.index_cast %get3A_207 : i32 to index
      %get3A_209 = arith.index_cast %scan3A_184 : i32 to index
      %get3A_210 = arith.constant 16 : index
      %get3A_211 = tpu.vector_load %arg9[%get3A_208, %get3A_209, %get3A_210] {strides = array<i32>} : memref<3x128x64xf32, #tpu.memory_space<vmem>>, vector<1x1x16xf32>,
      %get3A_212 = vector.shape_cast %get3A_211 : vector<1x1x16xf32> to vector<16xf32>
      %get3A_213 = arith.constant 1 : i32
      %get3A_214 = arith.index_cast %get3A_213 : i32 to index
      %get3A_215 = arith.index_cast %scan3A_184 : i32 to index
      %get3A_216 = arith.constant 16 : index
      %get3A_217 = tpu.vector_load %arg9[%get3A_214, %get3A_215, %get3A_216] {strides = array<i32>} : memref<3x128x64xf32, #tpu.memory_space<vmem>>, vector<1x1x16xf32>,
      %get3A_218 = vector.shape_cast %get3A_217 : vector<1x1x16xf32> to vector<16xf32>
      %add3A_219 = arith.addf %get3A_212, %get3A_218 : vector<16xf32>
      %add3A_220 = arith.addf %add3A_219, %get3A_9 : vector<16xf32>
      %max3A_221 = arith.constant 0.000000e+00 : f32
      %max3A_222 = vector.broadcast %max3A_221 : f32 to vector<16xf32>
      %max3A_223 = arith.maximumf %add3A_220, %max3A_222 : vector<16xf32>
      %swap3A_224 = arith.constant 2 : i32
      %swap3A_225 = arith.index_cast %swap3A_224 : i32 to index
      %swap3A_226 = arith.index_cast %scan3A_184 : i32 to index
      %swap3A_227 = arith.constant 16 : index
      %swap3A_228 = tpu.vector_load %arg9[%swap3A_225, %swap3A_226, %swap3A_227] {strides = array<i32>} : memref<3x128x64xf32, #tpu.memory_space<vmem>>, vector<1x1x16xf32>,
      %swap3A_229 = vector.shape_cast %swap3A_228 : vector<1x1x16xf32> to vector<16xf32>
      %swap3A_230 = vector.shape_cast %max3A_223 : vector<16xf32> to vector<1x1x16xf32>
      tpu.vector_store %arg9[%swap3A_225, %swap3A_226, %swap3A_227], %swap3A_230 {strides = array<i32>} : memref<3x128x64xf32, #tpu.memory_space<vmem>>, vector<1x1x16xf32>,
      %get3A_231 = arith.constant 0 : i32
      %get3A_232 = arith.index_cast %get3A_231 : i32 to index
      %get3A_233 = arith.index_cast %scan3A_184 : i32 to index
      %get3A_234 = arith.constant 32 : index
      %get3A_235 = tpu.vector_load %arg9[%get3A_232, %get3A_233, %get3A_234] {strides = array<i32>} : memref<3x128x64xf32, #tpu.memory_space<vmem>>, vector<1x1x16xf32>,
      %get3A_236 = vector.shape_cast %get3A_235 : vector<1x1x16xf32> to vector<16xf32>
      %get3A_237 = arith.constant 1 : i32
      %get3A_238 = arith.index_cast %get3A_237 : i32 to index
      %get3A_239 = arith.index_cast %scan3A_184 : i32 to index
      %get3A_240 = arith.constant 32 : index
      %get3A_241 = tpu.vector_load %arg9[%get3A_238, %get3A_239, %get3A_240] {strides = array<i32>} : memref<3x128x64xf32, #tpu.memory_space<vmem>>, vector<1x1x16xf32>,
      %get3A_242 = vector.shape_cast %get3A_241 : vector<1x1x16xf32> to vector<16xf32>
      %add3A_243 = arith.addf %get3A_236, %get3A_242 : vector<16xf32>
      %add3A_244 = arith.addf %add3A_243, %get3A_14 : vector<16xf32>
      %max3A_245 = arith.constant 0.000000e+00 : f32
      %max3A_246 = vector.broadcast %max3A_245 : f32 to vector<16xf32>
      %max3A_247 = arith.maximumf %add3A_244, %max3A_246 : vector<16xf32>
      %swap3A_248 = arith.constant 2 : i32
      %swap3A_249 = arith.index_cast %swap3A_248 : i32 to index
      %swap3A_250 = arith.index_cast %scan3A_184 : i32 to index
      %swap3A_251 = arith.constant 32 : index
      %swap3A_252 = tpu.vector_load %arg9[%swap3A_249, %swap3A_250, %swap3A_251] {strides = array<i32>} : memref<3x128x64xf32, #tpu.memory_space<vmem>>, vector<1x1x16xf32>,
      %swap3A_253 = vector.shape_cast %swap3A_252 : vector<1x1x16xf32> to vector<16xf32>
      %swap3A_254 = vector.shape_cast %max3A_247 : vector<16xf32> to vector<1x1x16xf32>
      tpu.vector_store %arg9[%swap3A_249, %swap3A_250, %swap3A_251], %swap3A_254 {strides = array<i32>} : memref<3x128x64xf32, #tpu.memory_space<vmem>>, vector<1x1x16xf32>,
      %get3A_255 = arith.constant 0 : i32
      %get3A_256 = arith.index_cast %get3A_255 : i32 to index
      %get3A_257 = arith.index_cast %scan3A_184 : i32 to index
      %get3A_258 = arith.constant 48 : index
      %get3A_259 = tpu.vector_load %arg9[%get3A_256, %get3A_257, %get3A_258] {strides = array<i32>} : memref<3x128x64xf32, #tpu.memory_space<vmem>>, vector<1x1x16xf32>,
      %get3A_260 = vector.shape_cast %get3A_259 : vector<1x1x16xf32> to vector<16xf32>
      %get3A_261 = arith.constant 1 : i32
      %get3A_262 = arith.index_cast %get3A_261 : i32 to index
      %get3A_263 = arith.index_cast %scan3A_184 : i32 to index
      %get3A_264 = arith.constant 48 : index
      %get3A_265 = tpu.vector_load %arg9[%get3A_262, %get3A_263, %get3A_264] {strides = array<i32>} : memref<3x128x64xf32, #tpu.memory_space<vmem>>, vector<1x1x16xf32>,
      %get3A_266 = vector.shape_cast %get3A_265 : vector<1x1x16xf32> to vector<16xf32>
      %add3A_267 = arith.addf %get3A_260, %get3A_266 : vector<16xf32>
      %add3A_268 = arith.addf %add3A_267, %get3A_19 : vector<16xf32>
      %max3A_269 = arith.constant 0.000000e+00 : f32
      %max3A_270 = vector.broadcast %max3A_269 : f32 to vector<16xf32>
      %max3A_271 = arith.maximumf %add3A_268, %max3A_270 : vector<16xf32>
      %swap3A_272 = arith.constant 2 : i32
      %swap3A_273 = arith.index_cast %swap3A_272 : i32 to index
      %swap3A_274 = arith.index_cast %scan3A_184 : i32 to index
      %swap3A_275 = arith.constant 48 : index
      %swap3A_276 = tpu.vector_load %arg9[%swap3A_273, %swap3A_274, %swap3A_275] {strides = array<i32>} : memref<3x128x64xf32, #tpu.memory_space<vmem>>, vector<1x1x16xf32>,
      %swap3A_277 = vector.shape_cast %swap3A_276 : vector<1x1x16xf32> to vector<16xf32>
      %swap3A_278 = vector.shape_cast %max3A_271 : vector<16xf32> to vector<1x1x16xf32>
      tpu.vector_store %arg9[%swap3A_273, %swap3A_274, %swap3A_275], %swap3A_278 {strides = array<i32>} : memref<3x128x64xf32, #tpu.memory_space<vmem>>, vector<1x1x16xf32>,
    }
    %scan3A_43 = arith.constant 125 : i32
    %run_scoped3A_44 = arith.constant 2 : i32
    "tpu.region"() ({
      %run_scoped3A_184 = tpu.sem_alloc : memref<!tpu.dma_semaphore, #tpu.memory_space<semaphore_mem>>
      %dma_start3A_185 = arith.constant 0 : i32
      %dma_start3A_186 = arith.constant 0 : i32
      %dma_start3A_187 = tpu.memref_slice %arg9[%run_scoped3A_44, %dma_start3A_185, %dma_start3A_186] : memref<3x128x64xf32, #tpu.memory_space<vmem>> -> memref<1x125x64xf32, #tpu.memory_space<vmem>>
      %dma_start3A_188 = tpu.memref_squeeze %dma_start3A_187 : memref<1x125x64xf32, #tpu.memory_space<vmem>> -> memref<125x64xf32, #tpu.memory_space<vmem>>
      %dma_start3A_189 = arith.constant 0 : i32
      %dma_start3A_190 = tpu.memref_slice %arg11[%add3A_33, %dma_start3A_189] : memref<10000x64xf32, #tpu.memory_space<vmem_shared>> -> memref<125x64xf32, #tpu.memory_space<vmem_shared>>
      %dma_start3A_191 = arith.constant 0 : i32
      %dma_start3A_192 = tpu.memref_slice %arg11[%add3A_33, %dma_start3A_191] : memref<10000x64xf32, #tpu.memory_space<vmem_shared>> -> memref<125x64xf32, #tpu.memory_space<vmem_shared>>
      %dma_start3A_193 = arith.constant 0 : i32
      %dma_start3A_194 = arith.constant 0 : i32
      %dma_start3A_195 = tpu.memref_slice %arg9[%run_scoped3A_44, %dma_start3A_193, %dma_start3A_194] : memref<3x128x64xf32, #tpu.memory_space<vmem>> -> memref<1x125x64xf32, #tpu.memory_space<vmem>>
      %dma_start3A_196 = tpu.memref_squeeze %dma_start3A_195 : memref<1x125x64xf32, #tpu.memory_space<vmem>> -> memref<125x64xf32, #tpu.memory_space<vmem>>
      tpu.enqueue_dma source(%dma_start3A_196 : memref<125x64xf32, #tpu.memory_space<vmem>>) target(%dma_start3A_192 : memref<125x64xf32, #tpu.memory_space<vmem_shared>>) target_semaphore(%run_scoped3A_184 : memref<!tpu.dma_semaphore, #tpu.memory_space<semaphore_mem>>)
      %dma_wait3A_197 = arith.constant 0 : i32
      %dma_wait3A_198 = arith.constant 0 : i32
      %dma_wait3A_199 = tpu.memref_slice %arg9[%run_scoped3A_44, %dma_wait3A_197, %dma_wait3A_198] : memref<3x128x64xf32, #tpu.memory_space<vmem>> -> memref<1x125x64xf32, #tpu.memory_space<vmem>>
      %dma_wait3A_200 = tpu.memref_squeeze %dma_wait3A_199 : memref<1x125x64xf32, #tpu.memory_space<vmem>> -> memref<125x64xf32, #tpu.memory_space<vmem>>
      %dma_wait3A_201 = arith.constant 0 : i32
      %dma_wait3A_202 = tpu.memref_slice %arg11[%add3A_33, %dma_wait3A_201] : memref<10000x64xf32, #tpu.memory_space<vmem_shared>> -> memref<125x64xf32, #tpu.memory_space<vmem_shared>>
      %dma_wait3A_203 = arith.constant 0 : i32
      %dma_wait3A_204 = tpu.memref_slice %arg11[%add3A_33, %dma_wait3A_203] : memref<10000x64xf32, #tpu.memory_space<vmem_shared>> -> memref<125x64xf32, #tpu.memory_space<vmem_shared>>
      %dma_wait3A_205 = arith.constant 0 : i32
      %dma_wait3A_206 = arith.constant 0 : i32
      %dma_wait3A_207 = tpu.memref_slice %arg9[%run_scoped3A_44, %dma_wait3A_205, %dma_wait3A_206] : memref<3x128x64xf32, #tpu.memory_space<vmem>> -> memref<1x125x64xf32, #tpu.memory_space<vmem>>
      %dma_wait3A_208 = tpu.memref_squeeze %dma_wait3A_207 : memref<1x125x64xf32, #tpu.memory_space<vmem>> -> memref<125x64xf32, #tpu.memory_space<vmem>>
      tpu.wait_dma2 semaphore(%run_scoped3A_184 : memref<!tpu.dma_semaphore, #tpu.memory_space<semaphore_mem>>) src(%dma_wait3A_208 : memref<125x64xf32, #tpu.memory_space<vmem>>) dst(%dma_wait3A_204 : memref<125x64xf32, #tpu.memory_space<vmem_shared>>)
      tpu.yield
    }) : () -> ()
    %add3A_45 = arith.constant 250 : i32
    %add3A_46 = arith.addi %mul3A_21, %add3A_45 : i32
    %run_scoped3A_47 = arith.constant 0 : i32
    %run_scoped3A_48 = arith.constant 0 : i32
    "tpu.region"() ({
      %run_scoped3A_184 = tpu.sem_alloc : memref<!tpu.dma_semaphore, #tpu.memory_space<semaphore_mem>>
      %dma_start3A_185 = arith.constant 0 : i32
      %dma_start3A_186 = arith.constant 0 : i32
      %dma_start3A_187 = tpu.memref_slice %arg9[%run_scoped3A_48, %dma_start3A_185, %dma_start3A_186] : memref<3x128x64xf32, #tpu.memory_space<vmem>> -> memref<1x125x64xf32, #tpu.memory_space<vmem>>
      %dma_start3A_188 = tpu.memref_squeeze %dma_start3A_187 : memref<1x125x64xf32, #tpu.memory_space<vmem>> -> memref<125x64xf32, #tpu.memory_space<vmem>>
      %dma_start3A_189 = arith.constant 0 : i32
      %dma_start3A_190 = tpu.memref_slice %arg2[%run_scoped3A_47, %add3A_46, %dma_start3A_189] : memref<2x10000x64xf32, #tpu.memory_space<hbm>> -> memref<1x125x64xf32, #tpu.memory_space<hbm>>
      %dma_start3A_191 = tpu.memref_squeeze %dma_start3A_190 : memref<1x125x64xf32, #tpu.memory_space<hbm>> -> memref<125x64xf32, #tpu.memory_space<hbm>>
      %dma_start3A_192 = arith.constant 0 : i32
      %dma_start3A_193 = arith.constant 0 : i32
      %dma_start3A_194 = tpu.memref_slice %arg9[%run_scoped3A_48, %dma_start3A_192, %dma_start3A_193] : memref<3x128x64xf32, #tpu.memory_space<vmem>> -> memref<1x125x64xf32, #tpu.memory_space<vmem>>
      %dma_start3A_195 = tpu.memref_squeeze %dma_start3A_194 : memref<1x125x64xf32, #tpu.memory_space<vmem>> -> memref<125x64xf32, #tpu.memory_space<vmem>>
      %dma_start3A_196 = arith.constant 0 : i32
      %dma_start3A_197 = tpu.memref_slice %arg2[%run_scoped3A_47, %add3A_46, %dma_start3A_196] : memref<2x10000x64xf32, #tpu.memory_space<hbm>> -> memref<1x125x64xf32, #tpu.memory_space<hbm>>
      %dma_start3A_198 = tpu.memref_squeeze %dma_start3A_197 : memref<1x125x64xf32, #tpu.memory_space<hbm>> -> memref<125x64xf32, #tpu.memory_space<hbm>>
      tpu.enqueue_dma source(%dma_start3A_198 : memref<125x64xf32, #tpu.memory_space<hbm>>) target(%dma_start3A_195 : memref<125x64xf32, #tpu.memory_space<vmem>>) target_semaphore(%run_scoped3A_184 : memref<!tpu.dma_semaphore, #tpu.memory_space<semaphore_mem>>)
      %dma_wait3A_199 = arith.constant 0 : i32
      %dma_wait3A_200 = arith.constant 0 : i32
      %dma_wait3A_201 = tpu.memref_slice %arg9[%run_scoped3A_48, %dma_wait3A_199, %dma_wait3A_200] : memref<3x128x64xf32, #tpu.memory_space<vmem>> -> memref<1x125x64xf32, #tpu.memory_space<vmem>>
      %dma_wait3A_202 = tpu.memref_squeeze %dma_wait3A_201 : memref<1x125x64xf32, #tpu.memory_space<vmem>> -> memref<125x64xf32, #tpu.memory_space<vmem>>
      %dma_wait3A_203 = arith.constant 0 : i32
      %dma_wait3A_204 = tpu.memref_slice %arg2[%run_scoped3A_47, %add3A_46, %dma_wait3A_203] : memref<2x10000x64xf32, #tpu.memory_space<hbm>> -> memref<1x125x64xf32, #tpu.memory_space<hbm>>
      %dma_wait3A_205 = tpu.memref_squeeze %dma_wait3A_204 : memref<1x125x64xf32, #tpu.memory_space<hbm>> -> memref<125x64xf32, #tpu.memory_space<hbm>>
      %dma_wait3A_206 = arith.constant 0 : i32
      %dma_wait3A_207 = arith.constant 0 : i32
      %dma_wait3A_208 = tpu.memref_slice %arg9[%run_scoped3A_48, %dma_wait3A_206, %dma_wait3A_207] : memref<3x128x64xf32, #tpu.memory_space<vmem>> -> memref<1x125x64xf32, #tpu.memory_space<vmem>>
      %dma_wait3A_209 = tpu.memref_squeeze %dma_wait3A_208 : memref<1x125x64xf32, #tpu.memory_space<vmem>> -> memref<125x64xf32, #tpu.memory_space<vmem>>
      %dma_wait3A_210 = arith.constant 0 : i32
      %dma_wait3A_211 = tpu.memref_slice %arg2[%run_scoped3A_47, %add3A_46, %dma_wait3A_210] : memref<2x10000x64xf32, #tpu.memory_space<hbm>> -> memref<1x125x64xf32, #tpu.memory_space<hbm>>
      %dma_wait3A_212 = tpu.memref_squeeze %dma_wait3A_211 : memref<1x125x64xf32, #tpu.memory_space<hbm>> -> memref<125x64xf32, #tpu.memory_space<hbm>>
      tpu.wait_dma2 semaphore(%run_scoped3A_184 : memref<!tpu.dma_semaphore, #tpu.memory_space<semaphore_mem>>) src(%dma_wait3A_212 : memref<125x64xf32, #tpu.memory_space<hbm>>) dst(%dma_wait3A_209 : memref<125x64xf32, #tpu.memory_space<vmem>>)
      tpu.yield
    }) : () -> ()
    %run_scoped3A_49 = arith.constant 1 : i32
    %run_scoped3A_50 = arith.constant 1 : i32
    "tpu.region"() ({
      %run_scoped3A_184 = tpu.sem_alloc : memref<!tpu.dma_semaphore, #tpu.memory_space<semaphore_mem>>
      %dma_start3A_185 = arith.constant 0 : i32
      %dma_start3A_186 = arith.constant 0 : i32
      %dma_start3A_187 = tpu.memref_slice %arg9[%run_scoped3A_50, %dma_start3A_185, %dma_start3A_186] : memref<3x128x64xf32, #tpu.memory_space<vmem>> -> memref<1x125x64xf32, #tpu.memory_space<vmem>>
      %dma_start3A_188 = tpu.memref_squeeze %dma_start3A_187 : memref<1x125x64xf32, #tpu.memory_space<vmem>> -> memref<125x64xf32, #tpu.memory_space<vmem>>
      %dma_start3A_189 = arith.constant 0 : i32
      %dma_start3A_190 = tpu.memref_slice %arg2[%run_scoped3A_49, %add3A_46, %dma_start3A_189] : memref<2x10000x64xf32, #tpu.memory_space<hbm>> -> memref<1x125x64xf32, #tpu.memory_space<hbm>>
      %dma_start3A_191 = tpu.memref_squeeze %dma_start3A_190 : memref<1x125x64xf32, #tpu.memory_space<hbm>> -> memref<125x64xf32, #tpu.memory_space<hbm>>
      %dma_start3A_192 = arith.constant 0 : i32
      %dma_start3A_193 = arith.constant 0 : i32
      %dma_start3A_194 = tpu.memref_slice %arg9[%run_scoped3A_50, %dma_start3A_192, %dma_start3A_193] : memref<3x128x64xf32, #tpu.memory_space<vmem>> -> memref<1x125x64xf32, #tpu.memory_space<vmem>>
      %dma_start3A_195 = tpu.memref_squeeze %dma_start3A_194 : memref<1x125x64xf32, #tpu.memory_space<vmem>> -> memref<125x64xf32, #tpu.memory_space<vmem>>
      %dma_start3A_196 = arith.constant 0 : i32
      %dma_start3A_197 = tpu.memref_slice %arg2[%run_scoped3A_49, %add3A_46, %dma_start3A_196] : memref<2x10000x64xf32, #tpu.memory_space<hbm>> -> memref<1x125x64xf32, #tpu.memory_space<hbm>>
      %dma_start3A_198 = tpu.memref_squeeze %dma_start3A_197 : memref<1x125x64xf32, #tpu.memory_space<hbm>> -> memref<125x64xf32, #tpu.memory_space<hbm>>
      tpu.enqueue_dma source(%dma_start3A_198 : memref<125x64xf32, #tpu.memory_space<hbm>>) target(%dma_start3A_195 : memref<125x64xf32, #tpu.memory_space<vmem>>) target_semaphore(%run_scoped3A_184 : memref<!tpu.dma_semaphore, #tpu.memory_space<semaphore_mem>>)
      %dma_wait3A_199 = arith.constant 0 : i32
      %dma_wait3A_200 = arith.constant 0 : i32
      %dma_wait3A_201 = tpu.memref_slice %arg9[%run_scoped3A_50, %dma_wait3A_199, %dma_wait3A_200] : memref<3x128x64xf32, #tpu.memory_space<vmem>> -> memref<1x125x64xf32, #tpu.memory_space<vmem>>
      %dma_wait3A_202 = tpu.memref_squeeze %dma_wait3A_201 : memref<1x125x64xf32, #tpu.memory_space<vmem>> -> memref<125x64xf32, #tpu.memory_space<vmem>>
      %dma_wait3A_203 = arith.constant 0 : i32
      %dma_wait3A_204 = tpu.memref_slice %arg2[%run_scoped3A_49, %add3A_46, %dma_wait3A_203] : memref<2x10000x64xf32, #tpu.memory_space<hbm>> -> memref<1x125x64xf32, #tpu.memory_space<hbm>>
      %dma_wait3A_205 = tpu.memref_squeeze %dma_wait3A_204 : memref<1x125x64xf32, #tpu.memory_space<hbm>> -> memref<125x64xf32, #tpu.memory_space<hbm>>
      %dma_wait3A_206 = arith.constant 0 : i32
      %dma_wait3A_207 = arith.constant 0 : i32
      %dma_wait3A_208 = tpu.memref_slice %arg9[%run_scoped3A_50, %dma_wait3A_206, %dma_wait3A_207] : memref<3x128x64xf32, #tpu.memory_space<vmem>> -> memref<1x125x64xf32, #tpu.memory_space<vmem>>
      %dma_wait3A_209 = tpu.memref_squeeze %dma_wait3A_208 : memref<1x125x64xf32, #tpu.memory_space<vmem>> -> memref<125x64xf32, #tpu.memory_space<vmem>>
      %dma_wait3A_210 = arith.constant 0 : i32
      %dma_wait3A_211 = tpu.memref_slice %arg2[%run_scoped3A_49, %add3A_46, %dma_wait3A_210] : memref<2x10000x64xf32, #tpu.memory_space<hbm>> -> memref<1x125x64xf32, #tpu.memory_space<hbm>>
      %dma_wait3A_212 = tpu.memref_squeeze %dma_wait3A_211 : memref<1x125x64xf32, #tpu.memory_space<hbm>> -> memref<125x64xf32, #tpu.memory_space<hbm>>
      tpu.wait_dma2 semaphore(%run_scoped3A_184 : memref<!tpu.dma_semaphore, #tpu.memory_space<semaphore_mem>>) src(%dma_wait3A_212 : memref<125x64xf32, #tpu.memory_space<hbm>>) dst(%dma_wait3A_209 : memref<125x64xf32, #tpu.memory_space<vmem>>)
      tpu.yield
    }) : () -> ()
    %scan3A_51 = arith.constant 0 : i32
    %scan3A_52 = arith.constant 0 : i32
    %scan3A_53 = arith.constant 125 : i32
    %scan3A_54 = arith.addi %scan3A_52, %scan3A_53 : i32
    %scan3A_55 = arith.constant 1 : i32
    scf.for %scan3A_184 = %scan3A_52 to %scan3A_54 step %scan3A_55  : i32 {
      %get3A_185 = arith.constant 0 : i32
      %get3A_186 = arith.index_cast %get3A_185 : i32 to index
      %get3A_187 = arith.index_cast %scan3A_184 : i32 to index
      %get3A_188 = arith.constant 0 : index
      %get3A_189 = tpu.vector_load %arg9[%get3A_186, %get3A_187, %get3A_188] {strides = array<i32>} : memref<3x128x64xf32, #tpu.memory_space<vmem>>, vector<1x1x16xf32>,
      %get3A_190 = vector.shape_cast %get3A_189 : vector<1x1x16xf32> to vector<16xf32>
      %get3A_191 = arith.constant 1 : i32
      %get3A_192 = arith.index_cast %get3A_191 : i32 to index
      %get3A_193 = arith.index_cast %scan3A_184 : i32 to index
      %get3A_194 = arith.constant 0 : index
      %get3A_195 = tpu.vector_load %arg9[%get3A_192, %get3A_193, %get3A_194] {strides = array<i32>} : memref<3x128x64xf32, #tpu.memory_space<vmem>>, vector<1x1x16xf32>,
      %get3A_196 = vector.shape_cast %get3A_195 : vector<1x1x16xf32> to vector<16xf32>
      %add3A_197 = arith.addf %get3A_190, %get3A_196 : vector<16xf32>
      %add3A_198 = arith.addf %add3A_197, %get3A_4 : vector<16xf32>
      %max3A = arith.constant 0.000000e+00 : f32
      %max3A_199 = vector.broadcast %max3A : f32 to vector<16xf32>
      %max3A_200 = arith.maximumf %add3A_198, %max3A_199 : vector<16xf32>
      %swap3A = arith.constant 2 : i32
      %swap3A_201 = arith.index_cast %swap3A : i32 to index
      %swap3A_202 = arith.index_cast %scan3A_184 : i32 to index
      %swap3A_203 = arith.constant 0 : index
      %swap3A_204 = tpu.vector_load %arg9[%swap3A_201, %swap3A_202, %swap3A_203] {strides = array<i32>} : memref<3x128x64xf32, #tpu.memory_space<vmem>>, vector<1x1x16xf32>,
      %swap3A_205 = vector.shape_cast %swap3A_204 : vector<1x1x16xf32> to vector<16xf32>
      %swap3A_206 = vector.shape_cast %max3A_200 : vector<16xf32> to vector<1x1x16xf32>
      tpu.vector_store %arg9[%swap3A_201, %swap3A_202, %swap3A_203], %swap3A_206 {strides = array<i32>} : memref<3x128x64xf32, #tpu.memory_space<vmem>>, vector<1x1x16xf32>,
      %get3A_207 = arith.constant 0 : i32
      %get3A_208 = arith.index_cast %get3A_207 : i32 to index
      %get3A_209 = arith.index_cast %scan3A_184 : i32 to index
      %get3A_210 = arith.constant 16 : index
      %get3A_211 = tpu.vector_load %arg9[%get3A_208, %get3A_209, %get3A_210] {strides = array<i32>} : memref<3x128x64xf32, #tpu.memory_space<vmem>>, vector<1x1x16xf32>,
      %get3A_212 = vector.shape_cast %get3A_211 : vector<1x1x16xf32> to vector<16xf32>
      %get3A_213 = arith.constant 1 : i32
      %get3A_214 = arith.index_cast %get3A_213 : i32 to index
      %get3A_215 = arith.index_cast %scan3A_184 : i32 to index
      %get3A_216 = arith.constant 16 : index
      %get3A_217 = tpu.vector_load %arg9[%get3A_214, %get3A_215, %get3A_216] {strides = array<i32>} : memref<3x128x64xf32, #tpu.memory_space<vmem>>, vector<1x1x16xf32>,
      %get3A_218 = vector.shape_cast %get3A_217 : vector<1x1x16xf32> to vector<16xf32>
      %add3A_219 = arith.addf %get3A_212, %get3A_218 : vector<16xf32>
      %add3A_220 = arith.addf %add3A_219, %get3A_9 : vector<16xf32>
      %max3A_221 = arith.constant 0.000000e+00 : f32
      %max3A_222 = vector.broadcast %max3A_221 : f32 to vector<16xf32>
      %max3A_223 = arith.maximumf %add3A_220, %max3A_222 : vector<16xf32>
      %swap3A_224 = arith.constant 2 : i32
      %swap3A_225 = arith.index_cast %swap3A_224 : i32 to index
      %swap3A_226 = arith.index_cast %scan3A_184 : i32 to index
      %swap3A_227 = arith.constant 16 : index
      %swap3A_228 = tpu.vector_load %arg9[%swap3A_225, %swap3A_226, %swap3A_227] {strides = array<i32>} : memref<3x128x64xf32, #tpu.memory_space<vmem>>, vector<1x1x16xf32>,
      %swap3A_229 = vector.shape_cast %swap3A_228 : vector<1x1x16xf32> to vector<16xf32>
      %swap3A_230 = vector.shape_cast %max3A_223 : vector<16xf32> to vector<1x1x16xf32>
      tpu.vector_store %arg9[%swap3A_225, %swap3A_226, %swap3A_227], %swap3A_230 {strides = array<i32>} : memref<3x128x64xf32, #tpu.memory_space<vmem>>, vector<1x1x16xf32>,
      %get3A_231 = arith.constant 0 : i32
      %get3A_232 = arith.index_cast %get3A_231 : i32 to index
      %get3A_233 = arith.index_cast %scan3A_184 : i32 to index
      %get3A_234 = arith.constant 32 : index
      %get3A_235 = tpu.vector_load %arg9[%get3A_232, %get3A_233, %get3A_234] {strides = array<i32>} : memref<3x128x64xf32, #tpu.memory_space<vmem>>, vector<1x1x16xf32>,
      %get3A_236 = vector.shape_cast %get3A_235 : vector<1x1x16xf32> to vector<16xf32>
      %get3A_237 = arith.constant 1 : i32
      %get3A_238 = arith.index_cast %get3A_237 : i32 to index
      %get3A_239 = arith.index_cast %scan3A_184 : i32 to index
      %get3A_240 = arith.constant 32 : index
      %get3A_241 = tpu.vector_load %arg9[%get3A_238, %get3A_239, %get3A_240] {strides = array<i32>} : memref<3x128x64xf32, #tpu.memory_space<vmem>>, vector<1x1x16xf32>,
      %get3A_242 = vector.shape_cast %get3A_241 : vector<1x1x16xf32> to vector<16xf32>
      %add3A_243 = arith.addf %get3A_236, %get3A_242 : vector<16xf32>
      %add3A_244 = arith.addf %add3A_243, %get3A_14 : vector<16xf32>
      %max3A_245 = arith.constant 0.000000e+00 : f32
      %max3A_246 = vector.broadcast %max3A_245 : f32 to vector<16xf32>
      %max3A_247 = arith.maximumf %add3A_244, %max3A_246 : vector<16xf32>
      %swap3A_248 = arith.constant 2 : i32
      %swap3A_249 = arith.index_cast %swap3A_248 : i32 to index
      %swap3A_250 = arith.index_cast %scan3A_184 : i32 to index
      %swap3A_251 = arith.constant 32 : index
      %swap3A_252 = tpu.vector_load %arg9[%swap3A_249, %swap3A_250, %swap3A_251] {strides = array<i32>} : memref<3x128x64xf32, #tpu.memory_space<vmem>>, vector<1x1x16xf32>,
      %swap3A_253 = vector.shape_cast %swap3A_252 : vector<1x1x16xf32> to vector<16xf32>
      %swap3A_254 = vector.shape_cast %max3A_247 : vector<16xf32> to vector<1x1x16xf32>
      tpu.vector_store %arg9[%swap3A_249, %swap3A_250, %swap3A_251], %swap3A_254 {strides = array<i32>} : memref<3x128x64xf32, #tpu.memory_space<vmem>>, vector<1x1x16xf32>,
      %get3A_255 = arith.constant 0 : i32
      %get3A_256 = arith.index_cast %get3A_255 : i32 to index
      %get3A_257 = arith.index_cast %scan3A_184 : i32 to index
      %get3A_258 = arith.constant 48 : index
      %get3A_259 = tpu.vector_load %arg9[%get3A_256, %get3A_257, %get3A_258] {strides = array<i32>} : memref<3x128x64xf32, #tpu.memory_space<vmem>>, vector<1x1x16xf32>,
      %get3A_260 = vector.shape_cast %get3A_259 : vector<1x1x16xf32> to vector<16xf32>
      %get3A_261 = arith.constant 1 : i32
      %get3A_262 = arith.index_cast %get3A_261 : i32 to index
      %get3A_263 = arith.index_cast %scan3A_184 : i32 to index
      %get3A_264 = arith.constant 48 : index
      %get3A_265 = tpu.vector_load %arg9[%get3A_262, %get3A_263, %get3A_264] {strides = array<i32>} : memref<3x128x64xf32, #tpu.memory_space<vmem>>, vector<1x1x16xf32>,
      %get3A_266 = vector.shape_cast %get3A_265 : vector<1x1x16xf32> to vector<16xf32>
      %add3A_267 = arith.addf %get3A_260, %get3A_266 : vector<16xf32>
      %add3A_268 = arith.addf %add3A_267, %get3A_19 : vector<16xf32>
      %max3A_269 = arith.constant 0.000000e+00 : f32
      %max3A_270 = vector.broadcast %max3A_269 : f32 to vector<16xf32>
      %max3A_271 = arith.maximumf %add3A_268, %max3A_270 : vector<16xf32>
      %swap3A_272 = arith.constant 2 : i32
      %swap3A_273 = arith.index_cast %swap3A_272 : i32 to index
      %swap3A_274 = arith.index_cast %scan3A_184 : i32 to index
      %swap3A_275 = arith.constant 48 : index
      %swap3A_276 = tpu.vector_load %arg9[%swap3A_273, %swap3A_274, %swap3A_275] {strides = array<i32>} : memref<3x128x64xf32, #tpu.memory_space<vmem>>, vector<1x1x16xf32>,
      %swap3A_277 = vector.shape_cast %swap3A_276 : vector<1x1x16xf32> to vector<16xf32>
      %swap3A_278 = vector.shape_cast %max3A_271 : vector<16xf32> to vector<1x1x16xf32>
      tpu.vector_store %arg9[%swap3A_273, %swap3A_274, %swap3A_275], %swap3A_278 {strides = array<i32>} : memref<3x128x64xf32, #tpu.memory_space<vmem>>, vector<1x1x16xf32>,
    }
    %scan3A_56 = arith.constant 125 : i32
    %run_scoped3A_57 = arith.constant 2 : i32
    "tpu.region"() ({
      %run_scoped3A_184 = tpu.sem_alloc : memref<!tpu.dma_semaphore, #tpu.memory_space<semaphore_mem>>
      %dma_start3A_185 = arith.constant 0 : i32
      %dma_start3A_186 = arith.constant 0 : i32
      %dma_start3A_187 = tpu.memref_slice %arg9[%run_scoped3A_57, %dma_start3A_185, %dma_start3A_186] : memref<3x128x64xf32, #tpu.memory_space<vmem>> -> memref<1x125x64xf32, #tpu.memory_space<vmem>>
      %dma_start3A_188 = tpu.memref_squeeze %dma_start3A_187 : memref<1x125x64xf32, #tpu.memory_space<vmem>> -> memref<125x64xf32, #tpu.memory_space<vmem>>
      %dma_start3A_189 = arith.constant 0 : i32
      %dma_start3A_190 = tpu.memref_slice %arg11[%add3A_46, %dma_start3A_189] : memref<10000x64xf32, #tpu.memory_space<vmem_shared>> -> memref<125x64xf32, #tpu.memory_space<vmem_shared>>
      %dma_start3A_191 = arith.constant 0 : i32
      %dma_start3A_192 = tpu.memref_slice %arg11[%add3A_46, %dma_start3A_191] : memref<10000x64xf32, #tpu.memory_space<vmem_shared>> -> memref<125x64xf32, #tpu.memory_space<vmem_shared>>
      %dma_start3A_193 = arith.constant 0 : i32
      %dma_start3A_194 = arith.constant 0 : i32
      %dma_start3A_195 = tpu.memref_slice %arg9[%run_scoped3A_57, %dma_start3A_193, %dma_start3A_194] : memref<3x128x64xf32, #tpu.memory_space<vmem>> -> memref<1x125x64xf32, #tpu.memory_space<vmem>>
      %dma_start3A_196 = tpu.memref_squeeze %dma_start3A_195 : memref<1x125x64xf32, #tpu.memory_space<vmem>> -> memref<125x64xf32, #tpu.memory_space<vmem>>
      tpu.enqueue_dma source(%dma_start3A_196 : memref<125x64xf32, #tpu.memory_space<vmem>>) target(%dma_start3A_192 : memref<125x64xf32, #tpu.memory_space<vmem_shared>>) target_semaphore(%run_scoped3A_184 : memref<!tpu.dma_semaphore, #tpu.memory_space<semaphore_mem>>)
      %dma_wait3A_197 = arith.constant 0 : i32
      %dma_wait3A_198 = arith.constant 0 : i32
      %dma_wait3A_199 = tpu.memref_slice %arg9[%run_scoped3A_57, %dma_wait3A_197, %dma_wait3A_198] : memref<3x128x64xf32, #tpu.memory_space<vmem>> -> memref<1x125x64xf32, #tpu.memory_space<vmem>>
      %dma_wait3A_200 = tpu.memref_squeeze %dma_wait3A_199 : memref<1x125x64xf32, #tpu.memory_space<vmem>> -> memref<125x64xf32, #tpu.memory_space<vmem>>
      %dma_wait3A_201 = arith.constant 0 : i32
      %dma_wait3A_202 = tpu.memref_slice %arg11[%add3A_46, %dma_wait3A_201] : memref<10000x64xf32, #tpu.memory_space<vmem_shared>> -> memref<125x64xf32, #tpu.memory_space<vmem_shared>>
      %dma_wait3A_203 = arith.constant 0 : i32
      %dma_wait3A_204 = tpu.memref_slice %arg11[%add3A_46, %dma_wait3A_203] : memref<10000x64xf32, #tpu.memory_space<vmem_shared>> -> memref<125x64xf32, #tpu.memory_space<vmem_shared>>
      %dma_wait3A_205 = arith.constant 0 : i32
      %dma_wait3A_206 = arith.constant 0 : i32
      %dma_wait3A_207 = tpu.memref_slice %arg9[%run_scoped3A_57, %dma_wait3A_205, %dma_wait3A_206] : memref<3x128x64xf32, #tpu.memory_space<vmem>> -> memref<1x125x64xf32, #tpu.memory_space<vmem>>
      %dma_wait3A_208 = tpu.memref_squeeze %dma_wait3A_207 : memref<1x125x64xf32, #tpu.memory_space<vmem>> -> memref<125x64xf32, #tpu.memory_space<vmem>>
      tpu.wait_dma2 semaphore(%run_scoped3A_184 : memref<!tpu.dma_semaphore, #tpu.memory_space<semaphore_mem>>) src(%dma_wait3A_208 : memref<125x64xf32, #tpu.memory_space<vmem>>) dst(%dma_wait3A_204 : memref<125x64xf32, #tpu.memory_space<vmem_shared>>)
      tpu.yield
    }) : () -> ()
    %add3A_58 = arith.constant 375 : i32
    %add3A_59 = arith.addi %mul3A_21, %add3A_58 : i32
    %run_scoped3A_60 = arith.constant 0 : i32
    %run_scoped3A_61 = arith.constant 0 : i32
    "tpu.region"() ({
      %run_scoped3A_184 = tpu.sem_alloc : memref<!tpu.dma_semaphore, #tpu.memory_space<semaphore_mem>>
      %dma_start3A_185 = arith.constant 0 : i32
      %dma_start3A_186 = arith.constant 0 : i32
      %dma_start3A_187 = tpu.memref_slice %arg9[%run_scoped3A_61, %dma_start3A_185, %dma_start3A_186] : memref<3x128x64xf32, #tpu.memory_space<vmem>> -> memref<1x125x64xf32, #tpu.memory_space<vmem>>
      %dma_start3A_188 = tpu.memref_squeeze %dma_start3A_187 : memref<1x125x64xf32, #tpu.memory_space<vmem>> -> memref<125x64xf32, #tpu.memory_space<vmem>>
      %dma_start3A_189 = arith.constant 0 : i32
      %dma_start3A_190 = tpu.memref_slice %arg2[%run_scoped3A_60, %add3A_59, %dma_start3A_189] : memref<2x10000x64xf32, #tpu.memory_space<hbm>> -> memref<1x125x64xf32, #tpu.memory_space<hbm>>
      %dma_start3A_191 = tpu.memref_squeeze %dma_start3A_190 : memref<1x125x64xf32, #tpu.memory_space<hbm>> -> memref<125x64xf32, #tpu.memory_space<hbm>>
      %dma_start3A_192 = arith.constant 0 : i32
      %dma_start3A_193 = arith.constant 0 : i32
      %dma_start3A_194 = tpu.memref_slice %arg9[%run_scoped3A_61, %dma_start3A_192, %dma_start3A_193] : memref<3x128x64xf32, #tpu.memory_space<vmem>> -> memref<1x125x64xf32, #tpu.memory_space<vmem>>
      %dma_start3A_195 = tpu.memref_squeeze %dma_start3A_194 : memref<1x125x64xf32, #tpu.memory_space<vmem>> -> memref<125x64xf32, #tpu.memory_space<vmem>>
      %dma_start3A_196 = arith.constant 0 : i32
      %dma_start3A_197 = tpu.memref_slice %arg2[%run_scoped3A_60, %add3A_59, %dma_start3A_196] : memref<2x10000x64xf32, #tpu.memory_space<hbm>> -> memref<1x125x64xf32, #tpu.memory_space<hbm>>
      %dma_start3A_198 = tpu.memref_squeeze %dma_start3A_197 : memref<1x125x64xf32, #tpu.memory_space<hbm>> -> memref<125x64xf32, #tpu.memory_space<hbm>>
      tpu.enqueue_dma source(%dma_start3A_198 : memref<125x64xf32, #tpu.memory_space<hbm>>) target(%dma_start3A_195 : memref<125x64xf32, #tpu.memory_space<vmem>>) target_semaphore(%run_scoped3A_184 : memref<!tpu.dma_semaphore, #tpu.memory_space<semaphore_mem>>)
      %dma_wait3A_199 = arith.constant 0 : i32
      %dma_wait3A_200 = arith.constant 0 : i32
      %dma_wait3A_201 = tpu.memref_slice %arg9[%run_scoped3A_61, %dma_wait3A_199, %dma_wait3A_200] : memref<3x128x64xf32, #tpu.memory_space<vmem>> -> memref<1x125x64xf32, #tpu.memory_space<vmem>>
      %dma_wait3A_202 = tpu.memref_squeeze %dma_wait3A_201 : memref<1x125x64xf32, #tpu.memory_space<vmem>> -> memref<125x64xf32, #tpu.memory_space<vmem>>
      %dma_wait3A_203 = arith.constant 0 : i32
      %dma_wait3A_204 = tpu.memref_slice %arg2[%run_scoped3A_60, %add3A_59, %dma_wait3A_203] : memref<2x10000x64xf32, #tpu.memory_space<hbm>> -> memref<1x125x64xf32, #tpu.memory_space<hbm>>
      %dma_wait3A_205 = tpu.memref_squeeze %dma_wait3A_204 : memref<1x125x64xf32, #tpu.memory_space<hbm>> -> memref<125x64xf32, #tpu.memory_space<hbm>>
      %dma_wait3A_206 = arith.constant 0 : i32
      %dma_wait3A_207 = arith.constant 0 : i32
      %dma_wait3A_208 = tpu.memref_slice %arg9[%run_scoped3A_61, %dma_wait3A_206, %dma_wait3A_207] : memref<3x128x64xf32, #tpu.memory_space<vmem>> -> memref<1x125x64xf32, #tpu.memory_space<vmem>>
      %dma_wait3A_209 = tpu.memref_squeeze %dma_wait3A_208 : memref<1x125x64xf32, #tpu.memory_space<vmem>> -> memref<125x64xf32, #tpu.memory_space<vmem>>
      %dma_wait3A_210 = arith.constant 0 : i32
      %dma_wait3A_211 = tpu.memref_slice %arg2[%run_scoped3A_60, %add3A_59, %dma_wait3A_210] : memref<2x10000x64xf32, #tpu.memory_space<hbm>> -> memref<1x125x64xf32, #tpu.memory_space<hbm>>
      %dma_wait3A_212 = tpu.memref_squeeze %dma_wait3A_211 : memref<1x125x64xf32, #tpu.memory_space<hbm>> -> memref<125x64xf32, #tpu.memory_space<hbm>>
      tpu.wait_dma2 semaphore(%run_scoped3A_184 : memref<!tpu.dma_semaphore, #tpu.memory_space<semaphore_mem>>) src(%dma_wait3A_212 : memref<125x64xf32, #tpu.memory_space<hbm>>) dst(%dma_wait3A_209 : memref<125x64xf32, #tpu.memory_space<vmem>>)
      tpu.yield
    }) : () -> ()
    %run_scoped3A_62 = arith.constant 1 : i32
    %run_scoped3A_63 = arith.constant 1 : i32
    "tpu.region"() ({
      %run_scoped3A_184 = tpu.sem_alloc : memref<!tpu.dma_semaphore, #tpu.memory_space<semaphore_mem>>
      %dma_start3A_185 = arith.constant 0 : i32
      %dma_start3A_186 = arith.constant 0 : i32
      %dma_start3A_187 = tpu.memref_slice %arg9[%run_scoped3A_63, %dma_start3A_185, %dma_start3A_186] : memref<3x128x64xf32, #tpu.memory_space<vmem>> -> memref<1x125x64xf32, #tpu.memory_space<vmem>>
      %dma_start3A_188 = tpu.memref_squeeze %dma_start3A_187 : memref<1x125x64xf32, #tpu.memory_space<vmem>> -> memref<125x64xf32, #tpu.memory_space<vmem>>
      %dma_start3A_189 = arith.constant 0 : i32
      %dma_start3A_190 = tpu.memref_slice %arg2[%run_scoped3A_62, %add3A_59, %dma_start3A_189] : memref<2x10000x64xf32, #tpu.memory_space<hbm>> -> memref<1x125x64xf32, #tpu.memory_space<hbm>>
      %dma_start3A_191 = tpu.memref_squeeze %dma_start3A_190 : memref<1x125x64xf32, #tpu.memory_space<hbm>> -> memref<125x64xf32, #tpu.memory_space<hbm>>
      %dma_start3A_192 = arith.constant 0 : i32
      %dma_start3A_193 = arith.constant 0 : i32
      %dma_start3A_194 = tpu.memref_slice %arg9[%run_scoped3A_63, %dma_start3A_192, %dma_start3A_193] : memref<3x128x64xf32, #tpu.memory_space<vmem>> -> memref<1x125x64xf32, #tpu.memory_space<vmem>>
      %dma_start3A_195 = tpu.memref_squeeze %dma_start3A_194 : memref<1x125x64xf32, #tpu.memory_space<vmem>> -> memref<125x64xf32, #tpu.memory_space<vmem>>
      %dma_start3A_196 = arith.constant 0 : i32
      %dma_start3A_197 = tpu.memref_slice %arg2[%run_scoped3A_62, %add3A_59, %dma_start3A_196] : memref<2x10000x64xf32, #tpu.memory_space<hbm>> -> memref<1x125x64xf32, #tpu.memory_space<hbm>>
      %dma_start3A_198 = tpu.memref_squeeze %dma_start3A_197 : memref<1x125x64xf32, #tpu.memory_space<hbm>> -> memref<125x64xf32, #tpu.memory_space<hbm>>
      tpu.enqueue_dma source(%dma_start3A_198 : memref<125x64xf32, #tpu.memory_space<hbm>>) target(%dma_start3A_195 : memref<125x64xf32, #tpu.memory_space<vmem>>) target_semaphore(%run_scoped3A_184 : memref<!tpu.dma_semaphore, #tpu.memory_space<semaphore_mem>>)
      %dma_wait3A_199 = arith.constant 0 : i32
      %dma_wait3A_200 = arith.constant 0 : i32
      %dma_wait3A_201 = tpu.memref_slice %arg9[%run_scoped3A_63, %dma_wait3A_199, %dma_wait3A_200] : memref<3x128x64xf32, #tpu.memory_space<vmem>> -> memref<1x125x64xf32, #tpu.memory_space<vmem>>
      %dma_wait3A_202 = tpu.memref_squeeze %dma_wait3A_201 : memref<1x125x64xf32, #tpu.memory_space<vmem>> -> memref<125x64xf32, #tpu.memory_space<vmem>>
      %dma_wait3A_203 = arith.constant 0 : i32
      %dma_wait3A_204 = tpu.memref_slice %arg2[%run_scoped3A_62, %add3A_59, %dma_wait3A_203] : memref<2x10000x64xf32, #tpu.memory_space<hbm>> -> memref<1x125x64xf32, #tpu.memory_space<hbm>>
      %dma_wait3A_205 = tpu.memref_squeeze %dma_wait3A_204 : memref<1x125x64xf32, #tpu.memory_space<hbm>> -> memref<125x64xf32, #tpu.memory_space<hbm>>
      %dma_wait3A_206 = arith.constant 0 : i32
      %dma_wait3A_207 = arith.constant 0 : i32
      %dma_wait3A_208 = tpu.memref_slice %arg9[%run_scoped3A_63, %dma_wait3A_206, %dma_wait3A_207] : memref<3x128x64xf32, #tpu.memory_space<vmem>> -> memref<1x125x64xf32, #tpu.memory_space<vmem>>
      %dma_wait3A_209 = tpu.memref_squeeze %dma_wait3A_208 : memref<1x125x64xf32, #tpu.memory_space<vmem>> -> memref<125x64xf32, #tpu.memory_space<vmem>>
      %dma_wait3A_210 = arith.constant 0 : i32
      %dma_wait3A_211 = tpu.memref_slice %arg2[%run_scoped3A_62, %add3A_59, %dma_wait3A_210] : memref<2x10000x64xf32, #tpu.memory_space<hbm>> -> memref<1x125x64xf32, #tpu.memory_space<hbm>>
      %dma_wait3A_212 = tpu.memref_squeeze %dma_wait3A_211 : memref<1x125x64xf32, #tpu.memory_space<hbm>> -> memref<125x64xf32, #tpu.memory_space<hbm>>
      tpu.wait_dma2 semaphore(%run_scoped3A_184 : memref<!tpu.dma_semaphore, #tpu.memory_space<semaphore_mem>>) src(%dma_wait3A_212 : memref<125x64xf32, #tpu.memory_space<hbm>>) dst(%dma_wait3A_209 : memref<125x64xf32, #tpu.memory_space<vmem>>)
      tpu.yield
    }) : () -> ()
    %scan3A_64 = arith.constant 0 : i32
    %scan3A_65 = arith.constant 0 : i32
    %scan3A_66 = arith.constant 125 : i32
    %scan3A_67 = arith.addi %scan3A_65, %scan3A_66 : i32
    %scan3A_68 = arith.constant 1 : i32
    scf.for %scan3A_184 = %scan3A_65 to %scan3A_67 step %scan3A_68  : i32 {
      %get3A_185 = arith.constant 0 : i32
      %get3A_186 = arith.index_cast %get3A_185 : i32 to index
      %get3A_187 = arith.index_cast %scan3A_184 : i32 to index
      %get3A_188 = arith.constant 0 : index
      %get3A_189 = tpu.vector_load %arg9[%get3A_186, %get3A_187, %get3A_188] {strides = array<i32>} : memref<3x128x64xf32, #tpu.memory_space<vmem>>, vector<1x1x16xf32>,
      %get3A_190 = vector.shape_cast %get3A_189 : vector<1x1x16xf32> to vector<16xf32>
      %get3A_191 = arith.constant 1 : i32
      %get3A_192 = arith.index_cast %get3A_191 : i32 to index
      %get3A_193 = arith.index_cast %scan3A_184 : i32 to index
      %get3A_194 = arith.constant 0 : index
      %get3A_195 = tpu.vector_load %arg9[%get3A_192, %get3A_193, %get3A_194] {strides = array<i32>} : memref<3x128x64xf32, #tpu.memory_space<vmem>>, vector<1x1x16xf32>,
      %get3A_196 = vector.shape_cast %get3A_195 : vector<1x1x16xf32> to vector<16xf32>
      %add3A_197 = arith.addf %get3A_190, %get3A_196 : vector<16xf32>
      %add3A_198 = arith.addf %add3A_197, %get3A_4 : vector<16xf32>
      %max3A = arith.constant 0.000000e+00 : f32
      %max3A_199 = vector.broadcast %max3A : f32 to vector<16xf32>
      %max3A_200 = arith.maximumf %add3A_198, %max3A_199 : vector<16xf32>
      %swap3A = arith.constant 2 : i32
      %swap3A_201 = arith.index_cast %swap3A : i32 to index
      %swap3A_202 = arith.index_cast %scan3A_184 : i32 to index
      %swap3A_203 = arith.constant 0 : index
      %swap3A_204 = tpu.vector_load %arg9[%swap3A_201, %swap3A_202, %swap3A_203] {strides = array<i32>} : memref<3x128x64xf32, #tpu.memory_space<vmem>>, vector<1x1x16xf32>,
      %swap3A_205 = vector.shape_cast %swap3A_204 : vector<1x1x16xf32> to vector<16xf32>
      %swap3A_206 = vector.shape_cast %max3A_200 : vector<16xf32> to vector<1x1x16xf32>
      tpu.vector_store %arg9[%swap3A_201, %swap3A_202, %swap3A_203], %swap3A_206 {strides = array<i32>} : memref<3x128x64xf32, #tpu.memory_space<vmem>>, vector<1x1x16xf32>,
      %get3A_207 = arith.constant 0 : i32
      %get3A_208 = arith.index_cast %get3A_207 : i32 to index
      %get3A_209 = arith.index_cast %scan3A_184 : i32 to index
      %get3A_210 = arith.constant 16 : index
      %get3A_211 = tpu.vector_load %arg9[%get3A_208, %get3A_209, %get3A_210] {strides = array<i32>} : memref<3x128x64xf32, #tpu.memory_space<vmem>>, vector<1x1x16xf32>,
      %get3A_212 = vector.shape_cast %get3A_211 : vector<1x1x16xf32> to vector<16xf32>
      %get3A_213 = arith.constant 1 : i32
      %get3A_214 = arith.index_cast %get3A_213 : i32 to index
      %get3A_215 = arith.index_cast %scan3A_184 : i32 to index
      %get3A_216 = arith.constant 16 : index
      %get3A_217 = tpu.vector_load %arg9[%get3A_214, %get3A_215, %get3A_216] {strides = array<i32>} : memref<3x128x64xf32, #tpu.memory_space<vmem>>, vector<1x1x16xf32>,
      %get3A_218 = vector.shape_cast %get3A_217 : vector<1x1x16xf32> to vector<16xf32>
      %add3A_219 = arith.addf %get3A_212, %get3A_218 : vector<16xf32>
      %add3A_220 = arith.addf %add3A_219, %get3A_9 : vector<16xf32>
      %max3A_221 = arith.constant 0.000000e+00 : f32
      %max3A_222 = vector.broadcast %max3A_221 : f32 to vector<16xf32>
      %max3A_223 = arith.maximumf %add3A_220, %max3A_222 : vector<16xf32>
      %swap3A_224 = arith.constant 2 : i32
      %swap3A_225 = arith.index_cast %swap3A_224 : i32 to index
      %swap3A_226 = arith.index_cast %scan3A_184 : i32 to index
      %swap3A_227 = arith.constant 16 : index
      %swap3A_228 = tpu.vector_load %arg9[%swap3A_225, %swap3A_226, %swap3A_227] {strides = array<i32>} : memref<3x128x64xf32, #tpu.memory_space<vmem>>, vector<1x1x16xf32>,
      %swap3A_229 = vector.shape_cast %swap3A_228 : vector<1x1x16xf32> to vector<16xf32>
      %swap3A_230 = vector.shape_cast %max3A_223 : vector<16xf32> to vector<1x1x16xf32>
      tpu.vector_store %arg9[%swap3A_225, %swap3A_226, %swap3A_227], %swap3A_230 {strides = array<i32>} : memref<3x128x64xf32, #tpu.memory_space<vmem>>, vector<1x1x16xf32>,
      %get3A_231 = arith.constant 0 : i32
      %get3A_232 = arith.index_cast %get3A_231 : i32 to index
      %get3A_233 = arith.index_cast %scan3A_184 : i32 to index
      %get3A_234 = arith.constant 32 : index
      %get3A_235 = tpu.vector_load %arg9[%get3A_232, %get3A_233, %get3A_234] {strides = array<i32>} : memref<3x128x64xf32, #tpu.memory_space<vmem>>, vector<1x1x16xf32>,
      %get3A_236 = vector.shape_cast %get3A_235 : vector<1x1x16xf32> to vector<16xf32>
      %get3A_237 = arith.constant 1 : i32
      %get3A_238 = arith.index_cast %get3A_237 : i32 to index
      %get3A_239 = arith.index_cast %scan3A_184 : i32 to index
      %get3A_240 = arith.constant 32 : index
      %get3A_241 = tpu.vector_load %arg9[%get3A_238, %get3A_239, %get3A_240] {strides = array<i32>} : memref<3x128x64xf32, #tpu.memory_space<vmem>>, vector<1x1x16xf32>,
      %get3A_242 = vector.shape_cast %get3A_241 : vector<1x1x16xf32> to vector<16xf32>
      %add3A_243 = arith.addf %get3A_236, %get3A_242 : vector<16xf32>
      %add3A_244 = arith.addf %add3A_243, %get3A_14 : vector<16xf32>
      %max3A_245 = arith.constant 0.000000e+00 : f32
      %max3A_246 = vector.broadcast %max3A_245 : f32 to vector<16xf32>
      %max3A_247 = arith.maximumf %add3A_244, %max3A_246 : vector<16xf32>
      %swap3A_248 = arith.constant 2 : i32
      %swap3A_249 = arith.index_cast %swap3A_248 : i32 to index
      %swap3A_250 = arith.index_cast %scan3A_184 : i32 to index
      %swap3A_251 = arith.constant 32 : index
      %swap3A_252 = tpu.vector_load %arg9[%swap3A_249, %swap3A_250, %swap3A_251] {strides = array<i32>} : memref<3x128x64xf32, #tpu.memory_space<vmem>>, vector<1x1x16xf32>,
      %swap3A_253 = vector.shape_cast %swap3A_252 : vector<1x1x16xf32> to vector<16xf32>
      %swap3A_254 = vector.shape_cast %max3A_247 : vector<16xf32> to vector<1x1x16xf32>
      tpu.vector_store %arg9[%swap3A_249, %swap3A_250, %swap3A_251], %swap3A_254 {strides = array<i32>} : memref<3x128x64xf32, #tpu.memory_space<vmem>>, vector<1x1x16xf32>,
      %get3A_255 = arith.constant 0 : i32
      %get3A_256 = arith.index_cast %get3A_255 : i32 to index
      %get3A_257 = arith.index_cast %scan3A_184 : i32 to index
      %get3A_258 = arith.constant 48 : index
      %get3A_259 = tpu.vector_load %arg9[%get3A_256, %get3A_257, %get3A_258] {strides = array<i32>} : memref<3x128x64xf32, #tpu.memory_space<vmem>>, vector<1x1x16xf32>,
      %get3A_260 = vector.shape_cast %get3A_259 : vector<1x1x16xf32> to vector<16xf32>
      %get3A_261 = arith.constant 1 : i32
      %get3A_262 = arith.index_cast %get3A_261 : i32 to index
      %get3A_263 = arith.index_cast %scan3A_184 : i32 to index
      %get3A_264 = arith.constant 48 : index
      %get3A_265 = tpu.vector_load %arg9[%get3A_262, %get3A_263, %get3A_264] {strides = array<i32>} : memref<3x128x64xf32, #tpu.memory_space<vmem>>, vector<1x1x16xf32>,
      %get3A_266 = vector.shape_cast %get3A_265 : vector<1x1x16xf32> to vector<16xf32>
      %add3A_267 = arith.addf %get3A_260, %get3A_266 : vector<16xf32>
      %add3A_268 = arith.addf %add3A_267, %get3A_19 : vector<16xf32>
      %max3A_269 = arith.constant 0.000000e+00 : f32
      %max3A_270 = vector.broadcast %max3A_269 : f32 to vector<16xf32>
      %max3A_271 = arith.maximumf %add3A_268, %max3A_270 : vector<16xf32>
      %swap3A_272 = arith.constant 2 : i32
      %swap3A_273 = arith.index_cast %swap3A_272 : i32 to index
      %swap3A_274 = arith.index_cast %scan3A_184 : i32 to index
      %swap3A_275 = arith.constant 48 : index
      %swap3A_276 = tpu.vector_load %arg9[%swap3A_273, %swap3A_274, %swap3A_275] {strides = array<i32>} : memref<3x128x64xf32, #tpu.memory_space<vmem>>, vector<1x1x16xf32>,
      %swap3A_277 = vector.shape_cast %swap3A_276 : vector<1x1x16xf32> to vector<16xf32>
      %swap3A_278 = vector.shape_cast %max3A_271 : vector<16xf32> to vector<1x1x16xf32>
      tpu.vector_store %arg9[%swap3A_273, %swap3A_274, %swap3A_275], %swap3A_278 {strides = array<i32>} : memref<3x128x64xf32, #tpu.memory_space<vmem>>, vector<1x1x16xf32>,
    }
    %scan3A_69 = arith.constant 125 : i32
    %run_scoped3A_70 = arith.constant 2 : i32
    "tpu.region"() ({
      %run_scoped3A_184 = tpu.sem_alloc : memref<!tpu.dma_semaphore, #tpu.memory_space<semaphore_mem>>
      %dma_start3A_185 = arith.constant 0 : i32
      %dma_start3A_186 = arith.constant 0 : i32
      %dma_start3A_187 = tpu.memref_slice %arg9[%run_scoped3A_70, %dma_start3A_185, %dma_start3A_186] : memref<3x128x64xf32, #tpu.memory_space<vmem>> -> memref<1x125x64xf32, #tpu.memory_space<vmem>>
      %dma_start3A_188 = tpu.memref_squeeze %dma_start3A_187 : memref<1x125x64xf32, #tpu.memory_space<vmem>> -> memref<125x64xf32, #tpu.memory_space<vmem>>
      %dma_start3A_189 = arith.constant 0 : i32
      %dma_start3A_190 = tpu.memref_slice %arg11[%add3A_59, %dma_start3A_189] : memref<10000x64xf32, #tpu.memory_space<vmem_shared>> -> memref<125x64xf32, #tpu.memory_space<vmem_shared>>
      %dma_start3A_191 = arith.constant 0 : i32
      %dma_start3A_192 = tpu.memref_slice %arg11[%add3A_59, %dma_start3A_191] : memref<10000x64xf32, #tpu.memory_space<vmem_shared>> -> memref<125x64xf32, #tpu.memory_space<vmem_shared>>
      %dma_start3A_193 = arith.constant 0 : i32
      %dma_start3A_194 = arith.constant 0 : i32
      %dma_start3A_195 = tpu.memref_slice %arg9[%run_scoped3A_70, %dma_start3A_193, %dma_start3A_194] : memref<3x128x64xf32, #tpu.memory_space<vmem>> -> memref<1x125x64xf32, #tpu.memory_space<vmem>>
      %dma_start3A_196 = tpu.memref_squeeze %dma_start3A_195 : memref<1x125x64xf32, #tpu.memory_space<vmem>> -> memref<125x64xf32, #tpu.memory_space<vmem>>
      tpu.enqueue_dma source(%dma_start3A_196 : memref<125x64xf32, #tpu.memory_space<vmem>>) target(%dma_start3A_192 : memref<125x64xf32, #tpu.memory_space<vmem_shared>>) target_semaphore(%run_scoped3A_184 : memref<!tpu.dma_semaphore, #tpu.memory_space<semaphore_mem>>)
      %dma_wait3A_197 = arith.constant 0 : i32
      %dma_wait3A_198 = arith.constant 0 : i32
      %dma_wait3A_199 = tpu.memref_slice %arg9[%run_scoped3A_70, %dma_wait3A_197, %dma_wait3A_198] : memref<3x128x64xf32, #tpu.memory_space<vmem>> -> memref<1x125x64xf32, #tpu.memory_space<vmem>>
      %dma_wait3A_200 = tpu.memref_squeeze %dma_wait3A_199 : memref<1x125x64xf32, #tpu.memory_space<vmem>> -> memref<125x64xf32, #tpu.memory_space<vmem>>
      %dma_wait3A_201 = arith.constant 0 : i32
      %dma_wait3A_202 = tpu.memref_slice %arg11[%add3A_59, %dma_wait3A_201] : memref<10000x64xf32, #tpu.memory_space<vmem_shared>> -> memref<125x64xf32, #tpu.memory_space<vmem_shared>>
      %dma_wait3A_203 = arith.constant 0 : i32
      %dma_wait3A_204 = tpu.memref_slice %arg11[%add3A_59, %dma_wait3A_203] : memref<10000x64xf32, #tpu.memory_space<vmem_shared>> -> memref<125x64xf32, #tpu.memory_space<vmem_shared>>
      %dma_wait3A_205 = arith.constant 0 : i32
      %dma_wait3A_206 = arith.constant 0 : i32
      %dma_wait3A_207 = tpu.memref_slice %arg9[%run_scoped3A_70, %dma_wait3A_205, %dma_wait3A_206] : memref<3x128x64xf32, #tpu.memory_space<vmem>> -> memref<1x125x64xf32, #tpu.memory_space<vmem>>
      %dma_wait3A_208 = tpu.memref_squeeze %dma_wait3A_207 : memref<1x125x64xf32, #tpu.memory_space<vmem>> -> memref<125x64xf32, #tpu.memory_space<vmem>>
      tpu.wait_dma2 semaphore(%run_scoped3A_184 : memref<!tpu.dma_semaphore, #tpu.memory_space<semaphore_mem>>) src(%dma_wait3A_208 : memref<125x64xf32, #tpu.memory_space<vmem>>) dst(%dma_wait3A_204 : memref<125x64xf32, #tpu.memory_space<vmem_shared>>)
      tpu.yield
    }) : () -> ()
    %add3A_71 = arith.constant 500 : i32
    %add3A_72 = arith.addi %mul3A_21, %add3A_71 : i32
    %run_scoped3A_73 = arith.constant 0 : i32
    %run_scoped3A_74 = arith.constant 0 : i32
    "tpu.region"() ({
      %run_scoped3A_184 = tpu.sem_alloc : memref<!tpu.dma_semaphore, #tpu.memory_space<semaphore_mem>>
      %dma_start3A_185 = arith.constant 0 : i32
      %dma_start3A_186 = arith.constant 0 : i32
      %dma_start3A_187 = tpu.memref_slice %arg9[%run_scoped3A_74, %dma_start3A_185, %dma_start3A_186] : memref<3x128x64xf32, #tpu.memory_space<vmem>> -> memref<1x125x64xf32, #tpu.memory_space<vmem>>
      %dma_start3A_188 = tpu.memref_squeeze %dma_start3A_187 : memref<1x125x64xf32, #tpu.memory_space<vmem>> -> memref<125x64xf32, #tpu.memory_space<vmem>>
      %dma_start3A_189 = arith.constant 0 : i32
      %dma_start3A_190 = tpu.memref_slice %arg2[%run_scoped3A_73, %add3A_72, %dma_start3A_189] : memref<2x10000x64xf32, #tpu.memory_space<hbm>> -> memref<1x125x64xf32, #tpu.memory_space<hbm>>
      %dma_start3A_191 = tpu.memref_squeeze %dma_start3A_190 : memref<1x125x64xf32, #tpu.memory_space<hbm>> -> memref<125x64xf32, #tpu.memory_space<hbm>>
      %dma_start3A_192 = arith.constant 0 : i32
      %dma_start3A_193 = arith.constant 0 : i32
      %dma_start3A_194 = tpu.memref_slice %arg9[%run_scoped3A_74, %dma_start3A_192, %dma_start3A_193] : memref<3x128x64xf32, #tpu.memory_space<vmem>> -> memref<1x125x64xf32, #tpu.memory_space<vmem>>
      %dma_start3A_195 = tpu.memref_squeeze %dma_start3A_194 : memref<1x125x64xf32, #tpu.memory_space<vmem>> -> memref<125x64xf32, #tpu.memory_space<vmem>>
      %dma_start3A_196 = arith.constant 0 : i32
      %dma_start3A_197 = tpu.memref_slice %arg2[%run_scoped3A_73, %add3A_72, %dma_start3A_196] : memref<2x10000x64xf32, #tpu.memory_space<hbm>> -> memref<1x125x64xf32, #tpu.memory_space<hbm>>
      %dma_start3A_198 = tpu.memref_squeeze %dma_start3A_197 : memref<1x125x64xf32, #tpu.memory_space<hbm>> -> memref<125x64xf32, #tpu.memory_space<hbm>>
      tpu.enqueue_dma source(%dma_start3A_198 : memref<125x64xf32, #tpu.memory_space<hbm>>) target(%dma_start3A_195 : memref<125x64xf32, #tpu.memory_space<vmem>>) target_semaphore(%run_scoped3A_184 : memref<!tpu.dma_semaphore, #tpu.memory_space<semaphore_mem>>)
      %dma_wait3A_199 = arith.constant 0 : i32
      %dma_wait3A_200 = arith.constant 0 : i32
      %dma_wait3A_201 = tpu.memref_slice %arg9[%run_scoped3A_74, %dma_wait3A_199, %dma_wait3A_200] : memref<3x128x64xf32, #tpu.memory_space<vmem>> -> memref<1x125x64xf32, #tpu.memory_space<vmem>>
      %dma_wait3A_202 = tpu.memref_squeeze %dma_wait3A_201 : memref<1x125x64xf32, #tpu.memory_space<vmem>> -> memref<125x64xf32, #tpu.memory_space<vmem>>
      %dma_wait3A_203 = arith.constant 0 : i32
      %dma_wait3A_204 = tpu.memref_slice %arg2[%run_scoped3A_73, %add3A_72, %dma_wait3A_203] : memref<2x10000x64xf32, #tpu.memory_space<hbm>> -> memref<1x125x64xf32, #tpu.memory_space<hbm>>
      %dma_wait3A_205 = tpu.memref_squeeze %dma_wait3A_204 : memref<1x125x64xf32, #tpu.memory_space<hbm>> -> memref<125x64xf32, #tpu.memory_space<hbm>>
      %dma_wait3A_206 = arith.constant 0 : i32
      %dma_wait3A_207 = arith.constant 0 : i32
      %dma_wait3A_208 = tpu.memref_slice %arg9[%run_scoped3A_74, %dma_wait3A_206, %dma_wait3A_207] : memref<3x128x64xf32, #tpu.memory_space<vmem>> -> memref<1x125x64xf32, #tpu.memory_space<vmem>>
      %dma_wait3A_209 = tpu.memref_squeeze %dma_wait3A_208 : memref<1x125x64xf32, #tpu.memory_space<vmem>> -> memref<125x64xf32, #tpu.memory_space<vmem>>
      %dma_wait3A_210 = arith.constant 0 : i32
      %dma_wait3A_211 = tpu.memref_slice %arg2[%run_scoped3A_73, %add3A_72, %dma_wait3A_210] : memref<2x10000x64xf32, #tpu.memory_space<hbm>> -> memref<1x125x64xf32, #tpu.memory_space<hbm>>
      %dma_wait3A_212 = tpu.memref_squeeze %dma_wait3A_211 : memref<1x125x64xf32, #tpu.memory_space<hbm>> -> memref<125x64xf32, #tpu.memory_space<hbm>>
      tpu.wait_dma2 semaphore(%run_scoped3A_184 : memref<!tpu.dma_semaphore, #tpu.memory_space<semaphore_mem>>) src(%dma_wait3A_212 : memref<125x64xf32, #tpu.memory_space<hbm>>) dst(%dma_wait3A_209 : memref<125x64xf32, #tpu.memory_space<vmem>>)
      tpu.yield
    }) : () -> ()
    %run_scoped3A_75 = arith.constant 1 : i32
    %run_scoped3A_76 = arith.constant 1 : i32
    "tpu.region"() ({
      %run_scoped3A_184 = tpu.sem_alloc : memref<!tpu.dma_semaphore, #tpu.memory_space<semaphore_mem>>
      %dma_start3A_185 = arith.constant 0 : i32
      %dma_start3A_186 = arith.constant 0 : i32
      %dma_start3A_187 = tpu.memref_slice %arg9[%run_scoped3A_76, %dma_start3A_185, %dma_start3A_186] : memref<3x128x64xf32, #tpu.memory_space<vmem>> -> memref<1x125x64xf32, #tpu.memory_space<vmem>>
      %dma_start3A_188 = tpu.memref_squeeze %dma_start3A_187 : memref<1x125x64xf32, #tpu.memory_space<vmem>> -> memref<125x64xf32, #tpu.memory_space<vmem>>
      %dma_start3A_189 = arith.constant 0 : i32
      %dma_start3A_190 = tpu.memref_slice %arg2[%run_scoped3A_75, %add3A_72, %dma_start3A_189] : memref<2x10000x64xf32, #tpu.memory_space<hbm>> -> memref<1x125x64xf32, #tpu.memory_space<hbm>>
      %dma_start3A_191 = tpu.memref_squeeze %dma_start3A_190 : memref<1x125x64xf32, #tpu.memory_space<hbm>> -> memref<125x64xf32, #tpu.memory_space<hbm>>
      %dma_start3A_192 = arith.constant 0 : i32
      %dma_start3A_193 = arith.constant 0 : i32
      %dma_start3A_194 = tpu.memref_slice %arg9[%run_scoped3A_76, %dma_start3A_192, %dma_start3A_193] : memref<3x128x64xf32, #tpu.memory_space<vmem>> -> memref<1x125x64xf32, #tpu.memory_space<vmem>>
      %dma_start3A_195 = tpu.memref_squeeze %dma_start3A_194 : memref<1x125x64xf32, #tpu.memory_space<vmem>> -> memref<125x64xf32, #tpu.memory_space<vmem>>
      %dma_start3A_196 = arith.constant 0 : i32
      %dma_start3A_197 = tpu.memref_slice %arg2[%run_scoped3A_75, %add3A_72, %dma_start3A_196] : memref<2x10000x64xf32, #tpu.memory_space<hbm>> -> memref<1x125x64xf32, #tpu.memory_space<hbm>>
      %dma_start3A_198 = tpu.memref_squeeze %dma_start3A_197 : memref<1x125x64xf32, #tpu.memory_space<hbm>> -> memref<125x64xf32, #tpu.memory_space<hbm>>
      tpu.enqueue_dma source(%dma_start3A_198 : memref<125x64xf32, #tpu.memory_space<hbm>>) target(%dma_start3A_195 : memref<125x64xf32, #tpu.memory_space<vmem>>) target_semaphore(%run_scoped3A_184 : memref<!tpu.dma_semaphore, #tpu.memory_space<semaphore_mem>>)
      %dma_wait3A_199 = arith.constant 0 : i32
      %dma_wait3A_200 = arith.constant 0 : i32
      %dma_wait3A_201 = tpu.memref_slice %arg9[%run_scoped3A_76, %dma_wait3A_199, %dma_wait3A_200] : memref<3x128x64xf32, #tpu.memory_space<vmem>> -> memref<1x125x64xf32, #tpu.memory_space<vmem>>
      %dma_wait3A_202 = tpu.memref_squeeze %dma_wait3A_201 : memref<1x125x64xf32, #tpu.memory_space<vmem>> -> memref<125x64xf32, #tpu.memory_space<vmem>>
      %dma_wait3A_203 = arith.constant 0 : i32
      %dma_wait3A_204 = tpu.memref_slice %arg2[%run_scoped3A_75, %add3A_72, %dma_wait3A_203] : memref<2x10000x64xf32, #tpu.memory_space<hbm>> -> memref<1x125x64xf32, #tpu.memory_space<hbm>>
      %dma_wait3A_205 = tpu.memref_squeeze %dma_wait3A_204 : memref<1x125x64xf32, #tpu.memory_space<hbm>> -> memref<125x64xf32, #tpu.memory_space<hbm>>
      %dma_wait3A_206 = arith.constant 0 : i32
      %dma_wait3A_207 = arith.constant 0 : i32
      %dma_wait3A_208 = tpu.memref_slice %arg9[%run_scoped3A_76, %dma_wait3A_206, %dma_wait3A_207] : memref<3x128x64xf32, #tpu.memory_space<vmem>> -> memref<1x125x64xf32, #tpu.memory_space<vmem>>
      %dma_wait3A_209 = tpu.memref_squeeze %dma_wait3A_208 : memref<1x125x64xf32, #tpu.memory_space<vmem>> -> memref<125x64xf32, #tpu.memory_space<vmem>>
      %dma_wait3A_210 = arith.constant 0 : i32
      %dma_wait3A_211 = tpu.memref_slice %arg2[%run_scoped3A_75, %add3A_72, %dma_wait3A_210] : memref<2x10000x64xf32, #tpu.memory_space<hbm>> -> memref<1x125x64xf32, #tpu.memory_space<hbm>>
      %dma_wait3A_212 = tpu.memref_squeeze %dma_wait3A_211 : memref<1x125x64xf32, #tpu.memory_space<hbm>> -> memref<125x64xf32, #tpu.memory_space<hbm>>
      tpu.wait_dma2 semaphore(%run_scoped3A_184 : memref<!tpu.dma_semaphore, #tpu.memory_space<semaphore_mem>>) src(%dma_wait3A_212 : memref<125x64xf32, #tpu.memory_space<hbm>>) dst(%dma_wait3A_209 : memref<125x64xf32, #tpu.memory_space<vmem>>)
      tpu.yield
    }) : () -> ()
    %scan3A_77 = arith.constant 0 : i32
    %scan3A_78 = arith.constant 0 : i32
    %scan3A_79 = arith.constant 125 : i32
    %scan3A_80 = arith.addi %scan3A_78, %scan3A_79 : i32
    %scan3A_81 = arith.constant 1 : i32
    scf.for %scan3A_184 = %scan3A_78 to %scan3A_80 step %scan3A_81  : i32 {
      %get3A_185 = arith.constant 0 : i32
      %get3A_186 = arith.index_cast %get3A_185 : i32 to index
      %get3A_187 = arith.index_cast %scan3A_184 : i32 to index
      %get3A_188 = arith.constant 0 : index
      %get3A_189 = tpu.vector_load %arg9[%get3A_186, %get3A_187, %get3A_188] {strides = array<i32>} : memref<3x128x64xf32, #tpu.memory_space<vmem>>, vector<1x1x16xf32>,
      %get3A_190 = vector.shape_cast %get3A_189 : vector<1x1x16xf32> to vector<16xf32>
      %get3A_191 = arith.constant 1 : i32
      %get3A_192 = arith.index_cast %get3A_191 : i32 to index
      %get3A_193 = arith.index_cast %scan3A_184 : i32 to index
      %get3A_194 = arith.constant 0 : index
      %get3A_195 = tpu.vector_load %arg9[%get3A_192, %get3A_193, %get3A_194] {strides = array<i32>} : memref<3x128x64xf32, #tpu.memory_space<vmem>>, vector<1x1x16xf32>,
      %get3A_196 = vector.shape_cast %get3A_195 : vector<1x1x16xf32> to vector<16xf32>
      %add3A_197 = arith.addf %get3A_190, %get3A_196 : vector<16xf32>
      %add3A_198 = arith.addf %add3A_197, %get3A_4 : vector<16xf32>
      %max3A = arith.constant 0.000000e+00 : f32
      %max3A_199 = vector.broadcast %max3A : f32 to vector<16xf32>
      %max3A_200 = arith.maximumf %add3A_198, %max3A_199 : vector<16xf32>
      %swap3A = arith.constant 2 : i32
      %swap3A_201 = arith.index_cast %swap3A : i32 to index
      %swap3A_202 = arith.index_cast %scan3A_184 : i32 to index
      %swap3A_203 = arith.constant 0 : index
      %swap3A_204 = tpu.vector_load %arg9[%swap3A_201, %swap3A_202, %swap3A_203] {strides = array<i32>} : memref<3x128x64xf32, #tpu.memory_space<vmem>>, vector<1x1x16xf32>,
      %swap3A_205 = vector.shape_cast %swap3A_204 : vector<1x1x16xf32> to vector<16xf32>
      %swap3A_206 = vector.shape_cast %max3A_200 : vector<16xf32> to vector<1x1x16xf32>
      tpu.vector_store %arg9[%swap3A_201, %swap3A_202, %swap3A_203], %swap3A_206 {strides = array<i32>} : memref<3x128x64xf32, #tpu.memory_space<vmem>>, vector<1x1x16xf32>,
      %get3A_207 = arith.constant 0 : i32
      %get3A_208 = arith.index_cast %get3A_207 : i32 to index
      %get3A_209 = arith.index_cast %scan3A_184 : i32 to index
      %get3A_210 = arith.constant 16 : index
      %get3A_211 = tpu.vector_load %arg9[%get3A_208, %get3A_209, %get3A_210] {strides = array<i32>} : memref<3x128x64xf32, #tpu.memory_space<vmem>>, vector<1x1x16xf32>,
      %get3A_212 = vector.shape_cast %get3A_211 : vector<1x1x16xf32> to vector<16xf32>
      %get3A_213 = arith.constant 1 : i32
      %get3A_214 = arith.index_cast %get3A_213 : i32 to index
      %get3A_215 = arith.index_cast %scan3A_184 : i32 to index
      %get3A_216 = arith.constant 16 : index
      %get3A_217 = tpu.vector_load %arg9[%get3A_214, %get3A_215, %get3A_216] {strides = array<i32>} : memref<3x128x64xf32, #tpu.memory_space<vmem>>, vector<1x1x16xf32>,
      %get3A_218 = vector.shape_cast %get3A_217 : vector<1x1x16xf32> to vector<16xf32>
      %add3A_219 = arith.addf %get3A_212, %get3A_218 : vector<16xf32>
      %add3A_220 = arith.addf %add3A_219, %get3A_9 : vector<16xf32>
      %max3A_221 = arith.constant 0.000000e+00 : f32
      %max3A_222 = vector.broadcast %max3A_221 : f32 to vector<16xf32>
      %max3A_223 = arith.maximumf %add3A_220, %max3A_222 : vector<16xf32>
      %swap3A_224 = arith.constant 2 : i32
      %swap3A_225 = arith.index_cast %swap3A_224 : i32 to index
      %swap3A_226 = arith.index_cast %scan3A_184 : i32 to index
      %swap3A_227 = arith.constant 16 : index
      %swap3A_228 = tpu.vector_load %arg9[%swap3A_225, %swap3A_226, %swap3A_227] {strides = array<i32>} : memref<3x128x64xf32, #tpu.memory_space<vmem>>, vector<1x1x16xf32>,
      %swap3A_229 = vector.shape_cast %swap3A_228 : vector<1x1x16xf32> to vector<16xf32>
      %swap3A_230 = vector.shape_cast %max3A_223 : vector<16xf32> to vector<1x1x16xf32>
      tpu.vector_store %arg9[%swap3A_225, %swap3A_226, %swap3A_227], %swap3A_230 {strides = array<i32>} : memref<3x128x64xf32, #tpu.memory_space<vmem>>, vector<1x1x16xf32>,
      %get3A_231 = arith.constant 0 : i32
      %get3A_232 = arith.index_cast %get3A_231 : i32 to index
      %get3A_233 = arith.index_cast %scan3A_184 : i32 to index
      %get3A_234 = arith.constant 32 : index
      %get3A_235 = tpu.vector_load %arg9[%get3A_232, %get3A_233, %get3A_234] {strides = array<i32>} : memref<3x128x64xf32, #tpu.memory_space<vmem>>, vector<1x1x16xf32>,
      %get3A_236 = vector.shape_cast %get3A_235 : vector<1x1x16xf32> to vector<16xf32>
      %get3A_237 = arith.constant 1 : i32
      %get3A_238 = arith.index_cast %get3A_237 : i32 to index
      %get3A_239 = arith.index_cast %scan3A_184 : i32 to index
      %get3A_240 = arith.constant 32 : index
      %get3A_241 = tpu.vector_load %arg9[%get3A_238, %get3A_239, %get3A_240] {strides = array<i32>} : memref<3x128x64xf32, #tpu.memory_space<vmem>>, vector<1x1x16xf32>,
      %get3A_242 = vector.shape_cast %get3A_241 : vector<1x1x16xf32> to vector<16xf32>
      %add3A_243 = arith.addf %get3A_236, %get3A_242 : vector<16xf32>
      %add3A_244 = arith.addf %add3A_243, %get3A_14 : vector<16xf32>
      %max3A_245 = arith.constant 0.000000e+00 : f32
      %max3A_246 = vector.broadcast %max3A_245 : f32 to vector<16xf32>
      %max3A_247 = arith.maximumf %add3A_244, %max3A_246 : vector<16xf32>
      %swap3A_248 = arith.constant 2 : i32
      %swap3A_249 = arith.index_cast %swap3A_248 : i32 to index
      %swap3A_250 = arith.index_cast %scan3A_184 : i32 to index
      %swap3A_251 = arith.constant 32 : index
      %swap3A_252 = tpu.vector_load %arg9[%swap3A_249, %swap3A_250, %swap3A_251] {strides = array<i32>} : memref<3x128x64xf32, #tpu.memory_space<vmem>>, vector<1x1x16xf32>,
      %swap3A_253 = vector.shape_cast %swap3A_252 : vector<1x1x16xf32> to vector<16xf32>
      %swap3A_254 = vector.shape_cast %max3A_247 : vector<16xf32> to vector<1x1x16xf32>
      tpu.vector_store %arg9[%swap3A_249, %swap3A_250, %swap3A_251], %swap3A_254 {strides = array<i32>} : memref<3x128x64xf32, #tpu.memory_space<vmem>>, vector<1x1x16xf32>,
      %get3A_255 = arith.constant 0 : i32
      %get3A_256 = arith.index_cast %get3A_255 : i32 to index
      %get3A_257 = arith.index_cast %scan3A_184 : i32 to index
      %get3A_258 = arith.constant 48 : index
      %get3A_259 = tpu.vector_load %arg9[%get3A_256, %get3A_257, %get3A_258] {strides = array<i32>} : memref<3x128x64xf32, #tpu.memory_space<vmem>>, vector<1x1x16xf32>,
      %get3A_260 = vector.shape_cast %get3A_259 : vector<1x1x16xf32> to vector<16xf32>
      %get3A_261 = arith.constant 1 : i32
      %get3A_262 = arith.index_cast %get3A_261 : i32 to index
      %get3A_263 = arith.index_cast %scan3A_184 : i32 to index
      %get3A_264 = arith.constant 48 : index
      %get3A_265 = tpu.vector_load %arg9[%get3A_262, %get3A_263, %get3A_264] {strides = array<i32>} : memref<3x128x64xf32, #tpu.memory_space<vmem>>, vector<1x1x16xf32>,
      %get3A_266 = vector.shape_cast %get3A_265 : vector<1x1x16xf32> to vector<16xf32>
      %add3A_267 = arith.addf %get3A_260, %get3A_266 : vector<16xf32>
      %add3A_268 = arith.addf %add3A_267, %get3A_19 : vector<16xf32>
      %max3A_269 = arith.constant 0.000000e+00 : f32
      %max3A_270 = vector.broadcast %max3A_269 : f32 to vector<16xf32>
      %max3A_271 = arith.maximumf %add3A_268, %max3A_270 : vector<16xf32>
      %swap3A_272 = arith.constant 2 : i32
      %swap3A_273 = arith.index_cast %swap3A_272 : i32 to index
      %swap3A_274 = arith.index_cast %scan3A_184 : i32 to index
      %swap3A_275 = arith.constant 48 : index
      %swap3A_276 = tpu.vector_load %arg9[%swap3A_273, %swap3A_274, %swap3A_275] {strides = array<i32>} : memref<3x128x64xf32, #tpu.memory_space<vmem>>, vector<1x1x16xf32>,
      %swap3A_277 = vector.shape_cast %swap3A_276 : vector<1x1x16xf32> to vector<16xf32>
      %swap3A_278 = vector.shape_cast %max3A_271 : vector<16xf32> to vector<1x1x16xf32>
      tpu.vector_store %arg9[%swap3A_273, %swap3A_274, %swap3A_275], %swap3A_278 {strides = array<i32>} : memref<3x128x64xf32, #tpu.memory_space<vmem>>, vector<1x1x16xf32>,
    }
    %scan3A_82 = arith.constant 125 : i32
    %run_scoped3A_83 = arith.constant 2 : i32
    "tpu.region"() ({
      %run_scoped3A_184 = tpu.sem_alloc : memref<!tpu.dma_semaphore, #tpu.memory_space<semaphore_mem>>
      %dma_start3A_185 = arith.constant 0 : i32
      %dma_start3A_186 = arith.constant 0 : i32
      %dma_start3A_187 = tpu.memref_slice %arg9[%run_scoped3A_83, %dma_start3A_185, %dma_start3A_186] : memref<3x128x64xf32, #tpu.memory_space<vmem>> -> memref<1x125x64xf32, #tpu.memory_space<vmem>>
      %dma_start3A_188 = tpu.memref_squeeze %dma_start3A_187 : memref<1x125x64xf32, #tpu.memory_space<vmem>> -> memref<125x64xf32, #tpu.memory_space<vmem>>
      %dma_start3A_189 = arith.constant 0 : i32
      %dma_start3A_190 = tpu.memref_slice %arg11[%add3A_72, %dma_start3A_189] : memref<10000x64xf32, #tpu.memory_space<vmem_shared>> -> memref<125x64xf32, #tpu.memory_space<vmem_shared>>
      %dma_start3A_191 = arith.constant 0 : i32
      %dma_start3A_192 = tpu.memref_slice %arg11[%add3A_72, %dma_start3A_191] : memref<10000x64xf32, #tpu.memory_space<vmem_shared>> -> memref<125x64xf32, #tpu.memory_space<vmem_shared>>
      %dma_start3A_193 = arith.constant 0 : i32
      %dma_start3A_194 = arith.constant 0 : i32
      %dma_start3A_195 = tpu.memref_slice %arg9[%run_scoped3A_83, %dma_start3A_193, %dma_start3A_194] : memref<3x128x64xf32, #tpu.memory_space<vmem>> -> memref<1x125x64xf32, #tpu.memory_space<vmem>>
      %dma_start3A_196 = tpu.memref_squeeze %dma_start3A_195 : memref<1x125x64xf32, #tpu.memory_space<vmem>> -> memref<125x64xf32, #tpu.memory_space<vmem>>
      tpu.enqueue_dma source(%dma_start3A_196 : memref<125x64xf32, #tpu.memory_space<vmem>>) target(%dma_start3A_192 : memref<125x64xf32, #tpu.memory_space<vmem_shared>>) target_semaphore(%run_scoped3A_184 : memref<!tpu.dma_semaphore, #tpu.memory_space<semaphore_mem>>)
      %dma_wait3A_197 = arith.constant 0 : i32
      %dma_wait3A_198 = arith.constant 0 : i32
      %dma_wait3A_199 = tpu.memref_slice %arg9[%run_scoped3A_83, %dma_wait3A_197, %dma_wait3A_198] : memref<3x128x64xf32, #tpu.memory_space<vmem>> -> memref<1x125x64xf32, #tpu.memory_space<vmem>>
      %dma_wait3A_200 = tpu.memref_squeeze %dma_wait3A_199 : memref<1x125x64xf32, #tpu.memory_space<vmem>> -> memref<125x64xf32, #tpu.memory_space<vmem>>
      %dma_wait3A_201 = arith.constant 0 : i32
      %dma_wait3A_202 = tpu.memref_slice %arg11[%add3A_72, %dma_wait3A_201] : memref<10000x64xf32, #tpu.memory_space<vmem_shared>> -> memref<125x64xf32, #tpu.memory_space<vmem_shared>>
      %dma_wait3A_203 = arith.constant 0 : i32
      %dma_wait3A_204 = tpu.memref_slice %arg11[%add3A_72, %dma_wait3A_203] : memref<10000x64xf32, #tpu.memory_space<vmem_shared>> -> memref<125x64xf32, #tpu.memory_space<vmem_shared>>
      %dma_wait3A_205 = arith.constant 0 : i32
      %dma_wait3A_206 = arith.constant 0 : i32
      %dma_wait3A_207 = tpu.memref_slice %arg9[%run_scoped3A_83, %dma_wait3A_205, %dma_wait3A_206] : memref<3x128x64xf32, #tpu.memory_space<vmem>> -> memref<1x125x64xf32, #tpu.memory_space<vmem>>
      %dma_wait3A_208 = tpu.memref_squeeze %dma_wait3A_207 : memref<1x125x64xf32, #tpu.memory_space<vmem>> -> memref<125x64xf32, #tpu.memory_space<vmem>>
      tpu.wait_dma2 semaphore(%run_scoped3A_184 : memref<!tpu.dma_semaphore, #tpu.memory_space<semaphore_mem>>) src(%dma_wait3A_208 : memref<125x64xf32, #tpu.memory_space<vmem>>) dst(%dma_wait3A_204 : memref<125x64xf32, #tpu.memory_space<vmem_shared>>)
      tpu.yield
    }) : () -> ()
    %mul3A_84 = arith.constant 16 : i32
    %mul3A_85 = arith.muli %arg0, %mul3A_84 : i32
    %add3A_86 = arith.addi %mul3A_85, %arg1 : i32
    %mul3A_87 = arith.constant 78 : i32
    %mul3A_88 = arith.muli %add3A_86, %mul3A_87 : i32
    %run_scoped3A_89 = arith.constant 0 : i32
    "tpu.region"() ({
      %run_scoped3A_184 = tpu.sem_alloc : memref<!tpu.dma_semaphore, #tpu.memory_space<semaphore_mem>>
      %dma_start3A_185 = arith.constant 0 : i32
      %dma_start3A_186 = arith.constant 0 : i32
      %dma_start3A_187 = tpu.memref_slice %arg7[%dma_start3A_185, %dma_start3A_186] : memref<79x128xi32, #tpu.memory_space<vmem>> -> memref<78x128xi32, #tpu.memory_space<vmem>>
      %dma_start3A_188 = arith.constant 0 : i32
      %dma_start3A_189 = tpu.memref_slice %arg4[%run_scoped3A_89, %mul3A_88, %dma_start3A_188] : memref<2x2500x128xi32, #tpu.memory_space<hbm>> -> memref<1x78x128xi32, #tpu.memory_space<hbm>>
      %dma_start3A_190 = tpu.memref_squeeze %dma_start3A_189 : memref<1x78x128xi32, #tpu.memory_space<hbm>> -> memref<78x128xi32, #tpu.memory_space<hbm>>
      %dma_start3A_191 = arith.constant 0 : i32
      %dma_start3A_192 = arith.constant 0 : i32
      %dma_start3A_193 = tpu.memref_slice %arg7[%dma_start3A_191, %dma_start3A_192] : memref<79x128xi32, #tpu.memory_space<vmem>> -> memref<78x128xi32, #tpu.memory_space<vmem>>
      %dma_start3A_194 = arith.constant 0 : i32
      %dma_start3A_195 = tpu.memref_slice %arg4[%run_scoped3A_89, %mul3A_88, %dma_start3A_194] : memref<2x2500x128xi32, #tpu.memory_space<hbm>> -> memref<1x78x128xi32, #tpu.memory_space<hbm>>
      %dma_start3A_196 = tpu.memref_squeeze %dma_start3A_195 : memref<1x78x128xi32, #tpu.memory_space<hbm>> -> memref<78x128xi32, #tpu.memory_space<hbm>>
      tpu.enqueue_dma source(%dma_start3A_196 : memref<78x128xi32, #tpu.memory_space<hbm>>) target(%dma_start3A_193 : memref<78x128xi32, #tpu.memory_space<vmem>>) target_semaphore(%run_scoped3A_184 : memref<!tpu.dma_semaphore, #tpu.memory_space<semaphore_mem>>)
      %dma_wait3A_197 = arith.constant 0 : i32
      %dma_wait3A_198 = arith.constant 0 : i32
      %dma_wait3A_199 = tpu.memref_slice %arg7[%dma_wait3A_197, %dma_wait3A_198] : memref<79x128xi32, #tpu.memory_space<vmem>> -> memref<78x128xi32, #tpu.memory_space<vmem>>
      %dma_wait3A_200 = arith.constant 0 : i32
      %dma_wait3A_201 = tpu.memref_slice %arg4[%run_scoped3A_89, %mul3A_88, %dma_wait3A_200] : memref<2x2500x128xi32, #tpu.memory_space<hbm>> -> memref<1x78x128xi32, #tpu.memory_space<hbm>>
      %dma_wait3A_202 = tpu.memref_squeeze %dma_wait3A_201 : memref<1x78x128xi32, #tpu.memory_space<hbm>> -> memref<78x128xi32, #tpu.memory_space<hbm>>
      %dma_wait3A_203 = arith.constant 0 : i32
      %dma_wait3A_204 = arith.constant 0 : i32
      %dma_wait3A_205 = tpu.memref_slice %arg7[%dma_wait3A_203, %dma_wait3A_204] : memref<79x128xi32, #tpu.memory_space<vmem>> -> memref<78x128xi32, #tpu.memory_space<vmem>>
      %dma_wait3A_206 = arith.constant 0 : i32
      %dma_wait3A_207 = tpu.memref_slice %arg4[%run_scoped3A_89, %mul3A_88, %dma_wait3A_206] : memref<2x2500x128xi32, #tpu.memory_space<hbm>> -> memref<1x78x128xi32, #tpu.memory_space<hbm>>
      %dma_wait3A_208 = tpu.memref_squeeze %dma_wait3A_207 : memref<1x78x128xi32, #tpu.memory_space<hbm>> -> memref<78x128xi32, #tpu.memory_space<hbm>>
      tpu.wait_dma2 semaphore(%run_scoped3A_184 : memref<!tpu.dma_semaphore, #tpu.memory_space<semaphore_mem>>) src(%dma_wait3A_208 : memref<78x128xi32, #tpu.memory_space<hbm>>) dst(%dma_wait3A_205 : memref<78x128xi32, #tpu.memory_space<vmem>>)
      tpu.yield
    }) : () -> ()
    %mul3A_90 = arith.constant 78 : i32
    %mul3A_91 = arith.muli %add3A_86, %mul3A_90 : i32
    %run_scoped3A_92 = arith.constant 1 : i32
    "tpu.region"() ({
      %run_scoped3A_184 = tpu.sem_alloc : memref<!tpu.dma_semaphore, #tpu.memory_space<semaphore_mem>>
      %dma_start3A_185 = arith.constant 0 : i32
      %dma_start3A_186 = arith.constant 0 : i32
      %dma_start3A_187 = tpu.memref_slice %arg8[%dma_start3A_185, %dma_start3A_186] : memref<79x128xi32, #tpu.memory_space<vmem>> -> memref<78x128xi32, #tpu.memory_space<vmem>>
      %dma_start3A_188 = arith.constant 0 : i32
      %dma_start3A_189 = tpu.memref_slice %arg4[%run_scoped3A_92, %mul3A_91, %dma_start3A_188] : memref<2x2500x128xi32, #tpu.memory_space<hbm>> -> memref<1x78x128xi32, #tpu.memory_space<hbm>>
      %dma_start3A_190 = tpu.memref_squeeze %dma_start3A_189 : memref<1x78x128xi32, #tpu.memory_space<hbm>> -> memref<78x128xi32, #tpu.memory_space<hbm>>
      %dma_start3A_191 = arith.constant 0 : i32
      %dma_start3A_192 = arith.constant 0 : i32
      %dma_start3A_193 = tpu.memref_slice %arg8[%dma_start3A_191, %dma_start3A_192] : memref<79x128xi32, #tpu.memory_space<vmem>> -> memref<78x128xi32, #tpu.memory_space<vmem>>
      %dma_start3A_194 = arith.constant 0 : i32
      %dma_start3A_195 = tpu.memref_slice %arg4[%run_scoped3A_92, %mul3A_91, %dma_start3A_194] : memref<2x2500x128xi32, #tpu.memory_space<hbm>> -> memref<1x78x128xi32, #tpu.memory_space<hbm>>
      %dma_start3A_196 = tpu.memref_squeeze %dma_start3A_195 : memref<1x78x128xi32, #tpu.memory_space<hbm>> -> memref<78x128xi32, #tpu.memory_space<hbm>>
      tpu.enqueue_dma source(%dma_start3A_196 : memref<78x128xi32, #tpu.memory_space<hbm>>) target(%dma_start3A_193 : memref<78x128xi32, #tpu.memory_space<vmem>>) target_semaphore(%run_scoped3A_184 : memref<!tpu.dma_semaphore, #tpu.memory_space<semaphore_mem>>)
      %dma_wait3A_197 = arith.constant 0 : i32
      %dma_wait3A_198 = arith.constant 0 : i32
      %dma_wait3A_199 = tpu.memref_slice %arg8[%dma_wait3A_197, %dma_wait3A_198] : memref<79x128xi32, #tpu.memory_space<vmem>> -> memref<78x128xi32, #tpu.memory_space<vmem>>
      %dma_wait3A_200 = arith.constant 0 : i32
      %dma_wait3A_201 = tpu.memref_slice %arg4[%run_scoped3A_92, %mul3A_91, %dma_wait3A_200] : memref<2x2500x128xi32, #tpu.memory_space<hbm>> -> memref<1x78x128xi32, #tpu.memory_space<hbm>>
      %dma_wait3A_202 = tpu.memref_squeeze %dma_wait3A_201 : memref<1x78x128xi32, #tpu.memory_space<hbm>> -> memref<78x128xi32, #tpu.memory_space<hbm>>
      %dma_wait3A_203 = arith.constant 0 : i32
      %dma_wait3A_204 = arith.constant 0 : i32
      %dma_wait3A_205 = tpu.memref_slice %arg8[%dma_wait3A_203, %dma_wait3A_204] : memref<79x128xi32, #tpu.memory_space<vmem>> -> memref<78x128xi32, #tpu.memory_space<vmem>>
      %dma_wait3A_206 = arith.constant 0 : i32
      %dma_wait3A_207 = tpu.memref_slice %arg4[%run_scoped3A_92, %mul3A_91, %dma_wait3A_206] : memref<2x2500x128xi32, #tpu.memory_space<hbm>> -> memref<1x78x128xi32, #tpu.memory_space<hbm>>
      %dma_wait3A_208 = tpu.memref_squeeze %dma_wait3A_207 : memref<1x78x128xi32, #tpu.memory_space<hbm>> -> memref<78x128xi32, #tpu.memory_space<hbm>>
      tpu.wait_dma2 semaphore(%run_scoped3A_184 : memref<!tpu.dma_semaphore, #tpu.memory_space<semaphore_mem>>) src(%dma_wait3A_208 : memref<78x128xi32, #tpu.memory_space<hbm>>) dst(%dma_wait3A_205 : memref<78x128xi32, #tpu.memory_space<vmem>>)
      tpu.yield
    }) : () -> ()
    %lt3A = arith.constant 4 : i32
    %lt3A_93 = arith.cmpi slt, %add3A_86, %lt3A : i32
    %convert_element_type3A = arith.extui %lt3A_93 : i1 to i32
    %cond3A = arith.constant 0 : i32
    %cond3A_94 = arith.cmpi ne, %convert_element_type3A, %cond3A : i32
    scf.if %cond3A_94 {
      %add3A_184 = arith.constant 2496 : i32
      %add3A_185 = arith.addi %add3A_184, %add3A_86 : i32
      %run_scoped3A_186 = arith.constant 0 : i32
      %run_scoped3A_187 = arith.constant 78 : i32
      "tpu.region"() ({
        %run_scoped3A_192 = tpu.sem_alloc : memref<!tpu.dma_semaphore, #tpu.memory_space<semaphore_mem>>
        %dma_start3A_193 = arith.constant 0 : i32
        %dma_start3A_194 = tpu.memref_slice %arg7[%run_scoped3A_187, %dma_start3A_193] : memref<79x128xi32, #tpu.memory_space<vmem>> -> memref<1x128xi32, #tpu.memory_space<vmem>>
        %dma_start3A_195 = tpu.memref_squeeze %dma_start3A_194 : memref<1x128xi32, #tpu.memory_space<vmem>> -> memref<128xi32, #tpu.memory_space<vmem>>
        %dma_start3A_196 = arith.constant 0 : i32
        %dma_start3A_197 = tpu.memref_slice %arg4[%run_scoped3A_186, %add3A_185, %dma_start3A_196] : memref<2x2500x128xi32, #tpu.memory_space<hbm>> -> memref<1x1x128xi32, #tpu.memory_space<hbm>>
        %dma_start3A_198 = tpu.memref_squeeze %dma_start3A_197 : memref<1x1x128xi32, #tpu.memory_space<hbm>> -> memref<128xi32, #tpu.memory_space<hbm>>
        %dma_start3A_199 = arith.constant 0 : i32
        %dma_start3A_200 = tpu.memref_slice %arg7[%run_scoped3A_187, %dma_start3A_199] : memref<79x128xi32, #tpu.memory_space<vmem>> -> memref<1x128xi32, #tpu.memory_space<vmem>>
        %dma_start3A_201 = tpu.memref_squeeze %dma_start3A_200 : memref<1x128xi32, #tpu.memory_space<vmem>> -> memref<128xi32, #tpu.memory_space<vmem>>
        %dma_start3A_202 = arith.constant 0 : i32
        %dma_start3A_203 = tpu.memref_slice %arg4[%run_scoped3A_186, %add3A_185, %dma_start3A_202] : memref<2x2500x128xi32, #tpu.memory_space<hbm>> -> memref<1x1x128xi32, #tpu.memory_space<hbm>>
        %dma_start3A_204 = tpu.memref_squeeze %dma_start3A_203 : memref<1x1x128xi32, #tpu.memory_space<hbm>> -> memref<128xi32, #tpu.memory_space<hbm>>
        tpu.enqueue_dma source(%dma_start3A_204 : memref<128xi32, #tpu.memory_space<hbm>>) target(%dma_start3A_201 : memref<128xi32, #tpu.memory_space<vmem>>) target_semaphore(%run_scoped3A_192 : memref<!tpu.dma_semaphore, #tpu.memory_space<semaphore_mem>>)
        %dma_wait3A_205 = arith.constant 0 : i32
        %dma_wait3A_206 = tpu.memref_slice %arg7[%run_scoped3A_187, %dma_wait3A_205] : memref<79x128xi32, #tpu.memory_space<vmem>> -> memref<1x128xi32, #tpu.memory_space<vmem>>
        %dma_wait3A_207 = tpu.memref_squeeze %dma_wait3A_206 : memref<1x128xi32, #tpu.memory_space<vmem>> -> memref<128xi32, #tpu.memory_space<vmem>>
        %dma_wait3A_208 = arith.constant 0 : i32
        %dma_wait3A_209 = tpu.memref_slice %arg4[%run_scoped3A_186, %add3A_185, %dma_wait3A_208] : memref<2x2500x128xi32, #tpu.memory_space<hbm>> -> memref<1x1x128xi32, #tpu.memory_space<hbm>>
        %dma_wait3A_210 = tpu.memref_squeeze %dma_wait3A_209 : memref<1x1x128xi32, #tpu.memory_space<hbm>> -> memref<128xi32, #tpu.memory_space<hbm>>
        %dma_wait3A_211 = arith.constant 0 : i32
        %dma_wait3A_212 = tpu.memref_slice %arg7[%run_scoped3A_187, %dma_wait3A_211] : memref<79x128xi32, #tpu.memory_space<vmem>> -> memref<1x128xi32, #tpu.memory_space<vmem>>
        %dma_wait3A_213 = tpu.memref_squeeze %dma_wait3A_212 : memref<1x128xi32, #tpu.memory_space<vmem>> -> memref<128xi32, #tpu.memory_space<vmem>>
        %dma_wait3A_214 = arith.constant 0 : i32
        %dma_wait3A_215 = tpu.memref_slice %arg4[%run_scoped3A_186, %add3A_185, %dma_wait3A_214] : memref<2x2500x128xi32, #tpu.memory_space<hbm>> -> memref<1x1x128xi32, #tpu.memory_space<hbm>>
        %dma_wait3A_216 = tpu.memref_squeeze %dma_wait3A_215 : memref<1x1x128xi32, #tpu.memory_space<hbm>> -> memref<128xi32, #tpu.memory_space<hbm>>
        tpu.wait_dma2 semaphore(%run_scoped3A_192 : memref<!tpu.dma_semaphore, #tpu.memory_space<semaphore_mem>>) src(%dma_wait3A_216 : memref<128xi32, #tpu.memory_space<hbm>>) dst(%dma_wait3A_213 : memref<128xi32, #tpu.memory_space<vmem>>)
        tpu.yield
      }) : () -> ()
      %add3A_188 = arith.constant 2496 : i32
      %add3A_189 = arith.addi %add3A_188, %add3A_86 : i32
      %run_scoped3A_190 = arith.constant 1 : i32
      %run_scoped3A_191 = arith.constant 78 : i32
      "tpu.region"() ({
        %run_scoped3A_192 = tpu.sem_alloc : memref<!tpu.dma_semaphore, #tpu.memory_space<semaphore_mem>>
        %dma_start3A_193 = arith.constant 0 : i32
        %dma_start3A_194 = tpu.memref_slice %arg8[%run_scoped3A_191, %dma_start3A_193] : memref<79x128xi32, #tpu.memory_space<vmem>> -> memref<1x128xi32, #tpu.memory_space<vmem>>
        %dma_start3A_195 = tpu.memref_squeeze %dma_start3A_194 : memref<1x128xi32, #tpu.memory_space<vmem>> -> memref<128xi32, #tpu.memory_space<vmem>>
        %dma_start3A_196 = arith.constant 0 : i32
        %dma_start3A_197 = tpu.memref_slice %arg4[%run_scoped3A_190, %add3A_189, %dma_start3A_196] : memref<2x2500x128xi32, #tpu.memory_space<hbm>> -> memref<1x1x128xi32, #tpu.memory_space<hbm>>
        %dma_start3A_198 = tpu.memref_squeeze %dma_start3A_197 : memref<1x1x128xi32, #tpu.memory_space<hbm>> -> memref<128xi32, #tpu.memory_space<hbm>>
        %dma_start3A_199 = arith.constant 0 : i32
        %dma_start3A_200 = tpu.memref_slice %arg8[%run_scoped3A_191, %dma_start3A_199] : memref<79x128xi32, #tpu.memory_space<vmem>> -> memref<1x128xi32, #tpu.memory_space<vmem>>
        %dma_start3A_201 = tpu.memref_squeeze %dma_start3A_200 : memref<1x128xi32, #tpu.memory_space<vmem>> -> memref<128xi32, #tpu.memory_space<vmem>>
        %dma_start3A_202 = arith.constant 0 : i32
        %dma_start3A_203 = tpu.memref_slice %arg4[%run_scoped3A_190, %add3A_189, %dma_start3A_202] : memref<2x2500x128xi32, #tpu.memory_space<hbm>> -> memref<1x1x128xi32, #tpu.memory_space<hbm>>
        %dma_start3A_204 = tpu.memref_squeeze %dma_start3A_203 : memref<1x1x128xi32, #tpu.memory_space<hbm>> -> memref<128xi32, #tpu.memory_space<hbm>>
        tpu.enqueue_dma source(%dma_start3A_204 : memref<128xi32, #tpu.memory_space<hbm>>) target(%dma_start3A_201 : memref<128xi32, #tpu.memory_space<vmem>>) target_semaphore(%run_scoped3A_192 : memref<!tpu.dma_semaphore, #tpu.memory_space<semaphore_mem>>)
        %dma_wait3A_205 = arith.constant 0 : i32
        %dma_wait3A_206 = tpu.memref_slice %arg8[%run_scoped3A_191, %dma_wait3A_205] : memref<79x128xi32, #tpu.memory_space<vmem>> -> memref<1x128xi32, #tpu.memory_space<vmem>>
        %dma_wait3A_207 = tpu.memref_squeeze %dma_wait3A_206 : memref<1x128xi32, #tpu.memory_space<vmem>> -> memref<128xi32, #tpu.memory_space<vmem>>
        %dma_wait3A_208 = arith.constant 0 : i32
        %dma_wait3A_209 = tpu.memref_slice %arg4[%run_scoped3A_190, %add3A_189, %dma_wait3A_208] : memref<2x2500x128xi32, #tpu.memory_space<hbm>> -> memref<1x1x128xi32, #tpu.memory_space<hbm>>
        %dma_wait3A_210 = tpu.memref_squeeze %dma_wait3A_209 : memref<1x1x128xi32, #tpu.memory_space<hbm>> -> memref<128xi32, #tpu.memory_space<hbm>>
        %dma_wait3A_211 = arith.constant 0 : i32
        %dma_wait3A_212 = tpu.memref_slice %arg8[%run_scoped3A_191, %dma_wait3A_211] : memref<79x128xi32, #tpu.memory_space<vmem>> -> memref<1x128xi32, #tpu.memory_space<vmem>>
        %dma_wait3A_213 = tpu.memref_squeeze %dma_wait3A_212 : memref<1x128xi32, #tpu.memory_space<vmem>> -> memref<128xi32, #tpu.memory_space<vmem>>
        %dma_wait3A_214 = arith.constant 0 : i32
        %dma_wait3A_215 = tpu.memref_slice %arg4[%run_scoped3A_190, %add3A_189, %dma_wait3A_214] : memref<2x2500x128xi32, #tpu.memory_space<hbm>> -> memref<1x1x128xi32, #tpu.memory_space<hbm>>
        %dma_wait3A_216 = tpu.memref_squeeze %dma_wait3A_215 : memref<1x1x128xi32, #tpu.memory_space<hbm>> -> memref<128xi32, #tpu.memory_space<hbm>>
        tpu.wait_dma2 semaphore(%run_scoped3A_192 : memref<!tpu.dma_semaphore, #tpu.memory_space<semaphore_mem>>) src(%dma_wait3A_216 : memref<128xi32, #tpu.memory_space<hbm>>) dst(%dma_wait3A_213 : memref<128xi32, #tpu.memory_space<vmem>>)
        tpu.yield
      }) : () -> ()
    } else {
    }
    %barrier3A = arith.constant 0 : index
    tpu.barrier barrier_id(%barrier3A)
    %dma_start3A = arith.constant 0 : i32
    %dma_start3A_95 = arith.constant 0 : i32
    %dma_start3A_96 = arith.constant 0 : i32
    %dma_start3A_97 = arith.constant 0 : i32
    %dma_start3A_98 = arith.constant 0 : i32
    %dma_start3A_99 = tpu.memref_slice %arg9[%dma_start3A_95, %dma_start3A_97, %dma_start3A_98] : memref<3x128x64xf32, #tpu.memory_space<vmem>> -> memref<1x128x64xf32, #tpu.memory_space<vmem>>
    %dma_start3A_100 = tpu.memref_squeeze %dma_start3A_99 : memref<1x128x64xf32, #tpu.memory_space<vmem>> -> memref<128x64xf32, #tpu.memory_space<vmem>>
    %dma_start3A_101 = arith.constant 0 : i32
    %dma_start3A_102 = tpu.memref_slice %arg7[%dma_start3A, %dma_start3A_101] : memref<79x128xi32, #tpu.memory_space<vmem>> -> memref<1x128xi32, #tpu.memory_space<vmem>>
    %dma_start3A_103 = tpu.memref_squeeze %dma_start3A_102 : memref<1x128xi32, #tpu.memory_space<vmem>> -> memref<128xi32, #tpu.memory_space<vmem>>
    %dma_start3A_104 = arith.constant 0 : i32
    %dma_start3A_105 = arith.constant 0 : i32
    %dma_start3A_106 = tpu.memref_slice %arg11[%dma_start3A_104, %dma_start3A_105] : memref<10000x64xf32, #tpu.memory_space<vmem_shared>> -> memref<10000x64xf32, #tpu.memory_space<vmem_shared>>
    %dma_start3A_107 = tpu.memref_slice %arg13[%dma_start3A_96] : memref<3x!tpu.dma_semaphore, #tpu.memory_space<semaphore_mem>> -> memref<1x!tpu.dma_semaphore, #tpu.memory_space<semaphore_mem>>
    %dma_start3A_108 = tpu.memref_squeeze %dma_start3A_107 : memref<1x!tpu.dma_semaphore, #tpu.memory_space<semaphore_mem>> -> memref<!tpu.dma_semaphore, #tpu.memory_space<semaphore_mem>>
    tpu.enqueue_indirect_dma source(%dma_start3A_106 : memref<10000x64xf32, #tpu.memory_space<vmem_shared>>) target(%dma_start3A_100 : memref<128x64xf32, #tpu.memory_space<vmem>>) offsets(%dma_start3A_103 : memref<128xi32, #tpu.memory_space<vmem>>) semaphore(%dma_start3A_108 : memref<!tpu.dma_semaphore, #tpu.memory_space<semaphore_mem>>)
    %dma_start3A_109 = arith.constant 1 : i32
    %dma_start3A_110 = arith.constant 1 : i32
    %dma_start3A_111 = arith.constant 1 : i32
    %dma_start3A_112 = arith.constant 0 : i32
    %dma_start3A_113 = arith.constant 0 : i32
    %dma_start3A_114 = tpu.memref_slice %arg9[%dma_start3A_110, %dma_start3A_112, %dma_start3A_113] : memref<3x128x64xf32, #tpu.memory_space<vmem>> -> memref<1x128x64xf32, #tpu.memory_space<vmem>>
    %dma_start3A_115 = tpu.memref_squeeze %dma_start3A_114 : memref<1x128x64xf32, #tpu.memory_space<vmem>> -> memref<128x64xf32, #tpu.memory_space<vmem>>
    %dma_start3A_116 = arith.constant 0 : i32
    %dma_start3A_117 = tpu.memref_slice %arg7[%dma_start3A_109, %dma_start3A_116] : memref<79x128xi32, #tpu.memory_space<vmem>> -> memref<1x128xi32, #tpu.memory_space<vmem>>
    %dma_start3A_118 = tpu.memref_squeeze %dma_start3A_117 : memref<1x128xi32, #tpu.memory_space<vmem>> -> memref<128xi32, #tpu.memory_space<vmem>>
    %dma_start3A_119 = arith.constant 0 : i32
    %dma_start3A_120 = arith.constant 0 : i32
    %dma_start3A_121 = tpu.memref_slice %arg11[%dma_start3A_119, %dma_start3A_120] : memref<10000x64xf32, #tpu.memory_space<vmem_shared>> -> memref<10000x64xf32, #tpu.memory_space<vmem_shared>>
    %dma_start3A_122 = tpu.memref_slice %arg13[%dma_start3A_111] : memref<3x!tpu.dma_semaphore, #tpu.memory_space<semaphore_mem>> -> memref<1x!tpu.dma_semaphore, #tpu.memory_space<semaphore_mem>>
    %dma_start3A_123 = tpu.memref_squeeze %dma_start3A_122 : memref<1x!tpu.dma_semaphore, #tpu.memory_space<semaphore_mem>> -> memref<!tpu.dma_semaphore, #tpu.memory_space<semaphore_mem>>
    tpu.enqueue_indirect_dma source(%dma_start3A_121 : memref<10000x64xf32, #tpu.memory_space<vmem_shared>>) target(%dma_start3A_115 : memref<128x64xf32, #tpu.memory_space<vmem>>) offsets(%dma_start3A_118 : memref<128xi32, #tpu.memory_space<vmem>>) semaphore(%dma_start3A_123 : memref<!tpu.dma_semaphore, #tpu.memory_space<semaphore_mem>>)
    %scan3A_124 = arith.constant 0 : i32
    %scan3A_125 = arith.constant 0 : i32
    %scan3A_126 = arith.constant 26 : i32
    %scan3A_127 = arith.addi %scan3A_125, %scan3A_126 : i32
    %scan3A_128 = arith.constant 1 : i32
    scf.for %scan3A_184 = %scan3A_125 to %scan3A_127 step %scan3A_128  : i32 {
      %mul3A_185 = arith.constant 3 : i32
      %mul3A_186 = arith.muli %scan3A_184, %mul3A_185 : i32
      %add3A_187 = arith.constant 0 : i32
      %add3A_188 = arith.addi %mul3A_186, %add3A_187 : i32
      %dma_wait3A_189 = arith.constant 0 : i32
      %dma_wait3A_190 = arith.constant 0 : i32
      %dma_wait3A_191 = arith.constant 0 : i32
      %dma_wait3A_192 = arith.constant 0 : i32
      %dma_wait3A_193 = tpu.memref_slice %arg9[%dma_wait3A_189, %dma_wait3A_191, %dma_wait3A_192] : memref<3x128x64xf32, #tpu.memory_space<vmem>> -> memref<1x128x64xf32, #tpu.memory_space<vmem>>
      %dma_wait3A_194 = tpu.memref_squeeze %dma_wait3A_193 : memref<1x128x64xf32, #tpu.memory_space<vmem>> -> memref<128x64xf32, #tpu.memory_space<vmem>>
      %dma_wait3A_195 = arith.constant 0 : i32
      %dma_wait3A_196 = tpu.memref_slice %arg7[%add3A_188, %dma_wait3A_195] : memref<79x128xi32, #tpu.memory_space<vmem>> -> memref<1x128xi32, #tpu.memory_space<vmem>>
      %dma_wait3A_197 = tpu.memref_squeeze %dma_wait3A_196 : memref<1x128xi32, #tpu.memory_space<vmem>> -> memref<128xi32, #tpu.memory_space<vmem>>
      %dma_wait3A_198 = arith.constant 0 : i32
      %dma_wait3A_199 = arith.constant 0 : i32
      %dma_wait3A_200 = tpu.memref_slice %arg11[%dma_wait3A_198, %dma_wait3A_199] : memref<10000x64xf32, #tpu.memory_space<vmem_shared>> -> memref<10000x64xf32, #tpu.memory_space<vmem_shared>>
      %dma_wait3A_201 = tpu.memref_slice %arg13[%dma_wait3A_190] : memref<3x!tpu.dma_semaphore, #tpu.memory_space<semaphore_mem>> -> memref<1x!tpu.dma_semaphore, #tpu.memory_space<semaphore_mem>>
      %dma_wait3A_202 = tpu.memref_squeeze %dma_wait3A_201 : memref<1x!tpu.dma_semaphore, #tpu.memory_space<semaphore_mem>> -> memref<!tpu.dma_semaphore, #tpu.memory_space<semaphore_mem>>
      tpu.wait_indirect_dma semaphore(%dma_wait3A_202 : memref<!tpu.dma_semaphore, #tpu.memory_space<semaphore_mem>>) src(%dma_wait3A_200 : memref<10000x64xf32, #tpu.memory_space<vmem_shared>>) dst(%dma_wait3A_194 : memref<128x64xf32, #tpu.memory_space<vmem>>)
      %add3A_203 = arith.constant 3 : i32
      %add3A_204 = arith.addi %add3A_188, %add3A_203 : i32
      %sub3A = arith.constant 1 : i32
      %sub3A_205 = arith.subi %add3A_204, %sub3A : i32
      %lt3A_206 = arith.constant 78 : i32
      %lt3A_207 = arith.cmpi slt, %sub3A_205, %lt3A_206 : i32
      %convert_element_type3A_208 = arith.extui %lt3A_207 : i1 to i32
      %cond3A_209 = arith.constant 0 : i32
      %cond3A_210 = arith.cmpi ne, %convert_element_type3A_208, %cond3A_209 : i32
      scf.if %cond3A_210 {
        %ge3A = arith.constant 1 : i32
        %ge3A_303 = arith.cmpi sge, %add3A_188, %ge3A : i32
        %convert_element_type3A_304 = arith.extui %ge3A_303 : i1 to i32
        %cond3A_305 = arith.constant 0 : i32
        %cond3A_306 = arith.cmpi ne, %convert_element_type3A_304, %cond3A_305 : i32
        scf.if %cond3A_306 {
          %dma_wait3A_321 = arith.constant 2 : i32
          %dma_wait3A_322 = arith.constant 2 : i32
          %dma_wait3A_323 = arith.constant 0 : i32
          %dma_wait3A_324 = arith.constant 0 : i32
          %dma_wait3A_325 = tpu.memref_slice %arg9[%dma_wait3A_321, %dma_wait3A_323, %dma_wait3A_324] : memref<3x128x64xf32, #tpu.memory_space<vmem>> -> memref<1x128x64xf32, #tpu.memory_space<vmem>>
          %dma_wait3A_326 = tpu.memref_squeeze %dma_wait3A_325 : memref<1x128x64xf32, #tpu.memory_space<vmem>> -> memref<128x64xf32, #tpu.memory_space<vmem>>
          %dma_wait3A_327 = arith.constant 0 : i32
          %dma_wait3A_328 = tpu.memref_slice %arg8[%sub3A_205, %dma_wait3A_327] : memref<79x128xi32, #tpu.memory_space<vmem>> -> memref<1x128xi32, #tpu.memory_space<vmem>>
          %dma_wait3A_329 = tpu.memref_squeeze %dma_wait3A_328 : memref<1x128xi32, #tpu.memory_space<vmem>> -> memref<128xi32, #tpu.memory_space<vmem>>
          %dma_wait3A_330 = arith.constant 0 : i32
          %dma_wait3A_331 = arith.constant 0 : i32
          %dma_wait3A_332 = tpu.memref_slice %arg12[%dma_wait3A_330, %dma_wait3A_331] : memref<10000x64xf32, #tpu.memory_space<vmem_shared>> -> memref<10000x64xf32, #tpu.memory_space<vmem_shared>>
          %dma_wait3A_333 = tpu.memref_slice %arg14[%dma_wait3A_322] : memref<3x!tpu.dma_semaphore, #tpu.memory_space<semaphore_mem>> -> memref<1x!tpu.dma_semaphore, #tpu.memory_space<semaphore_mem>>
          %dma_wait3A_334 = tpu.memref_squeeze %dma_wait3A_333 : memref<1x!tpu.dma_semaphore, #tpu.memory_space<semaphore_mem>> -> memref<!tpu.dma_semaphore, #tpu.memory_space<semaphore_mem>>
          tpu.wait_indirect_dma semaphore(%dma_wait3A_334 : memref<!tpu.dma_semaphore, #tpu.memory_space<semaphore_mem>>) src(%dma_wait3A_326 : memref<128x64xf32, #tpu.memory_space<vmem>>) dst(%dma_wait3A_332 : memref<10000x64xf32, #tpu.memory_space<vmem_shared>>)
        } else {
        }
        %dma_start3A_307 = arith.constant 2 : i32
        %dma_start3A_308 = arith.constant 2 : i32
        %dma_start3A_309 = arith.constant 0 : i32
        %dma_start3A_310 = arith.constant 0 : i32
        %dma_start3A_311 = tpu.memref_slice %arg9[%dma_start3A_307, %dma_start3A_309, %dma_start3A_310] : memref<3x128x64xf32, #tpu.memory_space<vmem>> -> memref<1x128x64xf32, #tpu.memory_space<vmem>>
        %dma_start3A_312 = tpu.memref_squeeze %dma_start3A_311 : memref<1x128x64xf32, #tpu.memory_space<vmem>> -> memref<128x64xf32, #tpu.memory_space<vmem>>
        %dma_start3A_313 = arith.constant 0 : i32
        %dma_start3A_314 = tpu.memref_slice %arg7[%sub3A_205, %dma_start3A_313] : memref<79x128xi32, #tpu.memory_space<vmem>> -> memref<1x128xi32, #tpu.memory_space<vmem>>
        %dma_start3A_315 = tpu.memref_squeeze %dma_start3A_314 : memref<1x128xi32, #tpu.memory_space<vmem>> -> memref<128xi32, #tpu.memory_space<vmem>>
        %dma_start3A_316 = arith.constant 0 : i32
        %dma_start3A_317 = arith.constant 0 : i32
        %dma_start3A_318 = tpu.memref_slice %arg11[%dma_start3A_316, %dma_start3A_317] : memref<10000x64xf32, #tpu.memory_space<vmem_shared>> -> memref<10000x64xf32, #tpu.memory_space<vmem_shared>>
        %dma_start3A_319 = tpu.memref_slice %arg13[%dma_start3A_308] : memref<3x!tpu.dma_semaphore, #tpu.memory_space<semaphore_mem>> -> memref<1x!tpu.dma_semaphore, #tpu.memory_space<semaphore_mem>>
        %dma_start3A_320 = tpu.memref_squeeze %dma_start3A_319 : memref<1x!tpu.dma_semaphore, #tpu.memory_space<semaphore_mem>> -> memref<!tpu.dma_semaphore, #tpu.memory_space<semaphore_mem>>
        tpu.enqueue_indirect_dma source(%dma_start3A_318 : memref<10000x64xf32, #tpu.memory_space<vmem_shared>>) target(%dma_start3A_312 : memref<128x64xf32, #tpu.memory_space<vmem>>) offsets(%dma_start3A_315 : memref<128xi32, #tpu.memory_space<vmem>>) semaphore(%dma_start3A_320 : memref<!tpu.dma_semaphore, #tpu.memory_space<semaphore_mem>>)
      } else {
      }
      %dma_start3A_211 = arith.constant 0 : i32
      %dma_start3A_212 = arith.constant 0 : i32
      %dma_start3A_213 = arith.constant 0 : i32
      %dma_start3A_214 = arith.constant 0 : i32
      %dma_start3A_215 = tpu.memref_slice %arg9[%dma_start3A_211, %dma_start3A_213, %dma_start3A_214] : memref<3x128x64xf32, #tpu.memory_space<vmem>> -> memref<1x128x64xf32, #tpu.memory_space<vmem>>
      %dma_start3A_216 = tpu.memref_squeeze %dma_start3A_215 : memref<1x128x64xf32, #tpu.memory_space<vmem>> -> memref<128x64xf32, #tpu.memory_space<vmem>>
      %dma_start3A_217 = arith.constant 0 : i32
      %dma_start3A_218 = tpu.memref_slice %arg8[%add3A_188, %dma_start3A_217] : memref<79x128xi32, #tpu.memory_space<vmem>> -> memref<1x128xi32, #tpu.memory_space<vmem>>
      %dma_start3A_219 = tpu.memref_squeeze %dma_start3A_218 : memref<1x128xi32, #tpu.memory_space<vmem>> -> memref<128xi32, #tpu.memory_space<vmem>>
      %dma_start3A_220 = arith.constant 0 : i32
      %dma_start3A_221 = arith.constant 0 : i32
      %dma_start3A_222 = tpu.memref_slice %arg12[%dma_start3A_220, %dma_start3A_221] : memref<10000x64xf32, #tpu.memory_space<vmem_shared>> -> memref<10000x64xf32, #tpu.memory_space<vmem_shared>>
      %dma_start3A_223 = tpu.memref_slice %arg14[%dma_start3A_212] : memref<3x!tpu.dma_semaphore, #tpu.memory_space<semaphore_mem>> -> memref<1x!tpu.dma_semaphore, #tpu.memory_space<semaphore_mem>>
      %dma_start3A_224 = tpu.memref_squeeze %dma_start3A_223 : memref<1x!tpu.dma_semaphore, #tpu.memory_space<semaphore_mem>> -> memref<!tpu.dma_semaphore, #tpu.memory_space<semaphore_mem>>
      tpu.enqueue_indirect_dma source(%dma_start3A_216 : memref<128x64xf32, #tpu.memory_space<vmem>>) target(%dma_start3A_222 : memref<10000x64xf32, #tpu.memory_space<vmem_shared>>) offsets(%dma_start3A_219 : memref<128xi32, #tpu.memory_space<vmem>>) semaphore(%dma_start3A_224 : memref<!tpu.dma_semaphore, #tpu.memory_space<semaphore_mem>>) {add = true}
      %add3A_225 = arith.constant 1 : i32
      %add3A_226 = arith.addi %mul3A_186, %add3A_225 : i32
      %dma_wait3A_227 = arith.constant 1 : i32
      %dma_wait3A_228 = arith.constant 1 : i32
      %dma_wait3A_229 = arith.constant 0 : i32
      %dma_wait3A_230 = arith.constant 0 : i32
      %dma_wait3A_231 = tpu.memref_slice %arg9[%dma_wait3A_227, %dma_wait3A_229, %dma_wait3A_230] : memref<3x128x64xf32, #tpu.memory_space<vmem>> -> memref<1x128x64xf32, #tpu.memory_space<vmem>>
      %dma_wait3A_232 = tpu.memref_squeeze %dma_wait3A_231 : memref<1x128x64xf32, #tpu.memory_space<vmem>> -> memref<128x64xf32, #tpu.memory_space<vmem>>
      %dma_wait3A_233 = arith.constant 0 : i32
      %dma_wait3A_234 = tpu.memref_slice %arg7[%add3A_226, %dma_wait3A_233] : memref<79x128xi32, #tpu.memory_space<vmem>> -> memref<1x128xi32, #tpu.memory_space<vmem>>
      %dma_wait3A_235 = tpu.memref_squeeze %dma_wait3A_234 : memref<1x128xi32, #tpu.memory_space<vmem>> -> memref<128xi32, #tpu.memory_space<vmem>>
      %dma_wait3A_236 = arith.constant 0 : i32
      %dma_wait3A_237 = arith.constant 0 : i32
      %dma_wait3A_238 = tpu.memref_slice %arg11[%dma_wait3A_236, %dma_wait3A_237] : memref<10000x64xf32, #tpu.memory_space<vmem_shared>> -> memref<10000x64xf32, #tpu.memory_space<vmem_shared>>
      %dma_wait3A_239 = tpu.memref_slice %arg13[%dma_wait3A_228] : memref<3x!tpu.dma_semaphore, #tpu.memory_space<semaphore_mem>> -> memref<1x!tpu.dma_semaphore, #tpu.memory_space<semaphore_mem>>
      %dma_wait3A_240 = tpu.memref_squeeze %dma_wait3A_239 : memref<1x!tpu.dma_semaphore, #tpu.memory_space<semaphore_mem>> -> memref<!tpu.dma_semaphore, #tpu.memory_space<semaphore_mem>>
      tpu.wait_indirect_dma semaphore(%dma_wait3A_240 : memref<!tpu.dma_semaphore, #tpu.memory_space<semaphore_mem>>) src(%dma_wait3A_238 : memref<10000x64xf32, #tpu.memory_space<vmem_shared>>) dst(%dma_wait3A_232 : memref<128x64xf32, #tpu.memory_space<vmem>>)
      %add3A_241 = arith.constant 3 : i32
      %add3A_242 = arith.addi %add3A_226, %add3A_241 : i32
      %sub3A_243 = arith.constant 1 : i32
      %sub3A_244 = arith.subi %add3A_242, %sub3A_243 : i32
      %lt3A_245 = arith.constant 78 : i32
      %lt3A_246 = arith.cmpi slt, %sub3A_244, %lt3A_245 : i32
      %convert_element_type3A_247 = arith.extui %lt3A_246 : i1 to i32
      %cond3A_248 = arith.constant 0 : i32
      %cond3A_249 = arith.cmpi ne, %convert_element_type3A_247, %cond3A_248 : i32
      scf.if %cond3A_249 {
        %ge3A = arith.constant 1 : i32
        %ge3A_303 = arith.cmpi sge, %add3A_226, %ge3A : i32
        %convert_element_type3A_304 = arith.extui %ge3A_303 : i1 to i32
        %cond3A_305 = arith.constant 0 : i32
        %cond3A_306 = arith.cmpi ne, %convert_element_type3A_304, %cond3A_305 : i32
        scf.if %cond3A_306 {
          %dma_wait3A_321 = arith.constant 0 : i32
          %dma_wait3A_322 = arith.constant 0 : i32
          %dma_wait3A_323 = arith.constant 0 : i32
          %dma_wait3A_324 = arith.constant 0 : i32
          %dma_wait3A_325 = tpu.memref_slice %arg9[%dma_wait3A_321, %dma_wait3A_323, %dma_wait3A_324] : memref<3x128x64xf32, #tpu.memory_space<vmem>> -> memref<1x128x64xf32, #tpu.memory_space<vmem>>
          %dma_wait3A_326 = tpu.memref_squeeze %dma_wait3A_325 : memref<1x128x64xf32, #tpu.memory_space<vmem>> -> memref<128x64xf32, #tpu.memory_space<vmem>>
          %dma_wait3A_327 = arith.constant 0 : i32
          %dma_wait3A_328 = tpu.memref_slice %arg8[%sub3A_244, %dma_wait3A_327] : memref<79x128xi32, #tpu.memory_space<vmem>> -> memref<1x128xi32, #tpu.memory_space<vmem>>
          %dma_wait3A_329 = tpu.memref_squeeze %dma_wait3A_328 : memref<1x128xi32, #tpu.memory_space<vmem>> -> memref<128xi32, #tpu.memory_space<vmem>>
          %dma_wait3A_330 = arith.constant 0 : i32
          %dma_wait3A_331 = arith.constant 0 : i32
          %dma_wait3A_332 = tpu.memref_slice %arg12[%dma_wait3A_330, %dma_wait3A_331] : memref<10000x64xf32, #tpu.memory_space<vmem_shared>> -> memref<10000x64xf32, #tpu.memory_space<vmem_shared>>
          %dma_wait3A_333 = tpu.memref_slice %arg14[%dma_wait3A_322] : memref<3x!tpu.dma_semaphore, #tpu.memory_space<semaphore_mem>> -> memref<1x!tpu.dma_semaphore, #tpu.memory_space<semaphore_mem>>
          %dma_wait3A_334 = tpu.memref_squeeze %dma_wait3A_333 : memref<1x!tpu.dma_semaphore, #tpu.memory_space<semaphore_mem>> -> memref<!tpu.dma_semaphore, #tpu.memory_space<semaphore_mem>>
          tpu.wait_indirect_dma semaphore(%dma_wait3A_334 : memref<!tpu.dma_semaphore, #tpu.memory_space<semaphore_mem>>) src(%dma_wait3A_326 : memref<128x64xf32, #tpu.memory_space<vmem>>) dst(%dma_wait3A_332 : memref<10000x64xf32, #tpu.memory_space<vmem_shared>>)
        } else {
        }
        %dma_start3A_307 = arith.constant 0 : i32
        %dma_start3A_308 = arith.constant 0 : i32
        %dma_start3A_309 = arith.constant 0 : i32
        %dma_start3A_310 = arith.constant 0 : i32
        %dma_start3A_311 = tpu.memref_slice %arg9[%dma_start3A_307, %dma_start3A_309, %dma_start3A_310] : memref<3x128x64xf32, #tpu.memory_space<vmem>> -> memref<1x128x64xf32, #tpu.memory_space<vmem>>
        %dma_start3A_312 = tpu.memref_squeeze %dma_start3A_311 : memref<1x128x64xf32, #tpu.memory_space<vmem>> -> memref<128x64xf32, #tpu.memory_space<vmem>>
        %dma_start3A_313 = arith.constant 0 : i32
        %dma_start3A_314 = tpu.memref_slice %arg7[%sub3A_244, %dma_start3A_313] : memref<79x128xi32, #tpu.memory_space<vmem>> -> memref<1x128xi32, #tpu.memory_space<vmem>>
        %dma_start3A_315 = tpu.memref_squeeze %dma_start3A_314 : memref<1x128xi32, #tpu.memory_space<vmem>> -> memref<128xi32, #tpu.memory_space<vmem>>
        %dma_start3A_316 = arith.constant 0 : i32
        %dma_start3A_317 = arith.constant 0 : i32
        %dma_start3A_318 = tpu.memref_slice %arg11[%dma_start3A_316, %dma_start3A_317] : memref<10000x64xf32, #tpu.memory_space<vmem_shared>> -> memref<10000x64xf32, #tpu.memory_space<vmem_shared>>
        %dma_start3A_319 = tpu.memref_slice %arg13[%dma_start3A_308] : memref<3x!tpu.dma_semaphore, #tpu.memory_space<semaphore_mem>> -> memref<1x!tpu.dma_semaphore, #tpu.memory_space<semaphore_mem>>
        %dma_start3A_320 = tpu.memref_squeeze %dma_start3A_319 : memref<1x!tpu.dma_semaphore, #tpu.memory_space<semaphore_mem>> -> memref<!tpu.dma_semaphore, #tpu.memory_space<semaphore_mem>>
        tpu.enqueue_indirect_dma source(%dma_start3A_318 : memref<10000x64xf32, #tpu.memory_space<vmem_shared>>) target(%dma_start3A_312 : memref<128x64xf32, #tpu.memory_space<vmem>>) offsets(%dma_start3A_315 : memref<128xi32, #tpu.memory_space<vmem>>) semaphore(%dma_start3A_320 : memref<!tpu.dma_semaphore, #tpu.memory_space<semaphore_mem>>)
      } else {
      }
      %dma_start3A_250 = arith.constant 1 : i32
      %dma_start3A_251 = arith.constant 1 : i32
      %dma_start3A_252 = arith.constant 0 : i32
      %dma_start3A_253 = arith.constant 0 : i32
      %dma_start3A_254 = tpu.memref_slice %arg9[%dma_start3A_250, %dma_start3A_252, %dma_start3A_253] : memref<3x128x64xf32, #tpu.memory_space<vmem>> -> memref<1x128x64xf32, #tpu.memory_space<vmem>>
      %dma_start3A_255 = tpu.memref_squeeze %dma_start3A_254 : memref<1x128x64xf32, #tpu.memory_space<vmem>> -> memref<128x64xf32, #tpu.memory_space<vmem>>
      %dma_start3A_256 = arith.constant 0 : i32
      %dma_start3A_257 = tpu.memref_slice %arg8[%add3A_226, %dma_start3A_256] : memref<79x128xi32, #tpu.memory_space<vmem>> -> memref<1x128xi32, #tpu.memory_space<vmem>>
      %dma_start3A_258 = tpu.memref_squeeze %dma_start3A_257 : memref<1x128xi32, #tpu.memory_space<vmem>> -> memref<128xi32, #tpu.memory_space<vmem>>
      %dma_start3A_259 = arith.constant 0 : i32
      %dma_start3A_260 = arith.constant 0 : i32
      %dma_start3A_261 = tpu.memref_slice %arg12[%dma_start3A_259, %dma_start3A_260] : memref<10000x64xf32, #tpu.memory_space<vmem_shared>> -> memref<10000x64xf32, #tpu.memory_space<vmem_shared>>
      %dma_start3A_262 = tpu.memref_slice %arg14[%dma_start3A_251] : memref<3x!tpu.dma_semaphore, #tpu.memory_space<semaphore_mem>> -> memref<1x!tpu.dma_semaphore, #tpu.memory_space<semaphore_mem>>
      %dma_start3A_263 = tpu.memref_squeeze %dma_start3A_262 : memref<1x!tpu.dma_semaphore, #tpu.memory_space<semaphore_mem>> -> memref<!tpu.dma_semaphore, #tpu.memory_space<semaphore_mem>>
      tpu.enqueue_indirect_dma source(%dma_start3A_255 : memref<128x64xf32, #tpu.memory_space<vmem>>) target(%dma_start3A_261 : memref<10000x64xf32, #tpu.memory_space<vmem_shared>>) offsets(%dma_start3A_258 : memref<128xi32, #tpu.memory_space<vmem>>) semaphore(%dma_start3A_263 : memref<!tpu.dma_semaphore, #tpu.memory_space<semaphore_mem>>) {add = true}
      %add3A_264 = arith.constant 2 : i32
      %add3A_265 = arith.addi %mul3A_186, %add3A_264 : i32
      %dma_wait3A_266 = arith.constant 2 : i32
      %dma_wait3A_267 = arith.constant 2 : i32
      %dma_wait3A_268 = arith.constant 0 : i32
      %dma_wait3A_269 = arith.constant 0 : i32
      %dma_wait3A_270 = tpu.memref_slice %arg9[%dma_wait3A_266, %dma_wait3A_268, %dma_wait3A_269] : memref<3x128x64xf32, #tpu.memory_space<vmem>> -> memref<1x128x64xf32, #tpu.memory_space<vmem>>
      %dma_wait3A_271 = tpu.memref_squeeze %dma_wait3A_270 : memref<1x128x64xf32, #tpu.memory_space<vmem>> -> memref<128x64xf32, #tpu.memory_space<vmem>>
      %dma_wait3A_272 = arith.constant 0 : i32
      %dma_wait3A_273 = tpu.memref_slice %arg7[%add3A_265, %dma_wait3A_272] : memref<79x128xi32, #tpu.memory_space<vmem>> -> memref<1x128xi32, #tpu.memory_space<vmem>>
      %dma_wait3A_274 = tpu.memref_squeeze %dma_wait3A_273 : memref<1x128xi32, #tpu.memory_space<vmem>> -> memref<128xi32, #tpu.memory_space<vmem>>
      %dma_wait3A_275 = arith.constant 0 : i32
      %dma_wait3A_276 = arith.constant 0 : i32
      %dma_wait3A_277 = tpu.memref_slice %arg11[%dma_wait3A_275, %dma_wait3A_276] : memref<10000x64xf32, #tpu.memory_space<vmem_shared>> -> memref<10000x64xf32, #tpu.memory_space<vmem_shared>>
      %dma_wait3A_278 = tpu.memref_slice %arg13[%dma_wait3A_267] : memref<3x!tpu.dma_semaphore, #tpu.memory_space<semaphore_mem>> -> memref<1x!tpu.dma_semaphore, #tpu.memory_space<semaphore_mem>>
      %dma_wait3A_279 = tpu.memref_squeeze %dma_wait3A_278 : memref<1x!tpu.dma_semaphore, #tpu.memory_space<semaphore_mem>> -> memref<!tpu.dma_semaphore, #tpu.memory_space<semaphore_mem>>
      tpu.wait_indirect_dma semaphore(%dma_wait3A_279 : memref<!tpu.dma_semaphore, #tpu.memory_space<semaphore_mem>>) src(%dma_wait3A_277 : memref<10000x64xf32, #tpu.memory_space<vmem_shared>>) dst(%dma_wait3A_271 : memref<128x64xf32, #tpu.memory_space<vmem>>)
      %add3A_280 = arith.constant 3 : i32
      %add3A_281 = arith.addi %add3A_265, %add3A_280 : i32
      %sub3A_282 = arith.constant 1 : i32
      %sub3A_283 = arith.subi %add3A_281, %sub3A_282 : i32
      %lt3A_284 = arith.constant 78 : i32
      %lt3A_285 = arith.cmpi slt, %sub3A_283, %lt3A_284 : i32
      %convert_element_type3A_286 = arith.extui %lt3A_285 : i1 to i32
      %cond3A_287 = arith.constant 0 : i32
      %cond3A_288 = arith.cmpi ne, %convert_element_type3A_286, %cond3A_287 : i32
      scf.if %cond3A_288 {
        %ge3A = arith.constant 1 : i32
        %ge3A_303 = arith.cmpi sge, %add3A_265, %ge3A : i32
        %convert_element_type3A_304 = arith.extui %ge3A_303 : i1 to i32
        %cond3A_305 = arith.constant 0 : i32
        %cond3A_306 = arith.cmpi ne, %convert_element_type3A_304, %cond3A_305 : i32
        scf.if %cond3A_306 {
          %dma_wait3A_321 = arith.constant 1 : i32
          %dma_wait3A_322 = arith.constant 1 : i32
          %dma_wait3A_323 = arith.constant 0 : i32
          %dma_wait3A_324 = arith.constant 0 : i32
          %dma_wait3A_325 = tpu.memref_slice %arg9[%dma_wait3A_321, %dma_wait3A_323, %dma_wait3A_324] : memref<3x128x64xf32, #tpu.memory_space<vmem>> -> memref<1x128x64xf32, #tpu.memory_space<vmem>>
          %dma_wait3A_326 = tpu.memref_squeeze %dma_wait3A_325 : memref<1x128x64xf32, #tpu.memory_space<vmem>> -> memref<128x64xf32, #tpu.memory_space<vmem>>
          %dma_wait3A_327 = arith.constant 0 : i32
          %dma_wait3A_328 = tpu.memref_slice %arg8[%sub3A_283, %dma_wait3A_327] : memref<79x128xi32, #tpu.memory_space<vmem>> -> memref<1x128xi32, #tpu.memory_space<vmem>>
          %dma_wait3A_329 = tpu.memref_squeeze %dma_wait3A_328 : memref<1x128xi32, #tpu.memory_space<vmem>> -> memref<128xi32, #tpu.memory_space<vmem>>
          %dma_wait3A_330 = arith.constant 0 : i32
          %dma_wait3A_331 = arith.constant 0 : i32
          %dma_wait3A_332 = tpu.memref_slice %arg12[%dma_wait3A_330, %dma_wait3A_331] : memref<10000x64xf32, #tpu.memory_space<vmem_shared>> -> memref<10000x64xf32, #tpu.memory_space<vmem_shared>>
          %dma_wait3A_333 = tpu.memref_slice %arg14[%dma_wait3A_322] : memref<3x!tpu.dma_semaphore, #tpu.memory_space<semaphore_mem>> -> memref<1x!tpu.dma_semaphore, #tpu.memory_space<semaphore_mem>>
          %dma_wait3A_334 = tpu.memref_squeeze %dma_wait3A_333 : memref<1x!tpu.dma_semaphore, #tpu.memory_space<semaphore_mem>> -> memref<!tpu.dma_semaphore, #tpu.memory_space<semaphore_mem>>
          tpu.wait_indirect_dma semaphore(%dma_wait3A_334 : memref<!tpu.dma_semaphore, #tpu.memory_space<semaphore_mem>>) src(%dma_wait3A_326 : memref<128x64xf32, #tpu.memory_space<vmem>>) dst(%dma_wait3A_332 : memref<10000x64xf32, #tpu.memory_space<vmem_shared>>)
        } else {
        }
        %dma_start3A_307 = arith.constant 1 : i32
        %dma_start3A_308 = arith.constant 1 : i32
        %dma_start3A_309 = arith.constant 0 : i32
        %dma_start3A_310 = arith.constant 0 : i32
        %dma_start3A_311 = tpu.memref_slice %arg9[%dma_start3A_307, %dma_start3A_309, %dma_start3A_310] : memref<3x128x64xf32, #tpu.memory_space<vmem>> -> memref<1x128x64xf32, #tpu.memory_space<vmem>>
        %dma_start3A_312 = tpu.memref_squeeze %dma_start3A_311 : memref<1x128x64xf32, #tpu.memory_space<vmem>> -> memref<128x64xf32, #tpu.memory_space<vmem>>
        %dma_start3A_313 = arith.constant 0 : i32
        %dma_start3A_314 = tpu.memref_slice %arg7[%sub3A_283, %dma_start3A_313] : memref<79x128xi32, #tpu.memory_space<vmem>> -> memref<1x128xi32, #tpu.memory_space<vmem>>
        %dma_start3A_315 = tpu.memref_squeeze %dma_start3A_314 : memref<1x128xi32, #tpu.memory_space<vmem>> -> memref<128xi32, #tpu.memory_space<vmem>>
        %dma_start3A_316 = arith.constant 0 : i32
        %dma_start3A_317 = arith.constant 0 : i32
        %dma_start3A_318 = tpu.memref_slice %arg11[%dma_start3A_316, %dma_start3A_317] : memref<10000x64xf32, #tpu.memory_space<vmem_shared>> -> memref<10000x64xf32, #tpu.memory_space<vmem_shared>>
        %dma_start3A_319 = tpu.memref_slice %arg13[%dma_start3A_308] : memref<3x!tpu.dma_semaphore, #tpu.memory_space<semaphore_mem>> -> memref<1x!tpu.dma_semaphore, #tpu.memory_space<semaphore_mem>>
        %dma_start3A_320 = tpu.memref_squeeze %dma_start3A_319 : memref<1x!tpu.dma_semaphore, #tpu.memory_space<semaphore_mem>> -> memref<!tpu.dma_semaphore, #tpu.memory_space<semaphore_mem>>
        tpu.enqueue_indirect_dma source(%dma_start3A_318 : memref<10000x64xf32, #tpu.memory_space<vmem_shared>>) target(%dma_start3A_312 : memref<128x64xf32, #tpu.memory_space<vmem>>) offsets(%dma_start3A_315 : memref<128xi32, #tpu.memory_space<vmem>>) semaphore(%dma_start3A_320 : memref<!tpu.dma_semaphore, #tpu.memory_space<semaphore_mem>>)
      } else {
      }
      %dma_start3A_289 = arith.constant 2 : i32
      %dma_start3A_290 = arith.constant 2 : i32
      %dma_start3A_291 = arith.constant 0 : i32
      %dma_start3A_292 = arith.constant 0 : i32
      %dma_start3A_293 = tpu.memref_slice %arg9[%dma_start3A_289, %dma_start3A_291, %dma_start3A_292] : memref<3x128x64xf32, #tpu.memory_space<vmem>> -> memref<1x128x64xf32, #tpu.memory_space<vmem>>
      %dma_start3A_294 = tpu.memref_squeeze %dma_start3A_293 : memref<1x128x64xf32, #tpu.memory_space<vmem>> -> memref<128x64xf32, #tpu.memory_space<vmem>>
      %dma_start3A_295 = arith.constant 0 : i32
      %dma_start3A_296 = tpu.memref_slice %arg8[%add3A_265, %dma_start3A_295] : memref<79x128xi32, #tpu.memory_space<vmem>> -> memref<1x128xi32, #tpu.memory_space<vmem>>
      %dma_start3A_297 = tpu.memref_squeeze %dma_start3A_296 : memref<1x128xi32, #tpu.memory_space<vmem>> -> memref<128xi32, #tpu.memory_space<vmem>>
      %dma_start3A_298 = arith.constant 0 : i32
      %dma_start3A_299 = arith.constant 0 : i32
      %dma_start3A_300 = tpu.memref_slice %arg12[%dma_start3A_298, %dma_start3A_299] : memref<10000x64xf32, #tpu.memory_space<vmem_shared>> -> memref<10000x64xf32, #tpu.memory_space<vmem_shared>>
      %dma_start3A_301 = tpu.memref_slice %arg14[%dma_start3A_290] : memref<3x!tpu.dma_semaphore, #tpu.memory_space<semaphore_mem>> -> memref<1x!tpu.dma_semaphore, #tpu.memory_space<semaphore_mem>>
      %dma_start3A_302 = tpu.memref_squeeze %dma_start3A_301 : memref<1x!tpu.dma_semaphore, #tpu.memory_space<semaphore_mem>> -> memref<!tpu.dma_semaphore, #tpu.memory_space<semaphore_mem>>
      tpu.enqueue_indirect_dma source(%dma_start3A_294 : memref<128x64xf32, #tpu.memory_space<vmem>>) target(%dma_start3A_300 : memref<10000x64xf32, #tpu.memory_space<vmem_shared>>) offsets(%dma_start3A_297 : memref<128xi32, #tpu.memory_space<vmem>>) semaphore(%dma_start3A_302 : memref<!tpu.dma_semaphore, #tpu.memory_space<semaphore_mem>>) {add = true}
    }
    %scan3A_129 = arith.constant 26 : i32
    %dma_wait3A = arith.constant 0 : i32
    %dma_wait3A_130 = arith.constant 0 : i32
    %dma_wait3A_131 = arith.constant 0 : i32
    %dma_wait3A_132 = arith.constant 0 : i32
    %dma_wait3A_133 = arith.constant 0 : i32
    %dma_wait3A_134 = tpu.memref_slice %arg9[%dma_wait3A, %dma_wait3A_132, %dma_wait3A_133] : memref<3x128x64xf32, #tpu.memory_space<vmem>> -> memref<1x128x64xf32, #tpu.memory_space<vmem>>
    %dma_wait3A_135 = tpu.memref_squeeze %dma_wait3A_134 : memref<1x128x64xf32, #tpu.memory_space<vmem>> -> memref<128x64xf32, #tpu.memory_space<vmem>>
    %dma_wait3A_136 = arith.constant 0 : i32
    %dma_wait3A_137 = tpu.memref_slice %arg8[%dma_wait3A_130, %dma_wait3A_136] : memref<79x128xi32, #tpu.memory_space<vmem>> -> memref<1x128xi32, #tpu.memory_space<vmem>>
    %dma_wait3A_138 = tpu.memref_squeeze %dma_wait3A_137 : memref<1x128xi32, #tpu.memory_space<vmem>> -> memref<128xi32, #tpu.memory_space<vmem>>
    %dma_wait3A_139 = arith.constant 0 : i32
    %dma_wait3A_140 = arith.constant 0 : i32
    %dma_wait3A_141 = tpu.memref_slice %arg12[%dma_wait3A_139, %dma_wait3A_140] : memref<10000x64xf32, #tpu.memory_space<vmem_shared>> -> memref<10000x64xf32, #tpu.memory_space<vmem_shared>>
    %dma_wait3A_142 = tpu.memref_slice %arg14[%dma_wait3A_131] : memref<3x!tpu.dma_semaphore, #tpu.memory_space<semaphore_mem>> -> memref<1x!tpu.dma_semaphore, #tpu.memory_space<semaphore_mem>>
    %dma_wait3A_143 = tpu.memref_squeeze %dma_wait3A_142 : memref<1x!tpu.dma_semaphore, #tpu.memory_space<semaphore_mem>> -> memref<!tpu.dma_semaphore, #tpu.memory_space<semaphore_mem>>
    tpu.wait_indirect_dma semaphore(%dma_wait3A_143 : memref<!tpu.dma_semaphore, #tpu.memory_space<semaphore_mem>>) src(%dma_wait3A_135 : memref<128x64xf32, #tpu.memory_space<vmem>>) dst(%dma_wait3A_141 : memref<10000x64xf32, #tpu.memory_space<vmem_shared>>)
    %dma_wait3A_144 = arith.constant 1 : i32
    %dma_wait3A_145 = arith.constant 1 : i32
    %dma_wait3A_146 = arith.constant 1 : i32
    %dma_wait3A_147 = arith.constant 0 : i32
    %dma_wait3A_148 = arith.constant 0 : i32
    %dma_wait3A_149 = tpu.memref_slice %arg9[%dma_wait3A_144, %dma_wait3A_147, %dma_wait3A_148] : memref<3x128x64xf32, #tpu.memory_space<vmem>> -> memref<1x128x64xf32, #tpu.memory_space<vmem>>
    %dma_wait3A_150 = tpu.memref_squeeze %dma_wait3A_149 : memref<1x128x64xf32, #tpu.memory_space<vmem>> -> memref<128x64xf32, #tpu.memory_space<vmem>>
    %dma_wait3A_151 = arith.constant 0 : i32
    %dma_wait3A_152 = tpu.memref_slice %arg8[%dma_wait3A_145, %dma_wait3A_151] : memref<79x128xi32, #tpu.memory_space<vmem>> -> memref<1x128xi32, #tpu.memory_space<vmem>>
    %dma_wait3A_153 = tpu.memref_squeeze %dma_wait3A_152 : memref<1x128xi32, #tpu.memory_space<vmem>> -> memref<128xi32, #tpu.memory_space<vmem>>
    %dma_wait3A_154 = arith.constant 0 : i32
    %dma_wait3A_155 = arith.constant 0 : i32
    %dma_wait3A_156 = tpu.memref_slice %arg12[%dma_wait3A_154, %dma_wait3A_155] : memref<10000x64xf32, #tpu.memory_space<vmem_shared>> -> memref<10000x64xf32, #tpu.memory_space<vmem_shared>>
    %dma_wait3A_157 = tpu.memref_slice %arg14[%dma_wait3A_146] : memref<3x!tpu.dma_semaphore, #tpu.memory_space<semaphore_mem>> -> memref<1x!tpu.dma_semaphore, #tpu.memory_space<semaphore_mem>>
    %dma_wait3A_158 = tpu.memref_squeeze %dma_wait3A_157 : memref<1x!tpu.dma_semaphore, #tpu.memory_space<semaphore_mem>> -> memref<!tpu.dma_semaphore, #tpu.memory_space<semaphore_mem>>
    tpu.wait_indirect_dma semaphore(%dma_wait3A_158 : memref<!tpu.dma_semaphore, #tpu.memory_space<semaphore_mem>>) src(%dma_wait3A_150 : memref<128x64xf32, #tpu.memory_space<vmem>>) dst(%dma_wait3A_156 : memref<10000x64xf32, #tpu.memory_space<vmem_shared>>)
    %dma_wait3A_159 = arith.constant 2 : i32
    %dma_wait3A_160 = arith.constant 2 : i32
    %dma_wait3A_161 = arith.constant 2 : i32
    %dma_wait3A_162 = arith.constant 0 : i32
    %dma_wait3A_163 = arith.constant 0 : i32
    %dma_wait3A_164 = tpu.memref_slice %arg9[%dma_wait3A_159, %dma_wait3A_162, %dma_wait3A_163] : memref<3x128x64xf32, #tpu.memory_space<vmem>> -> memref<1x128x64xf32, #tpu.memory_space<vmem>>
    %dma_wait3A_165 = tpu.memref_squeeze %dma_wait3A_164 : memref<1x128x64xf32, #tpu.memory_space<vmem>> -> memref<128x64xf32, #tpu.memory_space<vmem>>
    %dma_wait3A_166 = arith.constant 0 : i32
    %dma_wait3A_167 = tpu.memref_slice %arg8[%dma_wait3A_160, %dma_wait3A_166] : memref<79x128xi32, #tpu.memory_space<vmem>> -> memref<1x128xi32, #tpu.memory_space<vmem>>
    %dma_wait3A_168 = tpu.memref_squeeze %dma_wait3A_167 : memref<1x128xi32, #tpu.memory_space<vmem>> -> memref<128xi32, #tpu.memory_space<vmem>>
    %dma_wait3A_169 = arith.constant 0 : i32
    %dma_wait3A_170 = arith.constant 0 : i32
    %dma_wait3A_171 = tpu.memref_slice %arg12[%dma_wait3A_169, %dma_wait3A_170] : memref<10000x64xf32, #tpu.memory_space<vmem_shared>> -> memref<10000x64xf32, #tpu.memory_space<vmem_shared>>
    %dma_wait3A_172 = tpu.memref_slice %arg14[%dma_wait3A_161] : memref<3x!tpu.dma_semaphore, #tpu.memory_space<semaphore_mem>> -> memref<1x!tpu.dma_semaphore, #tpu.memory_space<semaphore_mem>>
    %dma_wait3A_173 = tpu.memref_squeeze %dma_wait3A_172 : memref<1x!tpu.dma_semaphore, #tpu.memory_space<semaphore_mem>> -> memref<!tpu.dma_semaphore, #tpu.memory_space<semaphore_mem>>
    tpu.wait_indirect_dma semaphore(%dma_wait3A_173 : memref<!tpu.dma_semaphore, #tpu.memory_space<semaphore_mem>>) src(%dma_wait3A_165 : memref<128x64xf32, #tpu.memory_space<vmem>>) dst(%dma_wait3A_171 : memref<10000x64xf32, #tpu.memory_space<vmem_shared>>)
    %lt3A_174 = arith.constant 4 : i32
    %lt3A_175 = arith.cmpi slt, %add3A_86, %lt3A_174 : i32
    %convert_element_type3A_176 = arith.extui %lt3A_175 : i1 to i32
    %cond3A_177 = arith.constant 0 : i32
    %cond3A_178 = arith.cmpi ne, %convert_element_type3A_176, %cond3A_177 : i32
    scf.if %cond3A_178 {
      %dma_start3A_184 = arith.constant 78 : i32
      %dma_start3A_185 = arith.constant 0 : i32
      %dma_start3A_186 = arith.constant 0 : i32
      %dma_start3A_187 = arith.constant 0 : i32
      %dma_start3A_188 = arith.constant 0 : i32
      %dma_start3A_189 = tpu.memref_slice %arg9[%dma_start3A_185, %dma_start3A_187, %dma_start3A_188] : memref<3x128x64xf32, #tpu.memory_space<vmem>> -> memref<1x128x64xf32, #tpu.memory_space<vmem>>
      %dma_start3A_190 = tpu.memref_squeeze %dma_start3A_189 : memref<1x128x64xf32, #tpu.memory_space<vmem>> -> memref<128x64xf32, #tpu.memory_space<vmem>>
      %dma_start3A_191 = arith.constant 0 : i32
      %dma_start3A_192 = tpu.memref_slice %arg7[%dma_start3A_184, %dma_start3A_191] : memref<79x128xi32, #tpu.memory_space<vmem>> -> memref<1x128xi32, #tpu.memory_space<vmem>>
      %dma_start3A_193 = tpu.memref_squeeze %dma_start3A_192 : memref<1x128xi32, #tpu.memory_space<vmem>> -> memref<128xi32, #tpu.memory_space<vmem>>
      %dma_start3A_194 = arith.constant 0 : i32
      %dma_start3A_195 = arith.constant 0 : i32
      %dma_start3A_196 = tpu.memref_slice %arg11[%dma_start3A_194, %dma_start3A_195] : memref<10000x64xf32, #tpu.memory_space<vmem_shared>> -> memref<10000x64xf32, #tpu.memory_space<vmem_shared>>
      %dma_start3A_197 = tpu.memref_slice %arg13[%dma_start3A_186] : memref<3x!tpu.dma_semaphore, #tpu.memory_space<semaphore_mem>> -> memref<1x!tpu.dma_semaphore, #tpu.memory_space<semaphore_mem>>
      %dma_start3A_198 = tpu.memref_squeeze %dma_start3A_197 : memref<1x!tpu.dma_semaphore, #tpu.memory_space<semaphore_mem>> -> memref<!tpu.dma_semaphore, #tpu.memory_space<semaphore_mem>>
      tpu.enqueue_indirect_dma source(%dma_start3A_196 : memref<10000x64xf32, #tpu.memory_space<vmem_shared>>) target(%dma_start3A_190 : memref<128x64xf32, #tpu.memory_space<vmem>>) offsets(%dma_start3A_193 : memref<128xi32, #tpu.memory_space<vmem>>) semaphore(%dma_start3A_198 : memref<!tpu.dma_semaphore, #tpu.memory_space<semaphore_mem>>)
      %dma_wait3A_199 = arith.constant 78 : i32
      %dma_wait3A_200 = arith.constant 0 : i32
      %dma_wait3A_201 = arith.constant 0 : i32
      %dma_wait3A_202 = arith.constant 0 : i32
      %dma_wait3A_203 = arith.constant 0 : i32
      %dma_wait3A_204 = tpu.memref_slice %arg9[%dma_wait3A_200, %dma_wait3A_202, %dma_wait3A_203] : memref<3x128x64xf32, #tpu.memory_space<vmem>> -> memref<1x128x64xf32, #tpu.memory_space<vmem>>
      %dma_wait3A_205 = tpu.memref_squeeze %dma_wait3A_204 : memref<1x128x64xf32, #tpu.memory_space<vmem>> -> memref<128x64xf32, #tpu.memory_space<vmem>>
      %dma_wait3A_206 = arith.constant 0 : i32
      %dma_wait3A_207 = tpu.memref_slice %arg7[%dma_wait3A_199, %dma_wait3A_206] : memref<79x128xi32, #tpu.memory_space<vmem>> -> memref<1x128xi32, #tpu.memory_space<vmem>>
      %dma_wait3A_208 = tpu.memref_squeeze %dma_wait3A_207 : memref<1x128xi32, #tpu.memory_space<vmem>> -> memref<128xi32, #tpu.memory_space<vmem>>
      %dma_wait3A_209 = arith.constant 0 : i32
      %dma_wait3A_210 = arith.constant 0 : i32
      %dma_wait3A_211 = tpu.memref_slice %arg11[%dma_wait3A_209, %dma_wait3A_210] : memref<10000x64xf32, #tpu.memory_space<vmem_shared>> -> memref<10000x64xf32, #tpu.memory_space<vmem_shared>>
      %dma_wait3A_212 = tpu.memref_slice %arg13[%dma_wait3A_201] : memref<3x!tpu.dma_semaphore, #tpu.memory_space<semaphore_mem>> -> memref<1x!tpu.dma_semaphore, #tpu.memory_space<semaphore_mem>>
      %dma_wait3A_213 = tpu.memref_squeeze %dma_wait3A_212 : memref<1x!tpu.dma_semaphore, #tpu.memory_space<semaphore_mem>> -> memref<!tpu.dma_semaphore, #tpu.memory_space<semaphore_mem>>
      tpu.wait_indirect_dma semaphore(%dma_wait3A_213 : memref<!tpu.dma_semaphore, #tpu.memory_space<semaphore_mem>>) src(%dma_wait3A_211 : memref<10000x64xf32, #tpu.memory_space<vmem_shared>>) dst(%dma_wait3A_205 : memref<128x64xf32, #tpu.memory_space<vmem>>)
      %run_scoped3A_214 = arith.constant 0 : i32
      %run_scoped3A_215 = arith.constant 78 : i32
      "tpu.region"() ({
        %run_scoped3A_216 = tpu.sem_alloc : memref<!tpu.dma_semaphore, #tpu.memory_space<semaphore_mem>>
        %dma_start3A_217 = arith.constant 0 : i32
        %dma_start3A_218 = arith.constant 0 : i32
        %dma_start3A_219 = tpu.memref_slice %arg9[%run_scoped3A_214, %dma_start3A_217, %dma_start3A_218] : memref<3x128x64xf32, #tpu.memory_space<vmem>> -> memref<1x128x64xf32, #tpu.memory_space<vmem>>
        %dma_start3A_220 = tpu.memref_squeeze %dma_start3A_219 : memref<1x128x64xf32, #tpu.memory_space<vmem>> -> memref<128x64xf32, #tpu.memory_space<vmem>>
        %dma_start3A_221 = arith.constant 0 : i32
        %dma_start3A_222 = tpu.memref_slice %arg8[%run_scoped3A_215, %dma_start3A_221] : memref<79x128xi32, #tpu.memory_space<vmem>> -> memref<1x128xi32, #tpu.memory_space<vmem>>
        %dma_start3A_223 = tpu.memref_squeeze %dma_start3A_222 : memref<1x128xi32, #tpu.memory_space<vmem>> -> memref<128xi32, #tpu.memory_space<vmem>>
        %dma_start3A_224 = arith.constant 0 : i32
        %dma_start3A_225 = arith.constant 0 : i32
        %dma_start3A_226 = tpu.memref_slice %arg12[%dma_start3A_224, %dma_start3A_225] : memref<10000x64xf32, #tpu.memory_space<vmem_shared>> -> memref<10000x64xf32, #tpu.memory_space<vmem_shared>>
        tpu.enqueue_indirect_dma source(%dma_start3A_220 : memref<128x64xf32, #tpu.memory_space<vmem>>) target(%dma_start3A_226 : memref<10000x64xf32, #tpu.memory_space<vmem_shared>>) offsets(%dma_start3A_223 : memref<128xi32, #tpu.memory_space<vmem>>) semaphore(%run_scoped3A_216 : memref<!tpu.dma_semaphore, #tpu.memory_space<semaphore_mem>>) {add = true}
        %dma_wait3A_227 = arith.constant 0 : i32
        %dma_wait3A_228 = arith.constant 0 : i32
        %dma_wait3A_229 = tpu.memref_slice %arg9[%run_scoped3A_214, %dma_wait3A_227, %dma_wait3A_228] : memref<3x128x64xf32, #tpu.memory_space<vmem>> -> memref<1x128x64xf32, #tpu.memory_space<vmem>>
        %dma_wait3A_230 = tpu.memref_squeeze %dma_wait3A_229 : memref<1x128x64xf32, #tpu.memory_space<vmem>> -> memref<128x64xf32, #tpu.memory_space<vmem>>
        %dma_wait3A_231 = arith.constant 0 : i32
        %dma_wait3A_232 = tpu.memref_slice %arg8[%run_scoped3A_215, %dma_wait3A_231] : memref<79x128xi32, #tpu.memory_space<vmem>> -> memref<1x128xi32, #tpu.memory_space<vmem>>
        %dma_wait3A_233 = tpu.memref_squeeze %dma_wait3A_232 : memref<1x128xi32, #tpu.memory_space<vmem>> -> memref<128xi32, #tpu.memory_space<vmem>>
        %dma_wait3A_234 = arith.constant 0 : i32
        %dma_wait3A_235 = arith.constant 0 : i32
        %dma_wait3A_236 = tpu.memref_slice %arg12[%dma_wait3A_234, %dma_wait3A_235] : memref<10000x64xf32, #tpu.memory_space<vmem_shared>> -> memref<10000x64xf32, #tpu.memory_space<vmem_shared>>
        tpu.wait_indirect_dma semaphore(%run_scoped3A_216 : memref<!tpu.dma_semaphore, #tpu.memory_space<semaphore_mem>>) src(%dma_wait3A_230 : memref<128x64xf32, #tpu.memory_space<vmem>>) dst(%dma_wait3A_236 : memref<10000x64xf32, #tpu.memory_space<vmem_shared>>)
        tpu.yield
      }) : () -> ()
    } else {
    }
    %barrier3A_179 = arith.constant 0 : index
    tpu.barrier barrier_id(%barrier3A_179)
    %mul3A_180 = arith.constant 625 : i32
    %mul3A_181 = arith.muli %arg1, %mul3A_180 : i32
    %mul3A_182 = arith.constant 625 : i32
    %mul3A_183 = arith.muli %arg1, %mul3A_182 : i32
    "tpu.region"() ({
      %run_scoped3A_184 = tpu.sem_alloc : memref<!tpu.dma_semaphore, #tpu.memory_space<semaphore_mem>>
      %dma_start3A_185 = arith.constant 0 : i32
      %dma_start3A_186 = tpu.memref_slice %arg6[%arg0, %mul3A_183, %dma_start3A_185] : memref<2x10000x64xf32, #tpu.memory_space<hbm>> -> memref<1x625x64xf32, #tpu.memory_space<hbm>>
      %dma_start3A_187 = tpu.memref_squeeze %dma_start3A_186 : memref<1x625x64xf32, #tpu.memory_space<hbm>> -> memref<625x64xf32, #tpu.memory_space<hbm>>
      %dma_start3A_188 = arith.constant 0 : i32
      %dma_start3A_189 = tpu.memref_slice %arg12[%mul3A_181, %dma_start3A_188] : memref<10000x64xf32, #tpu.memory_space<vmem_shared>> -> memref<625x64xf32, #tpu.memory_space<vmem_shared>>
      tpu.enqueue_dma source(%dma_start3A_189 : memref<625x64xf32, #tpu.memory_space<vmem_shared>>) target(%dma_start3A_187 : memref<625x64xf32, #tpu.memory_space<hbm>>) target_semaphore(%run_scoped3A_184 : memref<!tpu.dma_semaphore, #tpu.memory_space<semaphore_mem>>)
      %dma_wait3A_190 = arith.constant 0 : i32
      %dma_wait3A_191 = tpu.memref_slice %arg6[%arg0, %mul3A_183, %dma_wait3A_190] : memref<2x10000x64xf32, #tpu.memory_space<hbm>> -> memref<1x625x64xf32, #tpu.memory_space<hbm>>
      %dma_wait3A_192 = tpu.memref_squeeze %dma_wait3A_191 : memref<1x625x64xf32, #tpu.memory_space<hbm>> -> memref<625x64xf32, #tpu.memory_space<hbm>>
      %dma_wait3A_193 = arith.constant 0 : i32
      %dma_wait3A_194 = tpu.memref_slice %arg12[%mul3A_181, %dma_wait3A_193] : memref<10000x64xf32, #tpu.memory_space<vmem_shared>> -> memref<625x64xf32, #tpu.memory_space<vmem_shared>>
      tpu.wait_dma2 semaphore(%run_scoped3A_184 : memref<!tpu.dma_semaphore, #tpu.memory_space<semaphore_mem>>) src(%dma_wait3A_194 : memref<625x64xf32, #tpu.memory_space<vmem_shared>>) dst(%dma_wait3A_192 : memref<625x64xf32, #tpu.memory_space<hbm>>)
      tpu.yield
    }) : () -> ()
    return
  }
}

module attributes {stable_mosaic.version = 14 : i64} {
  func.func @_mm1_body(%arg0: i32, %arg1: memref<1000x128xf32, #tpu.memory_space<vmem>>, %arg2: memref<128x64xf32, #tpu.memory_space<vmem>>, %arg3: memref<1000x64xf32, #tpu.memory_space<vmem>>) attributes {dimension_semantics = [#tpu.dimension_semantics<arbitrary>], iteration_bounds = array<i64: 10>, scalar_prefetch = 0 : i64, scratch_operands = 0 : i64, tpu.core_type = #tpu.core_type<tc>, window_params = [{transform_indices = @transform_0, window_bounds = array<i64: 1000, 128>}, {pipeline_mode = #tpu.pipeline_mode<synchronous>, transform_indices = @transform_1, window_bounds = array<i64: 128, 64>}, {transform_indices = @transform_2, window_bounds = array<i64: 1000, 64>}]} {
    %get3A = arith.constant 0 : index
    %get3A_0 = arith.constant 0 : index
    %get3A_1 = vector.load %arg1[%get3A, %get3A_0] : memref<1000x128xf32, #tpu.memory_space<vmem>>, vector<1000x128xf32>
    %get3A_2 = arith.constant 0 : index
    %get3A_3 = arith.constant 0 : index
    %get3A_4 = vector.load %arg2[%get3A_2, %get3A_3] : memref<128x64xf32, #tpu.memory_space<vmem>>, vector<128x64xf32>
    %dot_general3A = arith.constant dense<0.000000e+00> : vector<1000x64xf32>
    %dot_general3A_5 = tpu.matmul %get3A_1, %get3A_4, %dot_general3A {dimension_numbers = #tpu.dot_dimension_numbers<[1], [0], [0], [1], [0, 0, 1, 1], [], []>, transpose_lhs_hint = false} : vector<1000x128xf32>, vector<128x64xf32>, vector<1000x64xf32> -> vector<1000x64xf32>
    %swap3A = arith.constant 0 : index
    %swap3A_6 = arith.constant 0 : index
    %swap3A_7 = vector.load %arg3[%swap3A, %swap3A_6] : memref<1000x64xf32, #tpu.memory_space<vmem>>, vector<1000x64xf32>
    tpu.vector_store %arg3[%swap3A, %swap3A_6], %dot_general3A_5 {strides = array<i32>} : memref<1000x64xf32, #tpu.memory_space<vmem>>, vector<1000x64xf32>,
    return
  }
  func.func @transform_0(%arg0: i32) -> (i32, i32) {
    %c0_i32 = arith.constant 0 : i32
    %c0_i32_0 = arith.constant 0 : i32
    return %arg0, %c0_i32 : i32, i32
  }
  func.func @transform_1(%arg0: i32) -> (i32, i32) {
    %c0_i32 = arith.constant 0 : i32
    %c0_i32_0 = arith.constant 0 : i32
    %c0_i32_1 = arith.constant 0 : i32
    return %c0_i32, %c0_i32_0 : i32, i32
  }
  func.func @transform_2(%arg0: i32) -> (i32, i32) {
    %c0_i32 = arith.constant 0 : i32
    %c0_i32_0 = arith.constant 0 : i32
    return %arg0, %c0_i32 : i32, i32
  }
}

module attributes {stable_mosaic.version = 14 : i64} {
  func.func @_head_body(%arg0: i32, %arg1: memref<1x10000x64xf32, #tpu.memory_space<vmem>>, %arg2: memref<1x10000x64xf32, #tpu.memory_space<vmem>>, %arg3: memref<64x64xf32, #tpu.memory_space<vmem>>, %arg4: memref<1x64xf32, #tpu.memory_space<vmem>>, %arg5: memref<10000x1xi32, #tpu.memory_space<vmem>>, %arg6: memref<64x32xf32, #tpu.memory_space<vmem>>, %arg7: memref<1x32xf32, #tpu.memory_space<vmem>>, %arg8: memref<32x10xf32, #tpu.memory_space<vmem>>, %arg9: memref<1x10xf32, #tpu.memory_space<vmem>>, %arg10: memref<64x10xf32, #tpu.memory_space<vmem>>) attributes {dimension_semantics = [#tpu.dimension_semantics<arbitrary>], iteration_bounds = array<i64: 1>, scalar_prefetch = 0 : i64, scratch_operands = 0 : i64, tpu.core_type = #tpu.core_type<tc>, window_params = [{transform_indices = @transform_0, window_bounds = array<i64: 1, 10000, 64>}, {transform_indices = @transform_1, window_bounds = array<i64: 1, 10000, 64>}, {pipeline_mode = #tpu.pipeline_mode<synchronous>, transform_indices = @transform_2, window_bounds = array<i64: 64, 64>}, {pipeline_mode = #tpu.pipeline_mode<synchronous>, transform_indices = @transform_3, window_bounds = array<i64: 1, 64>}, {pipeline_mode = #tpu.pipeline_mode<synchronous>, transform_indices = @transform_4, window_bounds = array<i64: 10000, 1>}, {pipeline_mode = #tpu.pipeline_mode<synchronous>, transform_indices = @transform_5, window_bounds = array<i64: 64, 32>}, {pipeline_mode = #tpu.pipeline_mode<synchronous>, transform_indices = @transform_6, window_bounds = array<i64: 1, 32>}, {pipeline_mode = #tpu.pipeline_mode<synchronous>, transform_indices = @transform_7, window_bounds = array<i64: 32, 10>}, {pipeline_mode = #tpu.pipeline_mode<synchronous>, transform_indices = @transform_8, window_bounds = array<i64: 1, 10>}, {pipeline_mode = #tpu.pipeline_mode<synchronous>, transform_indices = @transform_9, window_bounds = array<i64: 64, 10>}]} {
    %get3A = arith.constant 0 : index
    %get3A_0 = arith.constant 0 : index
    %get3A_1 = arith.constant 0 : index
    %get3A_2 = vector.load %arg1[%get3A, %get3A_0, %get3A_1] : memref<1x10000x64xf32, #tpu.memory_space<vmem>>, vector<1x10000x64xf32>
    %get3A_3 = vector.shape_cast %get3A_2 : vector<1x10000x64xf32> to vector<10000x64xf32>
    %get3A_4 = arith.constant 0 : index
    %get3A_5 = arith.constant 0 : index
    %get3A_6 = arith.constant 0 : index
    %get3A_7 = vector.load %arg2[%get3A_4, %get3A_5, %get3A_6] : memref<1x10000x64xf32, #tpu.memory_space<vmem>>, vector<1x10000x64xf32>
    %get3A_8 = vector.shape_cast %get3A_7 : vector<1x10000x64xf32> to vector<10000x64xf32>
    %add3A = arith.addf %get3A_3, %get3A_8 : vector<10000x64xf32>
    %get3A_9 = arith.constant 0 : index
    %get3A_10 = arith.constant 0 : index
    %get3A_11 = vector.load %arg3[%get3A_9, %get3A_10] : memref<64x64xf32, #tpu.memory_space<vmem>>, vector<64x64xf32>
    %dot_general3A = arith.constant dense<0.000000e+00> : vector<10000x64xf32>
    %dot_general3A_12 = tpu.matmul %add3A, %get3A_11, %dot_general3A {dimension_numbers = #tpu.dot_dimension_numbers<[1], [0], [0], [1], [0, 0, 1, 1], [], []>, transpose_lhs_hint = false} : vector<10000x64xf32>, vector<64x64xf32>, vector<10000x64xf32> -> vector<10000x64xf32>
    %get3A_13 = arith.constant 0 : index
    %get3A_14 = arith.constant 0 : index
    %get3A_15 = vector.load %arg4[%get3A_13, %get3A_14] : memref<1x64xf32, #tpu.memory_space<vmem>>, vector<1x64xf32>
    %add3A_16 = vector.broadcast %get3A_15 : vector<1x64xf32> to vector<10000x64xf32>
    %add3A_17 = arith.addf %dot_general3A_12, %add3A_16 : vector<10000x64xf32>
    %max3A = arith.constant 0.000000e+00 : f32
    %max3A_18 = vector.broadcast %max3A : f32 to vector<10000x64xf32>
    %max3A_19 = arith.maximumf %add3A_17, %max3A_18 : vector<10000x64xf32>
    %iota3A = tpu.iota {dimensions = array<i32: 1>} : vector<10000x64xi32>
    %get3A_20 = arith.constant 0 : index
    %get3A_21 = arith.constant 0 : index
    %get3A_22 = vector.load %arg5[%get3A_20, %get3A_21] : memref<10000x1xi32, #tpu.memory_space<vmem>>, vector<10000x1xi32>
    %eq3A = vector.broadcast %get3A_22 : vector<10000x1xi32> to vector<10000x64xi32>
    %eq3A_23 = arith.cmpi eq, %eq3A, %iota3A : vector<10000x64xi32>
    %jit3A = arith.constant 1.000000e+00 : f32
    %jit3A_24 = arith.constant 0.000000e+00 : f32
    %broadcast_in_dim3A = vector.broadcast %jit3A : f32 to vector<10000x64xf32>
    %broadcast_in_dim3A_25 = vector.broadcast %jit3A_24 : f32 to vector<10000x64xf32>
    %select_n3A = arith.select %eq3A_23, %broadcast_in_dim3A, %broadcast_in_dim3A_25 : vector<10000x64xi1>, vector<10000x64xf32>
    %dot_general3A_26 = arith.constant dense<0.000000e+00> : vector<64x64xf32>
    %dot_general3A_27 = tpu.matmul %select_n3A, %max3A_19, %dot_general3A_26 {dimension_numbers = #tpu.dot_dimension_numbers<[0], [0], [1], [1], [0, 1, 1, 1], [], []>, transpose_lhs_hint = false} : vector<10000x64xf32>, vector<10000x64xf32>, vector<64x64xf32> -> vector<64x64xf32>
    %broadcast_in_dim3A_28 = arith.constant 1.000000e+00 : f32
    %broadcast_in_dim3A_29 = vector.broadcast %broadcast_in_dim3A_28 : f32 to vector<10000x8xf32>
    %dot_general3A_30 = arith.constant dense<0.000000e+00> : vector<64x8xf32>
    %dot_general3A_31 = tpu.matmul %select_n3A, %broadcast_in_dim3A_29, %dot_general3A_30 {dimension_numbers = #tpu.dot_dimension_numbers<[0], [0], [1], [1], [0, 1, 1, 1], [], []>, transpose_lhs_hint = false} : vector<10000x64xf32>, vector<10000x8xf32>, vector<64x8xf32> -> vector<64x8xf32>
    %slice3A = vector.extract_strided_slice %dot_general3A_31 {offsets = [0, 0], sizes = [64, 1], strides = [1, 1]} : vector<64x8xf32> to vector<64x1xf32>
    %max3A_32 = arith.constant 1.000000e+00 : f32
    %max3A_33 = vector.broadcast %max3A_32 : f32 to vector<64x1xf32>
    %max3A_34 = arith.maximumf %slice3A, %max3A_33 : vector<64x1xf32>
    %div3A = vector.broadcast %max3A_34 : vector<64x1xf32> to vector<64x64xf32>
    %div3A_35 = arith.divf %dot_general3A_27, %div3A : vector<64x64xf32>
    %get3A_36 = arith.constant 0 : index
    %get3A_37 = arith.constant 0 : index
    %get3A_38 = vector.load %arg6[%get3A_36, %get3A_37] : memref<64x32xf32, #tpu.memory_space<vmem>>, vector<64x32xf32>
    %dot_general3A_39 = arith.constant dense<0.000000e+00> : vector<64x32xf32>
    %dot_general3A_40 = tpu.matmul %div3A_35, %get3A_38, %dot_general3A_39 {dimension_numbers = #tpu.dot_dimension_numbers<[1], [0], [0], [1], [0, 0, 1, 1], [], []>, transpose_lhs_hint = false} : vector<64x64xf32>, vector<64x32xf32>, vector<64x32xf32> -> vector<64x32xf32>
    %get3A_41 = arith.constant 0 : index
    %get3A_42 = arith.constant 0 : index
    %get3A_43 = vector.load %arg7[%get3A_41, %get3A_42] : memref<1x32xf32, #tpu.memory_space<vmem>>, vector<1x32xf32>
    %add3A_44 = vector.broadcast %get3A_43 : vector<1x32xf32> to vector<64x32xf32>
    %add3A_45 = arith.addf %dot_general3A_40, %add3A_44 : vector<64x32xf32>
    %max3A_46 = arith.constant 0.000000e+00 : f32
    %max3A_47 = vector.broadcast %max3A_46 : f32 to vector<64x32xf32>
    %max3A_48 = arith.maximumf %add3A_45, %max3A_47 : vector<64x32xf32>
    %get3A_49 = arith.constant 0 : index
    %get3A_50 = arith.constant 0 : index
    %get3A_51 = vector.load %arg8[%get3A_49, %get3A_50] : memref<32x10xf32, #tpu.memory_space<vmem>>, vector<32x10xf32>
    %dot_general3A_52 = arith.constant dense<0.000000e+00> : vector<64x10xf32>
    %dot_general3A_53 = tpu.matmul %max3A_48, %get3A_51, %dot_general3A_52 {dimension_numbers = #tpu.dot_dimension_numbers<[1], [0], [0], [1], [0, 0, 1, 1], [], []>, transpose_lhs_hint = false} : vector<64x32xf32>, vector<32x10xf32>, vector<64x10xf32> -> vector<64x10xf32>
    %get3A_54 = arith.constant 0 : index
    %get3A_55 = arith.constant 0 : index
    %get3A_56 = vector.load %arg9[%get3A_54, %get3A_55] : memref<1x10xf32, #tpu.memory_space<vmem>>, vector<1x10xf32>
    %add3A_57 = vector.broadcast %get3A_56 : vector<1x10xf32> to vector<64x10xf32>
    %add3A_58 = arith.addf %dot_general3A_53, %add3A_57 : vector<64x10xf32>
    %reduce_max3A = arith.constant dense<0xFF800000> : vector<64xf32>
    %reduce_max3A_59 = vector.multi_reduction <maximumf>, %add3A_58, %reduce_max3A [1] : vector<64x10xf32> to vector<64xf32>
    %broadcast_in_dim3A_60 = vector.shape_cast %reduce_max3A_59 : vector<64xf32> to vector<64x1xf32>
    %sub3A = vector.broadcast %broadcast_in_dim3A_60 : vector<64x1xf32> to vector<64x10xf32>
    %sub3A_61 = arith.subf %add3A_58, %sub3A : vector<64x10xf32>
    %exp3A = math.exp %sub3A_61 : vector<64x10xf32>
    %reduce_sum3A = arith.constant dense<0.000000e+00> : vector<64xf32>
    %reduce_sum3A_62 = vector.multi_reduction <add>, %exp3A, %reduce_sum3A [1] : vector<64x10xf32> to vector<64xf32>
    %broadcast_in_dim3A_63 = vector.shape_cast %reduce_sum3A_62 : vector<64xf32> to vector<64x1xf32>
    %log3A = math.log %broadcast_in_dim3A_63 : vector<64x1xf32>
    %sub3A_64 = vector.broadcast %broadcast_in_dim3A_60 : vector<64x1xf32> to vector<64x10xf32>
    %sub3A_65 = arith.subf %add3A_58, %sub3A_64 : vector<64x10xf32>
    %sub3A_66 = vector.broadcast %log3A : vector<64x1xf32> to vector<64x10xf32>
    %sub3A_67 = arith.subf %sub3A_65, %sub3A_66 : vector<64x10xf32>
    %swap3A = arith.constant 0 : index
    %swap3A_68 = arith.constant 0 : index
    %swap3A_69 = vector.load %arg10[%swap3A, %swap3A_68] : memref<64x10xf32, #tpu.memory_space<vmem>>, vector<64x10xf32>
    tpu.vector_store %arg10[%swap3A, %swap3A_68], %sub3A_67 {strides = array<i32>} : memref<64x10xf32, #tpu.memory_space<vmem>>, vector<64x10xf32>,
    return
  }
  func.func @transform_0(%arg0: i32) -> (i32, i32, i32) {
    %c0_i32 = arith.constant 0 : i32
    %c0_i32_0 = arith.constant 0 : i32
    %c0_i32_1 = arith.constant 0 : i32
    %c0_i32_2 = arith.constant 0 : i32
    return %c0_i32, %c0_i32_0, %c0_i32_1 : i32, i32, i32
  }
  func.func @transform_1(%arg0: i32) -> (i32, i32, i32) {
    %c1_i32 = arith.constant 1 : i32
    %c0_i32 = arith.constant 0 : i32
    %c0_i32_0 = arith.constant 0 : i32
    %c0_i32_1 = arith.constant 0 : i32
    return %c1_i32, %c0_i32, %c0_i32_0 : i32, i32, i32
  }
  func.func @transform_2(%arg0: i32) -> (i32, i32) {
    %c0_i32 = arith.constant 0 : i32
    %c0_i32_0 = arith.constant 0 : i32
    %c0_i32_1 = arith.constant 0 : i32
    return %c0_i32, %c0_i32_0 : i32, i32
  }
  func.func @transform_3(%arg0: i32) -> (i32, i32) {
    %c0_i32 = arith.constant 0 : i32
    %c0_i32_0 = arith.constant 0 : i32
    %c0_i32_1 = arith.constant 0 : i32
    return %c0_i32, %c0_i32_0 : i32, i32
  }
  func.func @transform_4(%arg0: i32) -> (i32, i32) {
    %c0_i32 = arith.constant 0 : i32
    %c0_i32_0 = arith.constant 0 : i32
    %c0_i32_1 = arith.constant 0 : i32
    return %c0_i32, %c0_i32_0 : i32, i32
  }
  func.func @transform_5(%arg0: i32) -> (i32, i32) {
    %c0_i32 = arith.constant 0 : i32
    %c0_i32_0 = arith.constant 0 : i32
    %c0_i32_1 = arith.constant 0 : i32
    return %c0_i32, %c0_i32_0 : i32, i32
  }
  func.func @transform_6(%arg0: i32) -> (i32, i32) {
    %c0_i32 = arith.constant 0 : i32
    %c0_i32_0 = arith.constant 0 : i32
    %c0_i32_1 = arith.constant 0 : i32
    return %c0_i32, %c0_i32_0 : i32, i32
  }
  func.func @transform_7(%arg0: i32) -> (i32, i32) {
    %c0_i32 = arith.constant 0 : i32
    %c0_i32_0 = arith.constant 0 : i32
    %c0_i32_1 = arith.constant 0 : i32
    return %c0_i32, %c0_i32_0 : i32, i32
  }
  func.func @transform_8(%arg0: i32) -> (i32, i32) {
    %c0_i32 = arith.constant 0 : i32
    %c0_i32_0 = arith.constant 0 : i32
    %c0_i32_1 = arith.constant 0 : i32
    return %c0_i32, %c0_i32_0 : i32, i32
  }
  func.func @transform_9(%arg0: i32) -> (i32, i32) {
    %c0_i32 = arith.constant 0 : i32
    %c0_i32_0 = arith.constant 0 : i32
    %c0_i32_1 = arith.constant 0 : i32
    return %c0_i32, %c0_i32_0 : i32, i32
  }
}

</mosaic_0001>

<sc_bundles>
// kernel: kernel.6.cloned.1.call-start
scs
__scs_entry_jumppad:
0x0: {  	(pc) =	sbr.rel $0x88, $3  }
0x1: {  	(tag) =	ssettag $0x0;
	lr =	simm.s32 $0x1  }
0x2: {  	[smem:$0x3F96] =	sst lr;
	_ =	strace $0xD0000000  }
0x3: {  	_ = 	snop  }
0x4: {  	_ = 	snop  }
0x5: {  	_ = 	snop  }
0x6: {  	_ = 	snop  }
0x7: {  	_ = 	snop  }
__scs_overlays_trampoline_lowered:
0x8: {  	[smem:$0x3FA5] =	sst s0  }
0x9: {  	[smem:$0x3FA6] =	sst s1  }
0xa: {  	[smem:$0x3FA7] =	sst s2  }
0xb: {  	[smem:$0x3FA8] =	sst s3  }
0xc: {  	[smem:$0x3FA9] =	sst s4  }
0xd: {  	[smem:$0x3FAA] =	sst s5  }
0xe: {  	[smem:$0x3FAB] =	sst s6  }
0xf: {  	[smem:$0x3FAC] =	sst s7  }
0x10: {  	[smem:$0x3FAD] =	sst s8  }
0x11: {  	[smem:$0x3FAE] =	sst s9;
	s0 =	simm.s32 @!p0 $0x0  }
0x12: {  	s1 =	sld [smem:$0x3F94];
	s0 =	simm.s32 @p0 $0x1  }
0x13: {  	[smem:$0x3FAF] =	sst s0;
	s0 =	simm.s32 @!p1 $0x0  }
0x14: {  	s2 =	sld [smem:$0x3F93];
	s0 =	simm.s32 @p1 $0x1  }
0x15: {  	[smem:$0x3FB0] =	sst s0;
	s0 =	simm.s32 @!p2 $0x0  }
0x16: {  	s3 =	sld [smem:$0x3FDB];
	s0 =	simm.s32 @p2 $0x1  }
0x17: {  	s4 =	simm.s32 $0x1BF5;
	[smem:$0x3FB2] =	sst s0  }
0x18: {  	s0 =	sld [smem:$0x3F95];
	_ =	swait.ge [sflag:s4], $0x0  }
0x19: {  	s7 =	sld [smem:$0x3F96]  }
0x1a: {  	s8 =	sadd.s32 $0xFFFFE003, lr  }
0x1b: {  	s9 =	sadd.s32 $0xFFFFFEF7, lr;
	s5 =	simm.s32 $0xFFFFFFFF;
	p2 =	slt.u32 s8, $0xFFFFF086  }
0x1c: {  	p1 =	slt.u32 s9, $0xF7A;
	s5 =	simm.s32 @!p2 $0x0  }
0x1d: {  	s5 =	simm.s32 @p1 $0x1;
	p0 =	seq.s32 s7, s2  }
0x1e: {  	s7 =	smul.u32 @!p0 $0xF7A, s2;
	p2 =	seq.s32 @!p0 s5, $0x0  }
0x1f: {  	s9 =	smul.u32 $0xF7A, s1;
	s8 =	simm.s32 @!p0 $0x1BF5;
	p2 =	por !p2, p0  }
0x20: {  	[sflag:s8] =	ssyncset.s32 @!p0 $0xFFFFF086;
	s6 =	sadd.s32 @!p0 s3, s7;
	s7 =	simm.s32 @!p0 $0x108  }
0x21: {  	s3 =	sadd.s32 s3, s9;
	s6 =	sadd.s32 @!p0 $0x88, s6;
	s7 =	simm.s32 @p2 $0x1082  }
0x22: {  	[simem:s7], [sflag:s8] =	dma.local @!p0 [hbm:s6], $0xF7A  }
0x23: {  	s9 =	sor.u32 $0xD0000000, s2;
	s6 =	simm.s32 $0x108;
	_ =	swait.ge @!p0 [sflag:s8], $0x0  }
0x24: {  	s3 =	sadd.s32 $0x88, s3;
	s6 =	simm.s32 @!p1 $0x1082;
	[sflag:s4] =	ssyncset.s32 $0xFFFFF086  }
0x25: {  	[simem:s6], [sflag:s4] =	dma.local [hbm:s3], $0xF7A  }
0x26: {  	[smem:$0x3F96] =	sst s1;
	(tag) =	ssettag s2;
	_ =	strace s9  }
0x27: {  	s1 =	sld [smem:$0x3FA6]  }
0x28: {  	s2 =	sld [smem:$0x3FA7]  }
0x29: {  	s4 =	sld [smem:$0x3FA9]  }
0x2a: {  	p0 =	seq.s32 s5, $0x0;
	s5 =	sld [smem:$0x3FAA]  }
0x2b: {  	s6 =	sld [smem:$0x3FAB]  }
0x2c: {  	s7 =	sld [smem:$0x3FAC]  }
0x2d: {  	s3 =	simm.s32 $0x108;
	s8 =	sld [smem:$0x3FAD]  }
0x2e: {  	s3 =	simm.s32 @!p0 $0x1082;
	s9 =	sld [smem:$0x3FAE]  }
0x2f: {  	lr =	sadd.s32 s0, s3;
	s0 =	sld [smem:$0x3FA5]  }
0x30: {  	s3 =	sld [smem:$0x3FA8]  }
0x31: {  	[smem:$0x3FB1] =	sst s10  }
0x32: {  	s10 =	sld [smem:$0x3FAF];
	_ =	sdelay $0x3  }
0x33: {  	p0 =	seq.s32 s10, $0x1;
	s10 =	sld [smem:$0x3FB1];
	_ =	sdelay $0x3  }
0x34: {  	[smem:$0x3FB1] =	sst s10  }
0x35: {  	s10 =	sld [smem:$0x3FB0];
	_ =	sdelay $0x3  }
0x36: {  	p1 =	seq.s32 s10, $0x1;
	s10 =	sld [smem:$0x3FB1];
	_ =	sdelay $0x3  }
0x37: {  	[smem:$0x3FB1] =	sst s10  }
0x38: {  	s10 =	sld [smem:$0x3FB2]  }
0x39: {  	_ = 	snop;
	(pc) =	sbr.ind lr, $3  }
0x3a: {  	_ = 	snop  }
0x3b: {  	_ = 	snop  }
0x3c: {  	p2 =	seq.s32 s10, $0x1;
	s10 =	sld [smem:$0x3FB1]  }
0x3d: {  	_ =	shalt  }
0x3e: {  	_ =	shalt  }
0x3f: {  	_ =	shalt  }
0x40: {  	_ =	shalt  }
0x41: {  	_ =	shalt  }
0x42: {  	_ =	shalt  }
0x43: {  	_ =	shalt  }
0x44: {  	_ =	shalt  }
0x45: {  	_ =	shalt  }
0x46: {  	_ =	shalt  }
0x47: {  	_ =	shalt  }
0x48: {  	_ =	shalt  }
0x49: {  	_ =	shalt  }
0x4a: {  	_ =	shalt  }
0x4b: {  	_ =	shalt  }
0x4c: {  	_ =	shalt  }
0x4d: {  	_ =	shalt  }
0x4e: {  	_ =	shalt  }
0x4f: {  	_ =	shalt  }
0x50: {  	_ =	shalt  }
0x51: {  	_ =	shalt  }
0x52: {  	_ =	shalt  }
0x53: {  	_ =	shalt  }
0x54: {  	_ =	shalt  }
0x55: {  	_ =	shalt  }
0x56: {  	_ =	shalt  }
0x57: {  	_ =	shalt  }
0x58: {  	_ =	shalt  }
0x59: {  	_ =	shalt  }
0x5a: {  	_ =	shalt  }
0x5b: {  	_ =	shalt  }
0x5c: {  	_ =	shalt  }
0x5d: {  	_ =	shalt  }
0x5e: {  	_ =	shalt  }
0x5f: {  	_ =	shalt  }
0x60: {  	_ =	shalt  }
0x61: {  	_ =	shalt  }
0x62: {  	_ =	shalt  }
0x63: {  	_ =	shalt  }
0x64: {  	_ =	shalt  }
0x65: {  	_ =	shalt  }
0x66: {  	_ =	shalt  }
0x67: {  	_ =	shalt  }
0x68: {  	_ =	shalt  }
0x69: {  	_ =	shalt  }
0x6a: {  	_ =	shalt  }
0x6b: {  	_ =	shalt  }
0x6c: {  	_ =	shalt  }
0x6d: {  	_ =	shalt  }
0x6e: {  	_ =	shalt  }
0x6f: {  	_ =	shalt  }
0x70: {  	_ =	shalt  }
0x71: {  	_ =	shalt  }
0x72: {  	_ =	shalt  }
0x73: {  	_ =	shalt  }
0x74: {  	_ =	shalt  }
0x75: {  	_ =	shalt  }
0x76: {  	_ =	shalt  }
0x77: {  	_ =	shalt  }
0x78: {  	_ =	shalt  }
0x79: {  	_ =	shalt  }
0x7a: {  	_ =	shalt  }
0x7b: {  	_ =	shalt  }
0x7c: {  	_ =	shalt  }
0x7d: {  	_ =	shalt  }
0x7e: {  	_ =	shalt  }
0x7f: {  	_ =	shalt  }
0x80: {  	_ =	shalt  }
0x81: {  	_ =	shalt  }
0x82: {  	_ =	shalt  }
0x83: {  	_ =	shalt  }
0x84: {  	_ =	shalt  }
0x85: {  	_ =	shalt  }
0x86: {  	_ =	shalt  }
0x87: {  	_ =	shalt  }
.Lfunc_end0:
.L_simem_size_0:
called_computation_lowered:
.L_overlay_start_0:
0x88: {  	s2 =	sld [smem:$0x3FD9]  }
0x89: {  	s3 =	sld [smem:$0x3FFE];
	_ =	sdelay $0x1  }
0x8a: {  	s1 =	srdreg.scid  }
0x8b: {  	s0 =	sand.u32 $0x1, s1  }
0x8c: {  	s16 =	sshll.u32 s0, $0xA;
	s2 =	sadd.s32 s3, s2  }
0x8d: {  	s2 =	sadd.s32 s2, s16  }
0x8e: {  	[smem:$0x3FBD] =	sst s2  }
0x8f: {  	_ = 	snop  }
0x90: {  	(tm) =	ssettm $0x1  }
0x91: {  	s17 =	sld [smem:$0x3FFB];
	_ =	sdelay $0x3  }
0x92: {  	_ =	strace s17  }
0x93: {  	s2 =	sld [smem:$0x3FFC];
	_ =	sdelay $0x3  }
0x94: {  	_ =	strace s2  }
0x95: {  	s2 =	sld [smem:$0x3FFD];
	_ =	sdelay $0x3  }
0x96: {  	_ =	strace s2  }
0x97: {  	_ =	strace $0x8FFFFFFF  }
0x98: {  	s18 =	sld [smem:$0x3FDB];
	_ =	sdelay $0x1  }
0x99: {  	s19 =	simm.s32 $_scs_section_size  }
0x9a: {  	s4 =	simm.s32 $_size__tile_overlayer_lowered;
	s5 =	simm.s32 $_tile_overlayer_lowered  }
0x9b: {  	s22 =	simm.s32 $0x1BFF;
	s21 =	sshll.u32 s5, $0x1;
	s2 =	sadd.s32 s19, s18  }
0x9c: {  	s6 =	simm.s32 $0x0;
	s20 =	sshll.u32 s4, $0x1;
	s4 =	sadd.s32 s21, s2  }
0x9d: {  	[timem:s6], [sflag:s22] =	dma.local [hbm:s4], s20  }
0x9e: {  	_ =	swait.ge [sflag:s22], s20  }
0x9f: {  	s3 =	ssub.s32 $0x0, s20;
	[sflag:s22] =	ssyncset.done $0x0  }
0xa0: {  	[sflag:s22] =	ssyncadd.s32 s3;
	_ =	sdelay $0x1  }
0xa1: {  	s23 =	simm.s32 $0x1B8B  }
0xa2: {  	_ =	swait.ge [sflag:s23], $0x1  }
0xa3: {  	[sflag:s23] =	ssyncset.done $0x0  }
0xa4: {  	s25 =	simm.s32 $0x1B8E;
	s24 =	sld [smem:$0x3FFE];
	[sflag:s23] =	ssyncadd.s32 $0xFFFFFFFF  }
0xa5: {  	s26 =	simm.s32 $execute0_lowered;
	[smem:$0x3FD2] =	sst s25  }
0xa6: {  	s4 =	sshll.u32 s26, $0x1;
	_ =	strace $0x80000046;
	[dreg:$0x1] =	wrdreg $0xFFFFFFFF  }
0xa7: {  	s28 =	simm.s32 $_size_execute0_lowered;
	s2 =	sadd.s32 s2, s4;
	[dreg:$0x0] =	wrdreg $0x0  }
0xa8: {  	s4 =	sshll.u32 s28, $0x1;
	[dreg:$0x2] =	wrdreg s2  }
0xa9: {  	[dreg:$0x3] =	wrdreg s4  }
0xaa: {  	[dreg:$0x4] =	wrdreg $0xC0  }
0xab: {  	_ =	task [dreg:s6], $0x5FFFF  }
0xac: {  	[dreg:$0x1] =	wrdreg $0xFFFFFFFF  }
0xad: {  	[dreg:$0x0] =	wrdreg $0x60  }
0xae: {  	[dreg:$0x2] =	wrdreg s24  }
0xaf: {  	[dreg:$0x3] =	wrdreg $0x14B400  }
0xb0: {  	[dreg:$0x4] =	wrdreg $0xAF000  }
0xb1: {  	[dreg:$0x5] =	wrdreg $0x9  }
0xb2: {  	_ =	task.clear_ibuf [dreg:s6], $0x6FFFF;
	_ =	strace $0x90000046  }
0xb3: {  	s29 =	simm.s32 $0x9;
	_ =	strace $0x80000048  }
0xb4: {  	_ =	swait.ge [sflag:s29], $0x1  }
0xb5: {  	[sflag:s29] =	ssyncadd.s32 $0xFFFFFFFF  }
0xb6: {  	_ =	strace $0x90000048  }
0xb7: {  	_ =	sfence  }
0xb8: {  	s30 =	sld [smem:$0x0];
	_ =	sdelay $0x2  }
0xb9: {  	s31 =	sshll.u32 s1, $0xD;
	s1 =	sshrl.u32 s1, $0x2  }
0xba: {  	s3 =	sand.u32 $0x4000, s31;
	s1 =	sadd.s32 s1, s30  }
0xbb: {  	s0 =	sor.u32 s3, s0;
	s1 =	sshll.u32 s1, $0x11  }
0xbc: {  	s0 =	sor.u32 s1, s0  }
0xbd: {  	s0 =	sadd.s32 $0x8F2B, s0  }
0xbe: {  	[sflag:s0] =	ssyncadd.remote.s32 $0x1  }
0xbf: {  	_ =	sfence.sel $0xFFFF  }
0xc0: {  	[dreg:$0x0] =	wrdreg $0xFFFFFFFF;
	(pc) =	sbr.abs _section_cstart, $3  }
0xc1: {  	[dreg:$0x1] =	wrdreg $0xFFFFFFFF  }
0xc2: {  	_ =	task.clear_ibuf [dreg:s6], $0x2FFFF;
	_ =	strace $0x9FFFFFFF  }
0xc3: {  	(tm) =	ssettm $0x7FFFFFFF  }
tec
execute0_lowered:
.L_overlay_start_1:
0x0: {  	(tag) =	ssettag $0x1  }
0x1: {  	s0 =	rddreg [dreg:$0x0]  }
0x2: {  	s2 =	rddreg [dreg:$0x1]  }
0x3: {  	s12 =	stileid.u32;
	s3 =	rddreg [dreg:$0x2]  }
0x4: {  	s4 =	simm.s32 $0x0;
	s5 =	srdreg.scid;
	s17 =	simm.s32 $0x2780  }
0x5: {  	s18 =	simm.s32 $0x80;
	s19 =	simm.s32 $0x4F00;
	s20 =	simm.s32 $0x6F00  }
0x6: {  	s21 =	simm.s32 $0x1;
	s29 =	simm.s32 $0x3;
	s30 =	simm.s32 $0x5  }
0x7: {  	s28 =	simm.s32 $0x0;
	s1 =	smul.u32 $0x9C40, s12;
	[smem:$0x7FF] =	sst s4  }
0x8: {  	s7 =	sand.u32 $0x1, s5;
	s10 =	sadd.s32 $0x1A00, s0;
	s5 =	sadd.s32 $0x28E00, s0  }
0x9: {  	s25 =	sshll.u32 s12, $0x6;
	s31 =	sshll.u32 s12, $0x4;
	_ =	strace $0x80000047  }
0xa: {  	s23 =	smul.u32 $0x9C400, s7;
	s9 =	sshll.u32 s7, $0x4;
	s7 =	ssub.s32 $0x2, s7  }
0xb: {  	s6 =	sshrl.u32 s1, $0x3;
	s14 =	sor.u32 s12, s9;
	s24 =	sshrl.u32 s7, $0x1  }
0xc: {  	s15 =	sadd.s32 s1, s2;
	s8 =	sadd.s32 s6, s0;
	s6 =	sadd.s32 s1, s23  }
0xd: {  	s11 =	smul.u32 $0x2700, s14;
	s13 =	ssub.s32 s7, s24;
	s1 =	sadd.s32 s1, s3  }
0xe: {  	p0 =	sgt.u32 s14, $0x3;
	s14 =	sshrl.u32 s15, $0x3;
	s15 =	simm.s32 $0x7  }
0xf: {  	s23 =	simm.s32 $0x8F00;
	s24 =	simm.s32 $0x2;
	s6 =	sshrl.u32 s6, $0x3  }
0x10: {  	s8 =	sadd.s32 $0x15400, s8;
	s13 =	smax.u32 s13, $0x1;
	s16 =	sshrl.u32 s1, $0x3  }
0x11: {  	s0 =	sadd.s32 s6, s0;
	s6 =	sor.u32 $0x1C07, s25;
	s26 =	sshrl.u32 s11, $0x3  }
0x12: {  	s11 =	sadd.s32 s31, s10;
	s25 =	simm.s32 $0x4;
	s7 =	sadd.s32 s10, s26  }
0x13: {  	s10 =	sadd.s32 $0x9C00, s11;
	s11 =	sadd.s32 $0x13840, s11;
	s12 =	sadd.s32 $0x2A200, s0  }
0x14: {  	s0 =	simm.s32 $0x6;
	s26 =	simm.s32 $0x2900;
	s9 =	sadd.s32 $0x9C40, s7  }
.LBB2_1:
0x15: {  	[spmem:s14], [sflag:s6] =	dma.local [hbm:s5], $0x1388  }
0x16: {  	_ =	swait.ge [sflag:s15], $0x1388  }
0x17: {  	[sflag:s15] =	ssyncset.done $0x0  }
0x18: {  	[sflag:s15] =	ssyncadd.s32 $0xFFFFEC78  }
0x19: {  	[spmem:s16], [sflag:s6] =	dma.local [hbm:s8], $0x1388  }
0x1a: {  	_ =	swait.ge [sflag:s15], $0x1388  }
0x1b: {  	[sflag:s15] =	ssyncset.done $0x0  }
0x1c: {  	[sflag:s15] =	ssyncadd.s32 $0xFFFFEC78  }
0x1d: {  	[tilespmem:s4], [sflag:$0x7] =	stream.linear.gather [hbm4b:s7+s4], $0x2700, $0x38;
	[tilespmem:$0x1E780] =	vst v63  }
0x1e: {  	_ =	swait.ge [sflag:s15], $0x2700  }
0x1f: {  	[sflag:s15] =	ssyncset.done $0x0  }
0x20: {  	[sflag:s15] =	ssyncadd.s32 $0xFFFFD900  }
0x21: {  	[tilespmem:s17], [sflag:$0x7] =	stream.linear.gather [hbm4b:s9+s4], $0x2700, $0x38;
	[tilespmem:$0x1E780] =	vst v63  }
0x22: {  	_ =	swait.ge [sflag:s15], $0x2700  }
0x23: {  	[sflag:s15] =	ssyncset.done $0x0  }
0x24: {  	s31 =	simm.s32 @!p0 $0x0;
	s1 =	simm.s32 @!p0 $0x2700;
	[sflag:s15] =	ssyncadd.s32 $0xFFFFD900  }
0x25: {  	[tilespmem:s1], [sflag:$0x7] =	stream.linear.gather @!p0 [hbm4b:s10+s31], $0x80, $0x38;
	[tilespmem:$0x1E780] =	vst v63  }
0x26: {  	s1 =	simm.s32 @!p0 $0x7  }
0x27: {  	_ =	swait.ge @!p0 [sflag:s1], $0x80  }
0x28: {  	[sflag:s1] =	ssyncset.done @!p0 $0x0  }
0x29: {  	s22 =	simm.s32 @!p0 $0x4E80;
	[sflag:s1] =	ssyncadd.s32 @!p0 $0xFFFFFF80  }
0x2a: {  	[tilespmem:s22], [sflag:$0x7] =	stream.linear.gather @!p0 [hbm4b:s11+s31], $0x80, $0x38;
	[tilespmem:$0x1E780] =	vst v63  }
0x2b: {  	_ =	swait.ge @!p0 [sflag:s1], $0x80  }
0x2c: {  	[sflag:s1] =	ssyncset.done @!p0 $0x0  }
0x2d: {  	[sflag:s1] =	ssyncadd.s32 @!p0 $0xFFFFFF80  }
0x2e: {  	[bflag:$0x0] =	sbarrier.arrive $0xFFFF  }
0x2f: {  	[tilespmem:s19], [sflag:$0x1] =	stream.indirect.gather [spmem:s3], $0x40, s4, s18, $0xb8;
	[tilespmem:$0x1E780] =	vst v63  }
0x30: {  	_ = 	snop  }
0x31: {  	[tilespmem:s20], [sflag:$0x2] =	stream.indirect.gather [spmem:s3], $0x40, s18, s18, $0xb8;
	[tilespmem:$0x1E780] =	vst v63  }
0x32: {  	_ =	swait.ge [sflag:s21], $0x2000  }
0x33: {  	[sflag:s21] =	ssyncset.done $0x0  }
0x34: {  	s22 =	simm.s32 $0x100;
	[sflag:s21] =	ssyncadd.s32 $0xFFFFE000  }
0x35: {  	[tilespmem:s23], [sflag:$0x3] =	stream.indirect.gather [spmem:s3], $0x40, s22, s18, $0xb8;
	[tilespmem:$0x1E780] =	vst v63  }
0x36: {  	_ = 	snop  }
0x37: {  	[spmem:s2] =	stream.indirect.scatter.add.f32 [tilespmem:s19], [sflag:$0x4], $0x40, s17, s18, $0xb8;
	[tilespmem:$0x1E780] =	vst v63  }
0x38: {  	_ =	swait.ge [sflag:s24], $0x2000  }
0x39: {  	[sflag:s24] =	ssyncset.done $0x0  }
0x3a: {  	[sflag:s24] =	ssyncadd.s32 $0xFFFFE000  }
0x3b: {  	_ =	swait.ge [sflag:s25], $0x2000  }
0x3c: {  	[sflag:s25] =	ssyncset.done $0x0  }
0x3d: {  	s22 =	simm.s32 $0x180;
	[sflag:s25] =	ssyncadd.s32 $0xFFFFE000  }
0x3e: {  	[tilespmem:s19], [sflag:$0x1] =	stream.indirect.gather [spmem:s3], $0x40, s22, s18, $0xb8;
	[tilespmem:$0x1E780] =	vst v63  }
0x3f: {  	s22 =	simm.s32 $0x2800  }
0x40: {  	[spmem:s2] =	stream.indirect.scatter.add.f32 [tilespmem:s20], [sflag:$0x5], $0x40, s22, s18, $0xb8;
	[tilespmem:$0x1E780] =	vst v63  }
0x41: {  	_ =	swait.ge [sflag:s29], $0x2000  }
0x42: {  	[sflag:s29] =	ssyncset.done $0x0  }
0x43: {  	[sflag:s29] =	ssyncadd.s32 $0xFFFFE000  }
0x44: {  	_ =	swait.ge [sflag:s30], $0x2000  }
0x45: {  	[sflag:s30] =	ssyncset.done $0x0  }
0x46: {  	s22 =	simm.s32 $0x200;
	[sflag:s30] =	ssyncadd.s32 $0xFFFFE000  }
0x47: {  	[tilespmem:s20], [sflag:$0x2] =	stream.indirect.gather [spmem:s3], $0x40, s22, s18, $0xb8;
	[tilespmem:$0x1E780] =	vst v63  }
0x48: {  	s22 =	simm.s32 $0x2880  }
0x49: {  	[spmem:s2] =	stream.indirect.scatter.add.f32 [tilespmem:s23], [sflag:$0x6], $0x40, s22, s18, $0xb8;
	[tilespmem:$0x1E780] =	vst v63  }
0x4a: {  	_ =	swait.ge [sflag:s21], $0x2000  }
0x4b: {  	[sflag:s21] =	ssyncset.done $0x0  }
0x4c: {  	[sflag:s21] =	ssyncadd.s32 $0xFFFFE000  }
0x4d: {  	_ =	swait.ge [sflag:s0], $0x2000  }
0x4e: {  	[sflag:s0] =	ssyncset.done $0x0  }
0x4f: {  	s22 =	simm.s32 $0x280;
	[sflag:s0] =	ssyncadd.s32 $0xFFFFE000  }
0x50: {  	[tilespmem:s23], [sflag:$0x3] =	stream.indirect.gather [spmem:s3], $0x40, s22, s18, $0xb8;
	[tilespmem:$0x1E780] =	vst v63  }
0x51: {  	_ = 	snop  }
0x52: {  	[spmem:s2] =	stream.indirect.scatter.add.f32 [tilespmem:s19], [sflag:$0x4], $0x40, s26, s18, $0xb8;
	[tilespmem:$0x1E780] =	vst v63  }
0x53: {  	_ =	swait.ge [sflag:s24], $0x2000  }
0x54: {  	[sflag:s24] =	ssyncset.done $0x0  }
0x55: {  	[sflag:s24] =	ssyncadd.s32 $0xFFFFE000  }
0x56: {  	_ =	swait.ge [sflag:s25], $0x2000  }
0x57: {  	[sflag:s25] =	ssyncset.done $0x0  }
0x58: {  	s22 =	simm.s32 $0x300;
	[sflag:s25] =	ssyncadd.s32 $0xFFFFE000  }
0x59: {  	[tilespmem:s19], [sflag:$0x1] =	stream.indirect.gather [spmem:s3], $0x40, s22, s18, $0xb8;
	[tilespmem:$0x1E780] =	vst v63  }
0x5a: {  	s22 =	simm.s32 $0x2980  }
0x5b: {  	[spmem:s2] =	stream.indirect.scatter.add.f32 [tilespmem:s20], [sflag:$0x5], $0x40, s22, s18, $0xb8;
	[tilespmem:$0x1E780] =	vst v63  }
0x5c: {  	_ =	swait.ge [sflag:s29], $0x2000  }
0x5d: {  	[sflag:s29] =	ssyncset.done $0x0  }
0x5e: {  	[sflag:s29] =	ssyncadd.s32 $0xFFFFE000  }
0x5f: {  	_ =	swait.ge [sflag:s30], $0x2000  }
0x60: {  	[sflag:s30] =	ssyncset.done $0x0  }
0x61: {  	s22 =	simm.s32 $0x380;
	[sflag:s30] =	ssyncadd.s32 $0xFFFFE000  }
0x62: {  	[tilespmem:s20], [sflag:$0x2] =	stream.indirect.gather [spmem:s3], $0x40, s22, s18, $0xb8;
	[tilespmem:$0x1E780] =	vst v63  }
0x63: {  	s22 =	simm.s32 $0x2A00  }
0x64: {  	[spmem:s2] =	stream.indirect.scatter.add.f32 [tilespmem:s23], [sflag:$0x6], $0x40, s22, s18, $0xb8;
	[tilespmem:$0x1E780] =	vst v63  }
0x65: {  	_ =	swait.ge [sflag:s21], $0x2000  }
0x66: {  	[sflag:s21] =	ssyncset.done $0x0  }
0x67: {  	[sflag:s21] =	ssyncadd.s32 $0xFFFFE000  }
0x68: {  	_ =	swait.ge [sflag:s0], $0x2000  }
0x69: {  	[sflag:s0] =	ssyncset.done $0x0  }
0x6a: {  	s22 =	simm.s32 $0x400;
	[sflag:s0] =	ssyncadd.s32 $0xFFFFE000  }
0x6b: {  	[tilespmem:s23], [sflag:$0x3] =	stream.indirect.gather [spmem:s3], $0x40, s22, s18, $0xb8;
	[tilespmem:$0x1E780] =	vst v63  }
0x6c: {  	s22 =	simm.s32 $0x2A80  }
0x6d: {  	[spmem:s2] =	stream.indirect.scatter.add.f32 [tilespmem:s19], [sflag:$0x4], $0x40, s22, s18, $0xb8;
	[tilespmem:$0x1E780] =	vst v63  }
0x6e: {  	_ =	swait.ge [sflag:s24], $0x2000  }
0x6f: {  	s31 =	simm.s32 $0x600;
	[sflag:s24] =	ssyncset.done $0x0  }
.LBB2_2:
0x70: {  	[sflag:s24] =	ssyncadd.s32 $0xFFFFE000;
	s1 =	smov.u32 s31;
	s31 =	sadd.s32 $0x600, s31  }
0x71: {  	p1 =	sne.s32 s31, $0x9000  }
0x72: {  	_ =	swait.ge [sflag:s25], $0x2000  }
0x73: {  	s1 =	sshra.s32 s1, $0x2;
	[sflag:s25] =	ssyncset.done $0x0  }
0x74: {  	s22 =	sadd.s32 $0x300, s1;
	[sflag:s25] =	ssyncadd.s32 $0xFFFFE000  }
0x75: {  	[tilespmem:s19], [sflag:$0x1] =	stream.indirect.gather [spmem:s3], $0x40, s22, s18, $0xb8;
	[tilespmem:$0x1E780] =	vst v63  }
0x76: {  	s22 =	sadd.s32 $0x2980, s1  }
0x77: {  	[spmem:s2] =	stream.indirect.scatter.add.f32 [tilespmem:s20], [sflag:$0x5], $0x40, s22, s18, $0xb8;
	[tilespmem:$0x1E780] =	vst v63  }
0x78: {  	_ =	swait.ge [sflag:s29], $0x2000  }
0x79: {  	[sflag:s29] =	ssyncset.done $0x0  }
0x7a: {  	[sflag:s29] =	ssyncadd.s32 $0xFFFFE000  }
0x7b: {  	_ =	swait.ge [sflag:s30], $0x2000  }
0x7c: {  	[sflag:s30] =	ssyncset.done $0x0  }
0x7d: {  	s22 =	sadd.s32 $0x380, s1;
	[sflag:s30] =	ssyncadd.s32 $0xFFFFE000  }
0x7e: {  	[tilespmem:s20], [sflag:$0x2] =	stream.indirect.gather [spmem:s3], $0x40, s22, s18, $0xb8;
	[tilespmem:$0x1E780] =	vst v63  }
0x7f: {  	s22 =	sadd.s32 $0x2A00, s1  }
0x80: {  	[spmem:s2] =	stream.indirect.scatter.add.f32 [tilespmem:s23], [sflag:$0x6], $0x40, s22, s18, $0xb8;
	[tilespmem:$0x1E780] =	vst v63  }
0x81: {  	_ =	swait.ge [sflag:s21], $0x2000  }
0x82: {  	[sflag:s21] =	ssyncset.done $0x0  }
0x83: {  	[sflag:s21] =	ssyncadd.s32 $0xFFFFE000  }
0x84: {  	_ =	swait.ge [sflag:s0], $0x2000  }
0x85: {  	[sflag:s0] =	ssyncset.done $0x0  }
0x86: {  	s22 =	sadd.s32 $0x400, s1;
	[sflag:s0] =	ssyncadd.s32 $0xFFFFE000  }
0x87: {  	[tilespmem:s23], [sflag:$0x3] =	stream.indirect.gather [spmem:s3], $0x40, s22, s18, $0xb8;
	[tilespmem:$0x1E780] =	vst v63  }
.Ltmp0:
0x88: {  	_ = 	snop;
	(pc) =	sbr.rel @p1 .LBB2_2-.Ltmp0, $4  }
0x89: {  	s1 =	sadd.s32 $0x2A80, s1  }
0x8a: {  	[spmem:s2] =	stream.indirect.scatter.add.f32 [tilespmem:s19], [sflag:$0x4], $0x40, s1, s18, $0xb8;
	[tilespmem:$0x1E780] =	vst v63  }
0x8b: {  	_ =	swait.ge [sflag:s24], $0x2000  }
0x8c: {  	[sflag:s24] =	ssyncset.done $0x0  }
0x8d: {  	s1 =	sshra.s32 s31, $0x2  }
0x8e: {  	[sflag:s24] =	ssyncadd.s32 $0xFFFFE000;
	s22 =	sadd.s32 $0x2980, s1  }
0x8f: {  	[spmem:s2] =	stream.indirect.scatter.add.f32 [tilespmem:s20], [sflag:$0x5], $0x40, s22, s18, $0xb8;
	[tilespmem:$0x1E780] =	vst v63  }
0x90: {  	_ =	swait.ge [sflag:s29], $0x2000  }
0x91: {  	[sflag:s29] =	ssyncset.done $0x0  }
0x92: {  	s1 =	sadd.s32 $0x2A00, s1;
	[sflag:s29] =	ssyncadd.s32 $0xFFFFE000  }
0x93: {  	[spmem:s2] =	stream.indirect.scatter.add.f32 [tilespmem:s23], [sflag:$0x6], $0x40, s1, s18, $0xb8;
	[tilespmem:$0x1E780] =	vst v63  }
0x94: {  	_ =	swait.ge [sflag:s25], $0x2000  }
0x95: {  	[sflag:s25] =	ssyncset.done $0x0  }
0x96: {  	[sflag:s25] =	ssyncadd.s32 $0xFFFFE000  }
0x97: {  	_ =	swait.ge [sflag:s30], $0x2000  }
0x98: {  	[sflag:s30] =	ssyncset.done $0x0  }
0x99: {  	[sflag:s30] =	ssyncadd.s32 $0xFFFFE000  }
0x9a: {  	_ =	swait.ge [sflag:s0], $0x2000  }
0x9b: {  	s31 =	simm.s32 @!p0 $0x4F00;
	[sflag:s0] =	ssyncset.done $0x0  }
0x9c: {  	s22 =	simm.s32 @!p0 $0x2700;
	s1 =	simm.s32 @!p0 $0x80;
	[sflag:s0] =	ssyncadd.s32 $0xFFFFE000  }
0x9d: {  	[tilespmem:s31], [sflag:$0x1] =	stream.indirect.gather @!p0 [spmem:s3], $0x40, s22, s1, $0xb8;
	[tilespmem:$0x1E780] =	vst v63  }
0x9e: {  	s22 =	simm.s32 @!p0 $0x1  }
0x9f: {  	_ =	swait.ge @!p0 [sflag:s22], $0x2000  }
0xa0: {  	[sflag:s22] =	ssyncset.done @!p0 $0x0  }
0xa1: {  	[sflag:s22] =	ssyncadd.s32 @!p0 $0xFFFFE000;
	s22 =	simm.s32 @!p0 $0x4E80  }
0xa2: {  	[spmem:s2] =	stream.indirect.scatter.add.f32 @!p0 [tilespmem:s31], [sflag:$0x7], $0x40, s22, s1, $0xb8;
	[tilespmem:$0x1E780] =	vst v63  }
0xa3: {  	s1 =	simm.s32 @!p0 $0x7  }
0xa4: {  	_ =	swait.ge @!p0 [sflag:s1], $0x2000  }
0xa5: {  	s28 =	sadd.s32 $0x1, s28;
	[sflag:s1] =	ssyncset.done @!p0 $0x0  }
0xa6: {  	p1 =	sne.s32 s28, s13;
	[sflag:s1] =	ssyncadd.s32 @!p0 $0xFFFFE000  }
.Ltmp1:
0xa7: {  	[bflag:$0x0] =	sbarrier.arrive $0xFFFF;
	(pc) =	sbr.rel @p1 .LBB2_1-.Ltmp1, $4  }
0xa8: {  	[hbm:s12], [sflag:s6] =	dma.local [spmem:s14], $0x1388  }
0xa9: {  	_ =	swait.ge [sflag:s15], $0x1388  }
0xaa: {  	[sflag:s15] =	ssyncset.done $0x0  }
0xab: {  	[sflag:s15] =	ssyncadd.s32 $0xFFFFEC78  }
0xac: {  	_ =	sfence.sel $0x180000  }
0xad: {  	[bflag:$0x0] =	sbarrier.arrive $0xFFFF  }
0xae: {  	_ =	strace $0x90000047  }
0xaf: {  	s0 =	stileid.u32;
	[bflag:$0x2] =	sbarrier.arrive $0xFFFF  }
0xb0: {  	p0 =	sne.s32 s0, $0x0;
	s0 =	rddreg [dreg:$0x3]  }
0xb1: {  	s0 =	sadd.s32 @!p0 $0x100000, s0  }
0xb2: {  	[sflag:s0] =	ssyncadd.tile.s32 @!p0 $0x1;
	_ =	shalt  }
.Lfunc_end2:
_tile_overlayer_lowered:
.L_overlay_start_2:
0xb3: {  	(tag) =	ssettag $0x2  }
0xb4: {  	s0 =	rddreg [dreg:$0x0];
	s2 =	stileid.u32  }
0xb5: {  	s1 =	rddreg [dreg:$0x1];
	p0 =	sne.s32 s2, $0x0  }
0xb6: {  	s3 =	rddreg [dreg:$0x2];
	[bflag:$0x3] =	sbarrier.arrive $0xFFFF;
	s2 =	simm.s32 @!p0 $0x1C07  }
0xb7: {  	[timem:s3], [sflag:s2] =	dma.local @!p0 [hbm:s0], s1  }
0xb8: {  	s0 =	simm.s32 @!p0 $0x7  }
0xb9: {  	_ =	swait.ge @!p0 [sflag:s0], s1  }
0xba: {  	s1 =	ssub.s32 @!p0 $0x0, s1;
	[sflag:s0] =	ssyncset.done @!p0 $0x0  }
0xbb: {  	[sflag:s0] =	ssyncadd.s32 @!p0 s1  }
0xbc: {  	[bflag:$0x3] =	sbarrier.arrive $0xFFFF  }
0xbd: {  	_ =	shalt  }

// kernel: kernel.9.cloned.1.call-start
scs
__scs_entry_jumppad:
0x0: {  	(pc) =	sbr.rel $0x88, $3  }
0x1: {  	(tag) =	ssettag $0x0;
	lr =	simm.s32 $0x1  }
0x2: {  	[smem:$0x3F96] =	sst lr;
	_ =	strace $0xD0000000  }
0x3: {  	_ = 	snop  }
0x4: {  	_ = 	snop  }
0x5: {  	_ = 	snop  }
0x6: {  	_ = 	snop  }
0x7: {  	_ = 	snop  }
__scs_overlays_trampoline_lowered:
0x8: {  	[smem:$0x3FA5] =	sst s0  }
0x9: {  	[smem:$0x3FA6] =	sst s1  }
0xa: {  	[smem:$0x3FA7] =	sst s2  }
0xb: {  	[smem:$0x3FA8] =	sst s3  }
0xc: {  	[smem:$0x3FA9] =	sst s4  }
0xd: {  	[smem:$0x3FAA] =	sst s5  }
0xe: {  	[smem:$0x3FAB] =	sst s6  }
0xf: {  	[smem:$0x3FAC] =	sst s7  }
0x10: {  	[smem:$0x3FAD] =	sst s8  }
0x11: {  	[smem:$0x3FAE] =	sst s9;
	s0 =	simm.s32 @!p0 $0x0  }
0x12: {  	s1 =	sld [smem:$0x3F94];
	s0 =	simm.s32 @p0 $0x1  }
0x13: {  	[smem:$0x3FAF] =	sst s0;
	s0 =	simm.s32 @!p1 $0x0  }
0x14: {  	s2 =	sld [smem:$0x3F93];
	s0 =	simm.s32 @p1 $0x1  }
0x15: {  	[smem:$0x3FB0] =	sst s0;
	s0 =	simm.s32 @!p2 $0x0  }
0x16: {  	s3 =	sld [smem:$0x3FDB];
	s0 =	simm.s32 @p2 $0x1  }
0x17: {  	s4 =	simm.s32 $0x1BF5;
	[smem:$0x3FB2] =	sst s0  }
0x18: {  	s0 =	sld [smem:$0x3F95];
	_ =	swait.ge [sflag:s4], $0x0  }
0x19: {  	s7 =	sld [smem:$0x3F96]  }
0x1a: {  	s8 =	sadd.s32 $0xFFFFE003, lr  }
0x1b: {  	s9 =	sadd.s32 $0xFFFFFEF7, lr;
	s5 =	simm.s32 $0xFFFFFFFF;
	p2 =	slt.u32 s8, $0xFFFFF086  }
0x1c: {  	p1 =	slt.u32 s9, $0xF7A;
	s5 =	simm.s32 @!p2 $0x0  }
0x1d: {  	s5 =	simm.s32 @p1 $0x1;
	p0 =	seq.s32 s7, s2  }
0x1e: {  	s7 =	smul.u32 @!p0 $0xF7A, s2;
	p2 =	seq.s32 @!p0 s5, $0x0  }
0x1f: {  	s9 =	smul.u32 $0xF7A, s1;
	s8 =	simm.s32 @!p0 $0x1BF5;
	p2 =	por !p2, p0  }
0x20: {  	[sflag:s8] =	ssyncset.s32 @!p0 $0xFFFFF086;
	s6 =	sadd.s32 @!p0 s3, s7;
	s7 =	simm.s32 @!p0 $0x108  }
0x21: {  	s3 =	sadd.s32 s3, s9;
	s6 =	sadd.s32 @!p0 $0x88, s6;
	s7 =	simm.s32 @p2 $0x1082  }
0x22: {  	[simem:s7], [sflag:s8] =	dma.local @!p0 [hbm:s6], $0xF7A  }
0x23: {  	s9 =	sor.u32 $0xD0000000, s2;
	s6 =	simm.s32 $0x108;
	_ =	swait.ge @!p0 [sflag:s8], $0x0  }
0x24: {  	s3 =	sadd.s32 $0x88, s3;
	s6 =	simm.s32 @!p1 $0x1082;
	[sflag:s4] =	ssyncset.s32 $0xFFFFF086  }
0x25: {  	[simem:s6], [sflag:s4] =	dma.local [hbm:s3], $0xF7A  }
0x26: {  	[smem:$0x3F96] =	sst s1;
	(tag) =	ssettag s2;
	_ =	strace s9  }
0x27: {  	s1 =	sld [smem:$0x3FA6]  }
0x28: {  	s2 =	sld [smem:$0x3FA7]  }
0x29: {  	s4 =	sld [smem:$0x3FA9]  }
0x2a: {  	p0 =	seq.s32 s5, $0x0;
	s5 =	sld [smem:$0x3FAA]  }
0x2b: {  	s6 =	sld [smem:$0x3FAB]  }
0x2c: {  	s7 =	sld [smem:$0x3FAC]  }
0x2d: {  	s3 =	simm.s32 $0x108;
	s8 =	sld [smem:$0x3FAD]  }
0x2e: {  	s3 =	simm.s32 @!p0 $0x1082;
	s9 =	sld [smem:$0x3FAE]  }
0x2f: {  	lr =	sadd.s32 s0, s3;
	s0 =	sld [smem:$0x3FA5]  }
0x30: {  	s3 =	sld [smem:$0x3FA8]  }
0x31: {  	[smem:$0x3FB1] =	sst s10  }
0x32: {  	s10 =	sld [smem:$0x3FAF];
	_ =	sdelay $0x3  }
0x33: {  	p0 =	seq.s32 s10, $0x1;
	s10 =	sld [smem:$0x3FB1];
	_ =	sdelay $0x3  }
0x34: {  	[smem:$0x3FB1] =	sst s10  }
0x35: {  	s10 =	sld [smem:$0x3FB0];
	_ =	sdelay $0x3  }
0x36: {  	p1 =	seq.s32 s10, $0x1;
	s10 =	sld [smem:$0x3FB1];
	_ =	sdelay $0x3  }
0x37: {  	[smem:$0x3FB1] =	sst s10  }
0x38: {  	s10 =	sld [smem:$0x3FB2]  }
0x39: {  	_ = 	snop;
	(pc) =	sbr.ind lr, $3  }
0x3a: {  	_ = 	snop  }
0x3b: {  	_ = 	snop  }
0x3c: {  	p2 =	seq.s32 s10, $0x1;
	s10 =	sld [smem:$0x3FB1]  }
0x3d: {  	_ =	shalt  }
0x3e: {  	_ =	shalt  }
0x3f: {  	_ =	shalt  }
0x40: {  	_ =	shalt  }
0x41: {  	_ =	shalt  }
0x42: {  	_ =	shalt  }
0x43: {  	_ =	shalt  }
0x44: {  	_ =	shalt  }
0x45: {  	_ =	shalt  }
0x46: {  	_ =	shalt  }
0x47: {  	_ =	shalt  }
0x48: {  	_ =	shalt  }
0x49: {  	_ =	shalt  }
0x4a: {  	_ =	shalt  }
0x4b: {  	_ =	shalt  }
0x4c: {  	_ =	shalt  }
0x4d: {  	_ =	shalt  }
0x4e: {  	_ =	shalt  }
0x4f: {  	_ =	shalt  }
0x50: {  	_ =	shalt  }
0x51: {  	_ =	shalt  }
0x52: {  	_ =	shalt  }
0x53: {  	_ =	shalt  }
0x54: {  	_ =	shalt  }
0x55: {  	_ =	shalt  }
0x56: {  	_ =	shalt  }
0x57: {  	_ =	shalt  }
0x58: {  	_ =	shalt  }
0x59: {  	_ =	shalt  }
0x5a: {  	_ =	shalt  }
0x5b: {  	_ =	shalt  }
0x5c: {  	_ =	shalt  }
0x5d: {  	_ =	shalt  }
0x5e: {  	_ =	shalt  }
0x5f: {  	_ =	shalt  }
0x60: {  	_ =	shalt  }
0x61: {  	_ =	shalt  }
0x62: {  	_ =	shalt  }
0x63: {  	_ =	shalt  }
0x64: {  	_ =	shalt  }
0x65: {  	_ =	shalt  }
0x66: {  	_ =	shalt  }
0x67: {  	_ =	shalt  }
0x68: {  	_ =	shalt  }
0x69: {  	_ =	shalt  }
0x6a: {  	_ =	shalt  }
0x6b: {  	_ =	shalt  }
0x6c: {  	_ =	shalt  }
0x6d: {  	_ =	shalt  }
0x6e: {  	_ =	shalt  }
0x6f: {  	_ =	shalt  }
0x70: {  	_ =	shalt  }
0x71: {  	_ =	shalt  }
0x72: {  	_ =	shalt  }
0x73: {  	_ =	shalt  }
0x74: {  	_ =	shalt  }
0x75: {  	_ =	shalt  }
0x76: {  	_ =	shalt  }
0x77: {  	_ =	shalt  }
0x78: {  	_ =	shalt  }
0x79: {  	_ =	shalt  }
0x7a: {  	_ =	shalt  }
0x7b: {  	_ =	shalt  }
0x7c: {  	_ =	shalt  }
0x7d: {  	_ =	shalt  }
0x7e: {  	_ =	shalt  }
0x7f: {  	_ =	shalt  }
0x80: {  	_ =	shalt  }
0x81: {  	_ =	shalt  }
0x82: {  	_ =	shalt  }
0x83: {  	_ =	shalt  }
0x84: {  	_ =	shalt  }
0x85: {  	_ =	shalt  }
0x86: {  	_ =	shalt  }
0x87: {  	_ =	shalt  }
.Lfunc_end0:
.L_simem_size_0:
called_computation.1_lowered:
.L_overlay_start_0:
0x88: {  	s2 =	sld [smem:$0x3FD9]  }
0x89: {  	s3 =	sld [smem:$0x3FFE];
	_ =	sdelay $0x1  }
0x8a: {  	s1 =	srdreg.scid  }
0x8b: {  	s0 =	sand.u32 $0x1, s1  }
0x8c: {  	s17 =	sshll.u32 s0, $0xA;
	s2 =	sadd.s32 s3, s2  }
0x8d: {  	s2 =	sadd.s32 s2, s17  }
0x8e: {  	[smem:$0x3FBD] =	sst s2  }
0x8f: {  	_ = 	snop  }
0x90: {  	s2 =	sld [smem:$0x3FC5];
	(tm) =	ssettm $0x1  }
0x91: {  	s18 =	sld [smem:$0x3FFB];
	_ =	sdelay $0x3  }
0x92: {  	_ =	strace s18  }
0x93: {  	s3 =	sld [smem:$0x3FFC];
	_ =	sdelay $0x3  }
0x94: {  	_ =	strace s3  }
0x95: {  	s3 =	sld [smem:$0x3FFD];
	_ =	sdelay $0x3  }
0x96: {  	_ =	strace s3  }
0x97: {  	_ =	strace $0x8FFFFFFF  }
0x98: {  	s19 =	sld [smem:$0x3FDB];
	_ =	sdelay $0x1  }
0x99: {  	s4 =	simm.s32 $_scs_section_size  }
0x9a: {  	s5 =	simm.s32 $_size__tile_overlayer_lowered;
	s6 =	simm.s32 $_tile_overlayer_lowered  }
0x9b: {  	s22 =	simm.s32 $0x1BFF;
	s21 =	sshll.u32 s6, $0x1;
	s3 =	sadd.s32 s4, s19  }
0x9c: {  	s7 =	simm.s32 $0x0;
	s20 =	sshll.u32 s5, $0x1;
	s5 =	sadd.s32 s21, s3  }
0x9d: {  	[timem:s7], [sflag:s22] =	dma.local [hbm:s5], s20  }
0x9e: {  	_ =	swait.ge [sflag:s22], s20  }
0x9f: {  	s4 =	ssub.s32 $0x0, s20;
	[sflag:s22] =	ssyncset.done $0x0  }
0xa0: {  	[sflag:s22] =	ssyncadd.s32 s4;
	_ =	sdelay $0x1  }
0xa1: {  	s23 =	simm.s32 $0x1B8B  }
0xa2: {  	_ =	swait.ge [sflag:s23], $0x1  }
0xa3: {  	[sflag:s23] =	ssyncset.done $0x0  }
0xa4: {  	s25 =	simm.s32 $0x1B8E;
	s24 =	sld [smem:$0x3FFE];
	[sflag:s23] =	ssyncadd.s32 $0xFFFFFFFF  }
0xa5: {  	s26 =	simm.s32 $execute0_lowered;
	[smem:$0x3FD2] =	sst s25  }
0xa6: {  	s5 =	sshll.u32 s26, $0x1;
	_ =	strace $0x80000049;
	[dreg:$0x1] =	wrdreg $0xFFFFFFFF  }
0xa7: {  	s28 =	simm.s32 $_size_execute0_lowered;
	s3 =	sadd.s32 s3, s5;
	[dreg:$0x0] =	wrdreg $0x0  }
0xa8: {  	s5 =	sshll.u32 s28, $0x1;
	[dreg:$0x2] =	wrdreg s3  }
0xa9: {  	[dreg:$0x3] =	wrdreg s5  }
0xaa: {  	[dreg:$0x4] =	wrdreg $0xC0  }
0xab: {  	_ =	task [dreg:s7], $0x5FFFF  }
0xac: {  	[dreg:$0x1] =	wrdreg $0xFFFFFFFF  }
0xad: {  	[dreg:$0x0] =	wrdreg $0x60  }
0xae: {  	[dreg:$0x2] =	wrdreg s24  }
0xaf: {  	[dreg:$0x3] =	wrdreg s2  }
0xb0: {  	[dreg:$0x4] =	wrdreg $0x14B800  }
0xb1: {  	[dreg:$0x5] =	wrdreg $0xAF400  }
0xb2: {  	[dreg:$0x6] =	wrdreg $0x9  }
0xb3: {  	_ =	task.clear_ibuf [dreg:s7], $0x7FFFF;
	_ =	strace $0x90000049  }
0xb4: {  	s29 =	simm.s32 $0x9;
	_ =	strace $0x8000004B  }
0xb5: {  	_ =	swait.ge [sflag:s29], $0x1  }
0xb6: {  	[sflag:s29] =	ssyncadd.s32 $0xFFFFFFFF  }
0xb7: {  	_ =	strace $0x9000004B  }
0xb8: {  	_ =	sfence  }
0xb9: {  	s30 =	sld [smem:$0x0];
	_ =	sdelay $0x2  }
0xba: {  	s31 =	sshll.u32 s1, $0xD;
	s1 =	sshrl.u32 s1, $0x2  }
0xbb: {  	s3 =	sand.u32 $0x4000, s31;
	s1 =	sadd.s32 s1, s30  }
0xbc: {  	s0 =	sor.u32 s3, s0;
	s1 =	sshll.u32 s1, $0x11  }
0xbd: {  	s0 =	sor.u32 s1, s0  }
0xbe: {  	s0 =	sadd.s32 $0x8F2B, s0  }
0xbf: {  	[sflag:s0] =	ssyncadd.remote.s32 $0x1  }
0xc0: {  	_ =	sfence.sel $0xFFFF  }
0xc1: {  	[dreg:$0x0] =	wrdreg $0xFFFFFFFF;
	(pc) =	sbr.abs _section_cstart, $3  }
0xc2: {  	[dreg:$0x1] =	wrdreg $0xFFFFFFFF  }
0xc3: {  	_ =	task.clear_ibuf [dreg:s7], $0x2FFFF;
	_ =	strace $0x9FFFFFFF  }
0xc4: {  	(tm) =	ssettm $0x7FFFFFFF  }
0xc5: {  	_ =	shalt  }
tec
execute0_lowered:
.L_overlay_start_1:
0x0: {  	(tag) =	ssettag $0x1  }
0x1: {  	s0 =	rddreg [dreg:$0x0]  }
0x2: {  	s3 =	rddreg [dreg:$0x2]  }
0x3: {  	s4 =	rddreg [dreg:$0x3];
	s1 =	srdreg.scid  }
0x4: {  	s17 =	stileid.u32;
	s5 =	simm.s32 $0x0;
	s31 =	simm.s32 $0x7  }
0x5: {  	s1 =	sand.u32 $0x1, s1;
	s2 =	smul.u32 $0x9C40, s17;
	[smem:$0x7FF] =	sst s5  }
0x6: {  	s7 =	sadd.s32 $0x2A200, s0;
	s10 =	sadd.s32 $0x1A00, s0;
	s9 =	sadd.s32 $0x28E00, s0  }
0x7: {  	s25 =	sshll.u32 s17, $0x6;
	s6 =	smul.u32 $0x9C400, s1;
	_ =	strace $0x8000004A  }
0x8: {  	s8 =	ssub.s32 $0x2, s1;
	[dreg:$0x5] =	wrdreg s9;
	s9 =	sor.u32 $0x1C07, s25  }
0x9: {  	s1 =	sshll.u32 s1, $0x4;
	s22 =	sshrl.u32 s8, $0x1;
	s23 =	sshrl.u32 s2, $0x3  }
0xa: {  	s24 =	sadd.s32 s2, s3;
	s26 =	sadd.s32 $0x1F40, s2;
	s12 =	sadd.s32 s2, s4  }
0xb: {  	s19 =	sadd.s32 $0x3E80, s2;
	s1 =	sor.u32 s17, s1;
	[dreg:$0x6] =	wrdreg s24  }
0xc: {  	s14 =	sadd.s32 $0x5DC0, s2;
	s6 =	sadd.s32 s2, s6;
	[dreg:$0x8] =	wrdreg s12  }
0xd: {  	s18 =	sshrl.u32 s26, $0x3;
	s13 =	sshrl.u32 s19, $0x3;
	s15 =	smul.u32 $0x2700, s1  }
0xe: {  	s20 =	sshrl.u32 s14, $0x3;
	s2 =	sadd.s32 $0x7D00, s2;
	s24 =	sadd.s32 s26, s4  }
0xf: {  	s25 =	sadd.s32 s19, s4;
	s26 =	sadd.s32 s14, s4;
	p0 =	sgt.u32 s1, $0x3  }
0x10: {  	s1 =	simm.s32 $0x6F00;
	s14 =	simm.s32 $0x5;
	[dreg:$0xe] =	wrdreg s24  }
0x11: {  	s6 =	sshrl.u32 s6, $0x3;
	s12 =	sadd.s32 s7, s18;
	[dreg:$0xf] =	wrdreg s25  }
0x12: {  	s13 =	sadd.s32 s7, s13;
	s21 =	sshrl.u32 s2, $0x3;
	[dreg:$0x10] =	wrdreg s26  }
0x13: {  	s2 =	sadd.s32 s2, s4;
	s0 =	sadd.s32 s6, s0;
	[dreg:$0x9] =	wrdreg s12  }
0x14: {  	s6 =	ssub.s32 s8, s22;
	s8 =	sadd.s32 s7, s23;
	[dreg:$0xa] =	wrdreg s13  }
0x15: {  	s13 =	sadd.s32 s7, s20;
	s15 =	sshrl.u32 s15, $0x3;
	s7 =	sadd.s32 s7, s21  }
0x16: {  	s22 =	sshll.u32 s17, $0x4;
	[dreg:$0x11] =	wrdreg s2;
	s2 =	simm.s32 $0x4F00  }
0x17: {  	s12 =	simm.s32 $0x4;
	s17 =	simm.s32 $0x0;
	[dreg:$0xb] =	wrdreg s13  }
0x18: {  	s11 =	sadd.s32 $0x13880, s8;
	[dreg:$0xc] =	wrdreg s7;
	s16 =	sadd.s32 s10, s15  }
0x19: {  	s7 =	sadd.s32 s22, s10;
	s23 =	sadd.s32 $0x13C68, s8;
	s24 =	sadd.s32 $0x51400, s0  }
0x1a: {  	s25 =	smax.u32 s6, $0x1;
	s26 =	sadd.s32 $0x14050, s8;
	s28 =	sadd.s32 $0x14438, s8  }
0x1b: {  	s29 =	sadd.s32 $0x14820, s8;
	s0 =	simm.s32 $0x8F00;
	s10 =	simm.s32 $0x1  }
0x1c: {  	s13 =	simm.s32 $0x3;
	s15 =	simm.s32 $0x6;
	[dreg:$0x7] =	wrdreg s11  }
0x1d: {  	[dreg:$0xd] =	wrdreg s23;
	s22 =	sadd.s32 $0x9C00, s7;
	s23 =	sadd.s32 $0x13840, s7  }
0x1e: {  	s30 =	sadd.s32 $0x9C40, s16;
	s7 =	simm.s32 $0x80;
	s11 =	simm.s32 $0x2  }
.LBB2_1:
0x1f: {  	s6 =	rddreg [dreg:$0x6]  }
0x20: {  	s19 =	rddreg [dreg:$0x5];
	s18 =	sshrl.u32 s6, $0x3  }
0x21: {  	[spmem:s18], [sflag:s9] =	dma.local [hbm:s19], $0x1388  }
0x22: {  	_ =	swait.ge [sflag:s31], $0x1388  }
0x23: {  	[sflag:s31] =	ssyncset.done $0x0  }
0x24: {  	[sflag:s31] =	ssyncadd.s32 $0xFFFFEC78  }
0x25: {  	s19 =	simm.s32 $0xAF00;
	s20 =	rddreg [dreg:$0x1]  }
0x26: {  	[tilespmem:s19], [sflag:$0x7] =	stream.linear.gather [hbm4b:s20+s5], $0x40, $0x38;
	[tilespmem:$0x1E7C0] =	vst v63  }
0x27: {  	_ =	swait.ge [sflag:s31], $0x40  }
0x28: {  	[sflag:s31] =	ssyncset.done $0x0  }
0x29: {  	[sflag:s31] =	ssyncadd.s32 $0xFFFFFFC0  }
0x2a: {  	v2 =	vld [tilespmem:$0xAF00]  }
0x2b: {  	v1 =	vld [tilespmem:$0xAF10]  }
0x2c: {  	v0 =	vld [tilespmem:$0xAF20]  }
0x2d: {  	v3 =	vld [tilespmem:$0xAF30];
	[tilespmem:s2], [sflag:$0x7] =	stream.linear.gather [hbm4b:s8+s5], $0x1F40, $0x38  }
0x2e: {  	_ =	swait.ge [sflag:s31], $0x1F40  }
0x2f: {  	[sflag:s31] =	ssyncset.done $0x0  }
0x30: {  	s21 =	rddreg [dreg:$0x7];
	[sflag:s31] =	ssyncadd.s32 $0xFFFFE0C0  }
0x31: {  	[tilespmem:s1], [sflag:$0x7] =	stream.linear.gather [hbm4b:s21+s5], $0x1F40, $0x38;
	[tilespmem:$0x1E7C0] =	vst v63  }
0x32: {  	_ =	swait.ge [sflag:s31], $0x1F40  }
0x33: {  	[sflag:s31] =	ssyncset.done $0x0  }
0x34: {  	s20 =	simm.s32 $0x0;
	[sflag:s31] =	ssyncadd.s32 $0xFFFFE0C0  }
0x35: {  	v4 =	vld [tilespmem:s20+$0x4F30]  }
0x36: {  	v5 =	vld [tilespmem:s20+$0x6F30]  }
0x37: {  	v6 =	vld [tilespmem:s20+$0x4F00]  }
0x38: {  	v7 =	vld [tilespmem:s20+$0x6F00]  }
0x39: {  	v8 =	vld [tilespmem:s20+$0x4F10]  }
0x3a: {  	v9 =	vld [tilespmem:s20+$0x6F10]  }
0x3b: {  	v10 =	vld [tilespmem:s20+$0x4F20];
	v4 =	vadd.f32 v5, v4  }
0x3c: {  	s19 =	simm.s32 $0x40;
	v5 =	vld [tilespmem:s20+$0x6F20]  }
0x3d: {  	v11 =	vld [tilespmem:s19+$0x4F30];
	v6 =	vadd.f32 v7, v6;
	v4 =	vadd.f32 v4, v3  }
0x3e: {  	v12 =	vld [tilespmem:s19+$0x6F30]  }
0x3f: {  	v13 =	vld [tilespmem:s19+$0x4F00];
	v7 =	vadd.f32 v9, v8;
	v6 =	vadd.f32 v6, v2;
	v4 =	vmax.f32 v4, $0.0e+00  }
0x40: {  	v14 =	vld [tilespmem:s19+$0x6F00];
	[tilespmem:s20+$0x8F30] =	vst v4  }
0x41: {  	v7 =	vadd.f32 v7, v1;
	v8 =	vmax.f32 v6, $0.0e+00;
	v9 =	vadd.f32 v5, v10;
	v4 =	vld [tilespmem:s19+$0x4F10]  }
0x42: {  	v6 =	vld [tilespmem:s19+$0x6F10];
	[tilespmem:s20+$0x8F00] =	vst v8  }
0x43: {  	v7 =	vmax.f32 v7, $0.0e+00;
	v10 =	vadd.f32 v12, v11;
	v5 =	vld [tilespmem:s19+$0x4F20];
	v11 =	vadd.f32 v9, v0  }
0x44: {  	s21 =	simm.s32 $0x80;
	v8 =	vld [tilespmem:s19+$0x6F20];
	[tilespmem:s20+$0x8F10] =	vst v7  }
0x45: {  	s6 =	simm.s32 $0x300;
	v9 =	vadd.f32 v14, v13;
	v10 =	vadd.f32 v10, v3;
	v7 =	vld [tilespmem:s21+$0x4F30];
	v11 =	vmax.f32 v11, $0.0e+00  }
.LBB2_2:
0x46: {  	p1 =	sne.s32 s6, $0x7C00;
	v12 =	vld [tilespmem:s21+$0x6F30];
	[tilespmem:s20+$0x8F20] =	vst v11;
	s20 =	smov.u32 s19;
	s19 =	smov.u32 s21  }
0x47: {  	v11 =	vld [tilespmem:s19+$0x4F00];
	v9 =	vadd.f32 v9, v2;
	v6 =	vadd.f32 v6, v4;
	v4 =	vmax.f32 v10, $0.0e+00  }
0x48: {  	v10 =	vld [tilespmem:s19+$0x6F00];
	[tilespmem:s20+$0x8F30] =	vst v4  }
.Ltmp0:
0x49: {  	v4 =	vld [tilespmem:s19+$0x4F10];
	v9 =	vmax.f32 v9, $0.0e+00;
	v13 =	vadd.f32 v6, v1;
	v8 =	vadd.f32 v8, v5;
	(pc) =	sbr.rel @p1 .LBB2_2-.Ltmp0, $4  }
0x4a: {  	v6 =	vld [tilespmem:s19+$0x6F10];
	[tilespmem:s20+$0x8F00] =	vst v9  }
0x4b: {  	v5 =	vld [tilespmem:s19+$0x4F20];
	v12 =	vadd.f32 v12, v7;
	v7 =	vmax.f32 v13, $0.0e+00;
	v13 =	vadd.f32 v8, v0  }
0x4c: {  	s21 =	sshra.s32 s6, $0x2;
	v8 =	vld [tilespmem:s19+$0x6F20];
	[tilespmem:s20+$0x8F10] =	vst v7  }
0x4d: {  	s6 =	sadd.s32 $0x100, s6;
	v7 =	vld [tilespmem:s21+$0x4F30];
	v9 =	vadd.f32 v10, v11;
	v10 =	vadd.f32 v12, v3;
	v11 =	vmax.f32 v13, $0.0e+00  }
0x4e: {  	v12 =	vld [tilespmem:s21+$0x6F30];
	[tilespmem:s20+$0x8F20] =	vst v11  }
0x4f: {  	v11 =	vld [tilespmem:s21+$0x4F00];
	v10 =	vmax.f32 v10, $0.0e+00;
	v9 =	vadd.f32 v9, v2  }
0x50: {  	v13 =	vld [tilespmem:s21+$0x6F00];
	[tilespmem:s19+$0x8F30] =	vst v10  }
0x51: {  	v10 =	vld [tilespmem:s21+$0x4F10];
	v9 =	vmax.f32 v9, $0.0e+00  }
0x52: {  	v14 =	vld [tilespmem:s21+$0x6F10];
	[tilespmem:s19+$0x8F00] =	vst v9  }
0x53: {  	v9 =	vld [tilespmem:s21+$0x4F20]  }
0x54: {  	v4 =	vadd.f32 v6, v4;
	v6 =	vld [tilespmem:s21+$0x6F20]  }
0x55: {  	v5 =	vadd.f32 v8, v5  }
0x56: {  	v4 =	vadd.f32 v4, v1;
	v7 =	vadd.f32 v12, v7  }
0x57: {  	v5 =	vadd.f32 v5, v0;
	v8 =	vadd.f32 v13, v11  }
0x58: {  	v4 =	vmax.f32 v4, $0.0e+00;
	v7 =	vadd.f32 v7, v3;
	v10 =	vadd.f32 v14, v10  }
0x59: {  	[tilespmem:s19+$0x8F10] =	vst v4;
	v4 =	vmax.f32 v5, $0.0e+00;
	v5 =	vadd.f32 v8, v2;
	v6 =	vadd.f32 v6, v9  }
0x5a: {  	[tilespmem:s19+$0x8F20] =	vst v4;
	v4 =	vmax.f32 v7, $0.0e+00;
	v7 =	vadd.f32 v10, v1  }
0x5b: {  	[tilespmem:s21+$0x8F30] =	vst v4;
	v4 =	vmax.f32 v5, $0.0e+00;
	v5 =	vadd.f32 v6, v0  }
0x5c: {  	[tilespmem:s21+$0x8F00] =	vst v4;
	v4 =	vmax.f32 v7, $0.0e+00  }
0x5d: {  	[tilespmem:s21+$0x8F10] =	vst v4;
	v4 =	vmax.f32 v5, $0.0e+00  }
0x5e: {  	s6 =	rddreg [dreg:$0x8];
	[tilespmem:s21+$0x8F20] =	vst v4  }
0x5f: {  	[spmem:s6] =	stream.linear.scatter [tilespmem:s0], [sflag:$0x7], $0x1F40, $0x38;
	[tilespmem:$0x1E7C0] =	vst v63  }
0x60: {  	_ =	swait.ge [sflag:s31], $0x1F40  }
0x61: {  	[sflag:s31] =	ssyncset.done $0x0  }
0x62: {  	s6 =	simm.s32 $0x0;
	s20 =	rddreg [dreg:$0x9];
	[sflag:s31] =	ssyncadd.s32 $0xFFFFE0C0  }
0x63: {  	[tilespmem:s2], [sflag:$0x7] =	stream.linear.gather [hbm4b:s20+s6], $0x1F40, $0x38;
	[tilespmem:$0x1E7C0] =	vst v63  }
0x64: {  	_ =	swait.ge [sflag:s31], $0x1F40  }
0x65: {  	[sflag:s31] =	ssyncset.done $0x0  }
0x66: {  	s21 =	rddreg [dreg:$0xd];
	[sflag:s31] =	ssyncadd.s32 $0xFFFFE0C0  }
0x67: {  	[tilespmem:s1], [sflag:$0x7] =	stream.linear.gather [hbm4b:s21+s6], $0x1F40, $0x38;
	[tilespmem:$0x1E7C0] =	vst v63  }
0x68: {  	_ =	swait.ge [sflag:s31], $0x1F40  }
0x69: {  	[sflag:s31] =	ssyncset.done $0x0  }
0x6a: {  	s20 =	simm.s32 $0x0;
	[sflag:s31] =	ssyncadd.s32 $0xFFFFE0C0  }
0x6b: {  	v4 =	vld [tilespmem:s20+$0x4F30]  }
0x6c: {  	v5 =	vld [tilespmem:s20+$0x6F30]  }
0x6d: {  	v6 =	vld [tilespmem:s20+$0x4F00]  }
0x6e: {  	v7 =	vld [tilespmem:s20+$0x6F00]  }
0x6f: {  	v8 =	vld [tilespmem:s20+$0x4F10]  }
0x70: {  	v9 =	vld [tilespmem:s20+$0x6F10]  }
0x71: {  	v10 =	vld [tilespmem:s20+$0x4F20];
	v4 =	vadd.f32 v5, v4  }
0x72: {  	s19 =	simm.s32 $0x40;
	v5 =	vld [tilespmem:s20+$0x6F20]  }
0x73: {  	v11 =	vld [tilespmem:s19+$0x4F30];
	v6 =	vadd.f32 v7, v6;
	v4 =	vadd.f32 v4, v3  }
0x74: {  	v61 =	vld [tilespmem:s19+$0x6F30]  }
0x75: {  	v62 =	vld [tilespmem:s19+$0x4F00];
	v7 =	vadd.f32 v9, v8;
	v6 =	vadd.f32 v6, v2;
	v4 =	vmax.f32 v4, $0.0e+00  }
0x76: {  	v63 =	vld [tilespmem:s19+$0x6F00];
	[tilespmem:s20+$0x8F30] =	vst v4  }
0x77: {  	v7 =	vadd.f32 v7, v1;
	v8 =	vmax.f32 v6, $0.0e+00;
	v9 =	vadd.f32 v5, v10;
	v4 =	vld [tilespmem:s19+$0x4F10]  }
0x78: {  	v6 =	vld [tilespmem:s19+$0x6F10];
	[tilespmem:s20+$0x8F00] =	vst v8  }
0x79: {  	v7 =	vmax.f32 v7, $0.0e+00;
	v10 =	vadd.f32 v61, v11;
	v5 =	vld [tilespmem:s19+$0x4F20];
	v11 =	vadd.f32 v9, v0  }
0x7a: {  	s21 =	simm.s32 $0x80;
	v8 =	vld [tilespmem:s19+$0x6F20];
	[tilespmem:s20+$0x8F10] =	vst v7  }
0x7b: {  	s6 =	simm.s32 $0x300;
	v9 =	vadd.f32 v63, v62;
	v10 =	vadd.f32 v10, v3;
	v7 =	vld [tilespmem:s21+$0x4F30];
	v11 =	vmax.f32 v11, $0.0e+00  }
.LBB2_4:
0x7c: {  	p1 =	sne.s32 s6, $0x7C00;
	v12 =	vld [tilespmem:s21+$0x6F30];
	[tilespmem:s20+$0x8F20] =	vst v11;
	s20 =	smov.u32 s19;
	s19 =	smov.u32 s21  }
0x7d: {  	v11 =	vld [tilespmem:s19+$0x4F00];
	v9 =	vadd.f32 v9, v2;
	v6 =	vadd.f32 v6, v4;
	v4 =	vmax.f32 v10, $0.0e+00  }
0x7e: {  	v10 =	vld [tilespmem:s19+$0x6F00];
	[tilespmem:s20+$0x8F30] =	vst v4  }
.Ltmp1:
0x7f: {  	v4 =	vld [tilespmem:s19+$0x4F10];
	v9 =	vmax.f32 v9, $0.0e+00;
	v13 =	vadd.f32 v6, v1;
	v8 =	vadd.f32 v8, v5;
	(pc) =	sbr.rel @p1 .LBB2_4-.Ltmp1, $4  }
0x80: {  	v6 =	vld [tilespmem:s19+$0x6F10];
	[tilespmem:s20+$0x8F00] =	vst v9  }
0x81: {  	v5 =	vld [tilespmem:s19+$0x4F20];
	v12 =	vadd.f32 v12, v7;
	v7 =	vmax.f32 v13, $0.0e+00;
	v13 =	vadd.f32 v8, v0  }
0x82: {  	s21 =	sshra.s32 s6, $0x2;
	v8 =	vld [tilespmem:s19+$0x6F20];
	[tilespmem:s20+$0x8F10] =	vst v7  }
0x83: {  	s6 =	sadd.s32 $0x100, s6;
	v7 =	vld [tilespmem:s21+$0x4F30];
	v9 =	vadd.f32 v10, v11;
	v10 =	vadd.f32 v12, v3;
	v11 =	vmax.f32 v13, $0.0e+00  }
0x84: {  	v12 =	vld [tilespmem:s21+$0x6F30];
	[tilespmem:s20+$0x8F20] =	vst v11  }
0x85: {  	v11 =	vld [tilespmem:s21+$0x4F00];
	v10 =	vmax.f32 v10, $0.0e+00;
	v9 =	vadd.f32 v9, v2  }
0x86: {  	v13 =	vld [tilespmem:s21+$0x6F00];
	[tilespmem:s19+$0x8F30] =	vst v10  }
0x87: {  	v10 =	vld [tilespmem:s21+$0x4F10];
	v9 =	vmax.f32 v9, $0.0e+00  }
0x88: {  	v14 =	vld [tilespmem:s21+$0x6F10];
	[tilespmem:s19+$0x8F00] =	vst v9  }
0x89: {  	v9 =	vld [tilespmem:s21+$0x4F20]  }
0x8a: {  	v4 =	vadd.f32 v6, v4;
	v6 =	vld [tilespmem:s21+$0x6F20]  }
0x8b: {  	v5 =	vadd.f32 v8, v5  }
0x8c: {  	v4 =	vadd.f32 v4, v1;
	v7 =	vadd.f32 v12, v7  }
0x8d: {  	v5 =	vadd.f32 v5, v0;
	v8 =	vadd.f32 v13, v11  }
0x8e: {  	v4 =	vmax.f32 v4, $0.0e+00;
	v7 =	vadd.f32 v7, v3;
	v10 =	vadd.f32 v14, v10  }
0x8f: {  	[tilespmem:s19+$0x8F10] =	vst v4;
	v4 =	vmax.f32 v5, $0.0e+00;
	v5 =	vadd.f32 v8, v2;
	v6 =	vadd.f32 v6, v9  }
0x90: {  	[tilespmem:s19+$0x8F20] =	vst v4;
	v4 =	vmax.f32 v7, $0.0e+00;
	v7 =	vadd.f32 v10, v1  }
0x91: {  	[tilespmem:s21+$0x8F30] =	vst v4;
	v4 =	vmax.f32 v5, $0.0e+00;
	v5 =	vadd.f32 v6, v0  }
0x92: {  	[tilespmem:s21+$0x8F00] =	vst v4;
	v4 =	vmax.f32 v7, $0.0e+00  }
0x93: {  	[tilespmem:s21+$0x8F10] =	vst v4;
	v4 =	vmax.f32 v5, $0.0e+00  }
0x94: {  	s6 =	rddreg [dreg:$0xe];
	[tilespmem:s21+$0x8F20] =	vst v4  }
0x95: {  	[spmem:s6] =	stream.linear.scatter [tilespmem:s0], [sflag:$0x7], $0x1F40, $0x38;
	[tilespmem:$0x1E7C0] =	vst v63  }
0x96: {  	_ =	swait.ge [sflag:s31], $0x1F40  }
0x97: {  	[sflag:s31] =	ssyncset.done $0x0  }
0x98: {  	s20 =	simm.s32 $0x0;
	s21 =	rddreg [dreg:$0xa];
	[sflag:s31] =	ssyncadd.s32 $0xFFFFE0C0  }
0x99: {  	[tilespmem:s2], [sflag:$0x7] =	stream.linear.gather [hbm4b:s21+s20], $0x1F40, $0x38;
	[tilespmem:$0x1E7C0] =	vst v63  }
0x9a: {  	_ =	swait.ge [sflag:s31], $0x1F40  }
0x9b: {  	[sflag:s31] =	ssyncset.done $0x0  }
0x9c: {  	[sflag:s31] =	ssyncadd.s32 $0xFFFFE0C0  }
0x9d: {  	[tilespmem:s1], [sflag:$0x7] =	stream.linear.gather [hbm4b:s26+s20], $0x1F40, $0x38;
	[tilespmem:$0x1E7C0] =	vst v63  }
0x9e: {  	_ =	swait.ge [sflag:s31], $0x1F40  }
0x9f: {  	[sflag:s31] =	ssyncset.done $0x0  }
0xa0: {  	s20 =	simm.s32 $0x0;
	[sflag:s31] =	ssyncadd.s32 $0xFFFFE0C0  }
0xa1: {  	v4 =	vld [tilespmem:s20+$0x4F30]  }
0xa2: {  	v5 =	vld [tilespmem:s20+$0x6F30]  }
0xa3: {  	v6 =	vld [tilespmem:s20+$0x4F00]  }
0xa4: {  	v7 =	vld [tilespmem:s20+$0x6F00]  }
0xa5: {  	v8 =	vld [tilespmem:s20+$0x4F10]  }
0xa6: {  	v9 =	vld [tilespmem:s20+$0x6F10]  }
0xa7: {  	v10 =	vld [tilespmem:s20+$0x4F20];
	v4 =	vadd.f32 v5, v4  }
0xa8: {  	s19 =	simm.s32 $0x40;
	v5 =	vld [tilespmem:s20+$0x6F20]  }
0xa9: {  	v11 =	vld [tilespmem:s19+$0x4F30];
	v6 =	vadd.f32 v7, v6;
	v4 =	vadd.f32 v4, v3  }
0xaa: {  	v61 =	vld [tilespmem:s19+$0x6F30]  }
0xab: {  	v62 =	vld [tilespmem:s19+$0x4F00];
	v7 =	vadd.f32 v9, v8;
	v6 =	vadd.f32 v6, v2;
	v4 =	vmax.f32 v4, $0.0e+00  }
0xac: {  	v63 =	vld [tilespmem:s19+$0x6F00];
	[tilespmem:s20+$0x8F30] =	vst v4  }
0xad: {  	v7 =	vadd.f32 v7, v1;
	v8 =	vmax.f32 v6, $0.0e+00;
	v9 =	vadd.f32 v5, v10;
	v4 =	vld [tilespmem:s19+$0x4F10]  }
0xae: {  	v6 =	vld [tilespmem:s19+$0x6F10];
	[tilespmem:s20+$0x8F00] =	vst v8  }
0xaf: {  	v7 =	vmax.f32 v7, $0.0e+00;
	v10 =	vadd.f32 v61, v11;
	v5 =	vld [tilespmem:s19+$0x4F20];
	v11 =	vadd.f32 v9, v0  }
0xb0: {  	s21 =	simm.s32 $0x80;
	v8 =	vld [tilespmem:s19+$0x6F20];
	[tilespmem:s20+$0x8F10] =	vst v7  }
0xb1: {  	s6 =	simm.s32 $0x300;
	v9 =	vadd.f32 v63, v62;
	v10 =	vadd.f32 v10, v3;
	v7 =	vld [tilespmem:s21+$0x4F30];
	v11 =	vmax.f32 v11, $0.0e+00  }
.LBB2_6:
0xb2: {  	p1 =	sne.s32 s6, $0x7C00;
	v12 =	vld [tilespmem:s21+$0x6F30];
	[tilespmem:s20+$0x8F20] =	vst v11;
	s20 =	smov.u32 s19;
	s19 =	smov.u32 s21  }
0xb3: {  	v11 =	vld [tilespmem:s19+$0x4F00];
	v9 =	vadd.f32 v9, v2;
	v6 =	vadd.f32 v6, v4;
	v4 =	vmax.f32 v10, $0.0e+00  }
0xb4: {  	v10 =	vld [tilespmem:s19+$0x6F00];
	[tilespmem:s20+$0x8F30] =	vst v4  }
.Ltmp2:
0xb5: {  	v4 =	vld [tilespmem:s19+$0x4F10];
	v9 =	vmax.f32 v9, $0.0e+00;
	v13 =	vadd.f32 v6, v1;
	v8 =	vadd.f32 v8, v5;
	(pc) =	sbr.rel @p1 .LBB2_6-.Ltmp2, $4  }
0xb6: {  	v6 =	vld [tilespmem:s19+$0x6F10];
	[tilespmem:s20+$0x8F00] =	vst v9  }
0xb7: {  	v5 =	vld [tilespmem:s19+$0x4F20];
	v12 =	vadd.f32 v12, v7;
	v7 =	vmax.f32 v13, $0.0e+00;
	v13 =	vadd.f32 v8, v0  }
0xb8: {  	s21 =	sshra.s32 s6, $0x2;
	v8 =	vld [tilespmem:s19+$0x6F20];
	[tilespmem:s20+$0x8F10] =	vst v7  }
0xb9: {  	s6 =	sadd.s32 $0x100, s6;
	v7 =	vld [tilespmem:s21+$0x4F30];
	v9 =	vadd.f32 v10, v11;
	v10 =	vadd.f32 v12, v3;
	v11 =	vmax.f32 v13, $0.0e+00  }
0xba: {  	v12 =	vld [tilespmem:s21+$0x6F30];
	[tilespmem:s20+$0x8F20] =	vst v11  }
0xbb: {  	v11 =	vld [tilespmem:s21+$0x4F00];
	v10 =	vmax.f32 v10, $0.0e+00;
	v9 =	vadd.f32 v9, v2  }
0xbc: {  	v13 =	vld [tilespmem:s21+$0x6F00];
	[tilespmem:s19+$0x8F30] =	vst v10  }
0xbd: {  	v10 =	vld [tilespmem:s21+$0x4F10];
	v9 =	vmax.f32 v9, $0.0e+00  }
0xbe: {  	v14 =	vld [tilespmem:s21+$0x6F10];
	[tilespmem:s19+$0x8F00] =	vst v9  }
0xbf: {  	v9 =	vld [tilespmem:s21+$0x4F20]  }
0xc0: {  	v4 =	vadd.f32 v6, v4;
	v6 =	vld [tilespmem:s21+$0x6F20]  }
0xc1: {  	v5 =	vadd.f32 v8, v5  }
0xc2: {  	v4 =	vadd.f32 v4, v1;
	v7 =	vadd.f32 v12, v7  }
0xc3: {  	v5 =	vadd.f32 v5, v0;
	v8 =	vadd.f32 v13, v11  }
0xc4: {  	v4 =	vmax.f32 v4, $0.0e+00;
	v7 =	vadd.f32 v7, v3;
	v10 =	vadd.f32 v14, v10  }
0xc5: {  	[tilespmem:s19+$0x8F10] =	vst v4;
	v4 =	vmax.f32 v5, $0.0e+00;
	v5 =	vadd.f32 v8, v2;
	v6 =	vadd.f32 v6, v9  }
0xc6: {  	[tilespmem:s19+$0x8F20] =	vst v4;
	v4 =	vmax.f32 v7, $0.0e+00;
	v7 =	vadd.f32 v10, v1  }
0xc7: {  	[tilespmem:s21+$0x8F30] =	vst v4;
	v4 =	vmax.f32 v5, $0.0e+00;
	v5 =	vadd.f32 v6, v0  }
0xc8: {  	[tilespmem:s21+$0x8F00] =	vst v4;
	v4 =	vmax.f32 v7, $0.0e+00  }
0xc9: {  	[tilespmem:s21+$0x8F10] =	vst v4;
	v4 =	vmax.f32 v5, $0.0e+00  }
0xca: {  	s6 =	rddreg [dreg:$0xf];
	[tilespmem:s21+$0x8F20] =	vst v4  }
0xcb: {  	[spmem:s6] =	stream.linear.scatter [tilespmem:s0], [sflag:$0x7], $0x1F40, $0x38;
	[tilespmem:$0x1E7C0] =	vst v63  }
0xcc: {  	_ =	swait.ge [sflag:s31], $0x1F40  }
0xcd: {  	[sflag:s31] =	ssyncset.done $0x0  }
0xce: {  	s20 =	simm.s32 $0x0;
	s21 =	rddreg [dreg:$0xb];
	[sflag:s31] =	ssyncadd.s32 $0xFFFFE0C0  }
0xcf: {  	[tilespmem:s2], [sflag:$0x7] =	stream.linear.gather [hbm4b:s21+s20], $0x1F40, $0x38;
	[tilespmem:$0x1E7C0] =	vst v63  }
0xd0: {  	_ =	swait.ge [sflag:s31], $0x1F40  }
0xd1: {  	[sflag:s31] =	ssyncset.done $0x0  }
0xd2: {  	[sflag:s31] =	ssyncadd.s32 $0xFFFFE0C0  }
0xd3: {  	[tilespmem:s1], [sflag:$0x7] =	stream.linear.gather [hbm4b:s28+s20], $0x1F40, $0x38;
	[tilespmem:$0x1E7C0] =	vst v63  }
0xd4: {  	_ =	swait.ge [sflag:s31], $0x1F40  }
0xd5: {  	[sflag:s31] =	ssyncset.done $0x0  }
0xd6: {  	s20 =	simm.s32 $0x0;
	[sflag:s31] =	ssyncadd.s32 $0xFFFFE0C0  }
0xd7: {  	v4 =	vld [tilespmem:s20+$0x4F30]  }
0xd8: {  	v5 =	vld [tilespmem:s20+$0x6F30]  }
0xd9: {  	v6 =	vld [tilespmem:s20+$0x4F00]  }
0xda: {  	v7 =	vld [tilespmem:s20+$0x6F00]  }
0xdb: {  	v8 =	vld [tilespmem:s20+$0x4F10]  }
0xdc: {  	v9 =	vld [tilespmem:s20+$0x6F10]  }
0xdd: {  	v10 =	vld [tilespmem:s20+$0x4F20];
	v4 =	vadd.f32 v5, v4  }
0xde: {  	s19 =	simm.s32 $0x40;
	v5 =	vld [tilespmem:s20+$0x6F20]  }
0xdf: {  	v11 =	vld [tilespmem:s19+$0x4F30];
	v6 =	vadd.f32 v7, v6;
	v4 =	vadd.f32 v4, v3  }
0xe0: {  	v61 =	vld [tilespmem:s19+$0x6F30]  }
0xe1: {  	v62 =	vld [tilespmem:s19+$0x4F00];
	v7 =	vadd.f32 v9, v8;
	v6 =	vadd.f32 v6, v2;
	v4 =	vmax.f32 v4, $0.0e+00  }
0xe2: {  	v63 =	vld [tilespmem:s19+$0x6F00];
	[tilespmem:s20+$0x8F30] =	vst v4  }
0xe3: {  	v7 =	vadd.f32 v7, v1;
	v8 =	vmax.f32 v6, $0.0e+00;
	v9 =	vadd.f32 v5, v10;
	v4 =	vld [tilespmem:s19+$0x4F10]  }
0xe4: {  	v6 =	vld [tilespmem:s19+$0x6F10];
	[tilespmem:s20+$0x8F00] =	vst v8  }
0xe5: {  	v7 =	vmax.f32 v7, $0.0e+00;
	v10 =	vadd.f32 v61, v11;
	v5 =	vld [tilespmem:s19+$0x4F20];
	v11 =	vadd.f32 v9, v0  }
0xe6: {  	s21 =	simm.s32 $0x80;
	v8 =	vld [tilespmem:s19+$0x6F20];
	[tilespmem:s20+$0x8F10] =	vst v7  }
0xe7: {  	s6 =	simm.s32 $0x300;
	v9 =	vadd.f32 v63, v62;
	v10 =	vadd.f32 v10, v3;
	v7 =	vld [tilespmem:s21+$0x4F30];
	v11 =	vmax.f32 v11, $0.0e+00  }
.LBB2_8:
0xe8: {  	p1 =	sne.s32 s6, $0x7C00;
	v12 =	vld [tilespmem:s21+$0x6F30];
	[tilespmem:s20+$0x8F20] =	vst v11;
	s20 =	smov.u32 s19;
	s19 =	smov.u32 s21  }
0xe9: {  	v11 =	vld [tilespmem:s19+$0x4F00];
	v9 =	vadd.f32 v9, v2;
	v6 =	vadd.f32 v6, v4;
	v4 =	vmax.f32 v10, $0.0e+00  }
0xea: {  	v10 =	vld [tilespmem:s19+$0x6F00];
	[tilespmem:s20+$0x8F30] =	vst v4  }
.Ltmp3:
0xeb: {  	v4 =	vld [tilespmem:s19+$0x4F10];
	v9 =	vmax.f32 v9, $0.0e+00;
	v13 =	vadd.f32 v6, v1;
	v8 =	vadd.f32 v8, v5;
	(pc) =	sbr.rel @p1 .LBB2_8-.Ltmp3, $4  }
0xec: {  	v6 =	vld [tilespmem:s19+$0x6F10];
	[tilespmem:s20+$0x8F00] =	vst v9  }
0xed: {  	v5 =	vld [tilespmem:s19+$0x4F20];
	v12 =	vadd.f32 v12, v7;
	v7 =	vmax.f32 v13, $0.0e+00;
	v13 =	vadd.f32 v8, v0  }
0xee: {  	s21 =	sshra.s32 s6, $0x2;
	v8 =	vld [tilespmem:s19+$0x6F20];
	[tilespmem:s20+$0x8F10] =	vst v7  }
0xef: {  	s6 =	sadd.s32 $0x100, s6;
	v7 =	vld [tilespmem:s21+$0x4F30];
	v9 =	vadd.f32 v10, v11;
	v10 =	vadd.f32 v12, v3;
	v11 =	vmax.f32 v13, $0.0e+00  }
0xf0: {  	v12 =	vld [tilespmem:s21+$0x6F30];
	[tilespmem:s20+$0x8F20] =	vst v11  }
0xf1: {  	v11 =	vld [tilespmem:s21+$0x4F00];
	v10 =	vmax.f32 v10, $0.0e+00;
	v9 =	vadd.f32 v9, v2  }
0xf2: {  	v13 =	vld [tilespmem:s21+$0x6F00];
	[tilespmem:s19+$0x8F30] =	vst v10  }
0xf3: {  	v10 =	vld [tilespmem:s21+$0x4F10];
	v9 =	vmax.f32 v9, $0.0e+00  }
0xf4: {  	v14 =	vld [tilespmem:s21+$0x6F10];
	[tilespmem:s19+$0x8F00] =	vst v9  }
0xf5: {  	v9 =	vld [tilespmem:s21+$0x4F20]  }
0xf6: {  	v4 =	vadd.f32 v6, v4;
	v6 =	vld [tilespmem:s21+$0x6F20]  }
0xf7: {  	v5 =	vadd.f32 v8, v5  }
0xf8: {  	v4 =	vadd.f32 v4, v1;
	v7 =	vadd.f32 v12, v7  }
0xf9: {  	v5 =	vadd.f32 v5, v0;
	v8 =	vadd.f32 v13, v11  }
0xfa: {  	v4 =	vmax.f32 v4, $0.0e+00;
	v7 =	vadd.f32 v7, v3;
	v10 =	vadd.f32 v14, v10  }
0xfb: {  	[tilespmem:s19+$0x8F10] =	vst v4;
	v4 =	vmax.f32 v5, $0.0e+00;
	v5 =	vadd.f32 v8, v2;
	v6 =	vadd.f32 v6, v9  }
0xfc: {  	[tilespmem:s19+$0x8F20] =	vst v4;
	v4 =	vmax.f32 v7, $0.0e+00;
	v7 =	vadd.f32 v10, v1  }
0xfd: {  	[tilespmem:s21+$0x8F30] =	vst v4;
	v4 =	vmax.f32 v5, $0.0e+00;
	v5 =	vadd.f32 v6, v0  }
0xfe: {  	[tilespmem:s21+$0x8F00] =	vst v4;
	v4 =	vmax.f32 v7, $0.0e+00  }
0xff: {  	[tilespmem:s21+$0x8F10] =	vst v4;
	v4 =	vmax.f32 v5, $0.0e+00  }
0x100: {  	s6 =	rddreg [dreg:$0x10];
	[tilespmem:s21+$0x8F20] =	vst v4  }
0x101: {  	[spmem:s6] =	stream.linear.scatter [tilespmem:s0], [sflag:$0x7], $0x1F40, $0x38;
	[tilespmem:$0x1E7C0] =	vst v63  }
0x102: {  	_ =	swait.ge [sflag:s31], $0x1F40  }
0x103: {  	[sflag:s31] =	ssyncset.done $0x0  }
0x104: {  	s20 =	simm.s32 $0x0;
	s21 =	rddreg [dreg:$0xc];
	[sflag:s31] =	ssyncadd.s32 $0xFFFFE0C0  }
0x105: {  	[tilespmem:s2], [sflag:$0x7] =	stream.linear.gather [hbm4b:s21+s20], $0x1F40, $0x38;
	[tilespmem:$0x1E7C0] =	vst v63  }
0x106: {  	_ =	swait.ge [sflag:s31], $0x1F40  }
0x107: {  	[sflag:s31] =	ssyncset.done $0x0  }
0x108: {  	[sflag:s31] =	ssyncadd.s32 $0xFFFFE0C0  }
0x109: {  	[tilespmem:s1], [sflag:$0x7] =	stream.linear.gather [hbm4b:s29+s20], $0x1F40, $0x38;
	[tilespmem:$0x1E7C0] =	vst v63  }
0x10a: {  	_ =	swait.ge [sflag:s31], $0x1F40  }
0x10b: {  	[sflag:s31] =	ssyncset.done $0x0  }
0x10c: {  	s20 =	simm.s32 $0x0;
	[sflag:s31] =	ssyncadd.s32 $0xFFFFE0C0  }
0x10d: {  	v4 =	vld [tilespmem:s20+$0x4F30]  }
0x10e: {  	v5 =	vld [tilespmem:s20+$0x6F30]  }
0x10f: {  	v6 =	vld [tilespmem:s20+$0x4F00]  }
0x110: {  	v7 =	vld [tilespmem:s20+$0x6F00]  }
0x111: {  	v8 =	vld [tilespmem:s20+$0x4F10]  }
0x112: {  	v9 =	vld [tilespmem:s20+$0x6F10]  }
0x113: {  	v10 =	vld [tilespmem:s20+$0x4F20];
	v4 =	vadd.f32 v5, v4  }
0x114: {  	s19 =	simm.s32 $0x40;
	v5 =	vld [tilespmem:s20+$0x6F20]  }
0x115: {  	v11 =	vld [tilespmem:s19+$0x4F30];
	v6 =	vadd.f32 v7, v6;
	v4 =	vadd.f32 v4, v3  }
0x116: {  	v61 =	vld [tilespmem:s19+$0x6F30]  }
0x117: {  	v62 =	vld [tilespmem:s19+$0x4F00];
	v7 =	vadd.f32 v9, v8;
	v6 =	vadd.f32 v6, v2;
	v4 =	vmax.f32 v4, $0.0e+00  }
0x118: {  	v63 =	vld [tilespmem:s19+$0x6F00];
	[tilespmem:s20+$0x8F30] =	vst v4  }
0x119: {  	v7 =	vadd.f32 v7, v1;
	v8 =	vmax.f32 v6, $0.0e+00;
	v9 =	vadd.f32 v5, v10;
	v4 =	vld [tilespmem:s19+$0x4F10]  }
0x11a: {  	v6 =	vld [tilespmem:s19+$0x6F10];
	[tilespmem:s20+$0x8F00] =	vst v8  }
0x11b: {  	v7 =	vmax.f32 v7, $0.0e+00;
	v10 =	vadd.f32 v61, v11;
	v5 =	vld [tilespmem:s19+$0x4F20];
	v11 =	vadd.f32 v9, v0  }
0x11c: {  	s21 =	simm.s32 $0x80;
	v8 =	vld [tilespmem:s19+$0x6F20];
	[tilespmem:s20+$0x8F10] =	vst v7  }
0x11d: {  	s6 =	simm.s32 $0x300;
	v9 =	vadd.f32 v63, v62;
	v10 =	vadd.f32 v10, v3;
	v7 =	vld [tilespmem:s21+$0x4F30];
	v11 =	vmax.f32 v11, $0.0e+00  }
.LBB2_10:
0x11e: {  	p1 =	sne.s32 s6, $0x7C00;
	v12 =	vld [tilespmem:s21+$0x6F30];
	[tilespmem:s20+$0x8F20] =	vst v11;
	s20 =	smov.u32 s19;
	s19 =	smov.u32 s21  }
0x11f: {  	v11 =	vld [tilespmem:s19+$0x4F00];
	v9 =	vadd.f32 v9, v2;
	v6 =	vadd.f32 v6, v4;
	v4 =	vmax.f32 v10, $0.0e+00  }
0x120: {  	v10 =	vld [tilespmem:s19+$0x6F00];
	[tilespmem:s20+$0x8F30] =	vst v4  }
.Ltmp4:
0x121: {  	v4 =	vld [tilespmem:s19+$0x4F10];
	v9 =	vmax.f32 v9, $0.0e+00;
	v13 =	vadd.f32 v6, v1;
	v8 =	vadd.f32 v8, v5;
	(pc) =	sbr.rel @p1 .LBB2_10-.Ltmp4, $4  }
0x122: {  	v6 =	vld [tilespmem:s19+$0x6F10];
	[tilespmem:s20+$0x8F00] =	vst v9  }
0x123: {  	v5 =	vld [tilespmem:s19+$0x4F20];
	v12 =	vadd.f32 v12, v7;
	v7 =	vmax.f32 v13, $0.0e+00;
	v13 =	vadd.f32 v8, v0  }
0x124: {  	s21 =	sshra.s32 s6, $0x2;
	v8 =	vld [tilespmem:s19+$0x6F20];
	[tilespmem:s20+$0x8F10] =	vst v7  }
0x125: {  	s6 =	sadd.s32 $0x100, s6;
	v7 =	vld [tilespmem:s21+$0x4F30];
	v9 =	vadd.f32 v10, v11;
	v10 =	vadd.f32 v12, v3;
	v11 =	vmax.f32 v13, $0.0e+00  }
0x126: {  	v12 =	vld [tilespmem:s21+$0x6F30];
	[tilespmem:s20+$0x8F20] =	vst v11  }
0x127: {  	v11 =	vld [tilespmem:s21+$0x4F00];
	v10 =	vmax.f32 v10, $0.0e+00;
	v9 =	vadd.f32 v9, v2  }
0x128: {  	v13 =	vld [tilespmem:s21+$0x6F00];
	[tilespmem:s19+$0x8F30] =	vst v10  }
0x129: {  	v10 =	vld [tilespmem:s21+$0x4F10];
	v9 =	vmax.f32 v9, $0.0e+00  }
0x12a: {  	v14 =	vld [tilespmem:s21+$0x6F10];
	[tilespmem:s19+$0x8F00] =	vst v9  }
0x12b: {  	v9 =	vld [tilespmem:s21+$0x4F20]  }
0x12c: {  	v4 =	vadd.f32 v6, v4;
	v56 =	vld [tilespmem:s21+$0x6F20]  }
0x12d: {  	v5 =	vadd.f32 v8, v5  }
0x12e: {  	v4 =	vadd.f32 v4, v1;
	v7 =	vadd.f32 v12, v7  }
0x12f: {  	v5 =	vadd.f32 v5, v0;
	v57 =	vadd.f32 v13, v11  }
0x130: {  	v4 =	vmax.f32 v4, $0.0e+00;
	v3 =	vadd.f32 v7, v3;
	v58 =	vadd.f32 v14, v10  }
0x131: {  	[tilespmem:s19+$0x8F10] =	vst v4;
	v59 =	vmax.f32 v5, $0.0e+00;
	v60 =	vadd.f32 v57, v2;
	v61 =	vadd.f32 v56, v9  }
0x132: {  	[tilespmem:s19+$0x8F20] =	vst v59;
	v3 =	vmax.f32 v3, $0.0e+00;
	v62 =	vadd.f32 v58, v1  }
0x133: {  	[tilespmem:s21+$0x8F30] =	vst v3;
	v2 =	vmax.f32 v60, $0.0e+00;
	v63 =	vadd.f32 v61, v0  }
0x134: {  	[tilespmem:s21+$0x8F00] =	vst v2;
	v1 =	vmax.f32 v62, $0.0e+00  }
0x135: {  	[tilespmem:s21+$0x8F10] =	vst v1;
	v0 =	vmax.f32 v63, $0.0e+00  }
0x136: {  	s6 =	rddreg [dreg:$0x11];
	[tilespmem:s21+$0x8F20] =	vst v0  }
0x137: {  	[spmem:s6] =	stream.linear.scatter [tilespmem:s0], [sflag:$0x7], $0x1F40, $0x38;
	[tilespmem:$0x1E7C0] =	vst v63  }
0x138: {  	_ =	swait.ge [sflag:s31], $0x1F40  }
0x139: {  	[sflag:s31] =	ssyncset.done $0x0  }
0x13a: {  	[sflag:s31] =	ssyncadd.s32 $0xFFFFE0C0  }
0x13b: {  	[tilespmem:s5], [sflag:$0x7] =	stream.linear.gather [hbm4b:s16+s5], $0x2700, $0x38;
	[tilespmem:$0x1E7C0] =	vst v63  }
0x13c: {  	_ =	swait.ge [sflag:s31], $0x2700  }
0x13d: {  	[sflag:s31] =	ssyncset.done $0x0  }
0x13e: {  	s21 =	simm.s32 $0x2780;
	[sflag:s31] =	ssyncadd.s32 $0xFFFFD900  }
0x13f: {  	[tilespmem:s21], [sflag:$0x7] =	stream.linear.gather [hbm4b:s30+s5], $0x2700, $0x38;
	[tilespmem:$0x1E7C0] =	vst v63  }
0x140: {  	_ =	swait.ge [sflag:s31], $0x2700  }
0x141: {  	[sflag:s31] =	ssyncset.done $0x0  }
0x142: {  	s19 =	simm.s32 @!p0 $0x2700;
	s6 =	simm.s32 @!p0 $0x0;
	[sflag:s31] =	ssyncadd.s32 $0xFFFFD900  }
0x143: {  	[tilespmem:s19], [sflag:$0x7] =	stream.linear.gather @!p0 [hbm4b:s22+s6], $0x80, $0x38;
	[tilespmem:$0x1E7C0] =	vst v63  }
0x144: {  	s19 =	simm.s32 @!p0 $0x7  }
0x145: {  	_ =	swait.ge @!p0 [sflag:s19], $0x80  }
0x146: {  	[sflag:s19] =	ssyncset.done @!p0 $0x0  }
0x147: {  	s20 =	simm.s32 @!p0 $0x4E80;
	[sflag:s19] =	ssyncadd.s32 @!p0 $0xFFFFFF80  }
0x148: {  	[tilespmem:s20], [sflag:$0x7] =	stream.linear.gather @!p0 [hbm4b:s23+s6], $0x80, $0x38;
	[tilespmem:$0x1E7C0] =	vst v63  }
0x149: {  	_ =	swait.ge @!p0 [sflag:s19], $0x80  }
0x14a: {  	[sflag:s19] =	ssyncset.done @!p0 $0x0  }
0x14b: {  	[sflag:s19] =	ssyncadd.s32 @!p0 $0xFFFFFF80  }
0x14c: {  	s19 =	simm.s32 $0x0;
	[bflag:$0x0] =	sbarrier.arrive $0xFFFF  }
0x14d: {  	[tilespmem:s2], [sflag:$0x1] =	stream.indirect.gather [spmem:s4], $0x40, s19, s7, $0xb8;
	[tilespmem:$0x1E7C0] =	vst v63  }
0x14e: {  	_ = 	snop  }
0x14f: {  	[tilespmem:s1], [sflag:$0x2] =	stream.indirect.gather [spmem:s4], $0x40, s7, s7, $0xb8;
	[tilespmem:$0x1E7C0] =	vst v63  }
0x150: {  	_ =	swait.ge [sflag:s10], $0x2000  }
0x151: {  	[sflag:s10] =	ssyncset.done $0x0  }
0x152: {  	s20 =	simm.s32 $0x100;
	[sflag:s10] =	ssyncadd.s32 $0xFFFFE000  }
0x153: {  	[tilespmem:s0], [sflag:$0x3] =	stream.indirect.gather [spmem:s4], $0x40, s20, s7, $0xb8;
	[tilespmem:$0x1E7C0] =	vst v63  }
0x154: {  	_ = 	snop  }
0x155: {  	[spmem:s3] =	stream.indirect.scatter.add.f32 [tilespmem:s2], [sflag:$0x4], $0x40, s21, s7, $0xb8;
	[tilespmem:$0x1E7C0] =	vst v63  }
0x156: {  	_ =	swait.ge [sflag:s11], $0x2000  }
0x157: {  	[sflag:s11] =	ssyncset.done $0x0  }
0x158: {  	[sflag:s11] =	ssyncadd.s32 $0xFFFFE000  }
0x159: {  	_ =	swait.ge [sflag:s12], $0x2000  }
0x15a: {  	[sflag:s12] =	ssyncset.done $0x0  }
0x15b: {  	s19 =	simm.s32 $0x180;
	[sflag:s12] =	ssyncadd.s32 $0xFFFFE000  }
0x15c: {  	[tilespmem:s2], [sflag:$0x1] =	stream.indirect.gather [spmem:s4], $0x40, s19, s7, $0xb8;
	[tilespmem:$0x1E7C0] =	vst v63  }
0x15d: {  	s20 =	simm.s32 $0x2800  }
0x15e: {  	[spmem:s3] =	stream.indirect.scatter.add.f32 [tilespmem:s1], [sflag:$0x5], $0x40, s20, s7, $0xb8;
	[tilespmem:$0x1E7C0] =	vst v63  }
0x15f: {  	_ =	swait.ge [sflag:s13], $0x2000  }
0x160: {  	[sflag:s13] =	ssyncset.done $0x0  }
0x161: {  	[sflag:s13] =	ssyncadd.s32 $0xFFFFE000  }
0x162: {  	_ =	swait.ge [sflag:s14], $0x2000  }
0x163: {  	[sflag:s14] =	ssyncset.done $0x0  }
0x164: {  	s21 =	simm.s32 $0x200;
	[sflag:s14] =	ssyncadd.s32 $0xFFFFE000  }
0x165: {  	[tilespmem:s1], [sflag:$0x2] =	stream.indirect.gather [spmem:s4], $0x40, s21, s7, $0xb8;
	[tilespmem:$0x1E7C0] =	vst v63  }
0x166: {  	s19 =	simm.s32 $0x2880  }
0x167: {  	[spmem:s3] =	stream.indirect.scatter.add.f32 [tilespmem:s0], [sflag:$0x6], $0x40, s19, s7, $0xb8;
	[tilespmem:$0x1E7C0] =	vst v63  }
0x168: {  	_ =	swait.ge [sflag:s10], $0x2000  }
0x169: {  	[sflag:s10] =	ssyncset.done $0x0  }
0x16a: {  	[sflag:s10] =	ssyncadd.s32 $0xFFFFE000  }
0x16b: {  	_ =	swait.ge [sflag:s15], $0x2000  }
0x16c: {  	[sflag:s15] =	ssyncset.done $0x0  }
0x16d: {  	s20 =	simm.s32 $0x280;
	[sflag:s15] =	ssyncadd.s32 $0xFFFFE000  }
0x16e: {  	[tilespmem:s0], [sflag:$0x3] =	stream.indirect.gather [spmem:s4], $0x40, s20, s7, $0xb8;
	[tilespmem:$0x1E7C0] =	vst v63  }
0x16f: {  	s21 =	simm.s32 $0x2900  }
0x170: {  	[spmem:s3] =	stream.indirect.scatter.add.f32 [tilespmem:s2], [sflag:$0x4], $0x40, s21, s7, $0xb8;
	[tilespmem:$0x1E7C0] =	vst v63  }
0x171: {  	_ =	swait.ge [sflag:s11], $0x2000  }
0x172: {  	[sflag:s11] =	ssyncset.done $0x0  }
0x173: {  	[sflag:s11] =	ssyncadd.s32 $0xFFFFE000  }
0x174: {  	_ =	swait.ge [sflag:s12], $0x2000  }
0x175: {  	[sflag:s12] =	ssyncset.done $0x0  }
0x176: {  	s19 =	simm.s32 $0x300;
	[sflag:s12] =	ssyncadd.s32 $0xFFFFE000  }
0x177: {  	[tilespmem:s2], [sflag:$0x1] =	stream.indirect.gather [spmem:s4], $0x40, s19, s7, $0xb8;
	[tilespmem:$0x1E7C0] =	vst v63  }
0x178: {  	s20 =	simm.s32 $0x2980  }
0x179: {  	[spmem:s3] =	stream.indirect.scatter.add.f32 [tilespmem:s1], [sflag:$0x5], $0x40, s20, s7, $0xb8;
	[tilespmem:$0x1E7C0] =	vst v63  }
0x17a: {  	_ =	swait.ge [sflag:s13], $0x2000  }
0x17b: {  	[sflag:s13] =	ssyncset.done $0x0  }
0x17c: {  	[sflag:s13] =	ssyncadd.s32 $0xFFFFE000  }
0x17d: {  	_ =	swait.ge [sflag:s14], $0x2000  }
0x17e: {  	[sflag:s14] =	ssyncset.done $0x0  }
0x17f: {  	s21 =	simm.s32 $0x380;
	[sflag:s14] =	ssyncadd.s32 $0xFFFFE000  }
0x180: {  	[tilespmem:s1], [sflag:$0x2] =	stream.indirect.gather [spmem:s4], $0x40, s21, s7, $0xb8;
	[tilespmem:$0x1E7C0] =	vst v63  }
0x181: {  	s19 =	simm.s32 $0x2A00  }
0x182: {  	[spmem:s3] =	stream.indirect.scatter.add.f32 [tilespmem:s0], [sflag:$0x6], $0x40, s19, s7, $0xb8;
	[tilespmem:$0x1E7C0] =	vst v63  }
0x183: {  	_ =	swait.ge [sflag:s10], $0x2000  }
0x184: {  	[sflag:s10] =	ssyncset.done $0x0  }
0x185: {  	[sflag:s10] =	ssyncadd.s32 $0xFFFFE000  }
0x186: {  	_ =	swait.ge [sflag:s15], $0x2000  }
0x187: {  	[sflag:s15] =	ssyncset.done $0x0  }
0x188: {  	s20 =	simm.s32 $0x400;
	[sflag:s15] =	ssyncadd.s32 $0xFFFFE000  }
0x189: {  	[tilespmem:s0], [sflag:$0x3] =	stream.indirect.gather [spmem:s4], $0x40, s20, s7, $0xb8;
	[tilespmem:$0x1E7C0] =	vst v63  }
0x18a: {  	s21 =	simm.s32 $0x2A80  }
0x18b: {  	[spmem:s3] =	stream.indirect.scatter.add.f32 [tilespmem:s2], [sflag:$0x4], $0x40, s21, s7, $0xb8;
	[tilespmem:$0x1E7C0] =	vst v63  }
0x18c: {  	_ =	swait.ge [sflag:s11], $0x2000  }
0x18d: {  	s19 =	simm.s32 $0x600;
	[sflag:s11] =	ssyncset.done $0x0  }
.LBB2_12:
0x18e: {  	[sflag:s11] =	ssyncadd.s32 $0xFFFFE000;
	s6 =	smov.u32 s19;
	s19 =	sadd.s32 $0x600, s19  }
0x18f: {  	p1 =	sne.s32 s19, $0x9000  }
0x190: {  	_ =	swait.ge [sflag:s12], $0x2000  }
0x191: {  	s6 =	sshra.s32 s6, $0x2;
	[sflag:s12] =	ssyncset.done $0x0  }
0x192: {  	s20 =	sadd.s32 $0x300, s6;
	[sflag:s12] =	ssyncadd.s32 $0xFFFFE000  }
0x193: {  	[tilespmem:s2], [sflag:$0x1] =	stream.indirect.gather [spmem:s4], $0x40, s20, s7, $0xb8;
	[tilespmem:$0x1E7C0] =	vst v63  }
0x194: {  	s20 =	sadd.s32 $0x2980, s6  }
0x195: {  	[spmem:s3] =	stream.indirect.scatter.add.f32 [tilespmem:s1], [sflag:$0x5], $0x40, s20, s7, $0xb8;
	[tilespmem:$0x1E7C0] =	vst v63  }
0x196: {  	_ =	swait.ge [sflag:s13], $0x2000  }
0x197: {  	[sflag:s13] =	ssyncset.done $0x0  }
0x198: {  	[sflag:s13] =	ssyncadd.s32 $0xFFFFE000  }
0x199: {  	_ =	swait.ge [sflag:s14], $0x2000  }
0x19a: {  	[sflag:s14] =	ssyncset.done $0x0  }
0x19b: {  	s20 =	sadd.s32 $0x380, s6;
	[sflag:s14] =	ssyncadd.s32 $0xFFFFE000  }
0x19c: {  	[tilespmem:s1], [sflag:$0x2] =	stream.indirect.gather [spmem:s4], $0x40, s20, s7, $0xb8;
	[tilespmem:$0x1E7C0] =	vst v63  }
0x19d: {  	s20 =	sadd.s32 $0x2A00, s6  }
0x19e: {  	[spmem:s3] =	stream.indirect.scatter.add.f32 [tilespmem:s0], [sflag:$0x6], $0x40, s20, s7, $0xb8;
	[tilespmem:$0x1E7C0] =	vst v63  }
0x19f: {  	_ =	swait.ge [sflag:s10], $0x2000  }
0x1a0: {  	[sflag:s10] =	ssyncset.done $0x0  }
0x1a1: {  	[sflag:s10] =	ssyncadd.s32 $0xFFFFE000  }
0x1a2: {  	_ =	swait.ge [sflag:s15], $0x2000  }
0x1a3: {  	[sflag:s15] =	ssyncset.done $0x0  }
0x1a4: {  	s20 =	sadd.s32 $0x400, s6;
	[sflag:s15] =	ssyncadd.s32 $0xFFFFE000  }
0x1a5: {  	[tilespmem:s0], [sflag:$0x3] =	stream.indirect.gather [spmem:s4], $0x40, s20, s7, $0xb8;
	[tilespmem:$0x1E7C0] =	vst v63  }
.Ltmp5:
0x1a6: {  	_ = 	snop;
	(pc) =	sbr.rel @p1 .LBB2_12-.Ltmp5, $4  }
0x1a7: {  	s6 =	sadd.s32 $0x2A80, s6  }
0x1a8: {  	[spmem:s3] =	stream.indirect.scatter.add.f32 [tilespmem:s2], [sflag:$0x4], $0x40, s6, s7, $0xb8;
	[tilespmem:$0x1E7C0] =	vst v63  }
0x1a9: {  	_ =	swait.ge [sflag:s11], $0x2000  }
0x1aa: {  	[sflag:s11] =	ssyncset.done $0x0  }
0x1ab: {  	s6 =	sshra.s32 s19, $0x2  }
0x1ac: {  	[sflag:s11] =	ssyncadd.s32 $0xFFFFE000;
	s19 =	sadd.s32 $0x2980, s6  }
0x1ad: {  	[spmem:s3] =	stream.indirect.scatter.add.f32 [tilespmem:s1], [sflag:$0x5], $0x40, s19, s7, $0xb8;
	[tilespmem:$0x1E7C0] =	vst v63  }
0x1ae: {  	_ =	swait.ge [sflag:s13], $0x2000  }
0x1af: {  	[sflag:s13] =	ssyncset.done $0x0  }
0x1b0: {  	s6 =	sadd.s32 $0x2A00, s6;
	[sflag:s13] =	ssyncadd.s32 $0xFFFFE000  }
0x1b1: {  	[spmem:s3] =	stream.indirect.scatter.add.f32 [tilespmem:s0], [sflag:$0x6], $0x40, s6, s7, $0xb8;
	[tilespmem:$0x1E7C0] =	vst v63  }
0x1b2: {  	_ =	swait.ge [sflag:s12], $0x2000  }
0x1b3: {  	[sflag:s12] =	ssyncset.done $0x0  }
0x1b4: {  	[sflag:s12] =	ssyncadd.s32 $0xFFFFE000  }
0x1b5: {  	_ =	swait.ge [sflag:s14], $0x2000  }
0x1b6: {  	[sflag:s14] =	ssyncset.done $0x0  }
0x1b7: {  	[sflag:s14] =	ssyncadd.s32 $0xFFFFE000  }
0x1b8: {  	_ =	swait.ge [sflag:s15], $0x2000  }
0x1b9: {  	s20 =	simm.s32 @!p0 $0x4F00;
	[sflag:s15] =	ssyncset.done $0x0  }
0x1ba: {  	s19 =	simm.s32 @!p0 $0x2700;
	s6 =	simm.s32 @!p0 $0x80;
	[sflag:s15] =	ssyncadd.s32 $0xFFFFE000  }
0x1bb: {  	[tilespmem:s20], [sflag:$0x1] =	stream.indirect.gather @!p0 [spmem:s4], $0x40, s19, s6, $0xb8;
	[tilespmem:$0x1E7C0] =	vst v63  }
0x1bc: {  	s19 =	simm.s32 @!p0 $0x1  }
0x1bd: {  	_ =	swait.ge @!p0 [sflag:s19], $0x2000  }
0x1be: {  	[sflag:s19] =	ssyncset.done @!p0 $0x0  }
0x1bf: {  	[sflag:s19] =	ssyncadd.s32 @!p0 $0xFFFFE000;
	s19 =	simm.s32 @!p0 $0x4E80  }
0x1c0: {  	[spmem:s3] =	stream.indirect.scatter.add.f32 @!p0 [tilespmem:s20], [sflag:$0x7], $0x40, s19, s6, $0xb8;
	[tilespmem:$0x1E7C0] =	vst v63  }
0x1c1: {  	s6 =	simm.s32 @!p0 $0x7  }
0x1c2: {  	_ =	swait.ge @!p0 [sflag:s6], $0x2000  }
0x1c3: {  	s17 =	sadd.s32 $0x1, s17;
	[sflag:s6] =	ssyncset.done @!p0 $0x0  }
0x1c4: {  	p1 =	sne.s32 s17, s25;
	[sflag:s6] =	ssyncadd.s32 @!p0 $0xFFFFE000  }
.Ltmp6:
0x1c5: {  	[bflag:$0x0] =	sbarrier.arrive $0xFFFF;
	(pc) =	sbr.rel @p1 .LBB2_1-.Ltmp6, $4  }
0x1c6: {  	[hbm:s24], [sflag:s9] =	dma.local [spmem:s18], $0x1388  }
0x1c7: {  	_ =	swait.ge [sflag:s31], $0x1388  }
0x1c8: {  	[sflag:s31] =	ssyncset.done $0x0  }
0x1c9: {  	[sflag:s31] =	ssyncadd.s32 $0xFFFFEC78  }
0x1ca: {  	_ =	sfence.sel $0x180000  }
0x1cb: {  	[bflag:$0x0] =	sbarrier.arrive $0xFFFF  }
0x1cc: {  	_ =	strace $0x9000004A  }
0x1cd: {  	s0 =	stileid.u32;
	[bflag:$0x2] =	sbarrier.arrive $0xFFFF  }
0x1ce: {  	p0 =	sne.s32 s0, $0x0;
	s0 =	rddreg [dreg:$0x4]  }
0x1cf: {  	s0 =	sadd.s32 @!p0 $0x100000, s0  }
0x1d0: {  	[sflag:s0] =	ssyncadd.tile.s32 @!p0 $0x1;
	_ =	shalt  }
.Lfunc_end2:
_tile_overlayer_lowered:
.L_overlay_start_2:
0x1d1: {  	(tag) =	ssettag $0x2  }
0x1d2: {  	s0 =	rddreg [dreg:$0x0];
	s2 =	stileid.u32  }
0x1d3: {  	s1 =	rddreg [dreg:$0x1];
	p0 =	sne.s32 s2, $0x0  }
0x1d4: {  	s3 =	rddreg [dreg:$0x2];
	[bflag:$0x3] =	sbarrier.arrive $0xFFFF;
	s2 =	simm.s32 @!p0 $0x1C07  }
0x1d5: {  	[timem:s3], [sflag:s2] =	dma.local @!p0 [hbm:s0], s1  }
0x1d6: {  	s0 =	simm.s32 @!p0 $0x7  }
0x1d7: {  	_ =	swait.ge @!p0 [sflag:s0], s1  }
0x1d8: {  	s1 =	ssub.s32 @!p0 $0x0, s1;
	[sflag:s0] =	ssyncset.done @!p0 $0x0  }
0x1d9: {  	[sflag:s0] =	ssyncadd.s32 @!p0 s1  }
0x1da: {  	[bflag:$0x3] =	sbarrier.arrive $0xFFFF  }
0x1db: {  	_ =	shalt  }

</sc_bundles>
